<compile_context>
chip_gen: v7x
topology: tpu7x:2x2x1
jax: 0.10.2.dev20260603
libtpu: 0.0.44.dev20260713+nightly
codegen_flags: <defaults>
</compile_context>

<pallas_src>
import functools

import jax
import jax.numpy as jnp
from jax import lax
from jax.experimental import pallas as pl
from jax.experimental.pallas import tpu as pltpu
from jax.experimental.pallas import tpu_sc as plsc

NUM_USERS = 50000
NUM_ITEMS = 100000
EMBED = 64
HALF = 32
NNZ = 800000
BATCH = 4096

NC = 2
NS = 16

W_IDX = 128
NNZ_PAD = 802816
SW = 448
NBW = NNZ_PAD // (NS * SW)
N_PAD = 50176
RPT = N_PAD // NS

_mesh = plsc.VectorSubcoreMesh(core_axis_name="c", subcore_axis_name="s",
                               num_cores=NC, num_subcores=NS)
_sc_params = pltpu.CompilerParams(use_tc_tiling_on_sc=False)


def _spmm_body(rows_h, cols_h, srcA, srcB, zeros_h, outA, outB,
               acc, colsV, rowsV, rowbuf, gsem):
    c = lax.axis_index("c")
    s = lax.axis_index("s")

    pltpu.sync_copy(zeros_h, acc.at[pl.ds(s * RPT, RPT)])
    plsc.subcore_barrier()

    def batch(b, _):
        p = lax.rem(b, 2)
        q = 1 - p

        @pl.when(b < NBW)
        def _fire():
            ebase = (s * NBW + b) * SW
            pltpu.sync_copy(cols_h.at[pl.ds(ebase, SW)], colsV.at[p])
            pltpu.sync_copy(rows_h.at[pl.ds(ebase, SW)], rowsV.at[p])

            @pl.when(c == 0)
            def _():
                pltpu.async_copy(srcA.at[colsV.at[p]], rowbuf.at[p], gsem)

            @pl.when(c == 1)
            def _():
                pltpu.async_copy(srcB.at[colsV.at[p]], rowbuf.at[p], gsem)

        @pl.when(b > 0)
        def _scatter():
            pltpu.sync_copy(rowbuf.at[q], acc.at[rowsV.at[q]], add=True)

        @pl.when(b < NBW)
        def _drain():
            pltpu.make_async_copy(srcA.at[pl.ds(0, SW)], rowbuf.at[p],
                                  gsem).wait()
        return 0

    lax.fori_loop(0, NBW + 1, batch, 0)
    plsc.subcore_barrier()

    @pl.when(c == 0)
    def _():
        pltpu.sync_copy(acc.at[pl.ds(s * RPT, RPT)],
                        outA.at[pl.ds(s * RPT, RPT)])

    @pl.when(c == 1)
    def _():
        pltpu.sync_copy(acc.at[pl.ds(s * RPT, RPT)],
                        outB.at[pl.ds(s * RPT, RPT)])


def _sc_spmm(rows2d, cols2d, srcA, srcB, zeros_pad):
    out_t = (jax.ShapeDtypeStruct((N_PAD, HALF), jnp.float32),
             jax.ShapeDtypeStruct((N_PAD, HALF), jnp.float32))
    f = pl.kernel(
        _spmm_body,
        out_type=out_t,
        mesh=_mesh,
        compiler_params=_sc_params,
        scratch_types=[
            pltpu.VMEM_SHARED((N_PAD, HALF), jnp.float32),
            pltpu.VMEM((2, SW), jnp.int32),
            pltpu.VMEM((2, SW), jnp.int32),
            pltpu.VMEM((2, SW, HALF), jnp.float32),
            pltpu.SemaphoreType.DMA,
        ],
    )
    return f(rows2d, cols2d, srcA, srcB, zeros_pad)


NW32 = NC * NS
EPW = NNZ_PAD // NW32
FWPW = EPW // W_IDX
FCH = 14
LPW = EPW // 16
WREG = EPW
SCH = 512
NLIST = NW32 * WREG + NW32 * 16
DEAD = N_PAD - 1


CHW = FCH * W_IDX


def _filter_body(bu, s_rows, s_cols, r_rows, r_cols, zmark, zdead, zzero,
                 fs_rows, fs_cols, fr_rows, fr_cols, counts_s, counts_r,
                 mark_sh, comp_r, comp_c, rawr, rawc, mbuf, tgtbuf,
                 idxv, onesv, cntv, msem):
    c = lax.axis_index("c")
    s = lax.axis_index("s")
    w = s * NC + c

    pltpu.sync_copy(zmark, mark_sh.at[pl.ds(s * RPT, RPT)])

    def fill16(i, _):
        onesv[pl.ds(i * 16, 16)] = jnp.ones((16,), jnp.int32)
        return 0
    lax.fori_loop(0, W_IDX // 16, fill16, 0)
    plsc.subcore_barrier()
    pltpu.sync_copy(bu.at[2 * s], idxv)
    pltpu.sync_copy(onesv, mark_sh.at[idxv], add=True)
    pltpu.sync_copy(bu.at[2 * s + 1], idxv)
    pltpu.sync_copy(onesv, mark_sh.at[idxv], add=True)
    plsc.subcore_barrier()

    lane_iota = lax.iota(jnp.int32, 16)
    ones16 = jnp.full((16,), 1, jnp.int32)

    def filter_list(rows_h, cols_h, out_rows_h, out_cols_h, counts_h):
        pltpu.sync_copy(zdead, comp_r.at[pl.ds(s * WREG, WREG)])
        pltpu.sync_copy(zzero, comp_c.at[pl.ds(s * WREG, WREG)])

        cntv[...] = jnp.zeros((16,), jnp.int32)
        gbase = s * WREG
        trash = NS * WREG + s * 16

        def chunk(k, _):
            p = lax.rem(k, 2)
            q = 1 - p

            @pl.when(k < FCH)
            def _load_classify():
                ebase = (w * FWPW + k * FCH) * W_IDX
                pltpu.sync_copy(rows_h.at[pl.ds(ebase, CHW)], rawr.at[p])
                pltpu.sync_copy(cols_h.at[pl.ds(ebase, CHW)], rawc.at[p])
                pltpu.async_copy(mark_sh.at[rawr.at[p]], mbuf, msem).wait()

                def grp(g, _):
                    m16 = mbuf[pl.ds(g * 16, 16)]
                    m01 = jnp.minimum(m16, ones16)
                    off_vec = cntv[...]
                    tgt = ((gbase + lane_iota + 16 * off_vec) * m01
                           + (trash + lane_iota) * (ones16 - m01))
                    tgtbuf[p, pl.ds(g * 16, 16)] = tgt
                    cntv[...] = off_vec + m01
                    return 0
                lax.fori_loop(0, CHW // 16, grp, 0)

            @pl.when(k > 0)
            def _scatter_prev():
                pltpu.sync_copy(rawr.at[q], comp_r.at[tgtbuf.at[q]])
                pltpu.sync_copy(rawc.at[q], comp_c.at[tgtbuf.at[q]])
            return 0

        lax.fori_loop(0, FCH + 1, chunk, 0)
        pltpu.sync_copy(comp_r.at[pl.ds(s * WREG, WREG)],
                        out_rows_h.at[pl.ds(w * WREG, WREG)])
        pltpu.sync_copy(comp_c.at[pl.ds(s * WREG, WREG)],
                        out_cols_h.at[pl.ds(w * WREG, WREG)])
        pltpu.sync_copy(cntv, counts_h.at[pl.ds(w * 16, 16)])

    filter_list(s_rows, s_cols, fs_rows, fs_cols, counts_s)
    filter_list(r_rows, r_cols, fr_rows, fr_cols, counts_r)


def _sc_filter(bu2d, Sr1, Sc1, Rr1, Rc1, zmark, zdead, zzero):
    ilist = jax.ShapeDtypeStruct((NLIST,), jnp.int32)
    cnts = jax.ShapeDtypeStruct((NW32 * 16,), jnp.int32)
    f = pl.kernel(
        _filter_body,
        out_type=(ilist, ilist, ilist, ilist, cnts, cnts),
        mesh=_mesh,
        compiler_params=_sc_params,
        scratch_types=[
            pltpu.VMEM_SHARED((N_PAD,), jnp.int32),
            pltpu.VMEM_SHARED((NS * WREG + NS * 16,), jnp.int32),
            pltpu.VMEM_SHARED((NS * WREG + NS * 16,), jnp.int32),
            pltpu.VMEM((2, CHW), jnp.int32),
            pltpu.VMEM((2, CHW), jnp.int32),
            pltpu.VMEM((CHW,), jnp.int32),
            pltpu.VMEM((2, CHW), jnp.int32),
            pltpu.VMEM((W_IDX,), jnp.int32),
            pltpu.VMEM((W_IDX,), jnp.int32),
            pltpu.VMEM((16,), jnp.int32),
            pltpu.SemaphoreType.DMA,
        ],
    )
    return f(bu2d, Sr1, Sc1, Rr1, Rc1, zmark, zdead, zzero)


def _fspmm_body(fr, fc, counts, srcA, srcB, zeros_h, outA, outB,
                acc, idxr, idxc, rowbuf, cntv, gsem):
    c = lax.axis_index("c")
    s = lax.axis_index("s")

    pltpu.sync_copy(zeros_h, acc.at[pl.ds(s * RPT, RPT)])
    plsc.subcore_barrier()

    for r in range(2):
        w = 2 * s + r
        pltpu.sync_copy(counts.at[pl.ds(w * 16, 16)], cntv)
        cvec = cntv[...]
        m = cvec[0]
        for lane in range(1, 16):
            m = jnp.maximum(m, cvec[lane])
        nch = lax.div(16 * m + (SCH - 1), SCH)

        def chunk(j, _):
            base = w * WREG + j * SCH
            pltpu.sync_copy(fc.at[pl.ds(base, SCH)], idxc)
            pltpu.sync_copy(fr.at[pl.ds(base, SCH)], idxr)

            @pl.when(c == 0)
            def _():
                pltpu.async_copy(srcA.at[idxc], rowbuf, gsem).wait()

            @pl.when(c == 1)
            def _():
                pltpu.async_copy(srcB.at[idxc], rowbuf, gsem).wait()

            pltpu.sync_copy(rowbuf, acc.at[idxr], add=True)
            return 0

        lax.fori_loop(0, nch, chunk, 0)

    plsc.subcore_barrier()

    @pl.when(c == 0)
    def _():
        pltpu.sync_copy(acc.at[pl.ds(s * RPT, RPT)],
                        outA.at[pl.ds(s * RPT, RPT)])

    @pl.when(c == 1)
    def _():
        pltpu.sync_copy(acc.at[pl.ds(s * RPT, RPT)],
                        outB.at[pl.ds(s * RPT, RPT)])


def _sc_spmm_filtered(fr, fc, counts, srcA, srcB, zeros_pad):
    out_t = (jax.ShapeDtypeStruct((N_PAD, HALF), jnp.float32),
             jax.ShapeDtypeStruct((N_PAD, HALF), jnp.float32))
    f = pl.kernel(
        _fspmm_body,
        out_type=out_t,
        mesh=_mesh,
        compiler_params=_sc_params,
        scratch_types=[
            pltpu.VMEM_SHARED((N_PAD, HALF), jnp.float32),
            pltpu.VMEM((SCH,), jnp.int32),
            pltpu.VMEM((SCH,), jnp.int32),
            pltpu.VMEM((SCH, HALF), jnp.float32),
            pltpu.VMEM((16,), jnp.int32),
            pltpu.SemaphoreType.DMA,
        ],
    )
    return f(fr, fc, counts, srcA, srcB, zeros_pad)


def _gather_body(ga, gb, item, bu, bp, bn, out_ua, out_ub, out_p, out_n,
                 idxv, bufh, bufi, gsem):
    c = lax.axis_index("c")
    s = lax.axis_index("s")
    wid = s * NC + c
    base = wid * W_IDX

    pltpu.sync_copy(bu.at[wid], idxv)
    pltpu.async_copy(ga.at[idxv], bufh, gsem).wait()
    pltpu.sync_copy(bufh, out_ua.at[pl.ds(base, W_IDX)])
    pltpu.async_copy(gb.at[idxv], bufh, gsem).wait()
    pltpu.sync_copy(bufh, out_ub.at[pl.ds(base, W_IDX)])

    pltpu.sync_copy(bp.at[wid], idxv)
    pltpu.async_copy(item.at[idxv], bufi, gsem).wait()
    pltpu.sync_copy(bufi, out_p.at[pl.ds(base, W_IDX)])

    pltpu.sync_copy(bn.at[wid], idxv)
    pltpu.async_copy(item.at[idxv], bufi, gsem).wait()
    pltpu.sync_copy(bufi, out_n.at[pl.ds(base, W_IDX)])


def _sc_gathers(ga, gb, item, bu2d, bp2d, bn2d):
    out_t = (jax.ShapeDtypeStruct((BATCH, HALF), jnp.float32),
             jax.ShapeDtypeStruct((BATCH, HALF), jnp.float32),
             jax.ShapeDtypeStruct((BATCH, EMBED), jnp.float32),
             jax.ShapeDtypeStruct((BATCH, EMBED), jnp.float32))
    f = pl.kernel(
        _gather_body,
        out_type=out_t,
        mesh=_mesh,
        compiler_params=_sc_params,
        scratch_types=[
            pltpu.VMEM((W_IDX,), jnp.int32),
            pltpu.VMEM((W_IDX, HALF), jnp.float32),
            pltpu.VMEM((W_IDX, EMBED), jnp.float32),
            pltpu.SemaphoreType.DMA,
        ],
    )
    return f(ga, gb, item, bu2d, bp2d, bn2d)


BR = 512


def _dense_body(sua, sub, ua, ub, w, b, oa, ob):
    x = jnp.concatenate([sua[...], sub[...], ua[...], ub[...]], axis=1)
    y = jnp.dot(x, w[...], preferred_element_type=jnp.float32) + b[...]
    y = jnp.maximum(y, 0.0)
    oa[...] = y[:, :HALF]
    ob[...] = y[:, HALF:]


def _dense2_body(sua, sub, ua, ub, w, b, ra, rb, oa, ob):
    x = jnp.concatenate([sua[...], sub[...], ua[...], ub[...]], axis=1)
    y = jnp.dot(x, w[...], preferred_element_type=jnp.float32) + b[...]
    y = jnp.maximum(y, 0.0)
    oa[...] = y[:, :HALF] + ra[...]
    ob[...] = y[:, HALF:] + rb[...]


def _tc_dense(sua, sub, ua, ub, W, b, ra=None, rb=None):
    grid = (N_PAD // BR,)
    half_spec = pl.BlockSpec((BR, HALF), lambda i: (i, 0))
    in_specs = [half_spec, half_spec, half_spec, half_spec,
                pl.BlockSpec((2 * EMBED, EMBED), lambda i: (0, 0)),
                pl.BlockSpec((1, EMBED), lambda i: (0, 0))]
    args = [sua, sub, ua, ub, W, b.reshape(1, EMBED)]
    body = _dense_body
    if ra is not None:
        in_specs += [half_spec, half_spec]
        args += [ra, rb]
        body = _dense2_body
    return pl.pallas_call(
        body,
        grid=grid,
        in_specs=in_specs,
        out_specs=(half_spec, half_spec),
        out_shape=(jax.ShapeDtypeStruct((N_PAD, HALF), jnp.float32),
                   jax.ShapeDtypeStruct((N_PAD, HALF), jnp.float32)),
    )(*args)


def _pad_edges(rows, cols, dead_row):
    pad = NNZ_PAD - NNZ
    rows = jnp.concatenate(
        [rows.astype(jnp.int32), jnp.full((pad,), dead_row, jnp.int32)])
    cols = jnp.concatenate([cols.astype(jnp.int32), jnp.zeros((pad,), jnp.int32)])
    return rows, cols


def kernel(batch_user, batch_pos_item, batch_neg_item, embed_user, embed_item,
           W0, b0, W1, b1, S_rows, S_cols, S_vals, R_rows, R_cols, R_vals):
    sS = S_vals[0]
    sR = R_vals[0]
    U0a = embed_user[:, :HALF]
    U0b = embed_user[:, HALF:]
    Va = embed_item[:, :HALF] * sR
    Vb = embed_item[:, HALF:] * sR
    W0e = jnp.concatenate([W0[:EMBED] * sS, W0[EMBED:]], axis=0)
    W1e = jnp.concatenate([W1[:EMBED] * sS, W1[EMBED:]], axis=0)
    dead = jnp.int32(N_PAD - 1)
    Sr2, Sc2 = _pad_edges(S_rows, S_cols, dead)
    Rr2, Rc2 = _pad_edges(R_rows, R_cols, dead)
    zeros_pad = jnp.zeros((RPT, HALF), jnp.float32)
    bu2d = batch_user.astype(jnp.int32).reshape(NC * NS, W_IDX)
    bp2d = batch_pos_item.astype(jnp.int32).reshape(NC * NS, W_IDX)
    bn2d = batch_neg_item.astype(jnp.int32).reshape(NC * NS, W_IDX)

    zmark = jnp.zeros((RPT,), jnp.int32)

    ar = jnp.arange(WREG, dtype=jnp.int32)
    zdead = NUM_USERS + lax.rem(ar, jnp.int32(N_PAD - NUM_USERS))
    zzero = lax.rem(ar, jnp.int32(NUM_USERS))
    fs_r, fs_c, fr_r, fr_c, cnt_s, cnt_r = _sc_filter(
        bu2d, Sr2, Sc2, Rr2, Rc2, zmark, zdead, zzero)
    SU0a, SU0b = _sc_spmm(Sr2, Sc2, U0a, U0b, zeros_pad)
    U1a, U1b = _tc_dense(SU0a, SU0b, U0a, U0b, W0e, b0)
    Ra, Rb = _sc_spmm_filtered(fr_r, fr_c, cnt_r, Va, Vb, zeros_pad)
    SU1a, SU1b = _sc_spmm_filtered(fs_r, fs_c, cnt_s, U1a, U1b, zeros_pad)
    Ga, Gb = _tc_dense(SU1a, SU1b, U1a, U1b, W1e, b1, Ra, Rb)

    ua, ub, po, no = _sc_gathers(Ga, Gb, embed_item, bu2d, bp2d, bn2d)
    user_out = jnp.concatenate([ua, ub], axis=1)
    return (user_out, po, no)

# --- scband reference (transcript-rebuilt; emitter-appended) ---
"""Pipeline reference for scband-diff-net-25589415150206 (READ-ONLY COPY).

The authoritative reference and input builder live on the scoring server;
editing this copy changes nothing except your own understanding.
"""

import jax, jax.numpy as jnp
import numpy as np

NUM_USERS = 50000
NUM_ITEMS = 100000
EMBED = 64
NNZ_S = 800000
NNZ_R = 800000
BATCH = 4096


def setup_inputs(seed: int = 0) -> dict:
    key = jax.random.key(seed)
    ks = jax.random.split(key, 16)
    inp = {}
    inp["batch_user"] = jax.random.randint(ks[0], (BATCH,), 0, NUM_USERS)
    inp["batch_pos_item"] = jax.random.randint(ks[1], (BATCH,), 0, NUM_ITEMS)
    inp["batch_neg_item"] = jax.random.randint(ks[2], (BATCH,), 0, NUM_ITEMS)
    # learned parameters (xavier-uniform-ish scaling)
    inp["embed_user"] = jax.random.normal(ks[3], (NUM_USERS, EMBED), dtype=jnp.float32) * 0.01
    inp["embed_item"] = jax.random.normal(ks[4], (NUM_ITEMS, EMBED), dtype=jnp.float32) * 0.01
    lim = np.sqrt(6.0 / (2 * EMBED + EMBED))
    inp["W0"] = jax.random.uniform(ks[5], (2 * EMBED, EMBED), dtype=jnp.float32, minval=-lim, maxval=lim)
    inp["b0"] = jnp.zeros((EMBED,), dtype=jnp.float32)
    inp["W1"] = jax.random.uniform(ks[6], (2 * EMBED, EMBED), dtype=jnp.float32, minval=-lim, maxval=lim)
    inp["b1"] = jnp.zeros((EMBED,), dtype=jnp.float32)
    # S: user-user social adjacency in COO (row-normalized-ish values)
    inp["S_rows"] = jax.random.randint(ks[7], (NNZ_S,), 0, NUM_USERS)
    inp["S_cols"] = jax.random.randint(ks[8], (NNZ_S,), 0, NUM_USERS)
    inp["S_vals"] = jnp.full((NNZ_S,), 1.0 / 16.0, dtype=jnp.float32)
    # R: user-item interaction adjacency in COO
    inp["R_rows"] = jax.random.randint(ks[9], (NNZ_R,), 0, NUM_USERS)
    inp["R_cols"] = jax.random.randint(ks[10], (NNZ_R,), 0, NUM_ITEMS)
    inp["R_vals"] = jnp.full((NNZ_R,), 1.0 / 16.0, dtype=jnp.float32)
    return inp


def _spmm(rows, cols, vals, X, n_out):
    # sparse (COO) @ dense via gather + scatter-add
    gathered = vals[:, None] * jnp.take(X, cols, axis=0)
    return jax.ops.segment_sum(gathered, rows, num_segments=n_out)


def reference(batch_user, batch_pos_item, batch_neg_item, embed_user, embed_item,
              W0, b0, W1, b1, S_rows, S_cols, S_vals, R_rows, R_cols, R_vals):
    U = embed_user
    V = embed_item
    for (W, b) in ((W0, b0), (W1, b1)):
        SU = _spmm(S_rows, S_cols, S_vals, U, NUM_USERS)
        U = jnp.concatenate([SU, U], axis=1)
        U = jax.nn.relu(U @ W + b)
    user_g = U + _spmm(R_rows, R_cols, R_vals, V, NUM_USERS)
    item_g = V
    return (jnp.take(user_g, batch_user, axis=0),
            jnp.take(item_g, batch_pos_item, axis=0),
            jnp.take(item_g, batch_neg_item, axis=0))

if __name__ == "__main__":
    import jax
    _d = setup_inputs()
    print(jax.jit(kernel)(*tuple(_d.values())))

</pallas_src>

<mosaic_0001>
#map = affine_map<(d0, d1) -> (0)>
#map1 = affine_map<(d0, d1) -> (0, 0)>
module attributes {stable_mosaic.version = 14 : i64} {
  func.func @_fspmm_body(%arg0: i32, %arg1: i32, %arg2: memref<803328xi32, #tpu.memory_space<hbm>>, %arg3: memref<803328xi32, #tpu.memory_space<hbm>>, %arg4: memref<512xi32, #tpu.memory_space<hbm>>, %arg5: memref<100000x32xf32, #tpu.memory_space<hbm>>, %arg6: memref<100000x32xf32, #tpu.memory_space<hbm>>, %arg7: memref<3136x32xf32, #tpu.memory_space<hbm>>, %arg8: memref<50176x32xf32, #tpu.memory_space<hbm>>, %arg9: memref<50176x32xf32, #tpu.memory_space<hbm>>, %arg10: memref<50176x32xf32, #tpu.memory_space<vmem_shared>>, %arg11: memref<512xi32, #tpu.memory_space<vmem>>, %arg12: memref<512xi32, #tpu.memory_space<vmem>>, %arg13: memref<512x32xf32, #tpu.memory_space<vmem>>, %arg14: memref<16xi32, #tpu.memory_space<vmem>>, %arg15: memref<!tpu.dma_semaphore, #tpu.memory_space<semaphore_mem>>) attributes {dimension_semantics = [#tpu.dimension_semantics<core_parallel>, #tpu.dimension_semantics<subcore_parallel>], iteration_bounds = array<i64: 2, 16>, scalar_prefetch = 0 : i64, scratch_operands = 6 : i64, tpu.core_type = #tpu.core_type<sc_vector_subcore>, window_params = [{transform_indices = #map}, {transform_indices = #map}, {transform_indices = #map}, {transform_indices = #map1}, {transform_indices = #map1}, {transform_indices = #map1}, {transform_indices = #map1}, {transform_indices = #map1}]} {
    %mul3A = arith.constant 3136 : i32
    %mul3A_0 = arith.muli %arg1, %mul3A : i32
    "tpu.region"() ({
      %run_scoped3A = tpu.sem_alloc : memref<!tpu.dma_semaphore, #tpu.memory_space<semaphore_mem>>
      %dma_start3A = arith.constant 0 : i32
      %dma_start3A_150 = tpu.memref_slice %arg10[%mul3A_0, %dma_start3A] : memref<50176x32xf32, #tpu.memory_space<vmem_shared>> -> memref<3136x32xf32, #tpu.memory_space<vmem_shared>>
      tpu.enqueue_dma source(%arg7 : memref<3136x32xf32, #tpu.memory_space<hbm>>) target(%dma_start3A_150 : memref<3136x32xf32, #tpu.memory_space<vmem_shared>>) target_semaphore(%run_scoped3A : memref<!tpu.dma_semaphore, #tpu.memory_space<semaphore_mem>>)
      %dma_wait3A = arith.constant 0 : i32
      %dma_wait3A_151 = tpu.memref_slice %arg10[%mul3A_0, %dma_wait3A] : memref<50176x32xf32, #tpu.memory_space<vmem_shared>> -> memref<3136x32xf32, #tpu.memory_space<vmem_shared>>
      tpu.wait_dma2 semaphore(%run_scoped3A : memref<!tpu.dma_semaphore, #tpu.memory_space<semaphore_mem>>) src(%arg7 : memref<3136x32xf32, #tpu.memory_space<hbm>>) dst(%dma_wait3A_151 : memref<3136x32xf32, #tpu.memory_space<vmem_shared>>)
      tpu.yield
    }) : () -> ()
    %barrier3A = arith.constant 0 : index
    tpu.barrier barrier_id(%barrier3A)
    %mul3A_1 = arith.constant 2 : i32
    %mul3A_2 = arith.muli %mul3A_1, %arg1 : i32
    %add3A = arith.constant 0 : i32
    %add3A_3 = arith.addi %mul3A_2, %add3A : i32
    %mul3A_4 = arith.constant 16 : i32
    %mul3A_5 = arith.muli %add3A_3, %mul3A_4 : i32
    "tpu.region"() ({
      %run_scoped3A = tpu.sem_alloc : memref<!tpu.dma_semaphore, #tpu.memory_space<semaphore_mem>>
      %dma_start3A = tpu.memref_slice %arg4[%mul3A_5] : memref<512xi32, #tpu.memory_space<hbm>> -> memref<16xi32, #tpu.memory_space<hbm>>
      %dma_start3A_150 = tpu.memref_slice %arg4[%mul3A_5] : memref<512xi32, #tpu.memory_space<hbm>> -> memref<16xi32, #tpu.memory_space<hbm>>
      tpu.enqueue_dma source(%dma_start3A_150 : memref<16xi32, #tpu.memory_space<hbm>>) target(%arg14 : memref<16xi32, #tpu.memory_space<vmem>>) target_semaphore(%run_scoped3A : memref<!tpu.dma_semaphore, #tpu.memory_space<semaphore_mem>>)
      %dma_wait3A = tpu.memref_slice %arg4[%mul3A_5] : memref<512xi32, #tpu.memory_space<hbm>> -> memref<16xi32, #tpu.memory_space<hbm>>
      %dma_wait3A_151 = tpu.memref_slice %arg4[%mul3A_5] : memref<512xi32, #tpu.memory_space<hbm>> -> memref<16xi32, #tpu.memory_space<hbm>>
      tpu.wait_dma2 semaphore(%run_scoped3A : memref<!tpu.dma_semaphore, #tpu.memory_space<semaphore_mem>>) src(%dma_wait3A_151 : memref<16xi32, #tpu.memory_space<hbm>>) dst(%arg14 : memref<16xi32, #tpu.memory_space<vmem>>)
      tpu.yield
    }) : () -> ()
    %get3A = arith.constant 0 : index
    %get3A_6 = tpu.vector_load %arg14[%get3A] {strides = array<i32>} : memref<16xi32, #tpu.memory_space<vmem>>, vector<16xi32>,
    %get3A_7 = vector.shape_cast %get3A_6 : vector<16xi32> to vector<16xi32>
    %slice3A = vector.extract_strided_slice %get3A_7 {offsets = [0], sizes = [1], strides = [1]} : vector<16xi32> to vector<1xi32>
    %squeeze3A = vector.extract %slice3A[0] : i32 from vector<1xi32>
    %slice3A_8 = vector.extract_strided_slice %get3A_7 {offsets = [1], sizes = [1], strides = [1]} : vector<16xi32> to vector<1xi32>
    %squeeze3A_9 = vector.extract %slice3A_8[0] : i32 from vector<1xi32>
    %max3A = arith.maxsi %squeeze3A, %squeeze3A_9 : i32
    %slice3A_10 = vector.extract_strided_slice %get3A_7 {offsets = [2], sizes = [1], strides = [1]} : vector<16xi32> to vector<1xi32>
    %squeeze3A_11 = vector.extract %slice3A_10[0] : i32 from vector<1xi32>
    %max3A_12 = arith.maxsi %max3A, %squeeze3A_11 : i32
    %slice3A_13 = vector.extract_strided_slice %get3A_7 {offsets = [3], sizes = [1], strides = [1]} : vector<16xi32> to vector<1xi32>
    %squeeze3A_14 = vector.extract %slice3A_13[0] : i32 from vector<1xi32>
    %max3A_15 = arith.maxsi %max3A_12, %squeeze3A_14 : i32
    %slice3A_16 = vector.extract_strided_slice %get3A_7 {offsets = [4], sizes = [1], strides = [1]} : vector<16xi32> to vector<1xi32>
    %squeeze3A_17 = vector.extract %slice3A_16[0] : i32 from vector<1xi32>
    %max3A_18 = arith.maxsi %max3A_15, %squeeze3A_17 : i32
    %slice3A_19 = vector.extract_strided_slice %get3A_7 {offsets = [5], sizes = [1], strides = [1]} : vector<16xi32> to vector<1xi32>
    %squeeze3A_20 = vector.extract %slice3A_19[0] : i32 from vector<1xi32>
    %max3A_21 = arith.maxsi %max3A_18, %squeeze3A_20 : i32
    %slice3A_22 = vector.extract_strided_slice %get3A_7 {offsets = [6], sizes = [1], strides = [1]} : vector<16xi32> to vector<1xi32>
    %squeeze3A_23 = vector.extract %slice3A_22[0] : i32 from vector<1xi32>
    %max3A_24 = arith.maxsi %max3A_21, %squeeze3A_23 : i32
    %slice3A_25 = vector.extract_strided_slice %get3A_7 {offsets = [7], sizes = [1], strides = [1]} : vector<16xi32> to vector<1xi32>
    %squeeze3A_26 = vector.extract %slice3A_25[0] : i32 from vector<1xi32>
    %max3A_27 = arith.maxsi %max3A_24, %squeeze3A_26 : i32
    %slice3A_28 = vector.extract_strided_slice %get3A_7 {offsets = [8], sizes = [1], strides = [1]} : vector<16xi32> to vector<1xi32>
    %squeeze3A_29 = vector.extract %slice3A_28[0] : i32 from vector<1xi32>
    %max3A_30 = arith.maxsi %max3A_27, %squeeze3A_29 : i32
    %slice3A_31 = vector.extract_strided_slice %get3A_7 {offsets = [9], sizes = [1], strides = [1]} : vector<16xi32> to vector<1xi32>
    %squeeze3A_32 = vector.extract %slice3A_31[0] : i32 from vector<1xi32>
    %max3A_33 = arith.maxsi %max3A_30, %squeeze3A_32 : i32
    %slice3A_34 = vector.extract_strided_slice %get3A_7 {offsets = [10], sizes = [1], strides = [1]} : vector<16xi32> to vector<1xi32>
    %squeeze3A_35 = vector.extract %slice3A_34[0] : i32 from vector<1xi32>
    %max3A_36 = arith.maxsi %max3A_33, %squeeze3A_35 : i32
    %slice3A_37 = vector.extract_strided_slice %get3A_7 {offsets = [11], sizes = [1], strides = [1]} : vector<16xi32> to vector<1xi32>
    %squeeze3A_38 = vector.extract %slice3A_37[0] : i32 from vector<1xi32>
    %max3A_39 = arith.maxsi %max3A_36, %squeeze3A_38 : i32
    %slice3A_40 = vector.extract_strided_slice %get3A_7 {offsets = [12], sizes = [1], strides = [1]} : vector<16xi32> to vector<1xi32>
    %squeeze3A_41 = vector.extract %slice3A_40[0] : i32 from vector<1xi32>
    %max3A_42 = arith.maxsi %max3A_39, %squeeze3A_41 : i32
    %slice3A_43 = vector.extract_strided_slice %get3A_7 {offsets = [13], sizes = [1], strides = [1]} : vector<16xi32> to vector<1xi32>
    %squeeze3A_44 = vector.extract %slice3A_43[0] : i32 from vector<1xi32>
    %max3A_45 = arith.maxsi %max3A_42, %squeeze3A_44 : i32
    %slice3A_46 = vector.extract_strided_slice %get3A_7 {offsets = [14], sizes = [1], strides = [1]} : vector<16xi32> to vector<1xi32>
    %squeeze3A_47 = vector.extract %slice3A_46[0] : i32 from vector<1xi32>
    %max3A_48 = arith.maxsi %max3A_45, %squeeze3A_47 : i32
    %slice3A_49 = vector.extract_strided_slice %get3A_7 {offsets = [15], sizes = [1], strides = [1]} : vector<16xi32> to vector<1xi32>
    %squeeze3A_50 = vector.extract %slice3A_49[0] : i32 from vector<1xi32>
    %max3A_51 = arith.maxsi %max3A_48, %squeeze3A_50 : i32
    %mul3A_52 = arith.constant 16 : i32
    %mul3A_53 = arith.muli %mul3A_52, %max3A_51 : i32
    %add3A_54 = arith.constant 511 : i32
    %add3A_55 = arith.addi %mul3A_53, %add3A_54 : i32
    %div3A = arith.constant 512 : i32
    %div3A_56 = arith.divsi %add3A_55, %div3A : i32
    %while3A = arith.constant 0 : i32
    %while3A_57 = arith.constant 0 : i32
    %while3A_58 = arith.subi %div3A_56, %while3A : i32
    %while3A_59 = arith.addi %while3A, %while3A_58 : i32
    %while3A_60 = arith.constant 1 : i32
    %while3A_61 = arith.divsi %while3A_58, %while3A_60 : i32
    %while3A_62 = arith.muli %while3A_61, %while3A_60 : i32
    %while3A_63 = arith.addi %while3A, %while3A_62 : i32
    %while3A_64 = arith.constant 1 : i32
    %while3A_65 = scf.for %while3A_150 = %while3A to %while3A_63 step %while3A_64 iter_args(%while3A_151 = %while3A_57) -> (i32)  : i32 {
      %mul3A_152 = arith.constant 25088 : i32
      %mul3A_153 = arith.muli %add3A_3, %mul3A_152 : i32
      %mul3A_154 = arith.constant 512 : i32
      %mul3A_155 = arith.muli %while3A_150, %mul3A_154 : i32
      %add3A_156 = arith.addi %mul3A_153, %mul3A_155 : i32
      "tpu.region"() ({
        %run_scoped3A = tpu.sem_alloc : memref<!tpu.dma_semaphore, #tpu.memory_space<semaphore_mem>>
        %dma_start3A = tpu.memref_slice %arg3[%add3A_156] : memref<803328xi32, #tpu.memory_space<hbm>> -> memref<512xi32, #tpu.memory_space<hbm>>
        %dma_start3A_168 = tpu.memref_slice %arg3[%add3A_156] : memref<803328xi32, #tpu.memory_space<hbm>> -> memref<512xi32, #tpu.memory_space<hbm>>
        tpu.enqueue_dma source(%dma_start3A_168 : memref<512xi32, #tpu.memory_space<hbm>>) target(%arg12 : memref<512xi32, #tpu.memory_space<vmem>>) target_semaphore(%run_scoped3A : memref<!tpu.dma_semaphore, #tpu.memory_space<semaphore_mem>>)
        %dma_wait3A = tpu.memref_slice %arg3[%add3A_156] : memref<803328xi32, #tpu.memory_space<hbm>> -> memref<512xi32, #tpu.memory_space<hbm>>
        %dma_wait3A_169 = tpu.memref_slice %arg3[%add3A_156] : memref<803328xi32, #tpu.memory_space<hbm>> -> memref<512xi32, #tpu.memory_space<hbm>>
        tpu.wait_dma2 semaphore(%run_scoped3A : memref<!tpu.dma_semaphore, #tpu.memory_space<semaphore_mem>>) src(%dma_wait3A_169 : memref<512xi32, #tpu.memory_space<hbm>>) dst(%arg12 : memref<512xi32, #tpu.memory_space<vmem>>)
        tpu.yield
      }) : () -> ()
      "tpu.region"() ({
        %run_scoped3A = tpu.sem_alloc : memref<!tpu.dma_semaphore, #tpu.memory_space<semaphore_mem>>
        %dma_start3A = tpu.memref_slice %arg2[%add3A_156] : memref<803328xi32, #tpu.memory_space<hbm>> -> memref<512xi32, #tpu.memory_space<hbm>>
        %dma_start3A_168 = tpu.memref_slice %arg2[%add3A_156] : memref<803328xi32, #tpu.memory_space<hbm>> -> memref<512xi32, #tpu.memory_space<hbm>>
        tpu.enqueue_dma source(%dma_start3A_168 : memref<512xi32, #tpu.memory_space<hbm>>) target(%arg11 : memref<512xi32, #tpu.memory_space<vmem>>) target_semaphore(%run_scoped3A : memref<!tpu.dma_semaphore, #tpu.memory_space<semaphore_mem>>)
        %dma_wait3A = tpu.memref_slice %arg2[%add3A_156] : memref<803328xi32, #tpu.memory_space<hbm>> -> memref<512xi32, #tpu.memory_space<hbm>>
        %dma_wait3A_169 = tpu.memref_slice %arg2[%add3A_156] : memref<803328xi32, #tpu.memory_space<hbm>> -> memref<512xi32, #tpu.memory_space<hbm>>
        tpu.wait_dma2 semaphore(%run_scoped3A : memref<!tpu.dma_semaphore, #tpu.memory_space<semaphore_mem>>) src(%dma_wait3A_169 : memref<512xi32, #tpu.memory_space<hbm>>) dst(%arg11 : memref<512xi32, #tpu.memory_space<vmem>>)
        tpu.yield
      }) : () -> ()
      %eq3A_157 = arith.constant 0 : i32
      %eq3A_158 = arith.cmpi eq, %arg0, %eq3A_157 : i32
      %convert_element_type3A_159 = arith.extui %eq3A_158 : i1 to i32
      %cond3A_160 = arith.constant 0 : i32
      %cond3A_161 = arith.cmpi ne, %convert_element_type3A_159, %cond3A_160 : i32
      scf.if %cond3A_161 {
        %dma_start3A = arith.constant 0 : i32
        %dma_start3A_168 = arith.constant 0 : i32
        %dma_start3A_169 = tpu.memref_slice %arg5[%dma_start3A, %dma_start3A_168] : memref<100000x32xf32, #tpu.memory_space<hbm>> -> memref<100000x32xf32, #tpu.memory_space<hbm>>
        tpu.enqueue_indirect_dma source(%dma_start3A_169 : memref<100000x32xf32, #tpu.memory_space<hbm>>) target(%arg13 : memref<512x32xf32, #tpu.memory_space<vmem>>) offsets(%arg12 : memref<512xi32, #tpu.memory_space<vmem>>) semaphore(%arg15 : memref<!tpu.dma_semaphore, #tpu.memory_space<semaphore_mem>>)
        %dma_wait3A = arith.constant 0 : i32
        %dma_wait3A_170 = arith.constant 0 : i32
        %dma_wait3A_171 = tpu.memref_slice %arg5[%dma_wait3A, %dma_wait3A_170] : memref<100000x32xf32, #tpu.memory_space<hbm>> -> memref<100000x32xf32, #tpu.memory_space<hbm>>
        tpu.wait_indirect_dma semaphore(%arg15 : memref<!tpu.dma_semaphore, #tpu.memory_space<semaphore_mem>>) src(%dma_wait3A_171 : memref<100000x32xf32, #tpu.memory_space<hbm>>) dst(%arg13 : memref<512x32xf32, #tpu.memory_space<vmem>>)
      } else {
      }
      %eq3A_162 = arith.constant 1 : i32
      %eq3A_163 = arith.cmpi eq, %arg0, %eq3A_162 : i32
      %convert_element_type3A_164 = arith.extui %eq3A_163 : i1 to i32
      %cond3A_165 = arith.constant 0 : i32
      %cond3A_166 = arith.cmpi ne, %convert_element_type3A_164, %cond3A_165 : i32
      scf.if %cond3A_166 {
        %dma_start3A = arith.constant 0 : i32
        %dma_start3A_168 = arith.constant 0 : i32
        %dma_start3A_169 = tpu.memref_slice %arg6[%dma_start3A, %dma_start3A_168] : memref<100000x32xf32, #tpu.memory_space<hbm>> -> memref<100000x32xf32, #tpu.memory_space<hbm>>
        tpu.enqueue_indirect_dma source(%dma_start3A_169 : memref<100000x32xf32, #tpu.memory_space<hbm>>) target(%arg13 : memref<512x32xf32, #tpu.memory_space<vmem>>) offsets(%arg12 : memref<512xi32, #tpu.memory_space<vmem>>) semaphore(%arg15 : memref<!tpu.dma_semaphore, #tpu.memory_space<semaphore_mem>>)
        %dma_wait3A = arith.constant 0 : i32
        %dma_wait3A_170 = arith.constant 0 : i32
        %dma_wait3A_171 = tpu.memref_slice %arg6[%dma_wait3A, %dma_wait3A_170] : memref<100000x32xf32, #tpu.memory_space<hbm>> -> memref<100000x32xf32, #tpu.memory_space<hbm>>
        tpu.wait_indirect_dma semaphore(%arg15 : memref<!tpu.dma_semaphore, #tpu.memory_space<semaphore_mem>>) src(%dma_wait3A_171 : memref<100000x32xf32, #tpu.memory_space<hbm>>) dst(%arg13 : memref<512x32xf32, #tpu.memory_space<vmem>>)
      } else {
      }
      "tpu.region"() ({
        %run_scoped3A = tpu.sem_alloc : memref<!tpu.dma_semaphore, #tpu.memory_space<semaphore_mem>>
        %dma_start3A = arith.constant 0 : i32
        %dma_start3A_168 = arith.constant 0 : i32
        %dma_start3A_169 = tpu.memref_slice %arg10[%dma_start3A, %dma_start3A_168] : memref<50176x32xf32, #tpu.memory_space<vmem_shared>> -> memref<50176x32xf32, #tpu.memory_space<vmem_shared>>
        tpu.enqueue_indirect_dma source(%arg13 : memref<512x32xf32, #tpu.memory_space<vmem>>) target(%dma_start3A_169 : memref<50176x32xf32, #tpu.memory_space<vmem_shared>>) offsets(%arg11 : memref<512xi32, #tpu.memory_space<vmem>>) semaphore(%run_scoped3A : memref<!tpu.dma_semaphore, #tpu.memory_space<semaphore_mem>>) {add = true}
        %dma_wait3A = arith.constant 0 : i32
        %dma_wait3A_170 = arith.constant 0 : i32
        %dma_wait3A_171 = tpu.memref_slice %arg10[%dma_wait3A, %dma_wait3A_170] : memref<50176x32xf32, #tpu.memory_space<vmem_shared>> -> memref<50176x32xf32, #tpu.memory_space<vmem_shared>>
        tpu.wait_indirect_dma semaphore(%run_scoped3A : memref<!tpu.dma_semaphore, #tpu.memory_space<semaphore_mem>>) src(%arg13 : memref<512x32xf32, #tpu.memory_space<vmem>>) dst(%dma_wait3A_171 : memref<50176x32xf32, #tpu.memory_space<vmem_shared>>)
        tpu.yield
      }) : () -> ()
      %while3A_167 = arith.constant 0 : i32
      scf.yield %while3A_167 : i32
    }
    %while3A_66 = arith.constant 1 : i32
    %while3A_67 = scf.for %while3A_150 = %while3A_63 to %while3A_59 step %while3A_66 iter_args(%while3A_151 = %while3A_65) -> (i32)  : i32 {
      %mul3A_152 = arith.constant 25088 : i32
      %mul3A_153 = arith.muli %add3A_3, %mul3A_152 : i32
      %mul3A_154 = arith.constant 512 : i32
      %mul3A_155 = arith.muli %while3A_150, %mul3A_154 : i32
      %add3A_156 = arith.addi %mul3A_153, %mul3A_155 : i32
      "tpu.region"() ({
        %run_scoped3A = tpu.sem_alloc : memref<!tpu.dma_semaphore, #tpu.memory_space<semaphore_mem>>
        %dma_start3A = tpu.memref_slice %arg3[%add3A_156] : memref<803328xi32, #tpu.memory_space<hbm>> -> memref<512xi32, #tpu.memory_space<hbm>>
        %dma_start3A_168 = tpu.memref_slice %arg3[%add3A_156] : memref<803328xi32, #tpu.memory_space<hbm>> -> memref<512xi32, #tpu.memory_space<hbm>>
        tpu.enqueue_dma source(%dma_start3A_168 : memref<512xi32, #tpu.memory_space<hbm>>) target(%arg12 : memref<512xi32, #tpu.memory_space<vmem>>) target_semaphore(%run_scoped3A : memref<!tpu.dma_semaphore, #tpu.memory_space<semaphore_mem>>)
        %dma_wait3A = tpu.memref_slice %arg3[%add3A_156] : memref<803328xi32, #tpu.memory_space<hbm>> -> memref<512xi32, #tpu.memory_space<hbm>>
        %dma_wait3A_169 = tpu.memref_slice %arg3[%add3A_156] : memref<803328xi32, #tpu.memory_space<hbm>> -> memref<512xi32, #tpu.memory_space<hbm>>
        tpu.wait_dma2 semaphore(%run_scoped3A : memref<!tpu.dma_semaphore, #tpu.memory_space<semaphore_mem>>) src(%dma_wait3A_169 : memref<512xi32, #tpu.memory_space<hbm>>) dst(%arg12 : memref<512xi32, #tpu.memory_space<vmem>>)
        tpu.yield
      }) : () -> ()
      "tpu.region"() ({
        %run_scoped3A = tpu.sem_alloc : memref<!tpu.dma_semaphore, #tpu.memory_space<semaphore_mem>>
        %dma_start3A = tpu.memref_slice %arg2[%add3A_156] : memref<803328xi32, #tpu.memory_space<hbm>> -> memref<512xi32, #tpu.memory_space<hbm>>
        %dma_start3A_168 = tpu.memref_slice %arg2[%add3A_156] : memref<803328xi32, #tpu.memory_space<hbm>> -> memref<512xi32, #tpu.memory_space<hbm>>
        tpu.enqueue_dma source(%dma_start3A_168 : memref<512xi32, #tpu.memory_space<hbm>>) target(%arg11 : memref<512xi32, #tpu.memory_space<vmem>>) target_semaphore(%run_scoped3A : memref<!tpu.dma_semaphore, #tpu.memory_space<semaphore_mem>>)
        %dma_wait3A = tpu.memref_slice %arg2[%add3A_156] : memref<803328xi32, #tpu.memory_space<hbm>> -> memref<512xi32, #tpu.memory_space<hbm>>
        %dma_wait3A_169 = tpu.memref_slice %arg2[%add3A_156] : memref<803328xi32, #tpu.memory_space<hbm>> -> memref<512xi32, #tpu.memory_space<hbm>>
        tpu.wait_dma2 semaphore(%run_scoped3A : memref<!tpu.dma_semaphore, #tpu.memory_space<semaphore_mem>>) src(%dma_wait3A_169 : memref<512xi32, #tpu.memory_space<hbm>>) dst(%arg11 : memref<512xi32, #tpu.memory_space<vmem>>)
        tpu.yield
      }) : () -> ()
      %eq3A_157 = arith.constant 0 : i32
      %eq3A_158 = arith.cmpi eq, %arg0, %eq3A_157 : i32
      %convert_element_type3A_159 = arith.extui %eq3A_158 : i1 to i32
      %cond3A_160 = arith.constant 0 : i32
      %cond3A_161 = arith.cmpi ne, %convert_element_type3A_159, %cond3A_160 : i32
      scf.if %cond3A_161 {
        %dma_start3A = arith.constant 0 : i32
        %dma_start3A_168 = arith.constant 0 : i32
        %dma_start3A_169 = tpu.memref_slice %arg5[%dma_start3A, %dma_start3A_168] : memref<100000x32xf32, #tpu.memory_space<hbm>> -> memref<100000x32xf32, #tpu.memory_space<hbm>>
        tpu.enqueue_indirect_dma source(%dma_start3A_169 : memref<100000x32xf32, #tpu.memory_space<hbm>>) target(%arg13 : memref<512x32xf32, #tpu.memory_space<vmem>>) offsets(%arg12 : memref<512xi32, #tpu.memory_space<vmem>>) semaphore(%arg15 : memref<!tpu.dma_semaphore, #tpu.memory_space<semaphore_mem>>)
        %dma_wait3A = arith.constant 0 : i32
        %dma_wait3A_170 = arith.constant 0 : i32
        %dma_wait3A_171 = tpu.memref_slice %arg5[%dma_wait3A, %dma_wait3A_170] : memref<100000x32xf32, #tpu.memory_space<hbm>> -> memref<100000x32xf32, #tpu.memory_space<hbm>>
        tpu.wait_indirect_dma semaphore(%arg15 : memref<!tpu.dma_semaphore, #tpu.memory_space<semaphore_mem>>) src(%dma_wait3A_171 : memref<100000x32xf32, #tpu.memory_space<hbm>>) dst(%arg13 : memref<512x32xf32, #tpu.memory_space<vmem>>)
      } else {
      }
      %eq3A_162 = arith.constant 1 : i32
      %eq3A_163 = arith.cmpi eq, %arg0, %eq3A_162 : i32
      %convert_element_type3A_164 = arith.extui %eq3A_163 : i1 to i32
      %cond3A_165 = arith.constant 0 : i32
      %cond3A_166 = arith.cmpi ne, %convert_element_type3A_164, %cond3A_165 : i32
      scf.if %cond3A_166 {
        %dma_start3A = arith.constant 0 : i32
        %dma_start3A_168 = arith.constant 0 : i32
        %dma_start3A_169 = tpu.memref_slice %arg6[%dma_start3A, %dma_start3A_168] : memref<100000x32xf32, #tpu.memory_space<hbm>> -> memref<100000x32xf32, #tpu.memory_space<hbm>>
        tpu.enqueue_indirect_dma source(%dma_start3A_169 : memref<100000x32xf32, #tpu.memory_space<hbm>>) target(%arg13 : memref<512x32xf32, #tpu.memory_space<vmem>>) offsets(%arg12 : memref<512xi32, #tpu.memory_space<vmem>>) semaphore(%arg15 : memref<!tpu.dma_semaphore, #tpu.memory_space<semaphore_mem>>)
        %dma_wait3A = arith.constant 0 : i32
        %dma_wait3A_170 = arith.constant 0 : i32
        %dma_wait3A_171 = tpu.memref_slice %arg6[%dma_wait3A, %dma_wait3A_170] : memref<100000x32xf32, #tpu.memory_space<hbm>> -> memref<100000x32xf32, #tpu.memory_space<hbm>>
        tpu.wait_indirect_dma semaphore(%arg15 : memref<!tpu.dma_semaphore, #tpu.memory_space<semaphore_mem>>) src(%dma_wait3A_171 : memref<100000x32xf32, #tpu.memory_space<hbm>>) dst(%arg13 : memref<512x32xf32, #tpu.memory_space<vmem>>)
      } else {
      }
      "tpu.region"() ({
        %run_scoped3A = tpu.sem_alloc : memref<!tpu.dma_semaphore, #tpu.memory_space<semaphore_mem>>
        %dma_start3A = arith.constant 0 : i32
        %dma_start3A_168 = arith.constant 0 : i32
        %dma_start3A_169 = tpu.memref_slice %arg10[%dma_start3A, %dma_start3A_168] : memref<50176x32xf32, #tpu.memory_space<vmem_shared>> -> memref<50176x32xf32, #tpu.memory_space<vmem_shared>>
        tpu.enqueue_indirect_dma source(%arg13 : memref<512x32xf32, #tpu.memory_space<vmem>>) target(%dma_start3A_169 : memref<50176x32xf32, #tpu.memory_space<vmem_shared>>) offsets(%arg11 : memref<512xi32, #tpu.memory_space<vmem>>) semaphore(%run_scoped3A : memref<!tpu.dma_semaphore, #tpu.memory_space<semaphore_mem>>) {add = true}
        %dma_wait3A = arith.constant 0 : i32
        %dma_wait3A_170 = arith.constant 0 : i32
        %dma_wait3A_171 = tpu.memref_slice %arg10[%dma_wait3A, %dma_wait3A_170] : memref<50176x32xf32, #tpu.memory_space<vmem_shared>> -> memref<50176x32xf32, #tpu.memory_space<vmem_shared>>
        tpu.wait_indirect_dma semaphore(%run_scoped3A : memref<!tpu.dma_semaphore, #tpu.memory_space<semaphore_mem>>) src(%arg13 : memref<512x32xf32, #tpu.memory_space<vmem>>) dst(%dma_wait3A_171 : memref<50176x32xf32, #tpu.memory_space<vmem_shared>>)
        tpu.yield
      }) : () -> ()
      %while3A_167 = arith.constant 0 : i32
      scf.yield %while3A_167 : i32
    }
    %mul3A_68 = arith.constant 2 : i32
    %mul3A_69 = arith.muli %mul3A_68, %arg1 : i32
    %add3A_70 = arith.constant 1 : i32
    %add3A_71 = arith.addi %mul3A_69, %add3A_70 : i32
    %mul3A_72 = arith.constant 16 : i32
    %mul3A_73 = arith.muli %add3A_71, %mul3A_72 : i32
    "tpu.region"() ({
      %run_scoped3A = tpu.sem_alloc : memref<!tpu.dma_semaphore, #tpu.memory_space<semaphore_mem>>
      %dma_start3A = tpu.memref_slice %arg4[%mul3A_73] : memref<512xi32, #tpu.memory_space<hbm>> -> memref<16xi32, #tpu.memory_space<hbm>>
      %dma_start3A_150 = tpu.memref_slice %arg4[%mul3A_73] : memref<512xi32, #tpu.memory_space<hbm>> -> memref<16xi32, #tpu.memory_space<hbm>>
      tpu.enqueue_dma source(%dma_start3A_150 : memref<16xi32, #tpu.memory_space<hbm>>) target(%arg14 : memref<16xi32, #tpu.memory_space<vmem>>) target_semaphore(%run_scoped3A : memref<!tpu.dma_semaphore, #tpu.memory_space<semaphore_mem>>)
      %dma_wait3A = tpu.memref_slice %arg4[%mul3A_73] : memref<512xi32, #tpu.memory_space<hbm>> -> memref<16xi32, #tpu.memory_space<hbm>>
      %dma_wait3A_151 = tpu.memref_slice %arg4[%mul3A_73] : memref<512xi32, #tpu.memory_space<hbm>> -> memref<16xi32, #tpu.memory_space<hbm>>
      tpu.wait_dma2 semaphore(%run_scoped3A : memref<!tpu.dma_semaphore, #tpu.memory_space<semaphore_mem>>) src(%dma_wait3A_151 : memref<16xi32, #tpu.memory_space<hbm>>) dst(%arg14 : memref<16xi32, #tpu.memory_space<vmem>>)
      tpu.yield
    }) : () -> ()
    %get3A_74 = arith.constant 0 : index
    %get3A_75 = tpu.vector_load %arg14[%get3A_74] {strides = array<i32>} : memref<16xi32, #tpu.memory_space<vmem>>, vector<16xi32>,
    %get3A_76 = vector.shape_cast %get3A_75 : vector<16xi32> to vector<16xi32>
    %slice3A_77 = vector.extract_strided_slice %get3A_76 {offsets = [0], sizes = [1], strides = [1]} : vector<16xi32> to vector<1xi32>
    %squeeze3A_78 = vector.extract %slice3A_77[0] : i32 from vector<1xi32>
    %slice3A_79 = vector.extract_strided_slice %get3A_76 {offsets = [1], sizes = [1], strides = [1]} : vector<16xi32> to vector<1xi32>
    %squeeze3A_80 = vector.extract %slice3A_79[0] : i32 from vector<1xi32>
    %max3A_81 = arith.maxsi %squeeze3A_78, %squeeze3A_80 : i32
    %slice3A_82 = vector.extract_strided_slice %get3A_76 {offsets = [2], sizes = [1], strides = [1]} : vector<16xi32> to vector<1xi32>
    %squeeze3A_83 = vector.extract %slice3A_82[0] : i32 from vector<1xi32>
    %max3A_84 = arith.maxsi %max3A_81, %squeeze3A_83 : i32
    %slice3A_85 = vector.extract_strided_slice %get3A_76 {offsets = [3], sizes = [1], strides = [1]} : vector<16xi32> to vector<1xi32>
    %squeeze3A_86 = vector.extract %slice3A_85[0] : i32 from vector<1xi32>
    %max3A_87 = arith.maxsi %max3A_84, %squeeze3A_86 : i32
    %slice3A_88 = vector.extract_strided_slice %get3A_76 {offsets = [4], sizes = [1], strides = [1]} : vector<16xi32> to vector<1xi32>
    %squeeze3A_89 = vector.extract %slice3A_88[0] : i32 from vector<1xi32>
    %max3A_90 = arith.maxsi %max3A_87, %squeeze3A_89 : i32
    %slice3A_91 = vector.extract_strided_slice %get3A_76 {offsets = [5], sizes = [1], strides = [1]} : vector<16xi32> to vector<1xi32>
    %squeeze3A_92 = vector.extract %slice3A_91[0] : i32 from vector<1xi32>
    %max3A_93 = arith.maxsi %max3A_90, %squeeze3A_92 : i32
    %slice3A_94 = vector.extract_strided_slice %get3A_76 {offsets = [6], sizes = [1], strides = [1]} : vector<16xi32> to vector<1xi32>
    %squeeze3A_95 = vector.extract %slice3A_94[0] : i32 from vector<1xi32>
    %max3A_96 = arith.maxsi %max3A_93, %squeeze3A_95 : i32
    %slice3A_97 = vector.extract_strided_slice %get3A_76 {offsets = [7], sizes = [1], strides = [1]} : vector<16xi32> to vector<1xi32>
    %squeeze3A_98 = vector.extract %slice3A_97[0] : i32 from vector<1xi32>
    %max3A_99 = arith.maxsi %max3A_96, %squeeze3A_98 : i32
    %slice3A_100 = vector.extract_strided_slice %get3A_76 {offsets = [8], sizes = [1], strides = [1]} : vector<16xi32> to vector<1xi32>
    %squeeze3A_101 = vector.extract %slice3A_100[0] : i32 from vector<1xi32>
    %max3A_102 = arith.maxsi %max3A_99, %squeeze3A_101 : i32
    %slice3A_103 = vector.extract_strided_slice %get3A_76 {offsets = [9], sizes = [1], strides = [1]} : vector<16xi32> to vector<1xi32>
    %squeeze3A_104 = vector.extract %slice3A_103[0] : i32 from vector<1xi32>
    %max3A_105 = arith.maxsi %max3A_102, %squeeze3A_104 : i32
    %slice3A_106 = vector.extract_strided_slice %get3A_76 {offsets = [10], sizes = [1], strides = [1]} : vector<16xi32> to vector<1xi32>
    %squeeze3A_107 = vector.extract %slice3A_106[0] : i32 from vector<1xi32>
    %max3A_108 = arith.maxsi %max3A_105, %squeeze3A_107 : i32
    %slice3A_109 = vector.extract_strided_slice %get3A_76 {offsets = [11], sizes = [1], strides = [1]} : vector<16xi32> to vector<1xi32>
    %squeeze3A_110 = vector.extract %slice3A_109[0] : i32 from vector<1xi32>
    %max3A_111 = arith.maxsi %max3A_108, %squeeze3A_110 : i32
    %slice3A_112 = vector.extract_strided_slice %get3A_76 {offsets = [12], sizes = [1], strides = [1]} : vector<16xi32> to vector<1xi32>
    %squeeze3A_113 = vector.extract %slice3A_112[0] : i32 from vector<1xi32>
    %max3A_114 = arith.maxsi %max3A_111, %squeeze3A_113 : i32
    %slice3A_115 = vector.extract_strided_slice %get3A_76 {offsets = [13], sizes = [1], strides = [1]} : vector<16xi32> to vector<1xi32>
    %squeeze3A_116 = vector.extract %slice3A_115[0] : i32 from vector<1xi32>
    %max3A_117 = arith.maxsi %max3A_114, %squeeze3A_116 : i32
    %slice3A_118 = vector.extract_strided_slice %get3A_76 {offsets = [14], sizes = [1], strides = [1]} : vector<16xi32> to vector<1xi32>
    %squeeze3A_119 = vector.extract %slice3A_118[0] : i32 from vector<1xi32>
    %max3A_120 = arith.maxsi %max3A_117, %squeeze3A_119 : i32
    %slice3A_121 = vector.extract_strided_slice %get3A_76 {offsets = [15], sizes = [1], strides = [1]} : vector<16xi32> to vector<1xi32>
    %squeeze3A_122 = vector.extract %slice3A_121[0] : i32 from vector<1xi32>
    %max3A_123 = arith.maxsi %max3A_120, %squeeze3A_122 : i32
    %mul3A_124 = arith.constant 16 : i32
    %mul3A_125 = arith.muli %mul3A_124, %max3A_123 : i32
    %add3A_126 = arith.constant 511 : i32
    %add3A_127 = arith.addi %mul3A_125, %add3A_126 : i32
    %div3A_128 = arith.constant 512 : i32
    %div3A_129 = arith.divsi %add3A_127, %div3A_128 : i32
    %while3A_130 = arith.constant 0 : i32
    %while3A_131 = arith.constant 0 : i32
    %while3A_132 = arith.subi %div3A_129, %while3A_130 : i32
    %while3A_133 = arith.addi %while3A_130, %while3A_132 : i32
    %while3A_134 = arith.constant 1 : i32
    %while3A_135 = arith.divsi %while3A_132, %while3A_134 : i32
    %while3A_136 = arith.muli %while3A_135, %while3A_134 : i32
    %while3A_137 = arith.addi %while3A_130, %while3A_136 : i32
    %while3A_138 = arith.constant 1 : i32
    %while3A_139 = scf.for %while3A_150 = %while3A_130 to %while3A_137 step %while3A_138 iter_args(%while3A_151 = %while3A_131) -> (i32)  : i32 {
      %mul3A_152 = arith.constant 25088 : i32
      %mul3A_153 = arith.muli %add3A_71, %mul3A_152 : i32
      %mul3A_154 = arith.constant 512 : i32
      %mul3A_155 = arith.muli %while3A_150, %mul3A_154 : i32
      %add3A_156 = arith.addi %mul3A_153, %mul3A_155 : i32
      "tpu.region"() ({
        %run_scoped3A = tpu.sem_alloc : memref<!tpu.dma_semaphore, #tpu.memory_space<semaphore_mem>>
        %dma_start3A = tpu.memref_slice %arg3[%add3A_156] : memref<803328xi32, #tpu.memory_space<hbm>> -> memref<512xi32, #tpu.memory_space<hbm>>
        %dma_start3A_168 = tpu.memref_slice %arg3[%add3A_156] : memref<803328xi32, #tpu.memory_space<hbm>> -> memref<512xi32, #tpu.memory_space<hbm>>
        tpu.enqueue_dma source(%dma_start3A_168 : memref<512xi32, #tpu.memory_space<hbm>>) target(%arg12 : memref<512xi32, #tpu.memory_space<vmem>>) target_semaphore(%run_scoped3A : memref<!tpu.dma_semaphore, #tpu.memory_space<semaphore_mem>>)
        %dma_wait3A = tpu.memref_slice %arg3[%add3A_156] : memref<803328xi32, #tpu.memory_space<hbm>> -> memref<512xi32, #tpu.memory_space<hbm>>
        %dma_wait3A_169 = tpu.memref_slice %arg3[%add3A_156] : memref<803328xi32, #tpu.memory_space<hbm>> -> memref<512xi32, #tpu.memory_space<hbm>>
        tpu.wait_dma2 semaphore(%run_scoped3A : memref<!tpu.dma_semaphore, #tpu.memory_space<semaphore_mem>>) src(%dma_wait3A_169 : memref<512xi32, #tpu.memory_space<hbm>>) dst(%arg12 : memref<512xi32, #tpu.memory_space<vmem>>)
        tpu.yield
      }) : () -> ()
      "tpu.region"() ({
        %run_scoped3A = tpu.sem_alloc : memref<!tpu.dma_semaphore, #tpu.memory_space<semaphore_mem>>
        %dma_start3A = tpu.memref_slice %arg2[%add3A_156] : memref<803328xi32, #tpu.memory_space<hbm>> -> memref<512xi32, #tpu.memory_space<hbm>>
        %dma_start3A_168 = tpu.memref_slice %arg2[%add3A_156] : memref<803328xi32, #tpu.memory_space<hbm>> -> memref<512xi32, #tpu.memory_space<hbm>>
        tpu.enqueue_dma source(%dma_start3A_168 : memref<512xi32, #tpu.memory_space<hbm>>) target(%arg11 : memref<512xi32, #tpu.memory_space<vmem>>) target_semaphore(%run_scoped3A : memref<!tpu.dma_semaphore, #tpu.memory_space<semaphore_mem>>)
        %dma_wait3A = tpu.memref_slice %arg2[%add3A_156] : memref<803328xi32, #tpu.memory_space<hbm>> -> memref<512xi32, #tpu.memory_space<hbm>>
        %dma_wait3A_169 = tpu.memref_slice %arg2[%add3A_156] : memref<803328xi32, #tpu.memory_space<hbm>> -> memref<512xi32, #tpu.memory_space<hbm>>
        tpu.wait_dma2 semaphore(%run_scoped3A : memref<!tpu.dma_semaphore, #tpu.memory_space<semaphore_mem>>) src(%dma_wait3A_169 : memref<512xi32, #tpu.memory_space<hbm>>) dst(%arg11 : memref<512xi32, #tpu.memory_space<vmem>>)
        tpu.yield
      }) : () -> ()
      %eq3A_157 = arith.constant 0 : i32
      %eq3A_158 = arith.cmpi eq, %arg0, %eq3A_157 : i32
      %convert_element_type3A_159 = arith.extui %eq3A_158 : i1 to i32
      %cond3A_160 = arith.constant 0 : i32
      %cond3A_161 = arith.cmpi ne, %convert_element_type3A_159, %cond3A_160 : i32
      scf.if %cond3A_161 {
        %dma_start3A = arith.constant 0 : i32
        %dma_start3A_168 = arith.constant 0 : i32
        %dma_start3A_169 = tpu.memref_slice %arg5[%dma_start3A, %dma_start3A_168] : memref<100000x32xf32, #tpu.memory_space<hbm>> -> memref<100000x32xf32, #tpu.memory_space<hbm>>
        tpu.enqueue_indirect_dma source(%dma_start3A_169 : memref<100000x32xf32, #tpu.memory_space<hbm>>) target(%arg13 : memref<512x32xf32, #tpu.memory_space<vmem>>) offsets(%arg12 : memref<512xi32, #tpu.memory_space<vmem>>) semaphore(%arg15 : memref<!tpu.dma_semaphore, #tpu.memory_space<semaphore_mem>>)
        %dma_wait3A = arith.constant 0 : i32
        %dma_wait3A_170 = arith.constant 0 : i32
        %dma_wait3A_171 = tpu.memref_slice %arg5[%dma_wait3A, %dma_wait3A_170] : memref<100000x32xf32, #tpu.memory_space<hbm>> -> memref<100000x32xf32, #tpu.memory_space<hbm>>
        tpu.wait_indirect_dma semaphore(%arg15 : memref<!tpu.dma_semaphore, #tpu.memory_space<semaphore_mem>>) src(%dma_wait3A_171 : memref<100000x32xf32, #tpu.memory_space<hbm>>) dst(%arg13 : memref<512x32xf32, #tpu.memory_space<vmem>>)
      } else {
      }
      %eq3A_162 = arith.constant 1 : i32
      %eq3A_163 = arith.cmpi eq, %arg0, %eq3A_162 : i32
      %convert_element_type3A_164 = arith.extui %eq3A_163 : i1 to i32
      %cond3A_165 = arith.constant 0 : i32
      %cond3A_166 = arith.cmpi ne, %convert_element_type3A_164, %cond3A_165 : i32
      scf.if %cond3A_166 {
        %dma_start3A = arith.constant 0 : i32
        %dma_start3A_168 = arith.constant 0 : i32
        %dma_start3A_169 = tpu.memref_slice %arg6[%dma_start3A, %dma_start3A_168] : memref<100000x32xf32, #tpu.memory_space<hbm>> -> memref<100000x32xf32, #tpu.memory_space<hbm>>
        tpu.enqueue_indirect_dma source(%dma_start3A_169 : memref<100000x32xf32, #tpu.memory_space<hbm>>) target(%arg13 : memref<512x32xf32, #tpu.memory_space<vmem>>) offsets(%arg12 : memref<512xi32, #tpu.memory_space<vmem>>) semaphore(%arg15 : memref<!tpu.dma_semaphore, #tpu.memory_space<semaphore_mem>>)
        %dma_wait3A = arith.constant 0 : i32
        %dma_wait3A_170 = arith.constant 0 : i32
        %dma_wait3A_171 = tpu.memref_slice %arg6[%dma_wait3A, %dma_wait3A_170] : memref<100000x32xf32, #tpu.memory_space<hbm>> -> memref<100000x32xf32, #tpu.memory_space<hbm>>
        tpu.wait_indirect_dma semaphore(%arg15 : memref<!tpu.dma_semaphore, #tpu.memory_space<semaphore_mem>>) src(%dma_wait3A_171 : memref<100000x32xf32, #tpu.memory_space<hbm>>) dst(%arg13 : memref<512x32xf32, #tpu.memory_space<vmem>>)
      } else {
      }
      "tpu.region"() ({
        %run_scoped3A = tpu.sem_alloc : memref<!tpu.dma_semaphore, #tpu.memory_space<semaphore_mem>>
        %dma_start3A = arith.constant 0 : i32
        %dma_start3A_168 = arith.constant 0 : i32
        %dma_start3A_169 = tpu.memref_slice %arg10[%dma_start3A, %dma_start3A_168] : memref<50176x32xf32, #tpu.memory_space<vmem_shared>> -> memref<50176x32xf32, #tpu.memory_space<vmem_shared>>
        tpu.enqueue_indirect_dma source(%arg13 : memref<512x32xf32, #tpu.memory_space<vmem>>) target(%dma_start3A_169 : memref<50176x32xf32, #tpu.memory_space<vmem_shared>>) offsets(%arg11 : memref<512xi32, #tpu.memory_space<vmem>>) semaphore(%run_scoped3A : memref<!tpu.dma_semaphore, #tpu.memory_space<semaphore_mem>>) {add = true}
        %dma_wait3A = arith.constant 0 : i32
        %dma_wait3A_170 = arith.constant 0 : i32
        %dma_wait3A_171 = tpu.memref_slice %arg10[%dma_wait3A, %dma_wait3A_170] : memref<50176x32xf32, #tpu.memory_space<vmem_shared>> -> memref<50176x32xf32, #tpu.memory_space<vmem_shared>>
        tpu.wait_indirect_dma semaphore(%run_scoped3A : memref<!tpu.dma_semaphore, #tpu.memory_space<semaphore_mem>>) src(%arg13 : memref<512x32xf32, #tpu.memory_space<vmem>>) dst(%dma_wait3A_171 : memref<50176x32xf32, #tpu.memory_space<vmem_shared>>)
        tpu.yield
      }) : () -> ()
      %while3A_167 = arith.constant 0 : i32
      scf.yield %while3A_167 : i32
    }
    %while3A_140 = arith.constant 1 : i32
    %while3A_141 = scf.for %while3A_150 = %while3A_137 to %while3A_133 step %while3A_140 iter_args(%while3A_151 = %while3A_139) -> (i32)  : i32 {
      %mul3A_152 = arith.constant 25088 : i32
      %mul3A_153 = arith.muli %add3A_71, %mul3A_152 : i32
      %mul3A_154 = arith.constant 512 : i32
      %mul3A_155 = arith.muli %while3A_150, %mul3A_154 : i32
      %add3A_156 = arith.addi %mul3A_153, %mul3A_155 : i32
      "tpu.region"() ({
        %run_scoped3A = tpu.sem_alloc : memref<!tpu.dma_semaphore, #tpu.memory_space<semaphore_mem>>
        %dma_start3A = tpu.memref_slice %arg3[%add3A_156] : memref<803328xi32, #tpu.memory_space<hbm>> -> memref<512xi32, #tpu.memory_space<hbm>>
        %dma_start3A_168 = tpu.memref_slice %arg3[%add3A_156] : memref<803328xi32, #tpu.memory_space<hbm>> -> memref<512xi32, #tpu.memory_space<hbm>>
        tpu.enqueue_dma source(%dma_start3A_168 : memref<512xi32, #tpu.memory_space<hbm>>) target(%arg12 : memref<512xi32, #tpu.memory_space<vmem>>) target_semaphore(%run_scoped3A : memref<!tpu.dma_semaphore, #tpu.memory_space<semaphore_mem>>)
        %dma_wait3A = tpu.memref_slice %arg3[%add3A_156] : memref<803328xi32, #tpu.memory_space<hbm>> -> memref<512xi32, #tpu.memory_space<hbm>>
        %dma_wait3A_169 = tpu.memref_slice %arg3[%add3A_156] : memref<803328xi32, #tpu.memory_space<hbm>> -> memref<512xi32, #tpu.memory_space<hbm>>
        tpu.wait_dma2 semaphore(%run_scoped3A : memref<!tpu.dma_semaphore, #tpu.memory_space<semaphore_mem>>) src(%dma_wait3A_169 : memref<512xi32, #tpu.memory_space<hbm>>) dst(%arg12 : memref<512xi32, #tpu.memory_space<vmem>>)
        tpu.yield
      }) : () -> ()
      "tpu.region"() ({
        %run_scoped3A = tpu.sem_alloc : memref<!tpu.dma_semaphore, #tpu.memory_space<semaphore_mem>>
        %dma_start3A = tpu.memref_slice %arg2[%add3A_156] : memref<803328xi32, #tpu.memory_space<hbm>> -> memref<512xi32, #tpu.memory_space<hbm>>
        %dma_start3A_168 = tpu.memref_slice %arg2[%add3A_156] : memref<803328xi32, #tpu.memory_space<hbm>> -> memref<512xi32, #tpu.memory_space<hbm>>
        tpu.enqueue_dma source(%dma_start3A_168 : memref<512xi32, #tpu.memory_space<hbm>>) target(%arg11 : memref<512xi32, #tpu.memory_space<vmem>>) target_semaphore(%run_scoped3A : memref<!tpu.dma_semaphore, #tpu.memory_space<semaphore_mem>>)
        %dma_wait3A = tpu.memref_slice %arg2[%add3A_156] : memref<803328xi32, #tpu.memory_space<hbm>> -> memref<512xi32, #tpu.memory_space<hbm>>
        %dma_wait3A_169 = tpu.memref_slice %arg2[%add3A_156] : memref<803328xi32, #tpu.memory_space<hbm>> -> memref<512xi32, #tpu.memory_space<hbm>>
        tpu.wait_dma2 semaphore(%run_scoped3A : memref<!tpu.dma_semaphore, #tpu.memory_space<semaphore_mem>>) src(%dma_wait3A_169 : memref<512xi32, #tpu.memory_space<hbm>>) dst(%arg11 : memref<512xi32, #tpu.memory_space<vmem>>)
        tpu.yield
      }) : () -> ()
      %eq3A_157 = arith.constant 0 : i32
      %eq3A_158 = arith.cmpi eq, %arg0, %eq3A_157 : i32
      %convert_element_type3A_159 = arith.extui %eq3A_158 : i1 to i32
      %cond3A_160 = arith.constant 0 : i32
      %cond3A_161 = arith.cmpi ne, %convert_element_type3A_159, %cond3A_160 : i32
      scf.if %cond3A_161 {
        %dma_start3A = arith.constant 0 : i32
        %dma_start3A_168 = arith.constant 0 : i32
        %dma_start3A_169 = tpu.memref_slice %arg5[%dma_start3A, %dma_start3A_168] : memref<100000x32xf32, #tpu.memory_space<hbm>> -> memref<100000x32xf32, #tpu.memory_space<hbm>>
        tpu.enqueue_indirect_dma source(%dma_start3A_169 : memref<100000x32xf32, #tpu.memory_space<hbm>>) target(%arg13 : memref<512x32xf32, #tpu.memory_space<vmem>>) offsets(%arg12 : memref<512xi32, #tpu.memory_space<vmem>>) semaphore(%arg15 : memref<!tpu.dma_semaphore, #tpu.memory_space<semaphore_mem>>)
        %dma_wait3A = arith.constant 0 : i32
        %dma_wait3A_170 = arith.constant 0 : i32
        %dma_wait3A_171 = tpu.memref_slice %arg5[%dma_wait3A, %dma_wait3A_170] : memref<100000x32xf32, #tpu.memory_space<hbm>> -> memref<100000x32xf32, #tpu.memory_space<hbm>>
        tpu.wait_indirect_dma semaphore(%arg15 : memref<!tpu.dma_semaphore, #tpu.memory_space<semaphore_mem>>) src(%dma_wait3A_171 : memref<100000x32xf32, #tpu.memory_space<hbm>>) dst(%arg13 : memref<512x32xf32, #tpu.memory_space<vmem>>)
      } else {
      }
      %eq3A_162 = arith.constant 1 : i32
      %eq3A_163 = arith.cmpi eq, %arg0, %eq3A_162 : i32
      %convert_element_type3A_164 = arith.extui %eq3A_163 : i1 to i32
      %cond3A_165 = arith.constant 0 : i32
      %cond3A_166 = arith.cmpi ne, %convert_element_type3A_164, %cond3A_165 : i32
      scf.if %cond3A_166 {
        %dma_start3A = arith.constant 0 : i32
        %dma_start3A_168 = arith.constant 0 : i32
        %dma_start3A_169 = tpu.memref_slice %arg6[%dma_start3A, %dma_start3A_168] : memref<100000x32xf32, #tpu.memory_space<hbm>> -> memref<100000x32xf32, #tpu.memory_space<hbm>>
        tpu.enqueue_indirect_dma source(%dma_start3A_169 : memref<100000x32xf32, #tpu.memory_space<hbm>>) target(%arg13 : memref<512x32xf32, #tpu.memory_space<vmem>>) offsets(%arg12 : memref<512xi32, #tpu.memory_space<vmem>>) semaphore(%arg15 : memref<!tpu.dma_semaphore, #tpu.memory_space<semaphore_mem>>)
        %dma_wait3A = arith.constant 0 : i32
        %dma_wait3A_170 = arith.constant 0 : i32
        %dma_wait3A_171 = tpu.memref_slice %arg6[%dma_wait3A, %dma_wait3A_170] : memref<100000x32xf32, #tpu.memory_space<hbm>> -> memref<100000x32xf32, #tpu.memory_space<hbm>>
        tpu.wait_indirect_dma semaphore(%arg15 : memref<!tpu.dma_semaphore, #tpu.memory_space<semaphore_mem>>) src(%dma_wait3A_171 : memref<100000x32xf32, #tpu.memory_space<hbm>>) dst(%arg13 : memref<512x32xf32, #tpu.memory_space<vmem>>)
      } else {
      }
      "tpu.region"() ({
        %run_scoped3A = tpu.sem_alloc : memref<!tpu.dma_semaphore, #tpu.memory_space<semaphore_mem>>
        %dma_start3A = arith.constant 0 : i32
        %dma_start3A_168 = arith.constant 0 : i32
        %dma_start3A_169 = tpu.memref_slice %arg10[%dma_start3A, %dma_start3A_168] : memref<50176x32xf32, #tpu.memory_space<vmem_shared>> -> memref<50176x32xf32, #tpu.memory_space<vmem_shared>>
        tpu.enqueue_indirect_dma source(%arg13 : memref<512x32xf32, #tpu.memory_space<vmem>>) target(%dma_start3A_169 : memref<50176x32xf32, #tpu.memory_space<vmem_shared>>) offsets(%arg11 : memref<512xi32, #tpu.memory_space<vmem>>) semaphore(%run_scoped3A : memref<!tpu.dma_semaphore, #tpu.memory_space<semaphore_mem>>) {add = true}
        %dma_wait3A = arith.constant 0 : i32
        %dma_wait3A_170 = arith.constant 0 : i32
        %dma_wait3A_171 = tpu.memref_slice %arg10[%dma_wait3A, %dma_wait3A_170] : memref<50176x32xf32, #tpu.memory_space<vmem_shared>> -> memref<50176x32xf32, #tpu.memory_space<vmem_shared>>
        tpu.wait_indirect_dma semaphore(%run_scoped3A : memref<!tpu.dma_semaphore, #tpu.memory_space<semaphore_mem>>) src(%arg13 : memref<512x32xf32, #tpu.memory_space<vmem>>) dst(%dma_wait3A_171 : memref<50176x32xf32, #tpu.memory_space<vmem_shared>>)
        tpu.yield
      }) : () -> ()
      %while3A_167 = arith.constant 0 : i32
      scf.yield %while3A_167 : i32
    }
    %barrier3A_142 = arith.constant 0 : index
    tpu.barrier barrier_id(%barrier3A_142)
    %eq3A = arith.constant 0 : i32
    %eq3A_143 = arith.cmpi eq, %arg0, %eq3A : i32
    %convert_element_type3A = arith.extui %eq3A_143 : i1 to i32
    %cond3A = arith.constant 0 : i32
    %cond3A_144 = arith.cmpi ne, %convert_element_type3A, %cond3A : i32
    scf.if %cond3A_144 {
      %mul3A_150 = arith.constant 3136 : i32
      %mul3A_151 = arith.muli %arg1, %mul3A_150 : i32
      %mul3A_152 = arith.constant 3136 : i32
      %mul3A_153 = arith.muli %arg1, %mul3A_152 : i32
      "tpu.region"() ({
        %run_scoped3A = tpu.sem_alloc : memref<!tpu.dma_semaphore, #tpu.memory_space<semaphore_mem>>
        %dma_start3A = arith.constant 0 : i32
        %dma_start3A_154 = tpu.memref_slice %arg8[%mul3A_153, %dma_start3A] : memref<50176x32xf32, #tpu.memory_space<hbm>> -> memref<3136x32xf32, #tpu.memory_space<hbm>>
        %dma_start3A_155 = arith.constant 0 : i32
        %dma_start3A_156 = tpu.memref_slice %arg10[%mul3A_151, %dma_start3A_155] : memref<50176x32xf32, #tpu.memory_space<vmem_shared>> -> memref<3136x32xf32, #tpu.memory_space<vmem_shared>>
        tpu.enqueue_dma source(%dma_start3A_156 : memref<3136x32xf32, #tpu.memory_space<vmem_shared>>) target(%dma_start3A_154 : memref<3136x32xf32, #tpu.memory_space<hbm>>) target_semaphore(%run_scoped3A : memref<!tpu.dma_semaphore, #tpu.memory_space<semaphore_mem>>)
        %dma_wait3A = arith.constant 0 : i32
        %dma_wait3A_157 = tpu.memref_slice %arg8[%mul3A_153, %dma_wait3A] : memref<50176x32xf32, #tpu.memory_space<hbm>> -> memref<3136x32xf32, #tpu.memory_space<hbm>>
        %dma_wait3A_158 = arith.constant 0 : i32
        %dma_wait3A_159 = tpu.memref_slice %arg10[%mul3A_151, %dma_wait3A_158] : memref<50176x32xf32, #tpu.memory_space<vmem_shared>> -> memref<3136x32xf32, #tpu.memory_space<vmem_shared>>
        tpu.wait_dma2 semaphore(%run_scoped3A : memref<!tpu.dma_semaphore, #tpu.memory_space<semaphore_mem>>) src(%dma_wait3A_159 : memref<3136x32xf32, #tpu.memory_space<vmem_shared>>) dst(%dma_wait3A_157 : memref<3136x32xf32, #tpu.memory_space<hbm>>)
        tpu.yield
      }) : () -> ()
    } else {
    }
    %eq3A_145 = arith.constant 1 : i32
    %eq3A_146 = arith.cmpi eq, %arg0, %eq3A_145 : i32
    %convert_element_type3A_147 = arith.extui %eq3A_146 : i1 to i32
    %cond3A_148 = arith.constant 0 : i32
    %cond3A_149 = arith.cmpi ne, %convert_element_type3A_147, %cond3A_148 : i32
    scf.if %cond3A_149 {
      %mul3A_150 = arith.constant 3136 : i32
      %mul3A_151 = arith.muli %arg1, %mul3A_150 : i32
      %mul3A_152 = arith.constant 3136 : i32
      %mul3A_153 = arith.muli %arg1, %mul3A_152 : i32
      "tpu.region"() ({
        %run_scoped3A = tpu.sem_alloc : memref<!tpu.dma_semaphore, #tpu.memory_space<semaphore_mem>>
        %dma_start3A = arith.constant 0 : i32
        %dma_start3A_154 = tpu.memref_slice %arg9[%mul3A_153, %dma_start3A] : memref<50176x32xf32, #tpu.memory_space<hbm>> -> memref<3136x32xf32, #tpu.memory_space<hbm>>
        %dma_start3A_155 = arith.constant 0 : i32
        %dma_start3A_156 = tpu.memref_slice %arg10[%mul3A_151, %dma_start3A_155] : memref<50176x32xf32, #tpu.memory_space<vmem_shared>> -> memref<3136x32xf32, #tpu.memory_space<vmem_shared>>
        tpu.enqueue_dma source(%dma_start3A_156 : memref<3136x32xf32, #tpu.memory_space<vmem_shared>>) target(%dma_start3A_154 : memref<3136x32xf32, #tpu.memory_space<hbm>>) target_semaphore(%run_scoped3A : memref<!tpu.dma_semaphore, #tpu.memory_space<semaphore_mem>>)
        %dma_wait3A = arith.constant 0 : i32
        %dma_wait3A_157 = tpu.memref_slice %arg9[%mul3A_153, %dma_wait3A] : memref<50176x32xf32, #tpu.memory_space<hbm>> -> memref<3136x32xf32, #tpu.memory_space<hbm>>
        %dma_wait3A_158 = arith.constant 0 : i32
        %dma_wait3A_159 = tpu.memref_slice %arg10[%mul3A_151, %dma_wait3A_158] : memref<50176x32xf32, #tpu.memory_space<vmem_shared>> -> memref<3136x32xf32, #tpu.memory_space<vmem_shared>>
        tpu.wait_dma2 semaphore(%run_scoped3A : memref<!tpu.dma_semaphore, #tpu.memory_space<semaphore_mem>>) src(%dma_wait3A_159 : memref<3136x32xf32, #tpu.memory_space<vmem_shared>>) dst(%dma_wait3A_157 : memref<3136x32xf32, #tpu.memory_space<hbm>>)
        tpu.yield
      }) : () -> ()
    } else {
    }
    return
  }
}

#map = affine_map<(d0, d1) -> (0)>
#map1 = affine_map<(d0, d1) -> (0, 0)>
module attributes {stable_mosaic.version = 14 : i64} {
  func.func @_fspmm_body(%arg0: i32, %arg1: i32, %arg2: memref<803328xi32, #tpu.memory_space<hbm>>, %arg3: memref<803328xi32, #tpu.memory_space<hbm>>, %arg4: memref<512xi32, #tpu.memory_space<hbm>>, %arg5: memref<50176x32xf32, #tpu.memory_space<hbm>>, %arg6: memref<50176x32xf32, #tpu.memory_space<hbm>>, %arg7: memref<3136x32xf32, #tpu.memory_space<hbm>>, %arg8: memref<50176x32xf32, #tpu.memory_space<hbm>>, %arg9: memref<50176x32xf32, #tpu.memory_space<hbm>>, %arg10: memref<50176x32xf32, #tpu.memory_space<vmem_shared>>, %arg11: memref<512xi32, #tpu.memory_space<vmem>>, %arg12: memref<512xi32, #tpu.memory_space<vmem>>, %arg13: memref<512x32xf32, #tpu.memory_space<vmem>>, %arg14: memref<16xi32, #tpu.memory_space<vmem>>, %arg15: memref<!tpu.dma_semaphore, #tpu.memory_space<semaphore_mem>>) attributes {dimension_semantics = [#tpu.dimension_semantics<core_parallel>, #tpu.dimension_semantics<subcore_parallel>], iteration_bounds = array<i64: 2, 16>, scalar_prefetch = 0 : i64, scratch_operands = 6 : i64, tpu.core_type = #tpu.core_type<sc_vector_subcore>, window_params = [{transform_indices = #map}, {transform_indices = #map}, {transform_indices = #map}, {transform_indices = #map1}, {transform_indices = #map1}, {transform_indices = #map1}, {transform_indices = #map1}, {transform_indices = #map1}]} {
    %mul3A = arith.constant 3136 : i32
    %mul3A_0 = arith.muli %arg1, %mul3A : i32
    "tpu.region"() ({
      %run_scoped3A = tpu.sem_alloc : memref<!tpu.dma_semaphore, #tpu.memory_space<semaphore_mem>>
      %dma_start3A = arith.constant 0 : i32
      %dma_start3A_150 = tpu.memref_slice %arg10[%mul3A_0, %dma_start3A] : memref<50176x32xf32, #tpu.memory_space<vmem_shared>> -> memref<3136x32xf32, #tpu.memory_space<vmem_shared>>
      tpu.enqueue_dma source(%arg7 : memref<3136x32xf32, #tpu.memory_space<hbm>>) target(%dma_start3A_150 : memref<3136x32xf32, #tpu.memory_space<vmem_shared>>) target_semaphore(%run_scoped3A : memref<!tpu.dma_semaphore, #tpu.memory_space<semaphore_mem>>)
      %dma_wait3A = arith.constant 0 : i32
      %dma_wait3A_151 = tpu.memref_slice %arg10[%mul3A_0, %dma_wait3A] : memref<50176x32xf32, #tpu.memory_space<vmem_shared>> -> memref<3136x32xf32, #tpu.memory_space<vmem_shared>>
      tpu.wait_dma2 semaphore(%run_scoped3A : memref<!tpu.dma_semaphore, #tpu.memory_space<semaphore_mem>>) src(%arg7 : memref<3136x32xf32, #tpu.memory_space<hbm>>) dst(%dma_wait3A_151 : memref<3136x32xf32, #tpu.memory_space<vmem_shared>>)
      tpu.yield
    }) : () -> ()
    %barrier3A = arith.constant 0 : index
    tpu.barrier barrier_id(%barrier3A)
    %mul3A_1 = arith.constant 2 : i32
    %mul3A_2 = arith.muli %mul3A_1, %arg1 : i32
    %add3A = arith.constant 0 : i32
    %add3A_3 = arith.addi %mul3A_2, %add3A : i32
    %mul3A_4 = arith.constant 16 : i32
    %mul3A_5 = arith.muli %add3A_3, %mul3A_4 : i32
    "tpu.region"() ({
      %run_scoped3A = tpu.sem_alloc : memref<!tpu.dma_semaphore, #tpu.memory_space<semaphore_mem>>
      %dma_start3A = tpu.memref_slice %arg4[%mul3A_5] : memref<512xi32, #tpu.memory_space<hbm>> -> memref<16xi32, #tpu.memory_space<hbm>>
      %dma_start3A_150 = tpu.memref_slice %arg4[%mul3A_5] : memref<512xi32, #tpu.memory_space<hbm>> -> memref<16xi32, #tpu.memory_space<hbm>>
      tpu.enqueue_dma source(%dma_start3A_150 : memref<16xi32, #tpu.memory_space<hbm>>) target(%arg14 : memref<16xi32, #tpu.memory_space<vmem>>) target_semaphore(%run_scoped3A : memref<!tpu.dma_semaphore, #tpu.memory_space<semaphore_mem>>)
      %dma_wait3A = tpu.memref_slice %arg4[%mul3A_5] : memref<512xi32, #tpu.memory_space<hbm>> -> memref<16xi32, #tpu.memory_space<hbm>>
      %dma_wait3A_151 = tpu.memref_slice %arg4[%mul3A_5] : memref<512xi32, #tpu.memory_space<hbm>> -> memref<16xi32, #tpu.memory_space<hbm>>
      tpu.wait_dma2 semaphore(%run_scoped3A : memref<!tpu.dma_semaphore, #tpu.memory_space<semaphore_mem>>) src(%dma_wait3A_151 : memref<16xi32, #tpu.memory_space<hbm>>) dst(%arg14 : memref<16xi32, #tpu.memory_space<vmem>>)
      tpu.yield
    }) : () -> ()
    %get3A = arith.constant 0 : index
    %get3A_6 = tpu.vector_load %arg14[%get3A] {strides = array<i32>} : memref<16xi32, #tpu.memory_space<vmem>>, vector<16xi32>,
    %get3A_7 = vector.shape_cast %get3A_6 : vector<16xi32> to vector<16xi32>
    %slice3A = vector.extract_strided_slice %get3A_7 {offsets = [0], sizes = [1], strides = [1]} : vector<16xi32> to vector<1xi32>
    %squeeze3A = vector.extract %slice3A[0] : i32 from vector<1xi32>
    %slice3A_8 = vector.extract_strided_slice %get3A_7 {offsets = [1], sizes = [1], strides = [1]} : vector<16xi32> to vector<1xi32>
    %squeeze3A_9 = vector.extract %slice3A_8[0] : i32 from vector<1xi32>
    %max3A = arith.maxsi %squeeze3A, %squeeze3A_9 : i32
    %slice3A_10 = vector.extract_strided_slice %get3A_7 {offsets = [2], sizes = [1], strides = [1]} : vector<16xi32> to vector<1xi32>
    %squeeze3A_11 = vector.extract %slice3A_10[0] : i32 from vector<1xi32>
    %max3A_12 = arith.maxsi %max3A, %squeeze3A_11 : i32
    %slice3A_13 = vector.extract_strided_slice %get3A_7 {offsets = [3], sizes = [1], strides = [1]} : vector<16xi32> to vector<1xi32>
    %squeeze3A_14 = vector.extract %slice3A_13[0] : i32 from vector<1xi32>
    %max3A_15 = arith.maxsi %max3A_12, %squeeze3A_14 : i32
    %slice3A_16 = vector.extract_strided_slice %get3A_7 {offsets = [4], sizes = [1], strides = [1]} : vector<16xi32> to vector<1xi32>
    %squeeze3A_17 = vector.extract %slice3A_16[0] : i32 from vector<1xi32>
    %max3A_18 = arith.maxsi %max3A_15, %squeeze3A_17 : i32
    %slice3A_19 = vector.extract_strided_slice %get3A_7 {offsets = [5], sizes = [1], strides = [1]} : vector<16xi32> to vector<1xi32>
    %squeeze3A_20 = vector.extract %slice3A_19[0] : i32 from vector<1xi32>
    %max3A_21 = arith.maxsi %max3A_18, %squeeze3A_20 : i32
    %slice3A_22 = vector.extract_strided_slice %get3A_7 {offsets = [6], sizes = [1], strides = [1]} : vector<16xi32> to vector<1xi32>
    %squeeze3A_23 = vector.extract %slice3A_22[0] : i32 from vector<1xi32>
    %max3A_24 = arith.maxsi %max3A_21, %squeeze3A_23 : i32
    %slice3A_25 = vector.extract_strided_slice %get3A_7 {offsets = [7], sizes = [1], strides = [1]} : vector<16xi32> to vector<1xi32>
    %squeeze3A_26 = vector.extract %slice3A_25[0] : i32 from vector<1xi32>
    %max3A_27 = arith.maxsi %max3A_24, %squeeze3A_26 : i32
    %slice3A_28 = vector.extract_strided_slice %get3A_7 {offsets = [8], sizes = [1], strides = [1]} : vector<16xi32> to vector<1xi32>
    %squeeze3A_29 = vector.extract %slice3A_28[0] : i32 from vector<1xi32>
    %max3A_30 = arith.maxsi %max3A_27, %squeeze3A_29 : i32
    %slice3A_31 = vector.extract_strided_slice %get3A_7 {offsets = [9], sizes = [1], strides = [1]} : vector<16xi32> to vector<1xi32>
    %squeeze3A_32 = vector.extract %slice3A_31[0] : i32 from vector<1xi32>
    %max3A_33 = arith.maxsi %max3A_30, %squeeze3A_32 : i32
    %slice3A_34 = vector.extract_strided_slice %get3A_7 {offsets = [10], sizes = [1], strides = [1]} : vector<16xi32> to vector<1xi32>
    %squeeze3A_35 = vector.extract %slice3A_34[0] : i32 from vector<1xi32>
    %max3A_36 = arith.maxsi %max3A_33, %squeeze3A_35 : i32
    %slice3A_37 = vector.extract_strided_slice %get3A_7 {offsets = [11], sizes = [1], strides = [1]} : vector<16xi32> to vector<1xi32>
    %squeeze3A_38 = vector.extract %slice3A_37[0] : i32 from vector<1xi32>
    %max3A_39 = arith.maxsi %max3A_36, %squeeze3A_38 : i32
    %slice3A_40 = vector.extract_strided_slice %get3A_7 {offsets = [12], sizes = [1], strides = [1]} : vector<16xi32> to vector<1xi32>
    %squeeze3A_41 = vector.extract %slice3A_40[0] : i32 from vector<1xi32>
    %max3A_42 = arith.maxsi %max3A_39, %squeeze3A_41 : i32
    %slice3A_43 = vector.extract_strided_slice %get3A_7 {offsets = [13], sizes = [1], strides = [1]} : vector<16xi32> to vector<1xi32>
    %squeeze3A_44 = vector.extract %slice3A_43[0] : i32 from vector<1xi32>
    %max3A_45 = arith.maxsi %max3A_42, %squeeze3A_44 : i32
    %slice3A_46 = vector.extract_strided_slice %get3A_7 {offsets = [14], sizes = [1], strides = [1]} : vector<16xi32> to vector<1xi32>
    %squeeze3A_47 = vector.extract %slice3A_46[0] : i32 from vector<1xi32>
    %max3A_48 = arith.maxsi %max3A_45, %squeeze3A_47 : i32
    %slice3A_49 = vector.extract_strided_slice %get3A_7 {offsets = [15], sizes = [1], strides = [1]} : vector<16xi32> to vector<1xi32>
    %squeeze3A_50 = vector.extract %slice3A_49[0] : i32 from vector<1xi32>
    %max3A_51 = arith.maxsi %max3A_48, %squeeze3A_50 : i32
    %mul3A_52 = arith.constant 16 : i32
    %mul3A_53 = arith.muli %mul3A_52, %max3A_51 : i32
    %add3A_54 = arith.constant 511 : i32
    %add3A_55 = arith.addi %mul3A_53, %add3A_54 : i32
    %div3A = arith.constant 512 : i32
    %div3A_56 = arith.divsi %add3A_55, %div3A : i32
    %while3A = arith.constant 0 : i32
    %while3A_57 = arith.constant 0 : i32
    %while3A_58 = arith.subi %div3A_56, %while3A : i32
    %while3A_59 = arith.addi %while3A, %while3A_58 : i32
    %while3A_60 = arith.constant 1 : i32
    %while3A_61 = arith.divsi %while3A_58, %while3A_60 : i32
    %while3A_62 = arith.muli %while3A_61, %while3A_60 : i32
    %while3A_63 = arith.addi %while3A, %while3A_62 : i32
    %while3A_64 = arith.constant 1 : i32
    %while3A_65 = scf.for %while3A_150 = %while3A to %while3A_63 step %while3A_64 iter_args(%while3A_151 = %while3A_57) -> (i32)  : i32 {
      %mul3A_152 = arith.constant 25088 : i32
      %mul3A_153 = arith.muli %add3A_3, %mul3A_152 : i32
      %mul3A_154 = arith.constant 512 : i32
      %mul3A_155 = arith.muli %while3A_150, %mul3A_154 : i32
      %add3A_156 = arith.addi %mul3A_153, %mul3A_155 : i32
      "tpu.region"() ({
        %run_scoped3A = tpu.sem_alloc : memref<!tpu.dma_semaphore, #tpu.memory_space<semaphore_mem>>
        %dma_start3A = tpu.memref_slice %arg3[%add3A_156] : memref<803328xi32, #tpu.memory_space<hbm>> -> memref<512xi32, #tpu.memory_space<hbm>>
        %dma_start3A_168 = tpu.memref_slice %arg3[%add3A_156] : memref<803328xi32, #tpu.memory_space<hbm>> -> memref<512xi32, #tpu.memory_space<hbm>>
        tpu.enqueue_dma source(%dma_start3A_168 : memref<512xi32, #tpu.memory_space<hbm>>) target(%arg12 : memref<512xi32, #tpu.memory_space<vmem>>) target_semaphore(%run_scoped3A : memref<!tpu.dma_semaphore, #tpu.memory_space<semaphore_mem>>)
        %dma_wait3A = tpu.memref_slice %arg3[%add3A_156] : memref<803328xi32, #tpu.memory_space<hbm>> -> memref<512xi32, #tpu.memory_space<hbm>>
        %dma_wait3A_169 = tpu.memref_slice %arg3[%add3A_156] : memref<803328xi32, #tpu.memory_space<hbm>> -> memref<512xi32, #tpu.memory_space<hbm>>
        tpu.wait_dma2 semaphore(%run_scoped3A : memref<!tpu.dma_semaphore, #tpu.memory_space<semaphore_mem>>) src(%dma_wait3A_169 : memref<512xi32, #tpu.memory_space<hbm>>) dst(%arg12 : memref<512xi32, #tpu.memory_space<vmem>>)
        tpu.yield
      }) : () -> ()
      "tpu.region"() ({
        %run_scoped3A = tpu.sem_alloc : memref<!tpu.dma_semaphore, #tpu.memory_space<semaphore_mem>>
        %dma_start3A = tpu.memref_slice %arg2[%add3A_156] : memref<803328xi32, #tpu.memory_space<hbm>> -> memref<512xi32, #tpu.memory_space<hbm>>
        %dma_start3A_168 = tpu.memref_slice %arg2[%add3A_156] : memref<803328xi32, #tpu.memory_space<hbm>> -> memref<512xi32, #tpu.memory_space<hbm>>
        tpu.enqueue_dma source(%dma_start3A_168 : memref<512xi32, #tpu.memory_space<hbm>>) target(%arg11 : memref<512xi32, #tpu.memory_space<vmem>>) target_semaphore(%run_scoped3A : memref<!tpu.dma_semaphore, #tpu.memory_space<semaphore_mem>>)
        %dma_wait3A = tpu.memref_slice %arg2[%add3A_156] : memref<803328xi32, #tpu.memory_space<hbm>> -> memref<512xi32, #tpu.memory_space<hbm>>
        %dma_wait3A_169 = tpu.memref_slice %arg2[%add3A_156] : memref<803328xi32, #tpu.memory_space<hbm>> -> memref<512xi32, #tpu.memory_space<hbm>>
        tpu.wait_dma2 semaphore(%run_scoped3A : memref<!tpu.dma_semaphore, #tpu.memory_space<semaphore_mem>>) src(%dma_wait3A_169 : memref<512xi32, #tpu.memory_space<hbm>>) dst(%arg11 : memref<512xi32, #tpu.memory_space<vmem>>)
        tpu.yield
      }) : () -> ()
      %eq3A_157 = arith.constant 0 : i32
      %eq3A_158 = arith.cmpi eq, %arg0, %eq3A_157 : i32
      %convert_element_type3A_159 = arith.extui %eq3A_158 : i1 to i32
      %cond3A_160 = arith.constant 0 : i32
      %cond3A_161 = arith.cmpi ne, %convert_element_type3A_159, %cond3A_160 : i32
      scf.if %cond3A_161 {
        %dma_start3A = arith.constant 0 : i32
        %dma_start3A_168 = arith.constant 0 : i32
        %dma_start3A_169 = tpu.memref_slice %arg5[%dma_start3A, %dma_start3A_168] : memref<50176x32xf32, #tpu.memory_space<hbm>> -> memref<50176x32xf32, #tpu.memory_space<hbm>>
        tpu.enqueue_indirect_dma source(%dma_start3A_169 : memref<50176x32xf32, #tpu.memory_space<hbm>>) target(%arg13 : memref<512x32xf32, #tpu.memory_space<vmem>>) offsets(%arg12 : memref<512xi32, #tpu.memory_space<vmem>>) semaphore(%arg15 : memref<!tpu.dma_semaphore, #tpu.memory_space<semaphore_mem>>)
        %dma_wait3A = arith.constant 0 : i32
        %dma_wait3A_170 = arith.constant 0 : i32
        %dma_wait3A_171 = tpu.memref_slice %arg5[%dma_wait3A, %dma_wait3A_170] : memref<50176x32xf32, #tpu.memory_space<hbm>> -> memref<50176x32xf32, #tpu.memory_space<hbm>>
        tpu.wait_indirect_dma semaphore(%arg15 : memref<!tpu.dma_semaphore, #tpu.memory_space<semaphore_mem>>) src(%dma_wait3A_171 : memref<50176x32xf32, #tpu.memory_space<hbm>>) dst(%arg13 : memref<512x32xf32, #tpu.memory_space<vmem>>)
      } else {
      }
      %eq3A_162 = arith.constant 1 : i32
      %eq3A_163 = arith.cmpi eq, %arg0, %eq3A_162 : i32
      %convert_element_type3A_164 = arith.extui %eq3A_163 : i1 to i32
      %cond3A_165 = arith.constant 0 : i32
      %cond3A_166 = arith.cmpi ne, %convert_element_type3A_164, %cond3A_165 : i32
      scf.if %cond3A_166 {
        %dma_start3A = arith.constant 0 : i32
        %dma_start3A_168 = arith.constant 0 : i32
        %dma_start3A_169 = tpu.memref_slice %arg6[%dma_start3A, %dma_start3A_168] : memref<50176x32xf32, #tpu.memory_space<hbm>> -> memref<50176x32xf32, #tpu.memory_space<hbm>>
        tpu.enqueue_indirect_dma source(%dma_start3A_169 : memref<50176x32xf32, #tpu.memory_space<hbm>>) target(%arg13 : memref<512x32xf32, #tpu.memory_space<vmem>>) offsets(%arg12 : memref<512xi32, #tpu.memory_space<vmem>>) semaphore(%arg15 : memref<!tpu.dma_semaphore, #tpu.memory_space<semaphore_mem>>)
        %dma_wait3A = arith.constant 0 : i32
        %dma_wait3A_170 = arith.constant 0 : i32
        %dma_wait3A_171 = tpu.memref_slice %arg6[%dma_wait3A, %dma_wait3A_170] : memref<50176x32xf32, #tpu.memory_space<hbm>> -> memref<50176x32xf32, #tpu.memory_space<hbm>>
        tpu.wait_indirect_dma semaphore(%arg15 : memref<!tpu.dma_semaphore, #tpu.memory_space<semaphore_mem>>) src(%dma_wait3A_171 : memref<50176x32xf32, #tpu.memory_space<hbm>>) dst(%arg13 : memref<512x32xf32, #tpu.memory_space<vmem>>)
      } else {
      }
      "tpu.region"() ({
        %run_scoped3A = tpu.sem_alloc : memref<!tpu.dma_semaphore, #tpu.memory_space<semaphore_mem>>
        %dma_start3A = arith.constant 0 : i32
        %dma_start3A_168 = arith.constant 0 : i32
        %dma_start3A_169 = tpu.memref_slice %arg10[%dma_start3A, %dma_start3A_168] : memref<50176x32xf32, #tpu.memory_space<vmem_shared>> -> memref<50176x32xf32, #tpu.memory_space<vmem_shared>>
        tpu.enqueue_indirect_dma source(%arg13 : memref<512x32xf32, #tpu.memory_space<vmem>>) target(%dma_start3A_169 : memref<50176x32xf32, #tpu.memory_space<vmem_shared>>) offsets(%arg11 : memref<512xi32, #tpu.memory_space<vmem>>) semaphore(%run_scoped3A : memref<!tpu.dma_semaphore, #tpu.memory_space<semaphore_mem>>) {add = true}
        %dma_wait3A = arith.constant 0 : i32
        %dma_wait3A_170 = arith.constant 0 : i32
        %dma_wait3A_171 = tpu.memref_slice %arg10[%dma_wait3A, %dma_wait3A_170] : memref<50176x32xf32, #tpu.memory_space<vmem_shared>> -> memref<50176x32xf32, #tpu.memory_space<vmem_shared>>
        tpu.wait_indirect_dma semaphore(%run_scoped3A : memref<!tpu.dma_semaphore, #tpu.memory_space<semaphore_mem>>) src(%arg13 : memref<512x32xf32, #tpu.memory_space<vmem>>) dst(%dma_wait3A_171 : memref<50176x32xf32, #tpu.memory_space<vmem_shared>>)
        tpu.yield
      }) : () -> ()
      %while3A_167 = arith.constant 0 : i32
      scf.yield %while3A_167 : i32
    }
    %while3A_66 = arith.constant 1 : i32
    %while3A_67 = scf.for %while3A_150 = %while3A_63 to %while3A_59 step %while3A_66 iter_args(%while3A_151 = %while3A_65) -> (i32)  : i32 {
      %mul3A_152 = arith.constant 25088 : i32
      %mul3A_153 = arith.muli %add3A_3, %mul3A_152 : i32
      %mul3A_154 = arith.constant 512 : i32
      %mul3A_155 = arith.muli %while3A_150, %mul3A_154 : i32
      %add3A_156 = arith.addi %mul3A_153, %mul3A_155 : i32
      "tpu.region"() ({
        %run_scoped3A = tpu.sem_alloc : memref<!tpu.dma_semaphore, #tpu.memory_space<semaphore_mem>>
        %dma_start3A = tpu.memref_slice %arg3[%add3A_156] : memref<803328xi32, #tpu.memory_space<hbm>> -> memref<512xi32, #tpu.memory_space<hbm>>
        %dma_start3A_168 = tpu.memref_slice %arg3[%add3A_156] : memref<803328xi32, #tpu.memory_space<hbm>> -> memref<512xi32, #tpu.memory_space<hbm>>
        tpu.enqueue_dma source(%dma_start3A_168 : memref<512xi32, #tpu.memory_space<hbm>>) target(%arg12 : memref<512xi32, #tpu.memory_space<vmem>>) target_semaphore(%run_scoped3A : memref<!tpu.dma_semaphore, #tpu.memory_space<semaphore_mem>>)
        %dma_wait3A = tpu.memref_slice %arg3[%add3A_156] : memref<803328xi32, #tpu.memory_space<hbm>> -> memref<512xi32, #tpu.memory_space<hbm>>
        %dma_wait3A_169 = tpu.memref_slice %arg3[%add3A_156] : memref<803328xi32, #tpu.memory_space<hbm>> -> memref<512xi32, #tpu.memory_space<hbm>>
        tpu.wait_dma2 semaphore(%run_scoped3A : memref<!tpu.dma_semaphore, #tpu.memory_space<semaphore_mem>>) src(%dma_wait3A_169 : memref<512xi32, #tpu.memory_space<hbm>>) dst(%arg12 : memref<512xi32, #tpu.memory_space<vmem>>)
        tpu.yield
      }) : () -> ()
      "tpu.region"() ({
        %run_scoped3A = tpu.sem_alloc : memref<!tpu.dma_semaphore, #tpu.memory_space<semaphore_mem>>
        %dma_start3A = tpu.memref_slice %arg2[%add3A_156] : memref<803328xi32, #tpu.memory_space<hbm>> -> memref<512xi32, #tpu.memory_space<hbm>>
        %dma_start3A_168 = tpu.memref_slice %arg2[%add3A_156] : memref<803328xi32, #tpu.memory_space<hbm>> -> memref<512xi32, #tpu.memory_space<hbm>>
        tpu.enqueue_dma source(%dma_start3A_168 : memref<512xi32, #tpu.memory_space<hbm>>) target(%arg11 : memref<512xi32, #tpu.memory_space<vmem>>) target_semaphore(%run_scoped3A : memref<!tpu.dma_semaphore, #tpu.memory_space<semaphore_mem>>)
        %dma_wait3A = tpu.memref_slice %arg2[%add3A_156] : memref<803328xi32, #tpu.memory_space<hbm>> -> memref<512xi32, #tpu.memory_space<hbm>>
        %dma_wait3A_169 = tpu.memref_slice %arg2[%add3A_156] : memref<803328xi32, #tpu.memory_space<hbm>> -> memref<512xi32, #tpu.memory_space<hbm>>
        tpu.wait_dma2 semaphore(%run_scoped3A : memref<!tpu.dma_semaphore, #tpu.memory_space<semaphore_mem>>) src(%dma_wait3A_169 : memref<512xi32, #tpu.memory_space<hbm>>) dst(%arg11 : memref<512xi32, #tpu.memory_space<vmem>>)
        tpu.yield
      }) : () -> ()
      %eq3A_157 = arith.constant 0 : i32
      %eq3A_158 = arith.cmpi eq, %arg0, %eq3A_157 : i32
      %convert_element_type3A_159 = arith.extui %eq3A_158 : i1 to i32
      %cond3A_160 = arith.constant 0 : i32
      %cond3A_161 = arith.cmpi ne, %convert_element_type3A_159, %cond3A_160 : i32
      scf.if %cond3A_161 {
        %dma_start3A = arith.constant 0 : i32
        %dma_start3A_168 = arith.constant 0 : i32
        %dma_start3A_169 = tpu.memref_slice %arg5[%dma_start3A, %dma_start3A_168] : memref<50176x32xf32, #tpu.memory_space<hbm>> -> memref<50176x32xf32, #tpu.memory_space<hbm>>
        tpu.enqueue_indirect_dma source(%dma_start3A_169 : memref<50176x32xf32, #tpu.memory_space<hbm>>) target(%arg13 : memref<512x32xf32, #tpu.memory_space<vmem>>) offsets(%arg12 : memref<512xi32, #tpu.memory_space<vmem>>) semaphore(%arg15 : memref<!tpu.dma_semaphore, #tpu.memory_space<semaphore_mem>>)
        %dma_wait3A = arith.constant 0 : i32
        %dma_wait3A_170 = arith.constant 0 : i32
        %dma_wait3A_171 = tpu.memref_slice %arg5[%dma_wait3A, %dma_wait3A_170] : memref<50176x32xf32, #tpu.memory_space<hbm>> -> memref<50176x32xf32, #tpu.memory_space<hbm>>
        tpu.wait_indirect_dma semaphore(%arg15 : memref<!tpu.dma_semaphore, #tpu.memory_space<semaphore_mem>>) src(%dma_wait3A_171 : memref<50176x32xf32, #tpu.memory_space<hbm>>) dst(%arg13 : memref<512x32xf32, #tpu.memory_space<vmem>>)
      } else {
      }
      %eq3A_162 = arith.constant 1 : i32
      %eq3A_163 = arith.cmpi eq, %arg0, %eq3A_162 : i32
      %convert_element_type3A_164 = arith.extui %eq3A_163 : i1 to i32
      %cond3A_165 = arith.constant 0 : i32
      %cond3A_166 = arith.cmpi ne, %convert_element_type3A_164, %cond3A_165 : i32
      scf.if %cond3A_166 {
        %dma_start3A = arith.constant 0 : i32
        %dma_start3A_168 = arith.constant 0 : i32
        %dma_start3A_169 = tpu.memref_slice %arg6[%dma_start3A, %dma_start3A_168] : memref<50176x32xf32, #tpu.memory_space<hbm>> -> memref<50176x32xf32, #tpu.memory_space<hbm>>
        tpu.enqueue_indirect_dma source(%dma_start3A_169 : memref<50176x32xf32, #tpu.memory_space<hbm>>) target(%arg13 : memref<512x32xf32, #tpu.memory_space<vmem>>) offsets(%arg12 : memref<512xi32, #tpu.memory_space<vmem>>) semaphore(%arg15 : memref<!tpu.dma_semaphore, #tpu.memory_space<semaphore_mem>>)
        %dma_wait3A = arith.constant 0 : i32
        %dma_wait3A_170 = arith.constant 0 : i32
        %dma_wait3A_171 = tpu.memref_slice %arg6[%dma_wait3A, %dma_wait3A_170] : memref<50176x32xf32, #tpu.memory_space<hbm>> -> memref<50176x32xf32, #tpu.memory_space<hbm>>
        tpu.wait_indirect_dma semaphore(%arg15 : memref<!tpu.dma_semaphore, #tpu.memory_space<semaphore_mem>>) src(%dma_wait3A_171 : memref<50176x32xf32, #tpu.memory_space<hbm>>) dst(%arg13 : memref<512x32xf32, #tpu.memory_space<vmem>>)
      } else {
      }
      "tpu.region"() ({
        %run_scoped3A = tpu.sem_alloc : memref<!tpu.dma_semaphore, #tpu.memory_space<semaphore_mem>>
        %dma_start3A = arith.constant 0 : i32
        %dma_start3A_168 = arith.constant 0 : i32
        %dma_start3A_169 = tpu.memref_slice %arg10[%dma_start3A, %dma_start3A_168] : memref<50176x32xf32, #tpu.memory_space<vmem_shared>> -> memref<50176x32xf32, #tpu.memory_space<vmem_shared>>
        tpu.enqueue_indirect_dma source(%arg13 : memref<512x32xf32, #tpu.memory_space<vmem>>) target(%dma_start3A_169 : memref<50176x32xf32, #tpu.memory_space<vmem_shared>>) offsets(%arg11 : memref<512xi32, #tpu.memory_space<vmem>>) semaphore(%run_scoped3A : memref<!tpu.dma_semaphore, #tpu.memory_space<semaphore_mem>>) {add = true}
        %dma_wait3A = arith.constant 0 : i32
        %dma_wait3A_170 = arith.constant 0 : i32
        %dma_wait3A_171 = tpu.memref_slice %arg10[%dma_wait3A, %dma_wait3A_170] : memref<50176x32xf32, #tpu.memory_space<vmem_shared>> -> memref<50176x32xf32, #tpu.memory_space<vmem_shared>>
        tpu.wait_indirect_dma semaphore(%run_scoped3A : memref<!tpu.dma_semaphore, #tpu.memory_space<semaphore_mem>>) src(%arg13 : memref<512x32xf32, #tpu.memory_space<vmem>>) dst(%dma_wait3A_171 : memref<50176x32xf32, #tpu.memory_space<vmem_shared>>)
        tpu.yield
      }) : () -> ()
      %while3A_167 = arith.constant 0 : i32
      scf.yield %while3A_167 : i32
    }
    %mul3A_68 = arith.constant 2 : i32
    %mul3A_69 = arith.muli %mul3A_68, %arg1 : i32
    %add3A_70 = arith.constant 1 : i32
    %add3A_71 = arith.addi %mul3A_69, %add3A_70 : i32
    %mul3A_72 = arith.constant 16 : i32
    %mul3A_73 = arith.muli %add3A_71, %mul3A_72 : i32
    "tpu.region"() ({
      %run_scoped3A = tpu.sem_alloc : memref<!tpu.dma_semaphore, #tpu.memory_space<semaphore_mem>>
      %dma_start3A = tpu.memref_slice %arg4[%mul3A_73] : memref<512xi32, #tpu.memory_space<hbm>> -> memref<16xi32, #tpu.memory_space<hbm>>
      %dma_start3A_150 = tpu.memref_slice %arg4[%mul3A_73] : memref<512xi32, #tpu.memory_space<hbm>> -> memref<16xi32, #tpu.memory_space<hbm>>
      tpu.enqueue_dma source(%dma_start3A_150 : memref<16xi32, #tpu.memory_space<hbm>>) target(%arg14 : memref<16xi32, #tpu.memory_space<vmem>>) target_semaphore(%run_scoped3A : memref<!tpu.dma_semaphore, #tpu.memory_space<semaphore_mem>>)
      %dma_wait3A = tpu.memref_slice %arg4[%mul3A_73] : memref<512xi32, #tpu.memory_space<hbm>> -> memref<16xi32, #tpu.memory_space<hbm>>
      %dma_wait3A_151 = tpu.memref_slice %arg4[%mul3A_73] : memref<512xi32, #tpu.memory_space<hbm>> -> memref<16xi32, #tpu.memory_space<hbm>>
      tpu.wait_dma2 semaphore(%run_scoped3A : memref<!tpu.dma_semaphore, #tpu.memory_space<semaphore_mem>>) src(%dma_wait3A_151 : memref<16xi32, #tpu.memory_space<hbm>>) dst(%arg14 : memref<16xi32, #tpu.memory_space<vmem>>)
      tpu.yield
    }) : () -> ()
    %get3A_74 = arith.constant 0 : index
    %get3A_75 = tpu.vector_load %arg14[%get3A_74] {strides = array<i32>} : memref<16xi32, #tpu.memory_space<vmem>>, vector<16xi32>,
    %get3A_76 = vector.shape_cast %get3A_75 : vector<16xi32> to vector<16xi32>
    %slice3A_77 = vector.extract_strided_slice %get3A_76 {offsets = [0], sizes = [1], strides = [1]} : vector<16xi32> to vector<1xi32>
    %squeeze3A_78 = vector.extract %slice3A_77[0] : i32 from vector<1xi32>
    %slice3A_79 = vector.extract_strided_slice %get3A_76 {offsets = [1], sizes = [1], strides = [1]} : vector<16xi32> to vector<1xi32>
    %squeeze3A_80 = vector.extract %slice3A_79[0] : i32 from vector<1xi32>
    %max3A_81 = arith.maxsi %squeeze3A_78, %squeeze3A_80 : i32
    %slice3A_82 = vector.extract_strided_slice %get3A_76 {offsets = [2], sizes = [1], strides = [1]} : vector<16xi32> to vector<1xi32>
    %squeeze3A_83 = vector.extract %slice3A_82[0] : i32 from vector<1xi32>
    %max3A_84 = arith.maxsi %max3A_81, %squeeze3A_83 : i32
    %slice3A_85 = vector.extract_strided_slice %get3A_76 {offsets = [3], sizes = [1], strides = [1]} : vector<16xi32> to vector<1xi32>
    %squeeze3A_86 = vector.extract %slice3A_85[0] : i32 from vector<1xi32>
    %max3A_87 = arith.maxsi %max3A_84, %squeeze3A_86 : i32
    %slice3A_88 = vector.extract_strided_slice %get3A_76 {offsets = [4], sizes = [1], strides = [1]} : vector<16xi32> to vector<1xi32>
    %squeeze3A_89 = vector.extract %slice3A_88[0] : i32 from vector<1xi32>
    %max3A_90 = arith.maxsi %max3A_87, %squeeze3A_89 : i32
    %slice3A_91 = vector.extract_strided_slice %get3A_76 {offsets = [5], sizes = [1], strides = [1]} : vector<16xi32> to vector<1xi32>
    %squeeze3A_92 = vector.extract %slice3A_91[0] : i32 from vector<1xi32>
    %max3A_93 = arith.maxsi %max3A_90, %squeeze3A_92 : i32
    %slice3A_94 = vector.extract_strided_slice %get3A_76 {offsets = [6], sizes = [1], strides = [1]} : vector<16xi32> to vector<1xi32>
    %squeeze3A_95 = vector.extract %slice3A_94[0] : i32 from vector<1xi32>
    %max3A_96 = arith.maxsi %max3A_93, %squeeze3A_95 : i32
    %slice3A_97 = vector.extract_strided_slice %get3A_76 {offsets = [7], sizes = [1], strides = [1]} : vector<16xi32> to vector<1xi32>
    %squeeze3A_98 = vector.extract %slice3A_97[0] : i32 from vector<1xi32>
    %max3A_99 = arith.maxsi %max3A_96, %squeeze3A_98 : i32
    %slice3A_100 = vector.extract_strided_slice %get3A_76 {offsets = [8], sizes = [1], strides = [1]} : vector<16xi32> to vector<1xi32>
    %squeeze3A_101 = vector.extract %slice3A_100[0] : i32 from vector<1xi32>
    %max3A_102 = arith.maxsi %max3A_99, %squeeze3A_101 : i32
    %slice3A_103 = vector.extract_strided_slice %get3A_76 {offsets = [9], sizes = [1], strides = [1]} : vector<16xi32> to vector<1xi32>
    %squeeze3A_104 = vector.extract %slice3A_103[0] : i32 from vector<1xi32>
    %max3A_105 = arith.maxsi %max3A_102, %squeeze3A_104 : i32
    %slice3A_106 = vector.extract_strided_slice %get3A_76 {offsets = [10], sizes = [1], strides = [1]} : vector<16xi32> to vector<1xi32>
    %squeeze3A_107 = vector.extract %slice3A_106[0] : i32 from vector<1xi32>
    %max3A_108 = arith.maxsi %max3A_105, %squeeze3A_107 : i32
    %slice3A_109 = vector.extract_strided_slice %get3A_76 {offsets = [11], sizes = [1], strides = [1]} : vector<16xi32> to vector<1xi32>
    %squeeze3A_110 = vector.extract %slice3A_109[0] : i32 from vector<1xi32>
    %max3A_111 = arith.maxsi %max3A_108, %squeeze3A_110 : i32
    %slice3A_112 = vector.extract_strided_slice %get3A_76 {offsets = [12], sizes = [1], strides = [1]} : vector<16xi32> to vector<1xi32>
    %squeeze3A_113 = vector.extract %slice3A_112[0] : i32 from vector<1xi32>
    %max3A_114 = arith.maxsi %max3A_111, %squeeze3A_113 : i32
    %slice3A_115 = vector.extract_strided_slice %get3A_76 {offsets = [13], sizes = [1], strides = [1]} : vector<16xi32> to vector<1xi32>
    %squeeze3A_116 = vector.extract %slice3A_115[0] : i32 from vector<1xi32>
    %max3A_117 = arith.maxsi %max3A_114, %squeeze3A_116 : i32
    %slice3A_118 = vector.extract_strided_slice %get3A_76 {offsets = [14], sizes = [1], strides = [1]} : vector<16xi32> to vector<1xi32>
    %squeeze3A_119 = vector.extract %slice3A_118[0] : i32 from vector<1xi32>
    %max3A_120 = arith.maxsi %max3A_117, %squeeze3A_119 : i32
    %slice3A_121 = vector.extract_strided_slice %get3A_76 {offsets = [15], sizes = [1], strides = [1]} : vector<16xi32> to vector<1xi32>
    %squeeze3A_122 = vector.extract %slice3A_121[0] : i32 from vector<1xi32>
    %max3A_123 = arith.maxsi %max3A_120, %squeeze3A_122 : i32
    %mul3A_124 = arith.constant 16 : i32
    %mul3A_125 = arith.muli %mul3A_124, %max3A_123 : i32
    %add3A_126 = arith.constant 511 : i32
    %add3A_127 = arith.addi %mul3A_125, %add3A_126 : i32
    %div3A_128 = arith.constant 512 : i32
    %div3A_129 = arith.divsi %add3A_127, %div3A_128 : i32
    %while3A_130 = arith.constant 0 : i32
    %while3A_131 = arith.constant 0 : i32
    %while3A_132 = arith.subi %div3A_129, %while3A_130 : i32
    %while3A_133 = arith.addi %while3A_130, %while3A_132 : i32
    %while3A_134 = arith.constant 1 : i32
    %while3A_135 = arith.divsi %while3A_132, %while3A_134 : i32
    %while3A_136 = arith.muli %while3A_135, %while3A_134 : i32
    %while3A_137 = arith.addi %while3A_130, %while3A_136 : i32
    %while3A_138 = arith.constant 1 : i32
    %while3A_139 = scf.for %while3A_150 = %while3A_130 to %while3A_137 step %while3A_138 iter_args(%while3A_151 = %while3A_131) -> (i32)  : i32 {
      %mul3A_152 = arith.constant 25088 : i32
      %mul3A_153 = arith.muli %add3A_71, %mul3A_152 : i32
      %mul3A_154 = arith.constant 512 : i32
      %mul3A_155 = arith.muli %while3A_150, %mul3A_154 : i32
      %add3A_156 = arith.addi %mul3A_153, %mul3A_155 : i32
      "tpu.region"() ({
        %run_scoped3A = tpu.sem_alloc : memref<!tpu.dma_semaphore, #tpu.memory_space<semaphore_mem>>
        %dma_start3A = tpu.memref_slice %arg3[%add3A_156] : memref<803328xi32, #tpu.memory_space<hbm>> -> memref<512xi32, #tpu.memory_space<hbm>>
        %dma_start3A_168 = tpu.memref_slice %arg3[%add3A_156] : memref<803328xi32, #tpu.memory_space<hbm>> -> memref<512xi32, #tpu.memory_space<hbm>>
        tpu.enqueue_dma source(%dma_start3A_168 : memref<512xi32, #tpu.memory_space<hbm>>) target(%arg12 : memref<512xi32, #tpu.memory_space<vmem>>) target_semaphore(%run_scoped3A : memref<!tpu.dma_semaphore, #tpu.memory_space<semaphore_mem>>)
        %dma_wait3A = tpu.memref_slice %arg3[%add3A_156] : memref<803328xi32, #tpu.memory_space<hbm>> -> memref<512xi32, #tpu.memory_space<hbm>>
        %dma_wait3A_169 = tpu.memref_slice %arg3[%add3A_156] : memref<803328xi32, #tpu.memory_space<hbm>> -> memref<512xi32, #tpu.memory_space<hbm>>
        tpu.wait_dma2 semaphore(%run_scoped3A : memref<!tpu.dma_semaphore, #tpu.memory_space<semaphore_mem>>) src(%dma_wait3A_169 : memref<512xi32, #tpu.memory_space<hbm>>) dst(%arg12 : memref<512xi32, #tpu.memory_space<vmem>>)
        tpu.yield
      }) : () -> ()
      "tpu.region"() ({
        %run_scoped3A = tpu.sem_alloc : memref<!tpu.dma_semaphore, #tpu.memory_space<semaphore_mem>>
        %dma_start3A = tpu.memref_slice %arg2[%add3A_156] : memref<803328xi32, #tpu.memory_space<hbm>> -> memref<512xi32, #tpu.memory_space<hbm>>
        %dma_start3A_168 = tpu.memref_slice %arg2[%add3A_156] : memref<803328xi32, #tpu.memory_space<hbm>> -> memref<512xi32, #tpu.memory_space<hbm>>
        tpu.enqueue_dma source(%dma_start3A_168 : memref<512xi32, #tpu.memory_space<hbm>>) target(%arg11 : memref<512xi32, #tpu.memory_space<vmem>>) target_semaphore(%run_scoped3A : memref<!tpu.dma_semaphore, #tpu.memory_space<semaphore_mem>>)
        %dma_wait3A = tpu.memref_slice %arg2[%add3A_156] : memref<803328xi32, #tpu.memory_space<hbm>> -> memref<512xi32, #tpu.memory_space<hbm>>
        %dma_wait3A_169 = tpu.memref_slice %arg2[%add3A_156] : memref<803328xi32, #tpu.memory_space<hbm>> -> memref<512xi32, #tpu.memory_space<hbm>>
        tpu.wait_dma2 semaphore(%run_scoped3A : memref<!tpu.dma_semaphore, #tpu.memory_space<semaphore_mem>>) src(%dma_wait3A_169 : memref<512xi32, #tpu.memory_space<hbm>>) dst(%arg11 : memref<512xi32, #tpu.memory_space<vmem>>)
        tpu.yield
      }) : () -> ()
      %eq3A_157 = arith.constant 0 : i32
      %eq3A_158 = arith.cmpi eq, %arg0, %eq3A_157 : i32
      %convert_element_type3A_159 = arith.extui %eq3A_158 : i1 to i32
      %cond3A_160 = arith.constant 0 : i32
      %cond3A_161 = arith.cmpi ne, %convert_element_type3A_159, %cond3A_160 : i32
      scf.if %cond3A_161 {
        %dma_start3A = arith.constant 0 : i32
        %dma_start3A_168 = arith.constant 0 : i32
        %dma_start3A_169 = tpu.memref_slice %arg5[%dma_start3A, %dma_start3A_168] : memref<50176x32xf32, #tpu.memory_space<hbm>> -> memref<50176x32xf32, #tpu.memory_space<hbm>>
        tpu.enqueue_indirect_dma source(%dma_start3A_169 : memref<50176x32xf32, #tpu.memory_space<hbm>>) target(%arg13 : memref<512x32xf32, #tpu.memory_space<vmem>>) offsets(%arg12 : memref<512xi32, #tpu.memory_space<vmem>>) semaphore(%arg15 : memref<!tpu.dma_semaphore, #tpu.memory_space<semaphore_mem>>)
        %dma_wait3A = arith.constant 0 : i32
        %dma_wait3A_170 = arith.constant 0 : i32
        %dma_wait3A_171 = tpu.memref_slice %arg5[%dma_wait3A, %dma_wait3A_170] : memref<50176x32xf32, #tpu.memory_space<hbm>> -> memref<50176x32xf32, #tpu.memory_space<hbm>>
        tpu.wait_indirect_dma semaphore(%arg15 : memref<!tpu.dma_semaphore, #tpu.memory_space<semaphore_mem>>) src(%dma_wait3A_171 : memref<50176x32xf32, #tpu.memory_space<hbm>>) dst(%arg13 : memref<512x32xf32, #tpu.memory_space<vmem>>)
      } else {
      }
      %eq3A_162 = arith.constant 1 : i32
      %eq3A_163 = arith.cmpi eq, %arg0, %eq3A_162 : i32
      %convert_element_type3A_164 = arith.extui %eq3A_163 : i1 to i32
      %cond3A_165 = arith.constant 0 : i32
      %cond3A_166 = arith.cmpi ne, %convert_element_type3A_164, %cond3A_165 : i32
      scf.if %cond3A_166 {
        %dma_start3A = arith.constant 0 : i32
        %dma_start3A_168 = arith.constant 0 : i32
        %dma_start3A_169 = tpu.memref_slice %arg6[%dma_start3A, %dma_start3A_168] : memref<50176x32xf32, #tpu.memory_space<hbm>> -> memref<50176x32xf32, #tpu.memory_space<hbm>>
        tpu.enqueue_indirect_dma source(%dma_start3A_169 : memref<50176x32xf32, #tpu.memory_space<hbm>>) target(%arg13 : memref<512x32xf32, #tpu.memory_space<vmem>>) offsets(%arg12 : memref<512xi32, #tpu.memory_space<vmem>>) semaphore(%arg15 : memref<!tpu.dma_semaphore, #tpu.memory_space<semaphore_mem>>)
        %dma_wait3A = arith.constant 0 : i32
        %dma_wait3A_170 = arith.constant 0 : i32
        %dma_wait3A_171 = tpu.memref_slice %arg6[%dma_wait3A, %dma_wait3A_170] : memref<50176x32xf32, #tpu.memory_space<hbm>> -> memref<50176x32xf32, #tpu.memory_space<hbm>>
        tpu.wait_indirect_dma semaphore(%arg15 : memref<!tpu.dma_semaphore, #tpu.memory_space<semaphore_mem>>) src(%dma_wait3A_171 : memref<50176x32xf32, #tpu.memory_space<hbm>>) dst(%arg13 : memref<512x32xf32, #tpu.memory_space<vmem>>)
      } else {
      }
      "tpu.region"() ({
        %run_scoped3A = tpu.sem_alloc : memref<!tpu.dma_semaphore, #tpu.memory_space<semaphore_mem>>
        %dma_start3A = arith.constant 0 : i32
        %dma_start3A_168 = arith.constant 0 : i32
        %dma_start3A_169 = tpu.memref_slice %arg10[%dma_start3A, %dma_start3A_168] : memref<50176x32xf32, #tpu.memory_space<vmem_shared>> -> memref<50176x32xf32, #tpu.memory_space<vmem_shared>>
        tpu.enqueue_indirect_dma source(%arg13 : memref<512x32xf32, #tpu.memory_space<vmem>>) target(%dma_start3A_169 : memref<50176x32xf32, #tpu.memory_space<vmem_shared>>) offsets(%arg11 : memref<512xi32, #tpu.memory_space<vmem>>) semaphore(%run_scoped3A : memref<!tpu.dma_semaphore, #tpu.memory_space<semaphore_mem>>) {add = true}
        %dma_wait3A = arith.constant 0 : i32
        %dma_wait3A_170 = arith.constant 0 : i32
        %dma_wait3A_171 = tpu.memref_slice %arg10[%dma_wait3A, %dma_wait3A_170] : memref<50176x32xf32, #tpu.memory_space<vmem_shared>> -> memref<50176x32xf32, #tpu.memory_space<vmem_shared>>
        tpu.wait_indirect_dma semaphore(%run_scoped3A : memref<!tpu.dma_semaphore, #tpu.memory_space<semaphore_mem>>) src(%arg13 : memref<512x32xf32, #tpu.memory_space<vmem>>) dst(%dma_wait3A_171 : memref<50176x32xf32, #tpu.memory_space<vmem_shared>>)
        tpu.yield
      }) : () -> ()
      %while3A_167 = arith.constant 0 : i32
      scf.yield %while3A_167 : i32
    }
    %while3A_140 = arith.constant 1 : i32
    %while3A_141 = scf.for %while3A_150 = %while3A_137 to %while3A_133 step %while3A_140 iter_args(%while3A_151 = %while3A_139) -> (i32)  : i32 {
      %mul3A_152 = arith.constant 25088 : i32
      %mul3A_153 = arith.muli %add3A_71, %mul3A_152 : i32
      %mul3A_154 = arith.constant 512 : i32
      %mul3A_155 = arith.muli %while3A_150, %mul3A_154 : i32
      %add3A_156 = arith.addi %mul3A_153, %mul3A_155 : i32
      "tpu.region"() ({
        %run_scoped3A = tpu.sem_alloc : memref<!tpu.dma_semaphore, #tpu.memory_space<semaphore_mem>>
        %dma_start3A = tpu.memref_slice %arg3[%add3A_156] : memref<803328xi32, #tpu.memory_space<hbm>> -> memref<512xi32, #tpu.memory_space<hbm>>
        %dma_start3A_168 = tpu.memref_slice %arg3[%add3A_156] : memref<803328xi32, #tpu.memory_space<hbm>> -> memref<512xi32, #tpu.memory_space<hbm>>
        tpu.enqueue_dma source(%dma_start3A_168 : memref<512xi32, #tpu.memory_space<hbm>>) target(%arg12 : memref<512xi32, #tpu.memory_space<vmem>>) target_semaphore(%run_scoped3A : memref<!tpu.dma_semaphore, #tpu.memory_space<semaphore_mem>>)
        %dma_wait3A = tpu.memref_slice %arg3[%add3A_156] : memref<803328xi32, #tpu.memory_space<hbm>> -> memref<512xi32, #tpu.memory_space<hbm>>
        %dma_wait3A_169 = tpu.memref_slice %arg3[%add3A_156] : memref<803328xi32, #tpu.memory_space<hbm>> -> memref<512xi32, #tpu.memory_space<hbm>>
        tpu.wait_dma2 semaphore(%run_scoped3A : memref<!tpu.dma_semaphore, #tpu.memory_space<semaphore_mem>>) src(%dma_wait3A_169 : memref<512xi32, #tpu.memory_space<hbm>>) dst(%arg12 : memref<512xi32, #tpu.memory_space<vmem>>)
        tpu.yield
      }) : () -> ()
      "tpu.region"() ({
        %run_scoped3A = tpu.sem_alloc : memref<!tpu.dma_semaphore, #tpu.memory_space<semaphore_mem>>
        %dma_start3A = tpu.memref_slice %arg2[%add3A_156] : memref<803328xi32, #tpu.memory_space<hbm>> -> memref<512xi32, #tpu.memory_space<hbm>>
        %dma_start3A_168 = tpu.memref_slice %arg2[%add3A_156] : memref<803328xi32, #tpu.memory_space<hbm>> -> memref<512xi32, #tpu.memory_space<hbm>>
        tpu.enqueue_dma source(%dma_start3A_168 : memref<512xi32, #tpu.memory_space<hbm>>) target(%arg11 : memref<512xi32, #tpu.memory_space<vmem>>) target_semaphore(%run_scoped3A : memref<!tpu.dma_semaphore, #tpu.memory_space<semaphore_mem>>)
        %dma_wait3A = tpu.memref_slice %arg2[%add3A_156] : memref<803328xi32, #tpu.memory_space<hbm>> -> memref<512xi32, #tpu.memory_space<hbm>>
        %dma_wait3A_169 = tpu.memref_slice %arg2[%add3A_156] : memref<803328xi32, #tpu.memory_space<hbm>> -> memref<512xi32, #tpu.memory_space<hbm>>
        tpu.wait_dma2 semaphore(%run_scoped3A : memref<!tpu.dma_semaphore, #tpu.memory_space<semaphore_mem>>) src(%dma_wait3A_169 : memref<512xi32, #tpu.memory_space<hbm>>) dst(%arg11 : memref<512xi32, #tpu.memory_space<vmem>>)
        tpu.yield
      }) : () -> ()
      %eq3A_157 = arith.constant 0 : i32
      %eq3A_158 = arith.cmpi eq, %arg0, %eq3A_157 : i32
      %convert_element_type3A_159 = arith.extui %eq3A_158 : i1 to i32
      %cond3A_160 = arith.constant 0 : i32
      %cond3A_161 = arith.cmpi ne, %convert_element_type3A_159, %cond3A_160 : i32
      scf.if %cond3A_161 {
        %dma_start3A = arith.constant 0 : i32
        %dma_start3A_168 = arith.constant 0 : i32
        %dma_start3A_169 = tpu.memref_slice %arg5[%dma_start3A, %dma_start3A_168] : memref<50176x32xf32, #tpu.memory_space<hbm>> -> memref<50176x32xf32, #tpu.memory_space<hbm>>
        tpu.enqueue_indirect_dma source(%dma_start3A_169 : memref<50176x32xf32, #tpu.memory_space<hbm>>) target(%arg13 : memref<512x32xf32, #tpu.memory_space<vmem>>) offsets(%arg12 : memref<512xi32, #tpu.memory_space<vmem>>) semaphore(%arg15 : memref<!tpu.dma_semaphore, #tpu.memory_space<semaphore_mem>>)
        %dma_wait3A = arith.constant 0 : i32
        %dma_wait3A_170 = arith.constant 0 : i32
        %dma_wait3A_171 = tpu.memref_slice %arg5[%dma_wait3A, %dma_wait3A_170] : memref<50176x32xf32, #tpu.memory_space<hbm>> -> memref<50176x32xf32, #tpu.memory_space<hbm>>
        tpu.wait_indirect_dma semaphore(%arg15 : memref<!tpu.dma_semaphore, #tpu.memory_space<semaphore_mem>>) src(%dma_wait3A_171 : memref<50176x32xf32, #tpu.memory_space<hbm>>) dst(%arg13 : memref<512x32xf32, #tpu.memory_space<vmem>>)
      } else {
      }
      %eq3A_162 = arith.constant 1 : i32
      %eq3A_163 = arith.cmpi eq, %arg0, %eq3A_162 : i32
      %convert_element_type3A_164 = arith.extui %eq3A_163 : i1 to i32
      %cond3A_165 = arith.constant 0 : i32
      %cond3A_166 = arith.cmpi ne, %convert_element_type3A_164, %cond3A_165 : i32
      scf.if %cond3A_166 {
        %dma_start3A = arith.constant 0 : i32
        %dma_start3A_168 = arith.constant 0 : i32
        %dma_start3A_169 = tpu.memref_slice %arg6[%dma_start3A, %dma_start3A_168] : memref<50176x32xf32, #tpu.memory_space<hbm>> -> memref<50176x32xf32, #tpu.memory_space<hbm>>
        tpu.enqueue_indirect_dma source(%dma_start3A_169 : memref<50176x32xf32, #tpu.memory_space<hbm>>) target(%arg13 : memref<512x32xf32, #tpu.memory_space<vmem>>) offsets(%arg12 : memref<512xi32, #tpu.memory_space<vmem>>) semaphore(%arg15 : memref<!tpu.dma_semaphore, #tpu.memory_space<semaphore_mem>>)
        %dma_wait3A = arith.constant 0 : i32
        %dma_wait3A_170 = arith.constant 0 : i32
        %dma_wait3A_171 = tpu.memref_slice %arg6[%dma_wait3A, %dma_wait3A_170] : memref<50176x32xf32, #tpu.memory_space<hbm>> -> memref<50176x32xf32, #tpu.memory_space<hbm>>
        tpu.wait_indirect_dma semaphore(%arg15 : memref<!tpu.dma_semaphore, #tpu.memory_space<semaphore_mem>>) src(%dma_wait3A_171 : memref<50176x32xf32, #tpu.memory_space<hbm>>) dst(%arg13 : memref<512x32xf32, #tpu.memory_space<vmem>>)
      } else {
      }
      "tpu.region"() ({
        %run_scoped3A = tpu.sem_alloc : memref<!tpu.dma_semaphore, #tpu.memory_space<semaphore_mem>>
        %dma_start3A = arith.constant 0 : i32
        %dma_start3A_168 = arith.constant 0 : i32
        %dma_start3A_169 = tpu.memref_slice %arg10[%dma_start3A, %dma_start3A_168] : memref<50176x32xf32, #tpu.memory_space<vmem_shared>> -> memref<50176x32xf32, #tpu.memory_space<vmem_shared>>
        tpu.enqueue_indirect_dma source(%arg13 : memref<512x32xf32, #tpu.memory_space<vmem>>) target(%dma_start3A_169 : memref<50176x32xf32, #tpu.memory_space<vmem_shared>>) offsets(%arg11 : memref<512xi32, #tpu.memory_space<vmem>>) semaphore(%run_scoped3A : memref<!tpu.dma_semaphore, #tpu.memory_space<semaphore_mem>>) {add = true}
        %dma_wait3A = arith.constant 0 : i32
        %dma_wait3A_170 = arith.constant 0 : i32
        %dma_wait3A_171 = tpu.memref_slice %arg10[%dma_wait3A, %dma_wait3A_170] : memref<50176x32xf32, #tpu.memory_space<vmem_shared>> -> memref<50176x32xf32, #tpu.memory_space<vmem_shared>>
        tpu.wait_indirect_dma semaphore(%run_scoped3A : memref<!tpu.dma_semaphore, #tpu.memory_space<semaphore_mem>>) src(%arg13 : memref<512x32xf32, #tpu.memory_space<vmem>>) dst(%dma_wait3A_171 : memref<50176x32xf32, #tpu.memory_space<vmem_shared>>)
        tpu.yield
      }) : () -> ()
      %while3A_167 = arith.constant 0 : i32
      scf.yield %while3A_167 : i32
    }
    %barrier3A_142 = arith.constant 0 : index
    tpu.barrier barrier_id(%barrier3A_142)
    %eq3A = arith.constant 0 : i32
    %eq3A_143 = arith.cmpi eq, %arg0, %eq3A : i32
    %convert_element_type3A = arith.extui %eq3A_143 : i1 to i32
    %cond3A = arith.constant 0 : i32
    %cond3A_144 = arith.cmpi ne, %convert_element_type3A, %cond3A : i32
    scf.if %cond3A_144 {
      %mul3A_150 = arith.constant 3136 : i32
      %mul3A_151 = arith.muli %arg1, %mul3A_150 : i32
      %mul3A_152 = arith.constant 3136 : i32
      %mul3A_153 = arith.muli %arg1, %mul3A_152 : i32
      "tpu.region"() ({
        %run_scoped3A = tpu.sem_alloc : memref<!tpu.dma_semaphore, #tpu.memory_space<semaphore_mem>>
        %dma_start3A = arith.constant 0 : i32
        %dma_start3A_154 = tpu.memref_slice %arg8[%mul3A_153, %dma_start3A] : memref<50176x32xf32, #tpu.memory_space<hbm>> -> memref<3136x32xf32, #tpu.memory_space<hbm>>
        %dma_start3A_155 = arith.constant 0 : i32
        %dma_start3A_156 = tpu.memref_slice %arg10[%mul3A_151, %dma_start3A_155] : memref<50176x32xf32, #tpu.memory_space<vmem_shared>> -> memref<3136x32xf32, #tpu.memory_space<vmem_shared>>
        tpu.enqueue_dma source(%dma_start3A_156 : memref<3136x32xf32, #tpu.memory_space<vmem_shared>>) target(%dma_start3A_154 : memref<3136x32xf32, #tpu.memory_space<hbm>>) target_semaphore(%run_scoped3A : memref<!tpu.dma_semaphore, #tpu.memory_space<semaphore_mem>>)
        %dma_wait3A = arith.constant 0 : i32
        %dma_wait3A_157 = tpu.memref_slice %arg8[%mul3A_153, %dma_wait3A] : memref<50176x32xf32, #tpu.memory_space<hbm>> -> memref<3136x32xf32, #tpu.memory_space<hbm>>
        %dma_wait3A_158 = arith.constant 0 : i32
        %dma_wait3A_159 = tpu.memref_slice %arg10[%mul3A_151, %dma_wait3A_158] : memref<50176x32xf32, #tpu.memory_space<vmem_shared>> -> memref<3136x32xf32, #tpu.memory_space<vmem_shared>>
        tpu.wait_dma2 semaphore(%run_scoped3A : memref<!tpu.dma_semaphore, #tpu.memory_space<semaphore_mem>>) src(%dma_wait3A_159 : memref<3136x32xf32, #tpu.memory_space<vmem_shared>>) dst(%dma_wait3A_157 : memref<3136x32xf32, #tpu.memory_space<hbm>>)
        tpu.yield
      }) : () -> ()
    } else {
    }
    %eq3A_145 = arith.constant 1 : i32
    %eq3A_146 = arith.cmpi eq, %arg0, %eq3A_145 : i32
    %convert_element_type3A_147 = arith.extui %eq3A_146 : i1 to i32
    %cond3A_148 = arith.constant 0 : i32
    %cond3A_149 = arith.cmpi ne, %convert_element_type3A_147, %cond3A_148 : i32
    scf.if %cond3A_149 {
      %mul3A_150 = arith.constant 3136 : i32
      %mul3A_151 = arith.muli %arg1, %mul3A_150 : i32
      %mul3A_152 = arith.constant 3136 : i32
      %mul3A_153 = arith.muli %arg1, %mul3A_152 : i32
      "tpu.region"() ({
        %run_scoped3A = tpu.sem_alloc : memref<!tpu.dma_semaphore, #tpu.memory_space<semaphore_mem>>
        %dma_start3A = arith.constant 0 : i32
        %dma_start3A_154 = tpu.memref_slice %arg9[%mul3A_153, %dma_start3A] : memref<50176x32xf32, #tpu.memory_space<hbm>> -> memref<3136x32xf32, #tpu.memory_space<hbm>>
        %dma_start3A_155 = arith.constant 0 : i32
        %dma_start3A_156 = tpu.memref_slice %arg10[%mul3A_151, %dma_start3A_155] : memref<50176x32xf32, #tpu.memory_space<vmem_shared>> -> memref<3136x32xf32, #tpu.memory_space<vmem_shared>>
        tpu.enqueue_dma source(%dma_start3A_156 : memref<3136x32xf32, #tpu.memory_space<vmem_shared>>) target(%dma_start3A_154 : memref<3136x32xf32, #tpu.memory_space<hbm>>) target_semaphore(%run_scoped3A : memref<!tpu.dma_semaphore, #tpu.memory_space<semaphore_mem>>)
        %dma_wait3A = arith.constant 0 : i32
        %dma_wait3A_157 = tpu.memref_slice %arg9[%mul3A_153, %dma_wait3A] : memref<50176x32xf32, #tpu.memory_space<hbm>> -> memref<3136x32xf32, #tpu.memory_space<hbm>>
        %dma_wait3A_158 = arith.constant 0 : i32
        %dma_wait3A_159 = tpu.memref_slice %arg10[%mul3A_151, %dma_wait3A_158] : memref<50176x32xf32, #tpu.memory_space<vmem_shared>> -> memref<3136x32xf32, #tpu.memory_space<vmem_shared>>
        tpu.wait_dma2 semaphore(%run_scoped3A : memref<!tpu.dma_semaphore, #tpu.memory_space<semaphore_mem>>) src(%dma_wait3A_159 : memref<3136x32xf32, #tpu.memory_space<vmem_shared>>) dst(%dma_wait3A_157 : memref<3136x32xf32, #tpu.memory_space<hbm>>)
        tpu.yield
      }) : () -> ()
    } else {
    }
    return
  }
}

#map = affine_map<(d0, d1) -> (0)>
#map1 = affine_map<(d0, d1) -> (0, 0)>
module attributes {stable_mosaic.version = 14 : i64} {
  func.func @_spmm_body(%arg0: i32, %arg1: i32, %arg2: memref<802816xi32, #tpu.memory_space<hbm>>, %arg3: memref<802816xi32, #tpu.memory_space<hbm>>, %arg4: memref<50000x32xf32, #tpu.memory_space<hbm>>, %arg5: memref<50000x32xf32, #tpu.memory_space<hbm>>, %arg6: memref<3136x32xf32, #tpu.memory_space<hbm>>, %arg7: memref<50176x32xf32, #tpu.memory_space<hbm>>, %arg8: memref<50176x32xf32, #tpu.memory_space<hbm>>, %arg9: memref<50176x32xf32, #tpu.memory_space<vmem_shared>>, %arg10: memref<2x448xi32, #tpu.memory_space<vmem>>, %arg11: memref<2x448xi32, #tpu.memory_space<vmem>>, %arg12: memref<2x448x32xf32, #tpu.memory_space<vmem>>, %arg13: memref<!tpu.dma_semaphore, #tpu.memory_space<semaphore_mem>>) attributes {dimension_semantics = [#tpu.dimension_semantics<core_parallel>, #tpu.dimension_semantics<subcore_parallel>], iteration_bounds = array<i64: 2, 16>, scalar_prefetch = 0 : i64, scratch_operands = 5 : i64, tpu.core_type = #tpu.core_type<sc_vector_subcore>, window_params = [{transform_indices = #map}, {transform_indices = #map}, {transform_indices = #map1}, {transform_indices = #map1}, {transform_indices = #map1}, {transform_indices = #map1}, {transform_indices = #map1}]} {
    %mul3A = arith.constant 3136 : i32
    %mul3A_0 = arith.muli %arg1, %mul3A : i32
    "tpu.region"() ({
      %run_scoped3A = tpu.sem_alloc : memref<!tpu.dma_semaphore, #tpu.memory_space<semaphore_mem>>
      %dma_start3A = arith.constant 0 : i32
      %dma_start3A_15 = tpu.memref_slice %arg9[%mul3A_0, %dma_start3A] : memref<50176x32xf32, #tpu.memory_space<vmem_shared>> -> memref<3136x32xf32, #tpu.memory_space<vmem_shared>>
      tpu.enqueue_dma source(%arg6 : memref<3136x32xf32, #tpu.memory_space<hbm>>) target(%dma_start3A_15 : memref<3136x32xf32, #tpu.memory_space<vmem_shared>>) target_semaphore(%run_scoped3A : memref<!tpu.dma_semaphore, #tpu.memory_space<semaphore_mem>>)
      %dma_wait3A = arith.constant 0 : i32
      %dma_wait3A_16 = tpu.memref_slice %arg9[%mul3A_0, %dma_wait3A] : memref<50176x32xf32, #tpu.memory_space<vmem_shared>> -> memref<3136x32xf32, #tpu.memory_space<vmem_shared>>
      tpu.wait_dma2 semaphore(%run_scoped3A : memref<!tpu.dma_semaphore, #tpu.memory_space<semaphore_mem>>) src(%arg6 : memref<3136x32xf32, #tpu.memory_space<hbm>>) dst(%dma_wait3A_16 : memref<3136x32xf32, #tpu.memory_space<vmem_shared>>)
      tpu.yield
    }) : () -> ()
    %barrier3A = arith.constant 0 : index
    tpu.barrier barrier_id(%barrier3A)
    %scan3A = arith.constant 0 : i32
    %scan3A_1 = arith.constant 0 : i32
    %scan3A_2 = arith.constant 113 : i32
    %scan3A_3 = arith.addi %scan3A_1, %scan3A_2 : i32
    %scan3A_4 = arith.constant 1 : i32
    %scan3A_5 = scf.for %scan3A_15 = %scan3A_1 to %scan3A_3 step %scan3A_4 iter_args(%scan3A_16 = %scan3A) -> (i32)  : i32 {
      %rem3A = arith.constant 2 : i32
      %rem3A_17 = arith.remsi %scan3A_15, %rem3A : i32
      %sub3A = arith.constant 1 : i32
      %sub3A_18 = arith.subi %sub3A, %rem3A_17 : i32
      %lt3A = arith.constant 112 : i32
      %lt3A_19 = arith.cmpi slt, %scan3A_15, %lt3A : i32
      %convert_element_type3A_20 = arith.extui %lt3A_19 : i1 to i32
      %cond3A_21 = arith.constant 0 : i32
      %cond3A_22 = arith.cmpi ne, %convert_element_type3A_20, %cond3A_21 : i32
      scf.if %cond3A_22 {
        %mul3A_33 = arith.constant 112 : i32
        %mul3A_34 = arith.muli %arg1, %mul3A_33 : i32
        %add3A = arith.addi %mul3A_34, %scan3A_15 : i32
        %mul3A_35 = arith.constant 448 : i32
        %mul3A_36 = arith.muli %add3A, %mul3A_35 : i32
        "tpu.region"() ({
          %run_scoped3A = tpu.sem_alloc : memref<!tpu.dma_semaphore, #tpu.memory_space<semaphore_mem>>
          %dma_start3A = arith.constant 0 : i32
          %dma_start3A_47 = tpu.memref_slice %arg10[%rem3A_17, %dma_start3A] : memref<2x448xi32, #tpu.memory_space<vmem>> -> memref<1x448xi32, #tpu.memory_space<vmem>>
          %dma_start3A_48 = tpu.memref_squeeze %dma_start3A_47 : memref<1x448xi32, #tpu.memory_space<vmem>> -> memref<448xi32, #tpu.memory_space<vmem>>
          %dma_start3A_49 = tpu.memref_slice %arg3[%mul3A_36] : memref<802816xi32, #tpu.memory_space<hbm>> -> memref<448xi32, #tpu.memory_space<hbm>>
          %dma_start3A_50 = arith.constant 0 : i32
          %dma_start3A_51 = tpu.memref_slice %arg10[%rem3A_17, %dma_start3A_50] : memref<2x448xi32, #tpu.memory_space<vmem>> -> memref<1x448xi32, #tpu.memory_space<vmem>>
          %dma_start3A_52 = tpu.memref_squeeze %dma_start3A_51 : memref<1x448xi32, #tpu.memory_space<vmem>> -> memref<448xi32, #tpu.memory_space<vmem>>
          %dma_start3A_53 = tpu.memref_slice %arg3[%mul3A_36] : memref<802816xi32, #tpu.memory_space<hbm>> -> memref<448xi32, #tpu.memory_space<hbm>>
          tpu.enqueue_dma source(%dma_start3A_53 : memref<448xi32, #tpu.memory_space<hbm>>) target(%dma_start3A_52 : memref<448xi32, #tpu.memory_space<vmem>>) target_semaphore(%run_scoped3A : memref<!tpu.dma_semaphore, #tpu.memory_space<semaphore_mem>>)
          %dma_wait3A = arith.constant 0 : i32
          %dma_wait3A_54 = tpu.memref_slice %arg10[%rem3A_17, %dma_wait3A] : memref<2x448xi32, #tpu.memory_space<vmem>> -> memref<1x448xi32, #tpu.memory_space<vmem>>
          %dma_wait3A_55 = tpu.memref_squeeze %dma_wait3A_54 : memref<1x448xi32, #tpu.memory_space<vmem>> -> memref<448xi32, #tpu.memory_space<vmem>>
          %dma_wait3A_56 = tpu.memref_slice %arg3[%mul3A_36] : memref<802816xi32, #tpu.memory_space<hbm>> -> memref<448xi32, #tpu.memory_space<hbm>>
          %dma_wait3A_57 = arith.constant 0 : i32
          %dma_wait3A_58 = tpu.memref_slice %arg10[%rem3A_17, %dma_wait3A_57] : memref<2x448xi32, #tpu.memory_space<vmem>> -> memref<1x448xi32, #tpu.memory_space<vmem>>
          %dma_wait3A_59 = tpu.memref_squeeze %dma_wait3A_58 : memref<1x448xi32, #tpu.memory_space<vmem>> -> memref<448xi32, #tpu.memory_space<vmem>>
          %dma_wait3A_60 = tpu.memref_slice %arg3[%mul3A_36] : memref<802816xi32, #tpu.memory_space<hbm>> -> memref<448xi32, #tpu.memory_space<hbm>>
          tpu.wait_dma2 semaphore(%run_scoped3A : memref<!tpu.dma_semaphore, #tpu.memory_space<semaphore_mem>>) src(%dma_wait3A_60 : memref<448xi32, #tpu.memory_space<hbm>>) dst(%dma_wait3A_59 : memref<448xi32, #tpu.memory_space<vmem>>)
          tpu.yield
        }) : () -> ()
        "tpu.region"() ({
          %run_scoped3A = tpu.sem_alloc : memref<!tpu.dma_semaphore, #tpu.memory_space<semaphore_mem>>
          %dma_start3A = arith.constant 0 : i32
          %dma_start3A_47 = tpu.memref_slice %arg11[%rem3A_17, %dma_start3A] : memref<2x448xi32, #tpu.memory_space<vmem>> -> memref<1x448xi32, #tpu.memory_space<vmem>>
          %dma_start3A_48 = tpu.memref_squeeze %dma_start3A_47 : memref<1x448xi32, #tpu.memory_space<vmem>> -> memref<448xi32, #tpu.memory_space<vmem>>
          %dma_start3A_49 = tpu.memref_slice %arg2[%mul3A_36] : memref<802816xi32, #tpu.memory_space<hbm>> -> memref<448xi32, #tpu.memory_space<hbm>>
          %dma_start3A_50 = arith.constant 0 : i32
          %dma_start3A_51 = tpu.memref_slice %arg11[%rem3A_17, %dma_start3A_50] : memref<2x448xi32, #tpu.memory_space<vmem>> -> memref<1x448xi32, #tpu.memory_space<vmem>>
          %dma_start3A_52 = tpu.memref_squeeze %dma_start3A_51 : memref<1x448xi32, #tpu.memory_space<vmem>> -> memref<448xi32, #tpu.memory_space<vmem>>
          %dma_start3A_53 = tpu.memref_slice %arg2[%mul3A_36] : memref<802816xi32, #tpu.memory_space<hbm>> -> memref<448xi32, #tpu.memory_space<hbm>>
          tpu.enqueue_dma source(%dma_start3A_53 : memref<448xi32, #tpu.memory_space<hbm>>) target(%dma_start3A_52 : memref<448xi32, #tpu.memory_space<vmem>>) target_semaphore(%run_scoped3A : memref<!tpu.dma_semaphore, #tpu.memory_space<semaphore_mem>>)
          %dma_wait3A = arith.constant 0 : i32
          %dma_wait3A_54 = tpu.memref_slice %arg11[%rem3A_17, %dma_wait3A] : memref<2x448xi32, #tpu.memory_space<vmem>> -> memref<1x448xi32, #tpu.memory_space<vmem>>
          %dma_wait3A_55 = tpu.memref_squeeze %dma_wait3A_54 : memref<1x448xi32, #tpu.memory_space<vmem>> -> memref<448xi32, #tpu.memory_space<vmem>>
          %dma_wait3A_56 = tpu.memref_slice %arg2[%mul3A_36] : memref<802816xi32, #tpu.memory_space<hbm>> -> memref<448xi32, #tpu.memory_space<hbm>>
          %dma_wait3A_57 = arith.constant 0 : i32
          %dma_wait3A_58 = tpu.memref_slice %arg11[%rem3A_17, %dma_wait3A_57] : memref<2x448xi32, #tpu.memory_space<vmem>> -> memref<1x448xi32, #tpu.memory_space<vmem>>
          %dma_wait3A_59 = tpu.memref_squeeze %dma_wait3A_58 : memref<1x448xi32, #tpu.memory_space<vmem>> -> memref<448xi32, #tpu.memory_space<vmem>>
          %dma_wait3A_60 = tpu.memref_slice %arg2[%mul3A_36] : memref<802816xi32, #tpu.memory_space<hbm>> -> memref<448xi32, #tpu.memory_space<hbm>>
          tpu.wait_dma2 semaphore(%run_scoped3A : memref<!tpu.dma_semaphore, #tpu.memory_space<semaphore_mem>>) src(%dma_wait3A_60 : memref<448xi32, #tpu.memory_space<hbm>>) dst(%dma_wait3A_59 : memref<448xi32, #tpu.memory_space<vmem>>)
          tpu.yield
        }) : () -> ()
        %eq3A_37 = arith.constant 0 : i32
        %eq3A_38 = arith.cmpi eq, %arg0, %eq3A_37 : i32
        %convert_element_type3A_39 = arith.extui %eq3A_38 : i1 to i32
        %cond3A_40 = arith.constant 0 : i32
        %cond3A_41 = arith.cmpi ne, %convert_element_type3A_39, %cond3A_40 : i32
        scf.if %cond3A_41 {
          %dma_start3A = arith.constant 0 : i32
          %dma_start3A_47 = arith.constant 0 : i32
          %dma_start3A_48 = tpu.memref_slice %arg12[%rem3A_17, %dma_start3A, %dma_start3A_47] : memref<2x448x32xf32, #tpu.memory_space<vmem>> -> memref<1x448x32xf32, #tpu.memory_space<vmem>>
          %dma_start3A_49 = tpu.memref_squeeze %dma_start3A_48 : memref<1x448x32xf32, #tpu.memory_space<vmem>> -> memref<448x32xf32, #tpu.memory_space<vmem>>
          %dma_start3A_50 = arith.constant 0 : i32
          %dma_start3A_51 = tpu.memref_slice %arg10[%rem3A_17, %dma_start3A_50] : memref<2x448xi32, #tpu.memory_space<vmem>> -> memref<1x448xi32, #tpu.memory_space<vmem>>
          %dma_start3A_52 = tpu.memref_squeeze %dma_start3A_51 : memref<1x448xi32, #tpu.memory_space<vmem>> -> memref<448xi32, #tpu.memory_space<vmem>>
          %dma_start3A_53 = arith.constant 0 : i32
          %dma_start3A_54 = arith.constant 0 : i32
          %dma_start3A_55 = tpu.memref_slice %arg4[%dma_start3A_53, %dma_start3A_54] : memref<50000x32xf32, #tpu.memory_space<hbm>> -> memref<50000x32xf32, #tpu.memory_space<hbm>>
          tpu.enqueue_indirect_dma source(%dma_start3A_55 : memref<50000x32xf32, #tpu.memory_space<hbm>>) target(%dma_start3A_49 : memref<448x32xf32, #tpu.memory_space<vmem>>) offsets(%dma_start3A_52 : memref<448xi32, #tpu.memory_space<vmem>>) semaphore(%arg13 : memref<!tpu.dma_semaphore, #tpu.memory_space<semaphore_mem>>)
        } else {
        }
        %eq3A_42 = arith.constant 1 : i32
        %eq3A_43 = arith.cmpi eq, %arg0, %eq3A_42 : i32
        %convert_element_type3A_44 = arith.extui %eq3A_43 : i1 to i32
        %cond3A_45 = arith.constant 0 : i32
        %cond3A_46 = arith.cmpi ne, %convert_element_type3A_44, %cond3A_45 : i32
        scf.if %cond3A_46 {
          %dma_start3A = arith.constant 0 : i32
          %dma_start3A_47 = arith.constant 0 : i32
          %dma_start3A_48 = tpu.memref_slice %arg12[%rem3A_17, %dma_start3A, %dma_start3A_47] : memref<2x448x32xf32, #tpu.memory_space<vmem>> -> memref<1x448x32xf32, #tpu.memory_space<vmem>>
          %dma_start3A_49 = tpu.memref_squeeze %dma_start3A_48 : memref<1x448x32xf32, #tpu.memory_space<vmem>> -> memref<448x32xf32, #tpu.memory_space<vmem>>
          %dma_start3A_50 = arith.constant 0 : i32
          %dma_start3A_51 = tpu.memref_slice %arg10[%rem3A_17, %dma_start3A_50] : memref<2x448xi32, #tpu.memory_space<vmem>> -> memref<1x448xi32, #tpu.memory_space<vmem>>
          %dma_start3A_52 = tpu.memref_squeeze %dma_start3A_51 : memref<1x448xi32, #tpu.memory_space<vmem>> -> memref<448xi32, #tpu.memory_space<vmem>>
          %dma_start3A_53 = arith.constant 0 : i32
          %dma_start3A_54 = arith.constant 0 : i32
          %dma_start3A_55 = tpu.memref_slice %arg5[%dma_start3A_53, %dma_start3A_54] : memref<50000x32xf32, #tpu.memory_space<hbm>> -> memref<50000x32xf32, #tpu.memory_space<hbm>>
          tpu.enqueue_indirect_dma source(%dma_start3A_55 : memref<50000x32xf32, #tpu.memory_space<hbm>>) target(%dma_start3A_49 : memref<448x32xf32, #tpu.memory_space<vmem>>) offsets(%dma_start3A_52 : memref<448xi32, #tpu.memory_space<vmem>>) semaphore(%arg13 : memref<!tpu.dma_semaphore, #tpu.memory_space<semaphore_mem>>)
        } else {
        }
      } else {
      }
      %gt3A = arith.constant 0 : i32
      %gt3A_23 = arith.cmpi sgt, %scan3A_15, %gt3A : i32
      %convert_element_type3A_24 = arith.extui %gt3A_23 : i1 to i32
      %cond3A_25 = arith.constant 0 : i32
      %cond3A_26 = arith.cmpi ne, %convert_element_type3A_24, %cond3A_25 : i32
      scf.if %cond3A_26 {
        "tpu.region"() ({
          %run_scoped3A = tpu.sem_alloc : memref<!tpu.dma_semaphore, #tpu.memory_space<semaphore_mem>>
          %dma_start3A = arith.constant 0 : i32
          %dma_start3A_33 = arith.constant 0 : i32
          %dma_start3A_34 = tpu.memref_slice %arg12[%sub3A_18, %dma_start3A, %dma_start3A_33] : memref<2x448x32xf32, #tpu.memory_space<vmem>> -> memref<1x448x32xf32, #tpu.memory_space<vmem>>
          %dma_start3A_35 = tpu.memref_squeeze %dma_start3A_34 : memref<1x448x32xf32, #tpu.memory_space<vmem>> -> memref<448x32xf32, #tpu.memory_space<vmem>>
          %dma_start3A_36 = arith.constant 0 : i32
          %dma_start3A_37 = tpu.memref_slice %arg11[%sub3A_18, %dma_start3A_36] : memref<2x448xi32, #tpu.memory_space<vmem>> -> memref<1x448xi32, #tpu.memory_space<vmem>>
          %dma_start3A_38 = tpu.memref_squeeze %dma_start3A_37 : memref<1x448xi32, #tpu.memory_space<vmem>> -> memref<448xi32, #tpu.memory_space<vmem>>
          %dma_start3A_39 = arith.constant 0 : i32
          %dma_start3A_40 = arith.constant 0 : i32
          %dma_start3A_41 = tpu.memref_slice %arg9[%dma_start3A_39, %dma_start3A_40] : memref<50176x32xf32, #tpu.memory_space<vmem_shared>> -> memref<50176x32xf32, #tpu.memory_space<vmem_shared>>
          tpu.enqueue_indirect_dma source(%dma_start3A_35 : memref<448x32xf32, #tpu.memory_space<vmem>>) target(%dma_start3A_41 : memref<50176x32xf32, #tpu.memory_space<vmem_shared>>) offsets(%dma_start3A_38 : memref<448xi32, #tpu.memory_space<vmem>>) semaphore(%run_scoped3A : memref<!tpu.dma_semaphore, #tpu.memory_space<semaphore_mem>>) {add = true}
          %dma_wait3A = arith.constant 0 : i32
          %dma_wait3A_42 = arith.constant 0 : i32
          %dma_wait3A_43 = tpu.memref_slice %arg12[%sub3A_18, %dma_wait3A, %dma_wait3A_42] : memref<2x448x32xf32, #tpu.memory_space<vmem>> -> memref<1x448x32xf32, #tpu.memory_space<vmem>>
          %dma_wait3A_44 = tpu.memref_squeeze %dma_wait3A_43 : memref<1x448x32xf32, #tpu.memory_space<vmem>> -> memref<448x32xf32, #tpu.memory_space<vmem>>
          %dma_wait3A_45 = arith.constant 0 : i32
          %dma_wait3A_46 = tpu.memref_slice %arg11[%sub3A_18, %dma_wait3A_45] : memref<2x448xi32, #tpu.memory_space<vmem>> -> memref<1x448xi32, #tpu.memory_space<vmem>>
          %dma_wait3A_47 = tpu.memref_squeeze %dma_wait3A_46 : memref<1x448xi32, #tpu.memory_space<vmem>> -> memref<448xi32, #tpu.memory_space<vmem>>
          %dma_wait3A_48 = arith.constant 0 : i32
          %dma_wait3A_49 = arith.constant 0 : i32
          %dma_wait3A_50 = tpu.memref_slice %arg9[%dma_wait3A_48, %dma_wait3A_49] : memref<50176x32xf32, #tpu.memory_space<vmem_shared>> -> memref<50176x32xf32, #tpu.memory_space<vmem_shared>>
          tpu.wait_indirect_dma semaphore(%run_scoped3A : memref<!tpu.dma_semaphore, #tpu.memory_space<semaphore_mem>>) src(%dma_wait3A_44 : memref<448x32xf32, #tpu.memory_space<vmem>>) dst(%dma_wait3A_50 : memref<50176x32xf32, #tpu.memory_space<vmem_shared>>)
          tpu.yield
        }) : () -> ()
      } else {
      }
      %lt3A_27 = arith.constant 112 : i32
      %lt3A_28 = arith.cmpi slt, %scan3A_15, %lt3A_27 : i32
      %convert_element_type3A_29 = arith.extui %lt3A_28 : i1 to i32
      %cond3A_30 = arith.constant 0 : i32
      %cond3A_31 = arith.cmpi ne, %convert_element_type3A_29, %cond3A_30 : i32
      scf.if %cond3A_31 {
        %dma_wait3A = arith.constant 0 : i32
        %dma_wait3A_33 = arith.constant 0 : i32
        %dma_wait3A_34 = tpu.memref_slice %arg12[%rem3A_17, %dma_wait3A, %dma_wait3A_33] : memref<2x448x32xf32, #tpu.memory_space<vmem>> -> memref<1x448x32xf32, #tpu.memory_space<vmem>>
        %dma_wait3A_35 = tpu.memref_squeeze %dma_wait3A_34 : memref<1x448x32xf32, #tpu.memory_space<vmem>> -> memref<448x32xf32, #tpu.memory_space<vmem>>
        %dma_wait3A_36 = arith.constant 0 : i32
        %dma_wait3A_37 = arith.constant 0 : i32
        %dma_wait3A_38 = tpu.memref_slice %arg4[%dma_wait3A_36, %dma_wait3A_37] : memref<50000x32xf32, #tpu.memory_space<hbm>> -> memref<448x32xf32, #tpu.memory_space<hbm>>
        %dma_wait3A_39 = arith.constant 0 : i32
        %dma_wait3A_40 = arith.constant 0 : i32
        %dma_wait3A_41 = tpu.memref_slice %arg12[%rem3A_17, %dma_wait3A_39, %dma_wait3A_40] : memref<2x448x32xf32, #tpu.memory_space<vmem>> -> memref<1x448x32xf32, #tpu.memory_space<vmem>>
        %dma_wait3A_42 = tpu.memref_squeeze %dma_wait3A_41 : memref<1x448x32xf32, #tpu.memory_space<vmem>> -> memref<448x32xf32, #tpu.memory_space<vmem>>
        %dma_wait3A_43 = arith.constant 0 : i32
        %dma_wait3A_44 = arith.constant 0 : i32
        %dma_wait3A_45 = tpu.memref_slice %arg4[%dma_wait3A_43, %dma_wait3A_44] : memref<50000x32xf32, #tpu.memory_space<hbm>> -> memref<448x32xf32, #tpu.memory_space<hbm>>
        tpu.wait_dma2 semaphore(%arg13 : memref<!tpu.dma_semaphore, #tpu.memory_space<semaphore_mem>>) src(%dma_wait3A_45 : memref<448x32xf32, #tpu.memory_space<hbm>>) dst(%dma_wait3A_42 : memref<448x32xf32, #tpu.memory_space<vmem>>)
      } else {
      }
      %scan3A_32 = arith.constant 0 : i32
      scf.yield %scan3A_32 : i32
    }
    %scan3A_6 = arith.constant 113 : i32
    %barrier3A_7 = arith.constant 0 : index
    tpu.barrier barrier_id(%barrier3A_7)
    %eq3A = arith.constant 0 : i32
    %eq3A_8 = arith.cmpi eq, %arg0, %eq3A : i32
    %convert_element_type3A = arith.extui %eq3A_8 : i1 to i32
    %cond3A = arith.constant 0 : i32
    %cond3A_9 = arith.cmpi ne, %convert_element_type3A, %cond3A : i32
    scf.if %cond3A_9 {
      %mul3A_15 = arith.constant 3136 : i32
      %mul3A_16 = arith.muli %arg1, %mul3A_15 : i32
      %mul3A_17 = arith.constant 3136 : i32
      %mul3A_18 = arith.muli %arg1, %mul3A_17 : i32
      "tpu.region"() ({
        %run_scoped3A = tpu.sem_alloc : memref<!tpu.dma_semaphore, #tpu.memory_space<semaphore_mem>>
        %dma_start3A = arith.constant 0 : i32
        %dma_start3A_19 = tpu.memref_slice %arg7[%mul3A_18, %dma_start3A] : memref<50176x32xf32, #tpu.memory_space<hbm>> -> memref<3136x32xf32, #tpu.memory_space<hbm>>
        %dma_start3A_20 = arith.constant 0 : i32
        %dma_start3A_21 = tpu.memref_slice %arg9[%mul3A_16, %dma_start3A_20] : memref<50176x32xf32, #tpu.memory_space<vmem_shared>> -> memref<3136x32xf32, #tpu.memory_space<vmem_shared>>
        tpu.enqueue_dma source(%dma_start3A_21 : memref<3136x32xf32, #tpu.memory_space<vmem_shared>>) target(%dma_start3A_19 : memref<3136x32xf32, #tpu.memory_space<hbm>>) target_semaphore(%run_scoped3A : memref<!tpu.dma_semaphore, #tpu.memory_space<semaphore_mem>>)
        %dma_wait3A = arith.constant 0 : i32
        %dma_wait3A_22 = tpu.memref_slice %arg7[%mul3A_18, %dma_wait3A] : memref<50176x32xf32, #tpu.memory_space<hbm>> -> memref<3136x32xf32, #tpu.memory_space<hbm>>
        %dma_wait3A_23 = arith.constant 0 : i32
        %dma_wait3A_24 = tpu.memref_slice %arg9[%mul3A_16, %dma_wait3A_23] : memref<50176x32xf32, #tpu.memory_space<vmem_shared>> -> memref<3136x32xf32, #tpu.memory_space<vmem_shared>>
        tpu.wait_dma2 semaphore(%run_scoped3A : memref<!tpu.dma_semaphore, #tpu.memory_space<semaphore_mem>>) src(%dma_wait3A_24 : memref<3136x32xf32, #tpu.memory_space<vmem_shared>>) dst(%dma_wait3A_22 : memref<3136x32xf32, #tpu.memory_space<hbm>>)
        tpu.yield
      }) : () -> ()
    } else {
    }
    %eq3A_10 = arith.constant 1 : i32
    %eq3A_11 = arith.cmpi eq, %arg0, %eq3A_10 : i32
    %convert_element_type3A_12 = arith.extui %eq3A_11 : i1 to i32
    %cond3A_13 = arith.constant 0 : i32
    %cond3A_14 = arith.cmpi ne, %convert_element_type3A_12, %cond3A_13 : i32
    scf.if %cond3A_14 {
      %mul3A_15 = arith.constant 3136 : i32
      %mul3A_16 = arith.muli %arg1, %mul3A_15 : i32
      %mul3A_17 = arith.constant 3136 : i32
      %mul3A_18 = arith.muli %arg1, %mul3A_17 : i32
      "tpu.region"() ({
        %run_scoped3A = tpu.sem_alloc : memref<!tpu.dma_semaphore, #tpu.memory_space<semaphore_mem>>
        %dma_start3A = arith.constant 0 : i32
        %dma_start3A_19 = tpu.memref_slice %arg8[%mul3A_18, %dma_start3A] : memref<50176x32xf32, #tpu.memory_space<hbm>> -> memref<3136x32xf32, #tpu.memory_space<hbm>>
        %dma_start3A_20 = arith.constant 0 : i32
        %dma_start3A_21 = tpu.memref_slice %arg9[%mul3A_16, %dma_start3A_20] : memref<50176x32xf32, #tpu.memory_space<vmem_shared>> -> memref<3136x32xf32, #tpu.memory_space<vmem_shared>>
        tpu.enqueue_dma source(%dma_start3A_21 : memref<3136x32xf32, #tpu.memory_space<vmem_shared>>) target(%dma_start3A_19 : memref<3136x32xf32, #tpu.memory_space<hbm>>) target_semaphore(%run_scoped3A : memref<!tpu.dma_semaphore, #tpu.memory_space<semaphore_mem>>)
        %dma_wait3A = arith.constant 0 : i32
        %dma_wait3A_22 = tpu.memref_slice %arg8[%mul3A_18, %dma_wait3A] : memref<50176x32xf32, #tpu.memory_space<hbm>> -> memref<3136x32xf32, #tpu.memory_space<hbm>>
        %dma_wait3A_23 = arith.constant 0 : i32
        %dma_wait3A_24 = tpu.memref_slice %arg9[%mul3A_16, %dma_wait3A_23] : memref<50176x32xf32, #tpu.memory_space<vmem_shared>> -> memref<3136x32xf32, #tpu.memory_space<vmem_shared>>
        tpu.wait_dma2 semaphore(%run_scoped3A : memref<!tpu.dma_semaphore, #tpu.memory_space<semaphore_mem>>) src(%dma_wait3A_24 : memref<3136x32xf32, #tpu.memory_space<vmem_shared>>) dst(%dma_wait3A_22 : memref<3136x32xf32, #tpu.memory_space<hbm>>)
        tpu.yield
      }) : () -> ()
    } else {
    }
    return
  }
}

#map = affine_map<(d0, d1) -> (0, 0)>
#map1 = affine_map<(d0, d1) -> (0)>
module attributes {stable_mosaic.version = 14 : i64} {
  func.func @_filter_body(%arg0: i32, %arg1: i32, %arg2: memref<32x128xi32, #tpu.memory_space<hbm>>, %arg3: memref<802816xi32, #tpu.memory_space<hbm>>, %arg4: memref<802816xi32, #tpu.memory_space<hbm>>, %arg5: memref<802816xi32, #tpu.memory_space<hbm>>, %arg6: memref<802816xi32, #tpu.memory_space<hbm>>, %arg7: memref<3136xi32, #tpu.memory_space<hbm>>, %arg8: memref<25088xi32, #tpu.memory_space<hbm>>, %arg9: memref<25088xi32, #tpu.memory_space<hbm>>, %arg10: memref<803328xi32, #tpu.memory_space<hbm>>, %arg11: memref<803328xi32, #tpu.memory_space<hbm>>, %arg12: memref<803328xi32, #tpu.memory_space<hbm>>, %arg13: memref<803328xi32, #tpu.memory_space<hbm>>, %arg14: memref<512xi32, #tpu.memory_space<hbm>>, %arg15: memref<512xi32, #tpu.memory_space<hbm>>, %arg16: memref<50176xi32, #tpu.memory_space<vmem_shared>>, %arg17: memref<401664xi32, #tpu.memory_space<vmem_shared>>, %arg18: memref<401664xi32, #tpu.memory_space<vmem_shared>>, %arg19: memref<2x1792xi32, #tpu.memory_space<vmem>>, %arg20: memref<2x1792xi32, #tpu.memory_space<vmem>>, %arg21: memref<1792xi32, #tpu.memory_space<vmem>>, %arg22: memref<2x1792xi32, #tpu.memory_space<vmem>>, %arg23: memref<128xi32, #tpu.memory_space<vmem>>, %arg24: memref<128xi32, #tpu.memory_space<vmem>>, %arg25: memref<16xi32, #tpu.memory_space<vmem>>, %arg26: memref<!tpu.dma_semaphore, #tpu.memory_space<semaphore_mem>>) attributes {dimension_semantics = [#tpu.dimension_semantics<core_parallel>, #tpu.dimension_semantics<subcore_parallel>], iteration_bounds = array<i64: 2, 16>, scalar_prefetch = 0 : i64, scratch_operands = 11 : i64, tpu.core_type = #tpu.core_type<sc_vector_subcore>, window_params = [{transform_indices = #map}, {transform_indices = #map1}, {transform_indices = #map1}, {transform_indices = #map1}, {transform_indices = #map1}, {transform_indices = #map1}, {transform_indices = #map1}, {transform_indices = #map1}, {transform_indices = #map1}, {transform_indices = #map1}, {transform_indices = #map1}, {transform_indices = #map1}, {transform_indices = #map1}, {transform_indices = #map1}]} {
    %mul3A = arith.constant 2 : i32
    %mul3A_0 = arith.muli %arg1, %mul3A : i32
    %add3A = arith.addi %mul3A_0, %arg0 : i32
    %mul3A_1 = arith.constant 3136 : i32
    %mul3A_2 = arith.muli %arg1, %mul3A_1 : i32
    "tpu.region"() ({
      %run_scoped3A = tpu.sem_alloc : memref<!tpu.dma_semaphore, #tpu.memory_space<semaphore_mem>>
      %dma_start3A = tpu.memref_slice %arg16[%mul3A_2] : memref<50176xi32, #tpu.memory_space<vmem_shared>> -> memref<3136xi32, #tpu.memory_space<vmem_shared>>
      tpu.enqueue_dma source(%arg7 : memref<3136xi32, #tpu.memory_space<hbm>>) target(%dma_start3A : memref<3136xi32, #tpu.memory_space<vmem_shared>>) target_semaphore(%run_scoped3A : memref<!tpu.dma_semaphore, #tpu.memory_space<semaphore_mem>>)
      %dma_wait3A = tpu.memref_slice %arg16[%mul3A_2] : memref<50176xi32, #tpu.memory_space<vmem_shared>> -> memref<3136xi32, #tpu.memory_space<vmem_shared>>
      tpu.wait_dma2 semaphore(%run_scoped3A : memref<!tpu.dma_semaphore, #tpu.memory_space<semaphore_mem>>) src(%arg7 : memref<3136xi32, #tpu.memory_space<hbm>>) dst(%dma_wait3A : memref<3136xi32, #tpu.memory_space<vmem_shared>>)
      tpu.yield
    }) : () -> ()
    %scan3A = arith.constant 0 : i32
    %scan3A_3 = arith.constant 0 : i32
    %scan3A_4 = arith.constant 8 : i32
    %scan3A_5 = arith.addi %scan3A_3, %scan3A_4 : i32
    %scan3A_6 = arith.constant 1 : i32
    %scan3A_7 = scf.for %scan3A_82 = %scan3A_3 to %scan3A_5 step %scan3A_6 iter_args(%scan3A_83 = %scan3A) -> (i32)  : i32 {
      %broadcast_in_dim3A_84 = arith.constant 1 : i32
      %broadcast_in_dim3A_85 = vector.broadcast %broadcast_in_dim3A_84 : i32 to vector<16xi32>
      %mul3A_86 = arith.constant 16 : i32
      %mul3A_87 = arith.muli %scan3A_82, %mul3A_86 : i32
      %swap3A_88 = arith.index_cast %mul3A_87 : i32 to index
      %swap3A_89 = tpu.vector_load %arg24[%swap3A_88] {strides = array<i32>} : memref<128xi32, #tpu.memory_space<vmem>>, vector<16xi32>,
      %swap3A_90 = vector.shape_cast %swap3A_89 : vector<16xi32> to vector<16xi32>
      %swap3A_91 = vector.shape_cast %broadcast_in_dim3A_85 : vector<16xi32> to vector<16xi32>
      tpu.vector_store %arg24[%swap3A_88], %swap3A_91 {strides = array<i32>} : memref<128xi32, #tpu.memory_space<vmem>>, vector<16xi32>,
      %scan3A_92 = arith.constant 0 : i32
      scf.yield %scan3A_92 : i32
    }
    %scan3A_8 = arith.constant 8 : i32
    %barrier3A = arith.constant 0 : index
    tpu.barrier barrier_id(%barrier3A)
    %mul3A_9 = arith.constant 2 : i32
    %mul3A_10 = arith.muli %mul3A_9, %arg1 : i32
    "tpu.region"() ({
      %run_scoped3A = tpu.sem_alloc : memref<!tpu.dma_semaphore, #tpu.memory_space<semaphore_mem>>
      %dma_start3A = arith.constant 0 : i32
      %dma_start3A_82 = tpu.memref_slice %arg2[%mul3A_10, %dma_start3A] : memref<32x128xi32, #tpu.memory_space<hbm>> -> memref<1x128xi32, #tpu.memory_space<hbm>>
      %dma_start3A_83 = tpu.memref_squeeze %dma_start3A_82 : memref<1x128xi32, #tpu.memory_space<hbm>> -> memref<128xi32, #tpu.memory_space<hbm>>
      %dma_start3A_84 = arith.constant 0 : i32
      %dma_start3A_85 = tpu.memref_slice %arg2[%mul3A_10, %dma_start3A_84] : memref<32x128xi32, #tpu.memory_space<hbm>> -> memref<1x128xi32, #tpu.memory_space<hbm>>
      %dma_start3A_86 = tpu.memref_squeeze %dma_start3A_85 : memref<1x128xi32, #tpu.memory_space<hbm>> -> memref<128xi32, #tpu.memory_space<hbm>>
      tpu.enqueue_dma source(%dma_start3A_86 : memref<128xi32, #tpu.memory_space<hbm>>) target(%arg23 : memref<128xi32, #tpu.memory_space<vmem>>) target_semaphore(%run_scoped3A : memref<!tpu.dma_semaphore, #tpu.memory_space<semaphore_mem>>)
      %dma_wait3A = arith.constant 0 : i32
      %dma_wait3A_87 = tpu.memref_slice %arg2[%mul3A_10, %dma_wait3A] : memref<32x128xi32, #tpu.memory_space<hbm>> -> memref<1x128xi32, #tpu.memory_space<hbm>>
      %dma_wait3A_88 = tpu.memref_squeeze %dma_wait3A_87 : memref<1x128xi32, #tpu.memory_space<hbm>> -> memref<128xi32, #tpu.memory_space<hbm>>
      %dma_wait3A_89 = arith.constant 0 : i32
      %dma_wait3A_90 = tpu.memref_slice %arg2[%mul3A_10, %dma_wait3A_89] : memref<32x128xi32, #tpu.memory_space<hbm>> -> memref<1x128xi32, #tpu.memory_space<hbm>>
      %dma_wait3A_91 = tpu.memref_squeeze %dma_wait3A_90 : memref<1x128xi32, #tpu.memory_space<hbm>> -> memref<128xi32, #tpu.memory_space<hbm>>
      tpu.wait_dma2 semaphore(%run_scoped3A : memref<!tpu.dma_semaphore, #tpu.memory_space<semaphore_mem>>) src(%dma_wait3A_91 : memref<128xi32, #tpu.memory_space<hbm>>) dst(%arg23 : memref<128xi32, #tpu.memory_space<vmem>>)
      tpu.yield
    }) : () -> ()
    "tpu.region"() ({
      %run_scoped3A = tpu.sem_alloc : memref<!tpu.dma_semaphore, #tpu.memory_space<semaphore_mem>>
      %dma_start3A = arith.constant 0 : i32
      %dma_start3A_82 = tpu.memref_slice %arg16[%dma_start3A] : memref<50176xi32, #tpu.memory_space<vmem_shared>> -> memref<50176xi32, #tpu.memory_space<vmem_shared>>
      tpu.enqueue_indirect_dma source(%arg24 : memref<128xi32, #tpu.memory_space<vmem>>) target(%dma_start3A_82 : memref<50176xi32, #tpu.memory_space<vmem_shared>>) offsets(%arg23 : memref<128xi32, #tpu.memory_space<vmem>>) semaphore(%run_scoped3A : memref<!tpu.dma_semaphore, #tpu.memory_space<semaphore_mem>>) {add = true}
      %dma_wait3A = arith.constant 0 : i32
      %dma_wait3A_83 = tpu.memref_slice %arg16[%dma_wait3A] : memref<50176xi32, #tpu.memory_space<vmem_shared>> -> memref<50176xi32, #tpu.memory_space<vmem_shared>>
      tpu.wait_indirect_dma semaphore(%run_scoped3A : memref<!tpu.dma_semaphore, #tpu.memory_space<semaphore_mem>>) src(%arg24 : memref<128xi32, #tpu.memory_space<vmem>>) dst(%dma_wait3A_83 : memref<50176xi32, #tpu.memory_space<vmem_shared>>)
      tpu.yield
    }) : () -> ()
    %mul3A_11 = arith.constant 2 : i32
    %mul3A_12 = arith.muli %mul3A_11, %arg1 : i32
    %add3A_13 = arith.constant 1 : i32
    %add3A_14 = arith.addi %mul3A_12, %add3A_13 : i32
    "tpu.region"() ({
      %run_scoped3A = tpu.sem_alloc : memref<!tpu.dma_semaphore, #tpu.memory_space<semaphore_mem>>
      %dma_start3A = arith.constant 0 : i32
      %dma_start3A_82 = tpu.memref_slice %arg2[%add3A_14, %dma_start3A] : memref<32x128xi32, #tpu.memory_space<hbm>> -> memref<1x128xi32, #tpu.memory_space<hbm>>
      %dma_start3A_83 = tpu.memref_squeeze %dma_start3A_82 : memref<1x128xi32, #tpu.memory_space<hbm>> -> memref<128xi32, #tpu.memory_space<hbm>>
      %dma_start3A_84 = arith.constant 0 : i32
      %dma_start3A_85 = tpu.memref_slice %arg2[%add3A_14, %dma_start3A_84] : memref<32x128xi32, #tpu.memory_space<hbm>> -> memref<1x128xi32, #tpu.memory_space<hbm>>
      %dma_start3A_86 = tpu.memref_squeeze %dma_start3A_85 : memref<1x128xi32, #tpu.memory_space<hbm>> -> memref<128xi32, #tpu.memory_space<hbm>>
      tpu.enqueue_dma source(%dma_start3A_86 : memref<128xi32, #tpu.memory_space<hbm>>) target(%arg23 : memref<128xi32, #tpu.memory_space<vmem>>) target_semaphore(%run_scoped3A : memref<!tpu.dma_semaphore, #tpu.memory_space<semaphore_mem>>)
      %dma_wait3A = arith.constant 0 : i32
      %dma_wait3A_87 = tpu.memref_slice %arg2[%add3A_14, %dma_wait3A] : memref<32x128xi32, #tpu.memory_space<hbm>> -> memref<1x128xi32, #tpu.memory_space<hbm>>
      %dma_wait3A_88 = tpu.memref_squeeze %dma_wait3A_87 : memref<1x128xi32, #tpu.memory_space<hbm>> -> memref<128xi32, #tpu.memory_space<hbm>>
      %dma_wait3A_89 = arith.constant 0 : i32
      %dma_wait3A_90 = tpu.memref_slice %arg2[%add3A_14, %dma_wait3A_89] : memref<32x128xi32, #tpu.memory_space<hbm>> -> memref<1x128xi32, #tpu.memory_space<hbm>>
      %dma_wait3A_91 = tpu.memref_squeeze %dma_wait3A_90 : memref<1x128xi32, #tpu.memory_space<hbm>> -> memref<128xi32, #tpu.memory_space<hbm>>
      tpu.wait_dma2 semaphore(%run_scoped3A : memref<!tpu.dma_semaphore, #tpu.memory_space<semaphore_mem>>) src(%dma_wait3A_91 : memref<128xi32, #tpu.memory_space<hbm>>) dst(%arg23 : memref<128xi32, #tpu.memory_space<vmem>>)
      tpu.yield
    }) : () -> ()
    "tpu.region"() ({
      %run_scoped3A = tpu.sem_alloc : memref<!tpu.dma_semaphore, #tpu.memory_space<semaphore_mem>>
      %dma_start3A = arith.constant 0 : i32
      %dma_start3A_82 = tpu.memref_slice %arg16[%dma_start3A] : memref<50176xi32, #tpu.memory_space<vmem_shared>> -> memref<50176xi32, #tpu.memory_space<vmem_shared>>
      tpu.enqueue_indirect_dma source(%arg24 : memref<128xi32, #tpu.memory_space<vmem>>) target(%dma_start3A_82 : memref<50176xi32, #tpu.memory_space<vmem_shared>>) offsets(%arg23 : memref<128xi32, #tpu.memory_space<vmem>>) semaphore(%run_scoped3A : memref<!tpu.dma_semaphore, #tpu.memory_space<semaphore_mem>>) {add = true}
      %dma_wait3A = arith.constant 0 : i32
      %dma_wait3A_83 = tpu.memref_slice %arg16[%dma_wait3A] : memref<50176xi32, #tpu.memory_space<vmem_shared>> -> memref<50176xi32, #tpu.memory_space<vmem_shared>>
      tpu.wait_indirect_dma semaphore(%run_scoped3A : memref<!tpu.dma_semaphore, #tpu.memory_space<semaphore_mem>>) src(%arg24 : memref<128xi32, #tpu.memory_space<vmem>>) dst(%dma_wait3A_83 : memref<50176xi32, #tpu.memory_space<vmem_shared>>)
      tpu.yield
    }) : () -> ()
    %barrier3A_15 = arith.constant 0 : index
    tpu.barrier barrier_id(%barrier3A_15)
    %iota3A = tpu.iota {dimensions = array<i32: 0>} : vector<16xi32>
    %broadcast_in_dim3A = arith.constant 1 : i32
    %broadcast_in_dim3A_16 = vector.broadcast %broadcast_in_dim3A : i32 to vector<16xi32>
    %mul3A_17 = arith.constant 25088 : i32
    %mul3A_18 = arith.muli %arg1, %mul3A_17 : i32
    "tpu.region"() ({
      %run_scoped3A = tpu.sem_alloc : memref<!tpu.dma_semaphore, #tpu.memory_space<semaphore_mem>>
      %dma_start3A = tpu.memref_slice %arg17[%mul3A_18] : memref<401664xi32, #tpu.memory_space<vmem_shared>> -> memref<25088xi32, #tpu.memory_space<vmem_shared>>
      tpu.enqueue_dma source(%arg8 : memref<25088xi32, #tpu.memory_space<hbm>>) target(%dma_start3A : memref<25088xi32, #tpu.memory_space<vmem_shared>>) target_semaphore(%run_scoped3A : memref<!tpu.dma_semaphore, #tpu.memory_space<semaphore_mem>>)
      %dma_wait3A = tpu.memref_slice %arg17[%mul3A_18] : memref<401664xi32, #tpu.memory_space<vmem_shared>> -> memref<25088xi32, #tpu.memory_space<vmem_shared>>
      tpu.wait_dma2 semaphore(%run_scoped3A : memref<!tpu.dma_semaphore, #tpu.memory_space<semaphore_mem>>) src(%arg8 : memref<25088xi32, #tpu.memory_space<hbm>>) dst(%dma_wait3A : memref<25088xi32, #tpu.memory_space<vmem_shared>>)
      tpu.yield
    }) : () -> ()
    %mul3A_19 = arith.constant 25088 : i32
    %mul3A_20 = arith.muli %arg1, %mul3A_19 : i32
    "tpu.region"() ({
      %run_scoped3A = tpu.sem_alloc : memref<!tpu.dma_semaphore, #tpu.memory_space<semaphore_mem>>
      %dma_start3A = tpu.memref_slice %arg18[%mul3A_20] : memref<401664xi32, #tpu.memory_space<vmem_shared>> -> memref<25088xi32, #tpu.memory_space<vmem_shared>>
      tpu.enqueue_dma source(%arg9 : memref<25088xi32, #tpu.memory_space<hbm>>) target(%dma_start3A : memref<25088xi32, #tpu.memory_space<vmem_shared>>) target_semaphore(%run_scoped3A : memref<!tpu.dma_semaphore, #tpu.memory_space<semaphore_mem>>)
      %dma_wait3A = tpu.memref_slice %arg18[%mul3A_20] : memref<401664xi32, #tpu.memory_space<vmem_shared>> -> memref<25088xi32, #tpu.memory_space<vmem_shared>>
      tpu.wait_dma2 semaphore(%run_scoped3A : memref<!tpu.dma_semaphore, #tpu.memory_space<semaphore_mem>>) src(%arg9 : memref<25088xi32, #tpu.memory_space<hbm>>) dst(%dma_wait3A : memref<25088xi32, #tpu.memory_space<vmem_shared>>)
      tpu.yield
    }) : () -> ()
    %broadcast_in_dim3A_21 = arith.constant 0 : i32
    %broadcast_in_dim3A_22 = vector.broadcast %broadcast_in_dim3A_21 : i32 to vector<16xi32>
    %swap3A = arith.constant 0 : index
    %swap3A_23 = tpu.vector_load %arg25[%swap3A] {strides = array<i32>} : memref<16xi32, #tpu.memory_space<vmem>>, vector<16xi32>,
    %swap3A_24 = vector.shape_cast %swap3A_23 : vector<16xi32> to vector<16xi32>
    %swap3A_25 = vector.shape_cast %broadcast_in_dim3A_22 : vector<16xi32> to vector<16xi32>
    tpu.vector_store %arg25[%swap3A], %swap3A_25 {strides = array<i32>} : memref<16xi32, #tpu.memory_space<vmem>>, vector<16xi32>,
    %mul3A_26 = arith.constant 25088 : i32
    %mul3A_27 = arith.muli %arg1, %mul3A_26 : i32
    %mul3A_28 = arith.constant 16 : i32
    %mul3A_29 = arith.muli %arg1, %mul3A_28 : i32
    %add3A_30 = arith.constant 401408 : i32
    %add3A_31 = arith.addi %add3A_30, %mul3A_29 : i32
    %scan3A_32 = arith.constant 0 : i32
    %scan3A_33 = arith.constant 0 : i32
    %scan3A_34 = arith.constant 15 : i32
    %scan3A_35 = arith.addi %scan3A_33, %scan3A_34 : i32
    %scan3A_36 = arith.constant 1 : i32
    %scan3A_37 = scf.for %scan3A_82 = %scan3A_33 to %scan3A_35 step %scan3A_36 iter_args(%scan3A_83 = %scan3A_32) -> (i32)  : i32 {
      %rem3A = arith.constant 2 : i32
      %rem3A_84 = arith.remsi %scan3A_82, %rem3A : i32
      %sub3A = arith.constant 1 : i32
      %sub3A_85 = arith.subi %sub3A, %rem3A_84 : i32
      %lt3A = arith.constant 14 : i32
      %lt3A_86 = arith.cmpi slt, %scan3A_82, %lt3A : i32
      %convert_element_type3A = arith.extui %lt3A_86 : i1 to i32
      %cond3A = arith.constant 0 : i32
      %cond3A_87 = arith.cmpi ne, %convert_element_type3A, %cond3A : i32
      scf.if %cond3A_87 {
        %mul3A_93 = arith.constant 196 : i32
        %mul3A_94 = arith.muli %add3A, %mul3A_93 : i32
        %mul3A_95 = arith.constant 14 : i32
        %mul3A_96 = arith.muli %scan3A_82, %mul3A_95 : i32
        %add3A_97 = arith.addi %mul3A_94, %mul3A_96 : i32
        %mul3A_98 = arith.constant 128 : i32
        %mul3A_99 = arith.muli %add3A_97, %mul3A_98 : i32
        "tpu.region"() ({
          %run_scoped3A = tpu.sem_alloc : memref<!tpu.dma_semaphore, #tpu.memory_space<semaphore_mem>>
          %dma_start3A_115 = arith.constant 0 : i32
          %dma_start3A_116 = tpu.memref_slice %arg19[%rem3A_84, %dma_start3A_115] : memref<2x1792xi32, #tpu.memory_space<vmem>> -> memref<1x1792xi32, #tpu.memory_space<vmem>>
          %dma_start3A_117 = tpu.memref_squeeze %dma_start3A_116 : memref<1x1792xi32, #tpu.memory_space<vmem>> -> memref<1792xi32, #tpu.memory_space<vmem>>
          %dma_start3A_118 = tpu.memref_slice %arg3[%mul3A_99] : memref<802816xi32, #tpu.memory_space<hbm>> -> memref<1792xi32, #tpu.memory_space<hbm>>
          %dma_start3A_119 = arith.constant 0 : i32
          %dma_start3A_120 = tpu.memref_slice %arg19[%rem3A_84, %dma_start3A_119] : memref<2x1792xi32, #tpu.memory_space<vmem>> -> memref<1x1792xi32, #tpu.memory_space<vmem>>
          %dma_start3A_121 = tpu.memref_squeeze %dma_start3A_120 : memref<1x1792xi32, #tpu.memory_space<vmem>> -> memref<1792xi32, #tpu.memory_space<vmem>>
          %dma_start3A_122 = tpu.memref_slice %arg3[%mul3A_99] : memref<802816xi32, #tpu.memory_space<hbm>> -> memref<1792xi32, #tpu.memory_space<hbm>>
          tpu.enqueue_dma source(%dma_start3A_122 : memref<1792xi32, #tpu.memory_space<hbm>>) target(%dma_start3A_121 : memref<1792xi32, #tpu.memory_space<vmem>>) target_semaphore(%run_scoped3A : memref<!tpu.dma_semaphore, #tpu.memory_space<semaphore_mem>>)
          %dma_wait3A_123 = arith.constant 0 : i32
          %dma_wait3A_124 = tpu.memref_slice %arg19[%rem3A_84, %dma_wait3A_123] : memref<2x1792xi32, #tpu.memory_space<vmem>> -> memref<1x1792xi32, #tpu.memory_space<vmem>>
          %dma_wait3A_125 = tpu.memref_squeeze %dma_wait3A_124 : memref<1x1792xi32, #tpu.memory_space<vmem>> -> memref<1792xi32, #tpu.memory_space<vmem>>
          %dma_wait3A_126 = tpu.memref_slice %arg3[%mul3A_99] : memref<802816xi32, #tpu.memory_space<hbm>> -> memref<1792xi32, #tpu.memory_space<hbm>>
          %dma_wait3A_127 = arith.constant 0 : i32
          %dma_wait3A_128 = tpu.memref_slice %arg19[%rem3A_84, %dma_wait3A_127] : memref<2x1792xi32, #tpu.memory_space<vmem>> -> memref<1x1792xi32, #tpu.memory_space<vmem>>
          %dma_wait3A_129 = tpu.memref_squeeze %dma_wait3A_128 : memref<1x1792xi32, #tpu.memory_space<vmem>> -> memref<1792xi32, #tpu.memory_space<vmem>>
          %dma_wait3A_130 = tpu.memref_slice %arg3[%mul3A_99] : memref<802816xi32, #tpu.memory_space<hbm>> -> memref<1792xi32, #tpu.memory_space<hbm>>
          tpu.wait_dma2 semaphore(%run_scoped3A : memref<!tpu.dma_semaphore, #tpu.memory_space<semaphore_mem>>) src(%dma_wait3A_130 : memref<1792xi32, #tpu.memory_space<hbm>>) dst(%dma_wait3A_129 : memref<1792xi32, #tpu.memory_space<vmem>>)
          tpu.yield
        }) : () -> ()
        "tpu.region"() ({
          %run_scoped3A = tpu.sem_alloc : memref<!tpu.dma_semaphore, #tpu.memory_space<semaphore_mem>>
          %dma_start3A_115 = arith.constant 0 : i32
          %dma_start3A_116 = tpu.memref_slice %arg20[%rem3A_84, %dma_start3A_115] : memref<2x1792xi32, #tpu.memory_space<vmem>> -> memref<1x1792xi32, #tpu.memory_space<vmem>>
          %dma_start3A_117 = tpu.memref_squeeze %dma_start3A_116 : memref<1x1792xi32, #tpu.memory_space<vmem>> -> memref<1792xi32, #tpu.memory_space<vmem>>
          %dma_start3A_118 = tpu.memref_slice %arg4[%mul3A_99] : memref<802816xi32, #tpu.memory_space<hbm>> -> memref<1792xi32, #tpu.memory_space<hbm>>
          %dma_start3A_119 = arith.constant 0 : i32
          %dma_start3A_120 = tpu.memref_slice %arg20[%rem3A_84, %dma_start3A_119] : memref<2x1792xi32, #tpu.memory_space<vmem>> -> memref<1x1792xi32, #tpu.memory_space<vmem>>
          %dma_start3A_121 = tpu.memref_squeeze %dma_start3A_120 : memref<1x1792xi32, #tpu.memory_space<vmem>> -> memref<1792xi32, #tpu.memory_space<vmem>>
          %dma_start3A_122 = tpu.memref_slice %arg4[%mul3A_99] : memref<802816xi32, #tpu.memory_space<hbm>> -> memref<1792xi32, #tpu.memory_space<hbm>>
          tpu.enqueue_dma source(%dma_start3A_122 : memref<1792xi32, #tpu.memory_space<hbm>>) target(%dma_start3A_121 : memref<1792xi32, #tpu.memory_space<vmem>>) target_semaphore(%run_scoped3A : memref<!tpu.dma_semaphore, #tpu.memory_space<semaphore_mem>>)
          %dma_wait3A_123 = arith.constant 0 : i32
          %dma_wait3A_124 = tpu.memref_slice %arg20[%rem3A_84, %dma_wait3A_123] : memref<2x1792xi32, #tpu.memory_space<vmem>> -> memref<1x1792xi32, #tpu.memory_space<vmem>>
          %dma_wait3A_125 = tpu.memref_squeeze %dma_wait3A_124 : memref<1x1792xi32, #tpu.memory_space<vmem>> -> memref<1792xi32, #tpu.memory_space<vmem>>
          %dma_wait3A_126 = tpu.memref_slice %arg4[%mul3A_99] : memref<802816xi32, #tpu.memory_space<hbm>> -> memref<1792xi32, #tpu.memory_space<hbm>>
          %dma_wait3A_127 = arith.constant 0 : i32
          %dma_wait3A_128 = tpu.memref_slice %arg20[%rem3A_84, %dma_wait3A_127] : memref<2x1792xi32, #tpu.memory_space<vmem>> -> memref<1x1792xi32, #tpu.memory_space<vmem>>
          %dma_wait3A_129 = tpu.memref_squeeze %dma_wait3A_128 : memref<1x1792xi32, #tpu.memory_space<vmem>> -> memref<1792xi32, #tpu.memory_space<vmem>>
          %dma_wait3A_130 = tpu.memref_slice %arg4[%mul3A_99] : memref<802816xi32, #tpu.memory_space<hbm>> -> memref<1792xi32, #tpu.memory_space<hbm>>
          tpu.wait_dma2 semaphore(%run_scoped3A : memref<!tpu.dma_semaphore, #tpu.memory_space<semaphore_mem>>) src(%dma_wait3A_130 : memref<1792xi32, #tpu.memory_space<hbm>>) dst(%dma_wait3A_129 : memref<1792xi32, #tpu.memory_space<vmem>>)
          tpu.yield
        }) : () -> ()
        %dma_start3A = arith.constant 0 : i32
        %dma_start3A_100 = tpu.memref_slice %arg19[%rem3A_84, %dma_start3A] : memref<2x1792xi32, #tpu.memory_space<vmem>> -> memref<1x1792xi32, #tpu.memory_space<vmem>>
        %dma_start3A_101 = tpu.memref_squeeze %dma_start3A_100 : memref<1x1792xi32, #tpu.memory_space<vmem>> -> memref<1792xi32, #tpu.memory_space<vmem>>
        %dma_start3A_102 = arith.constant 0 : i32
        %dma_start3A_103 = tpu.memref_slice %arg16[%dma_start3A_102] : memref<50176xi32, #tpu.memory_space<vmem_shared>> -> memref<50176xi32, #tpu.memory_space<vmem_shared>>
        tpu.enqueue_indirect_dma source(%dma_start3A_103 : memref<50176xi32, #tpu.memory_space<vmem_shared>>) target(%arg21 : memref<1792xi32, #tpu.memory_space<vmem>>) offsets(%dma_start3A_101 : memref<1792xi32, #tpu.memory_space<vmem>>) semaphore(%arg26 : memref<!tpu.dma_semaphore, #tpu.memory_space<semaphore_mem>>)
        %dma_wait3A = arith.constant 0 : i32
        %dma_wait3A_104 = tpu.memref_slice %arg19[%rem3A_84, %dma_wait3A] : memref<2x1792xi32, #tpu.memory_space<vmem>> -> memref<1x1792xi32, #tpu.memory_space<vmem>>
        %dma_wait3A_105 = tpu.memref_squeeze %dma_wait3A_104 : memref<1x1792xi32, #tpu.memory_space<vmem>> -> memref<1792xi32, #tpu.memory_space<vmem>>
        %dma_wait3A_106 = arith.constant 0 : i32
        %dma_wait3A_107 = tpu.memref_slice %arg16[%dma_wait3A_106] : memref<50176xi32, #tpu.memory_space<vmem_shared>> -> memref<50176xi32, #tpu.memory_space<vmem_shared>>
        tpu.wait_indirect_dma semaphore(%arg26 : memref<!tpu.dma_semaphore, #tpu.memory_space<semaphore_mem>>) src(%dma_wait3A_107 : memref<50176xi32, #tpu.memory_space<vmem_shared>>) dst(%arg21 : memref<1792xi32, #tpu.memory_space<vmem>>)
        %scan3A_108 = arith.constant 0 : i32
        %scan3A_109 = arith.constant 0 : i32
        %scan3A_110 = arith.constant 112 : i32
        %scan3A_111 = arith.addi %scan3A_109, %scan3A_110 : i32
        %scan3A_112 = arith.constant 1 : i32
        %scan3A_113 = scf.for %scan3A_115 = %scan3A_109 to %scan3A_111 step %scan3A_112 iter_args(%scan3A_116 = %scan3A_108) -> (i32)  : i32 {
          %mul3A_117 = arith.constant 16 : i32
          %mul3A_118 = arith.muli %scan3A_115, %mul3A_117 : i32
          %get3A = arith.index_cast %mul3A_118 : i32 to index
          %get3A_119 = tpu.vector_load %arg21[%get3A] {strides = array<i32>} : memref<1792xi32, #tpu.memory_space<vmem>>, vector<16xi32>,
          %get3A_120 = vector.shape_cast %get3A_119 : vector<16xi32> to vector<16xi32>
          %min3A = arith.minsi %get3A_120, %broadcast_in_dim3A_16 : vector<16xi32>
          %get3A_121 = arith.constant 0 : index
          %get3A_122 = tpu.vector_load %arg25[%get3A_121] {strides = array<i32>} : memref<16xi32, #tpu.memory_space<vmem>>, vector<16xi32>,
          %get3A_123 = vector.shape_cast %get3A_122 : vector<16xi32> to vector<16xi32>
          %add3A_124 = vector.broadcast %mul3A_27 : i32 to vector<16xi32>
          %add3A_125 = arith.addi %add3A_124, %iota3A : vector<16xi32>
          %mul3A_126 = arith.constant 16 : i32
          %mul3A_127 = vector.broadcast %mul3A_126 : i32 to vector<16xi32>
          %mul3A_128 = arith.muli %mul3A_127, %get3A_123 : vector<16xi32>
          %add3A_129 = arith.addi %add3A_125, %mul3A_128 : vector<16xi32>
          %mul3A_130 = arith.muli %add3A_129, %min3A : vector<16xi32>
          %add3A_131 = vector.broadcast %add3A_31 : i32 to vector<16xi32>
          %add3A_132 = arith.addi %add3A_131, %iota3A : vector<16xi32>
          %sub3A_133 = arith.subi %broadcast_in_dim3A_16, %min3A : vector<16xi32>
          %mul3A_134 = arith.muli %add3A_132, %sub3A_133 : vector<16xi32>
          %add3A_135 = arith.addi %mul3A_130, %mul3A_134 : vector<16xi32>
          %mul3A_136 = arith.constant 16 : i32
          %mul3A_137 = arith.muli %scan3A_115, %mul3A_136 : i32
          %swap3A_138 = arith.index_cast %rem3A_84 : i32 to index
          %swap3A_139 = arith.index_cast %mul3A_137 : i32 to index
          %swap3A_140 = tpu.vector_load %arg22[%swap3A_138, %swap3A_139] {strides = array<i32>} : memref<2x1792xi32, #tpu.memory_space<vmem>>, vector<1x16xi32>,
          %swap3A_141 = vector.shape_cast %swap3A_140 : vector<1x16xi32> to vector<16xi32>
          %swap3A_142 = vector.shape_cast %add3A_135 : vector<16xi32> to vector<1x16xi32>
          tpu.vector_store %arg22[%swap3A_138, %swap3A_139], %swap3A_142 {strides = array<i32>} : memref<2x1792xi32, #tpu.memory_space<vmem>>, vector<1x16xi32>,
          %add3A_143 = arith.addi %get3A_123, %min3A : vector<16xi32>
          %swap3A_144 = arith.constant 0 : index
          %swap3A_145 = tpu.vector_load %arg25[%swap3A_144] {strides = array<i32>} : memref<16xi32, #tpu.memory_space<vmem>>, vector<16xi32>,
          %swap3A_146 = vector.shape_cast %swap3A_145 : vector<16xi32> to vector<16xi32>
          %swap3A_147 = vector.shape_cast %add3A_143 : vector<16xi32> to vector<16xi32>
          tpu.vector_store %arg25[%swap3A_144], %swap3A_147 {strides = array<i32>} : memref<16xi32, #tpu.memory_space<vmem>>, vector<16xi32>,
          %scan3A_148 = arith.constant 0 : i32
          scf.yield %scan3A_148 : i32
        }
        %scan3A_114 = arith.constant 112 : i32
      } else {
      }
      %gt3A = arith.constant 0 : i32
      %gt3A_88 = arith.cmpi sgt, %scan3A_82, %gt3A : i32
      %convert_element_type3A_89 = arith.extui %gt3A_88 : i1 to i32
      %cond3A_90 = arith.constant 0 : i32
      %cond3A_91 = arith.cmpi ne, %convert_element_type3A_89, %cond3A_90 : i32
      scf.if %cond3A_91 {
        "tpu.region"() ({
          %run_scoped3A = tpu.sem_alloc : memref<!tpu.dma_semaphore, #tpu.memory_space<semaphore_mem>>
          %dma_start3A = arith.constant 0 : i32
          %dma_start3A_93 = tpu.memref_slice %arg19[%sub3A_85, %dma_start3A] : memref<2x1792xi32, #tpu.memory_space<vmem>> -> memref<1x1792xi32, #tpu.memory_space<vmem>>
          %dma_start3A_94 = tpu.memref_squeeze %dma_start3A_93 : memref<1x1792xi32, #tpu.memory_space<vmem>> -> memref<1792xi32, #tpu.memory_space<vmem>>
          %dma_start3A_95 = arith.constant 0 : i32
          %dma_start3A_96 = tpu.memref_slice %arg22[%sub3A_85, %dma_start3A_95] : memref<2x1792xi32, #tpu.memory_space<vmem>> -> memref<1x1792xi32, #tpu.memory_space<vmem>>
          %dma_start3A_97 = tpu.memref_squeeze %dma_start3A_96 : memref<1x1792xi32, #tpu.memory_space<vmem>> -> memref<1792xi32, #tpu.memory_space<vmem>>
          %dma_start3A_98 = arith.constant 0 : i32
          %dma_start3A_99 = tpu.memref_slice %arg17[%dma_start3A_98] : memref<401664xi32, #tpu.memory_space<vmem_shared>> -> memref<401664xi32, #tpu.memory_space<vmem_shared>>
          tpu.enqueue_indirect_dma source(%dma_start3A_94 : memref<1792xi32, #tpu.memory_space<vmem>>) target(%dma_start3A_99 : memref<401664xi32, #tpu.memory_space<vmem_shared>>) offsets(%dma_start3A_97 : memref<1792xi32, #tpu.memory_space<vmem>>) semaphore(%run_scoped3A : memref<!tpu.dma_semaphore, #tpu.memory_space<semaphore_mem>>)
          %dma_wait3A = arith.constant 0 : i32
          %dma_wait3A_100 = tpu.memref_slice %arg19[%sub3A_85, %dma_wait3A] : memref<2x1792xi32, #tpu.memory_space<vmem>> -> memref<1x1792xi32, #tpu.memory_space<vmem>>
          %dma_wait3A_101 = tpu.memref_squeeze %dma_wait3A_100 : memref<1x1792xi32, #tpu.memory_space<vmem>> -> memref<1792xi32, #tpu.memory_space<vmem>>
          %dma_wait3A_102 = arith.constant 0 : i32
          %dma_wait3A_103 = tpu.memref_slice %arg22[%sub3A_85, %dma_wait3A_102] : memref<2x1792xi32, #tpu.memory_space<vmem>> -> memref<1x1792xi32, #tpu.memory_space<vmem>>
          %dma_wait3A_104 = tpu.memref_squeeze %dma_wait3A_103 : memref<1x1792xi32, #tpu.memory_space<vmem>> -> memref<1792xi32, #tpu.memory_space<vmem>>
          %dma_wait3A_105 = arith.constant 0 : i32
          %dma_wait3A_106 = tpu.memref_slice %arg17[%dma_wait3A_105] : memref<401664xi32, #tpu.memory_space<vmem_shared>> -> memref<401664xi32, #tpu.memory_space<vmem_shared>>
          tpu.wait_indirect_dma semaphore(%run_scoped3A : memref<!tpu.dma_semaphore, #tpu.memory_space<semaphore_mem>>) src(%dma_wait3A_101 : memref<1792xi32, #tpu.memory_space<vmem>>) dst(%dma_wait3A_106 : memref<401664xi32, #tpu.memory_space<vmem_shared>>)
          tpu.yield
        }) : () -> ()
        "tpu.region"() ({
          %run_scoped3A = tpu.sem_alloc : memref<!tpu.dma_semaphore, #tpu.memory_space<semaphore_mem>>
          %dma_start3A = arith.constant 0 : i32
          %dma_start3A_93 = tpu.memref_slice %arg20[%sub3A_85, %dma_start3A] : memref<2x1792xi32, #tpu.memory_space<vmem>> -> memref<1x1792xi32, #tpu.memory_space<vmem>>
          %dma_start3A_94 = tpu.memref_squeeze %dma_start3A_93 : memref<1x1792xi32, #tpu.memory_space<vmem>> -> memref<1792xi32, #tpu.memory_space<vmem>>
          %dma_start3A_95 = arith.constant 0 : i32
          %dma_start3A_96 = tpu.memref_slice %arg22[%sub3A_85, %dma_start3A_95] : memref<2x1792xi32, #tpu.memory_space<vmem>> -> memref<1x1792xi32, #tpu.memory_space<vmem>>
          %dma_start3A_97 = tpu.memref_squeeze %dma_start3A_96 : memref<1x1792xi32, #tpu.memory_space<vmem>> -> memref<1792xi32, #tpu.memory_space<vmem>>
          %dma_start3A_98 = arith.constant 0 : i32
          %dma_start3A_99 = tpu.memref_slice %arg18[%dma_start3A_98] : memref<401664xi32, #tpu.memory_space<vmem_shared>> -> memref<401664xi32, #tpu.memory_space<vmem_shared>>
          tpu.enqueue_indirect_dma source(%dma_start3A_94 : memref<1792xi32, #tpu.memory_space<vmem>>) target(%dma_start3A_99 : memref<401664xi32, #tpu.memory_space<vmem_shared>>) offsets(%dma_start3A_97 : memref<1792xi32, #tpu.memory_space<vmem>>) semaphore(%run_scoped3A : memref<!tpu.dma_semaphore, #tpu.memory_space<semaphore_mem>>)
          %dma_wait3A = arith.constant 0 : i32
          %dma_wait3A_100 = tpu.memref_slice %arg20[%sub3A_85, %dma_wait3A] : memref<2x1792xi32, #tpu.memory_space<vmem>> -> memref<1x1792xi32, #tpu.memory_space<vmem>>
          %dma_wait3A_101 = tpu.memref_squeeze %dma_wait3A_100 : memref<1x1792xi32, #tpu.memory_space<vmem>> -> memref<1792xi32, #tpu.memory_space<vmem>>
          %dma_wait3A_102 = arith.constant 0 : i32
          %dma_wait3A_103 = tpu.memref_slice %arg22[%sub3A_85, %dma_wait3A_102] : memref<2x1792xi32, #tpu.memory_space<vmem>> -> memref<1x1792xi32, #tpu.memory_space<vmem>>
          %dma_wait3A_104 = tpu.memref_squeeze %dma_wait3A_103 : memref<1x1792xi32, #tpu.memory_space<vmem>> -> memref<1792xi32, #tpu.memory_space<vmem>>
          %dma_wait3A_105 = arith.constant 0 : i32
          %dma_wait3A_106 = tpu.memref_slice %arg18[%dma_wait3A_105] : memref<401664xi32, #tpu.memory_space<vmem_shared>> -> memref<401664xi32, #tpu.memory_space<vmem_shared>>
          tpu.wait_indirect_dma semaphore(%run_scoped3A : memref<!tpu.dma_semaphore, #tpu.memory_space<semaphore_mem>>) src(%dma_wait3A_101 : memref<1792xi32, #tpu.memory_space<vmem>>) dst(%dma_wait3A_106 : memref<401664xi32, #tpu.memory_space<vmem_shared>>)
          tpu.yield
        }) : () -> ()
      } else {
      }
      %scan3A_92 = arith.constant 0 : i32
      scf.yield %scan3A_92 : i32
    }
    %scan3A_38 = arith.constant 15 : i32
    %mul3A_39 = arith.constant 25088 : i32
    %mul3A_40 = arith.muli %arg1, %mul3A_39 : i32
    %mul3A_41 = arith.constant 25088 : i32
    %mul3A_42 = arith.muli %add3A, %mul3A_41 : i32
    "tpu.region"() ({
      %run_scoped3A = tpu.sem_alloc : memref<!tpu.dma_semaphore, #tpu.memory_space<semaphore_mem>>
      %dma_start3A = tpu.memref_slice %arg10[%mul3A_42] : memref<803328xi32, #tpu.memory_space<hbm>> -> memref<25088xi32, #tpu.memory_space<hbm>>
      %dma_start3A_82 = tpu.memref_slice %arg17[%mul3A_40] : memref<401664xi32, #tpu.memory_space<vmem_shared>> -> memref<25088xi32, #tpu.memory_space<vmem_shared>>
      tpu.enqueue_dma source(%dma_start3A_82 : memref<25088xi32, #tpu.memory_space<vmem_shared>>) target(%dma_start3A : memref<25088xi32, #tpu.memory_space<hbm>>) target_semaphore(%run_scoped3A : memref<!tpu.dma_semaphore, #tpu.memory_space<semaphore_mem>>)
      %dma_wait3A = tpu.memref_slice %arg10[%mul3A_42] : memref<803328xi32, #tpu.memory_space<hbm>> -> memref<25088xi32, #tpu.memory_space<hbm>>
      %dma_wait3A_83 = tpu.memref_slice %arg17[%mul3A_40] : memref<401664xi32, #tpu.memory_space<vmem_shared>> -> memref<25088xi32, #tpu.memory_space<vmem_shared>>
      tpu.wait_dma2 semaphore(%run_scoped3A : memref<!tpu.dma_semaphore, #tpu.memory_space<semaphore_mem>>) src(%dma_wait3A_83 : memref<25088xi32, #tpu.memory_space<vmem_shared>>) dst(%dma_wait3A : memref<25088xi32, #tpu.memory_space<hbm>>)
      tpu.yield
    }) : () -> ()
    %mul3A_43 = arith.constant 25088 : i32
    %mul3A_44 = arith.muli %arg1, %mul3A_43 : i32
    %mul3A_45 = arith.constant 25088 : i32
    %mul3A_46 = arith.muli %add3A, %mul3A_45 : i32
    "tpu.region"() ({
      %run_scoped3A = tpu.sem_alloc : memref<!tpu.dma_semaphore, #tpu.memory_space<semaphore_mem>>
      %dma_start3A = tpu.memref_slice %arg11[%mul3A_46] : memref<803328xi32, #tpu.memory_space<hbm>> -> memref<25088xi32, #tpu.memory_space<hbm>>
      %dma_start3A_82 = tpu.memref_slice %arg18[%mul3A_44] : memref<401664xi32, #tpu.memory_space<vmem_shared>> -> memref<25088xi32, #tpu.memory_space<vmem_shared>>
      tpu.enqueue_dma source(%dma_start3A_82 : memref<25088xi32, #tpu.memory_space<vmem_shared>>) target(%dma_start3A : memref<25088xi32, #tpu.memory_space<hbm>>) target_semaphore(%run_scoped3A : memref<!tpu.dma_semaphore, #tpu.memory_space<semaphore_mem>>)
      %dma_wait3A = tpu.memref_slice %arg11[%mul3A_46] : memref<803328xi32, #tpu.memory_space<hbm>> -> memref<25088xi32, #tpu.memory_space<hbm>>
      %dma_wait3A_83 = tpu.memref_slice %arg18[%mul3A_44] : memref<401664xi32, #tpu.memory_space<vmem_shared>> -> memref<25088xi32, #tpu.memory_space<vmem_shared>>
      tpu.wait_dma2 semaphore(%run_scoped3A : memref<!tpu.dma_semaphore, #tpu.memory_space<semaphore_mem>>) src(%dma_wait3A_83 : memref<25088xi32, #tpu.memory_space<vmem_shared>>) dst(%dma_wait3A : memref<25088xi32, #tpu.memory_space<hbm>>)
      tpu.yield
    }) : () -> ()
    %mul3A_47 = arith.constant 16 : i32
    %mul3A_48 = arith.muli %add3A, %mul3A_47 : i32
    "tpu.region"() ({
      %run_scoped3A = tpu.sem_alloc : memref<!tpu.dma_semaphore, #tpu.memory_space<semaphore_mem>>
      %dma_start3A = tpu.memref_slice %arg14[%mul3A_48] : memref<512xi32, #tpu.memory_space<hbm>> -> memref<16xi32, #tpu.memory_space<hbm>>
      %dma_start3A_82 = tpu.memref_slice %arg14[%mul3A_48] : memref<512xi32, #tpu.memory_space<hbm>> -> memref<16xi32, #tpu.memory_space<hbm>>
      tpu.enqueue_dma source(%arg25 : memref<16xi32, #tpu.memory_space<vmem>>) target(%dma_start3A_82 : memref<16xi32, #tpu.memory_space<hbm>>) target_semaphore(%run_scoped3A : memref<!tpu.dma_semaphore, #tpu.memory_space<semaphore_mem>>)
      %dma_wait3A = tpu.memref_slice %arg14[%mul3A_48] : memref<512xi32, #tpu.memory_space<hbm>> -> memref<16xi32, #tpu.memory_space<hbm>>
      %dma_wait3A_83 = tpu.memref_slice %arg14[%mul3A_48] : memref<512xi32, #tpu.memory_space<hbm>> -> memref<16xi32, #tpu.memory_space<hbm>>
      tpu.wait_dma2 semaphore(%run_scoped3A : memref<!tpu.dma_semaphore, #tpu.memory_space<semaphore_mem>>) src(%arg25 : memref<16xi32, #tpu.memory_space<vmem>>) dst(%dma_wait3A_83 : memref<16xi32, #tpu.memory_space<hbm>>)
      tpu.yield
    }) : () -> ()
    %mul3A_49 = arith.constant 25088 : i32
    %mul3A_50 = arith.muli %arg1, %mul3A_49 : i32
    "tpu.region"() ({
      %run_scoped3A = tpu.sem_alloc : memref<!tpu.dma_semaphore, #tpu.memory_space<semaphore_mem>>
      %dma_start3A = tpu.memref_slice %arg17[%mul3A_50] : memref<401664xi32, #tpu.memory_space<vmem_shared>> -> memref<25088xi32, #tpu.memory_space<vmem_shared>>
      tpu.enqueue_dma source(%arg8 : memref<25088xi32, #tpu.memory_space<hbm>>) target(%dma_start3A : memref<25088xi32, #tpu.memory_space<vmem_shared>>) target_semaphore(%run_scoped3A : memref<!tpu.dma_semaphore, #tpu.memory_space<semaphore_mem>>)
      %dma_wait3A = tpu.memref_slice %arg17[%mul3A_50] : memref<401664xi32, #tpu.memory_space<vmem_shared>> -> memref<25088xi32, #tpu.memory_space<vmem_shared>>
      tpu.wait_dma2 semaphore(%run_scoped3A : memref<!tpu.dma_semaphore, #tpu.memory_space<semaphore_mem>>) src(%arg8 : memref<25088xi32, #tpu.memory_space<hbm>>) dst(%dma_wait3A : memref<25088xi32, #tpu.memory_space<vmem_shared>>)
      tpu.yield
    }) : () -> ()
    %mul3A_51 = arith.constant 25088 : i32
    %mul3A_52 = arith.muli %arg1, %mul3A_51 : i32
    "tpu.region"() ({
      %run_scoped3A = tpu.sem_alloc : memref<!tpu.dma_semaphore, #tpu.memory_space<semaphore_mem>>
      %dma_start3A = tpu.memref_slice %arg18[%mul3A_52] : memref<401664xi32, #tpu.memory_space<vmem_shared>> -> memref<25088xi32, #tpu.memory_space<vmem_shared>>
      tpu.enqueue_dma source(%arg9 : memref<25088xi32, #tpu.memory_space<hbm>>) target(%dma_start3A : memref<25088xi32, #tpu.memory_space<vmem_shared>>) target_semaphore(%run_scoped3A : memref<!tpu.dma_semaphore, #tpu.memory_space<semaphore_mem>>)
      %dma_wait3A = tpu.memref_slice %arg18[%mul3A_52] : memref<401664xi32, #tpu.memory_space<vmem_shared>> -> memref<25088xi32, #tpu.memory_space<vmem_shared>>
      tpu.wait_dma2 semaphore(%run_scoped3A : memref<!tpu.dma_semaphore, #tpu.memory_space<semaphore_mem>>) src(%arg9 : memref<25088xi32, #tpu.memory_space<hbm>>) dst(%dma_wait3A : memref<25088xi32, #tpu.memory_space<vmem_shared>>)
      tpu.yield
    }) : () -> ()
    %broadcast_in_dim3A_53 = arith.constant 0 : i32
    %broadcast_in_dim3A_54 = vector.broadcast %broadcast_in_dim3A_53 : i32 to vector<16xi32>
    %swap3A_55 = arith.constant 0 : index
    %swap3A_56 = tpu.vector_load %arg25[%swap3A_55] {strides = array<i32>} : memref<16xi32, #tpu.memory_space<vmem>>, vector<16xi32>,
    %swap3A_57 = vector.shape_cast %swap3A_56 : vector<16xi32> to vector<16xi32>
    %swap3A_58 = vector.shape_cast %broadcast_in_dim3A_54 : vector<16xi32> to vector<16xi32>
    tpu.vector_store %arg25[%swap3A_55], %swap3A_58 {strides = array<i32>} : memref<16xi32, #tpu.memory_space<vmem>>, vector<16xi32>,
    %mul3A_59 = arith.constant 25088 : i32
    %mul3A_60 = arith.muli %arg1, %mul3A_59 : i32
    %mul3A_61 = arith.constant 16 : i32
    %mul3A_62 = arith.muli %arg1, %mul3A_61 : i32
    %add3A_63 = arith.constant 401408 : i32
    %add3A_64 = arith.addi %add3A_63, %mul3A_62 : i32
    %scan3A_65 = arith.constant 0 : i32
    %scan3A_66 = arith.constant 0 : i32
    %scan3A_67 = arith.constant 15 : i32
    %scan3A_68 = arith.addi %scan3A_66, %scan3A_67 : i32
    %scan3A_69 = arith.constant 1 : i32
    %scan3A_70 = scf.for %scan3A_82 = %scan3A_66 to %scan3A_68 step %scan3A_69 iter_args(%scan3A_83 = %scan3A_65) -> (i32)  : i32 {
      %rem3A = arith.constant 2 : i32
      %rem3A_84 = arith.remsi %scan3A_82, %rem3A : i32
      %sub3A = arith.constant 1 : i32
      %sub3A_85 = arith.subi %sub3A, %rem3A_84 : i32
      %lt3A = arith.constant 14 : i32
      %lt3A_86 = arith.cmpi slt, %scan3A_82, %lt3A : i32
      %convert_element_type3A = arith.extui %lt3A_86 : i1 to i32
      %cond3A = arith.constant 0 : i32
      %cond3A_87 = arith.cmpi ne, %convert_element_type3A, %cond3A : i32
      scf.if %cond3A_87 {
        %mul3A_93 = arith.constant 196 : i32
        %mul3A_94 = arith.muli %add3A, %mul3A_93 : i32
        %mul3A_95 = arith.constant 14 : i32
        %mul3A_96 = arith.muli %scan3A_82, %mul3A_95 : i32
        %add3A_97 = arith.addi %mul3A_94, %mul3A_96 : i32
        %mul3A_98 = arith.constant 128 : i32
        %mul3A_99 = arith.muli %add3A_97, %mul3A_98 : i32
        "tpu.region"() ({
          %run_scoped3A = tpu.sem_alloc : memref<!tpu.dma_semaphore, #tpu.memory_space<semaphore_mem>>
          %dma_start3A_115 = arith.constant 0 : i32
          %dma_start3A_116 = tpu.memref_slice %arg19[%rem3A_84, %dma_start3A_115] : memref<2x1792xi32, #tpu.memory_space<vmem>> -> memref<1x1792xi32, #tpu.memory_space<vmem>>
          %dma_start3A_117 = tpu.memref_squeeze %dma_start3A_116 : memref<1x1792xi32, #tpu.memory_space<vmem>> -> memref<1792xi32, #tpu.memory_space<vmem>>
          %dma_start3A_118 = tpu.memref_slice %arg5[%mul3A_99] : memref<802816xi32, #tpu.memory_space<hbm>> -> memref<1792xi32, #tpu.memory_space<hbm>>
          %dma_start3A_119 = arith.constant 0 : i32
          %dma_start3A_120 = tpu.memref_slice %arg19[%rem3A_84, %dma_start3A_119] : memref<2x1792xi32, #tpu.memory_space<vmem>> -> memref<1x1792xi32, #tpu.memory_space<vmem>>
          %dma_start3A_121 = tpu.memref_squeeze %dma_start3A_120 : memref<1x1792xi32, #tpu.memory_space<vmem>> -> memref<1792xi32, #tpu.memory_space<vmem>>
          %dma_start3A_122 = tpu.memref_slice %arg5[%mul3A_99] : memref<802816xi32, #tpu.memory_space<hbm>> -> memref<1792xi32, #tpu.memory_space<hbm>>
          tpu.enqueue_dma source(%dma_start3A_122 : memref<1792xi32, #tpu.memory_space<hbm>>) target(%dma_start3A_121 : memref<1792xi32, #tpu.memory_space<vmem>>) target_semaphore(%run_scoped3A : memref<!tpu.dma_semaphore, #tpu.memory_space<semaphore_mem>>)
          %dma_wait3A_123 = arith.constant 0 : i32
          %dma_wait3A_124 = tpu.memref_slice %arg19[%rem3A_84, %dma_wait3A_123] : memref<2x1792xi32, #tpu.memory_space<vmem>> -> memref<1x1792xi32, #tpu.memory_space<vmem>>
          %dma_wait3A_125 = tpu.memref_squeeze %dma_wait3A_124 : memref<1x1792xi32, #tpu.memory_space<vmem>> -> memref<1792xi32, #tpu.memory_space<vmem>>
          %dma_wait3A_126 = tpu.memref_slice %arg5[%mul3A_99] : memref<802816xi32, #tpu.memory_space<hbm>> -> memref<1792xi32, #tpu.memory_space<hbm>>
          %dma_wait3A_127 = arith.constant 0 : i32
          %dma_wait3A_128 = tpu.memref_slice %arg19[%rem3A_84, %dma_wait3A_127] : memref<2x1792xi32, #tpu.memory_space<vmem>> -> memref<1x1792xi32, #tpu.memory_space<vmem>>
          %dma_wait3A_129 = tpu.memref_squeeze %dma_wait3A_128 : memref<1x1792xi32, #tpu.memory_space<vmem>> -> memref<1792xi32, #tpu.memory_space<vmem>>
          %dma_wait3A_130 = tpu.memref_slice %arg5[%mul3A_99] : memref<802816xi32, #tpu.memory_space<hbm>> -> memref<1792xi32, #tpu.memory_space<hbm>>
          tpu.wait_dma2 semaphore(%run_scoped3A : memref<!tpu.dma_semaphore, #tpu.memory_space<semaphore_mem>>) src(%dma_wait3A_130 : memref<1792xi32, #tpu.memory_space<hbm>>) dst(%dma_wait3A_129 : memref<1792xi32, #tpu.memory_space<vmem>>)
          tpu.yield
        }) : () -> ()
        "tpu.region"() ({
          %run_scoped3A = tpu.sem_alloc : memref<!tpu.dma_semaphore, #tpu.memory_space<semaphore_mem>>
          %dma_start3A_115 = arith.constant 0 : i32
          %dma_start3A_116 = tpu.memref_slice %arg20[%rem3A_84, %dma_start3A_115] : memref<2x1792xi32, #tpu.memory_space<vmem>> -> memref<1x1792xi32, #tpu.memory_space<vmem>>
          %dma_start3A_117 = tpu.memref_squeeze %dma_start3A_116 : memref<1x1792xi32, #tpu.memory_space<vmem>> -> memref<1792xi32, #tpu.memory_space<vmem>>
          %dma_start3A_118 = tpu.memref_slice %arg6[%mul3A_99] : memref<802816xi32, #tpu.memory_space<hbm>> -> memref<1792xi32, #tpu.memory_space<hbm>>
          %dma_start3A_119 = arith.constant 0 : i32
          %dma_start3A_120 = tpu.memref_slice %arg20[%rem3A_84, %dma_start3A_119] : memref<2x1792xi32, #tpu.memory_space<vmem>> -> memref<1x1792xi32, #tpu.memory_space<vmem>>
          %dma_start3A_121 = tpu.memref_squeeze %dma_start3A_120 : memref<1x1792xi32, #tpu.memory_space<vmem>> -> memref<1792xi32, #tpu.memory_space<vmem>>
          %dma_start3A_122 = tpu.memref_slice %arg6[%mul3A_99] : memref<802816xi32, #tpu.memory_space<hbm>> -> memref<1792xi32, #tpu.memory_space<hbm>>
          tpu.enqueue_dma source(%dma_start3A_122 : memref<1792xi32, #tpu.memory_space<hbm>>) target(%dma_start3A_121 : memref<1792xi32, #tpu.memory_space<vmem>>) target_semaphore(%run_scoped3A : memref<!tpu.dma_semaphore, #tpu.memory_space<semaphore_mem>>)
          %dma_wait3A_123 = arith.constant 0 : i32
          %dma_wait3A_124 = tpu.memref_slice %arg20[%rem3A_84, %dma_wait3A_123] : memref<2x1792xi32, #tpu.memory_space<vmem>> -> memref<1x1792xi32, #tpu.memory_space<vmem>>
          %dma_wait3A_125 = tpu.memref_squeeze %dma_wait3A_124 : memref<1x1792xi32, #tpu.memory_space<vmem>> -> memref<1792xi32, #tpu.memory_space<vmem>>
          %dma_wait3A_126 = tpu.memref_slice %arg6[%mul3A_99] : memref<802816xi32, #tpu.memory_space<hbm>> -> memref<1792xi32, #tpu.memory_space<hbm>>
          %dma_wait3A_127 = arith.constant 0 : i32
          %dma_wait3A_128 = tpu.memref_slice %arg20[%rem3A_84, %dma_wait3A_127] : memref<2x1792xi32, #tpu.memory_space<vmem>> -> memref<1x1792xi32, #tpu.memory_space<vmem>>
          %dma_wait3A_129 = tpu.memref_squeeze %dma_wait3A_128 : memref<1x1792xi32, #tpu.memory_space<vmem>> -> memref<1792xi32, #tpu.memory_space<vmem>>
          %dma_wait3A_130 = tpu.memref_slice %arg6[%mul3A_99] : memref<802816xi32, #tpu.memory_space<hbm>> -> memref<1792xi32, #tpu.memory_space<hbm>>
          tpu.wait_dma2 semaphore(%run_scoped3A : memref<!tpu.dma_semaphore, #tpu.memory_space<semaphore_mem>>) src(%dma_wait3A_130 : memref<1792xi32, #tpu.memory_space<hbm>>) dst(%dma_wait3A_129 : memref<1792xi32, #tpu.memory_space<vmem>>)
          tpu.yield
        }) : () -> ()
        %dma_start3A = arith.constant 0 : i32
        %dma_start3A_100 = tpu.memref_slice %arg19[%rem3A_84, %dma_start3A] : memref<2x1792xi32, #tpu.memory_space<vmem>> -> memref<1x1792xi32, #tpu.memory_space<vmem>>
        %dma_start3A_101 = tpu.memref_squeeze %dma_start3A_100 : memref<1x1792xi32, #tpu.memory_space<vmem>> -> memref<1792xi32, #tpu.memory_space<vmem>>
        %dma_start3A_102 = arith.constant 0 : i32
        %dma_start3A_103 = tpu.memref_slice %arg16[%dma_start3A_102] : memref<50176xi32, #tpu.memory_space<vmem_shared>> -> memref<50176xi32, #tpu.memory_space<vmem_shared>>
        tpu.enqueue_indirect_dma source(%dma_start3A_103 : memref<50176xi32, #tpu.memory_space<vmem_shared>>) target(%arg21 : memref<1792xi32, #tpu.memory_space<vmem>>) offsets(%dma_start3A_101 : memref<1792xi32, #tpu.memory_space<vmem>>) semaphore(%arg26 : memref<!tpu.dma_semaphore, #tpu.memory_space<semaphore_mem>>)
        %dma_wait3A = arith.constant 0 : i32
        %dma_wait3A_104 = tpu.memref_slice %arg19[%rem3A_84, %dma_wait3A] : memref<2x1792xi32, #tpu.memory_space<vmem>> -> memref<1x1792xi32, #tpu.memory_space<vmem>>
        %dma_wait3A_105 = tpu.memref_squeeze %dma_wait3A_104 : memref<1x1792xi32, #tpu.memory_space<vmem>> -> memref<1792xi32, #tpu.memory_space<vmem>>
        %dma_wait3A_106 = arith.constant 0 : i32
        %dma_wait3A_107 = tpu.memref_slice %arg16[%dma_wait3A_106] : memref<50176xi32, #tpu.memory_space<vmem_shared>> -> memref<50176xi32, #tpu.memory_space<vmem_shared>>
        tpu.wait_indirect_dma semaphore(%arg26 : memref<!tpu.dma_semaphore, #tpu.memory_space<semaphore_mem>>) src(%dma_wait3A_107 : memref<50176xi32, #tpu.memory_space<vmem_shared>>) dst(%arg21 : memref<1792xi32, #tpu.memory_space<vmem>>)
        %scan3A_108 = arith.constant 0 : i32
        %scan3A_109 = arith.constant 0 : i32
        %scan3A_110 = arith.constant 112 : i32
        %scan3A_111 = arith.addi %scan3A_109, %scan3A_110 : i32
        %scan3A_112 = arith.constant 1 : i32
        %scan3A_113 = scf.for %scan3A_115 = %scan3A_109 to %scan3A_111 step %scan3A_112 iter_args(%scan3A_116 = %scan3A_108) -> (i32)  : i32 {
          %mul3A_117 = arith.constant 16 : i32
          %mul3A_118 = arith.muli %scan3A_115, %mul3A_117 : i32
          %get3A = arith.index_cast %mul3A_118 : i32 to index
          %get3A_119 = tpu.vector_load %arg21[%get3A] {strides = array<i32>} : memref<1792xi32, #tpu.memory_space<vmem>>, vector<16xi32>,
          %get3A_120 = vector.shape_cast %get3A_119 : vector<16xi32> to vector<16xi32>
          %min3A = arith.minsi %get3A_120, %broadcast_in_dim3A_16 : vector<16xi32>
          %get3A_121 = arith.constant 0 : index
          %get3A_122 = tpu.vector_load %arg25[%get3A_121] {strides = array<i32>} : memref<16xi32, #tpu.memory_space<vmem>>, vector<16xi32>,
          %get3A_123 = vector.shape_cast %get3A_122 : vector<16xi32> to vector<16xi32>
          %add3A_124 = vector.broadcast %mul3A_60 : i32 to vector<16xi32>
          %add3A_125 = arith.addi %add3A_124, %iota3A : vector<16xi32>
          %mul3A_126 = arith.constant 16 : i32
          %mul3A_127 = vector.broadcast %mul3A_126 : i32 to vector<16xi32>
          %mul3A_128 = arith.muli %mul3A_127, %get3A_123 : vector<16xi32>
          %add3A_129 = arith.addi %add3A_125, %mul3A_128 : vector<16xi32>
          %mul3A_130 = arith.muli %add3A_129, %min3A : vector<16xi32>
          %add3A_131 = vector.broadcast %add3A_64 : i32 to vector<16xi32>
          %add3A_132 = arith.addi %add3A_131, %iota3A : vector<16xi32>
          %sub3A_133 = arith.subi %broadcast_in_dim3A_16, %min3A : vector<16xi32>
          %mul3A_134 = arith.muli %add3A_132, %sub3A_133 : vector<16xi32>
          %add3A_135 = arith.addi %mul3A_130, %mul3A_134 : vector<16xi32>
          %mul3A_136 = arith.constant 16 : i32
          %mul3A_137 = arith.muli %scan3A_115, %mul3A_136 : i32
          %swap3A_138 = arith.index_cast %rem3A_84 : i32 to index
          %swap3A_139 = arith.index_cast %mul3A_137 : i32 to index
          %swap3A_140 = tpu.vector_load %arg22[%swap3A_138, %swap3A_139] {strides = array<i32>} : memref<2x1792xi32, #tpu.memory_space<vmem>>, vector<1x16xi32>,
          %swap3A_141 = vector.shape_cast %swap3A_140 : vector<1x16xi32> to vector<16xi32>
          %swap3A_142 = vector.shape_cast %add3A_135 : vector<16xi32> to vector<1x16xi32>
          tpu.vector_store %arg22[%swap3A_138, %swap3A_139], %swap3A_142 {strides = array<i32>} : memref<2x1792xi32, #tpu.memory_space<vmem>>, vector<1x16xi32>,
          %add3A_143 = arith.addi %get3A_123, %min3A : vector<16xi32>
          %swap3A_144 = arith.constant 0 : index
          %swap3A_145 = tpu.vector_load %arg25[%swap3A_144] {strides = array<i32>} : memref<16xi32, #tpu.memory_space<vmem>>, vector<16xi32>,
          %swap3A_146 = vector.shape_cast %swap3A_145 : vector<16xi32> to vector<16xi32>
          %swap3A_147 = vector.shape_cast %add3A_143 : vector<16xi32> to vector<16xi32>
          tpu.vector_store %arg25[%swap3A_144], %swap3A_147 {strides = array<i32>} : memref<16xi32, #tpu.memory_space<vmem>>, vector<16xi32>,
          %scan3A_148 = arith.constant 0 : i32
          scf.yield %scan3A_148 : i32
        }
        %scan3A_114 = arith.constant 112 : i32
      } else {
      }
      %gt3A = arith.constant 0 : i32
      %gt3A_88 = arith.cmpi sgt, %scan3A_82, %gt3A : i32
      %convert_element_type3A_89 = arith.extui %gt3A_88 : i1 to i32
      %cond3A_90 = arith.constant 0 : i32
      %cond3A_91 = arith.cmpi ne, %convert_element_type3A_89, %cond3A_90 : i32
      scf.if %cond3A_91 {
        "tpu.region"() ({
          %run_scoped3A = tpu.sem_alloc : memref<!tpu.dma_semaphore, #tpu.memory_space<semaphore_mem>>
          %dma_start3A = arith.constant 0 : i32
          %dma_start3A_93 = tpu.memref_slice %arg19[%sub3A_85, %dma_start3A] : memref<2x1792xi32, #tpu.memory_space<vmem>> -> memref<1x1792xi32, #tpu.memory_space<vmem>>
          %dma_start3A_94 = tpu.memref_squeeze %dma_start3A_93 : memref<1x1792xi32, #tpu.memory_space<vmem>> -> memref<1792xi32, #tpu.memory_space<vmem>>
          %dma_start3A_95 = arith.constant 0 : i32
          %dma_start3A_96 = tpu.memref_slice %arg22[%sub3A_85, %dma_start3A_95] : memref<2x1792xi32, #tpu.memory_space<vmem>> -> memref<1x1792xi32, #tpu.memory_space<vmem>>
          %dma_start3A_97 = tpu.memref_squeeze %dma_start3A_96 : memref<1x1792xi32, #tpu.memory_space<vmem>> -> memref<1792xi32, #tpu.memory_space<vmem>>
          %dma_start3A_98 = arith.constant 0 : i32
          %dma_start3A_99 = tpu.memref_slice %arg17[%dma_start3A_98] : memref<401664xi32, #tpu.memory_space<vmem_shared>> -> memref<401664xi32, #tpu.memory_space<vmem_shared>>
          tpu.enqueue_indirect_dma source(%dma_start3A_94 : memref<1792xi32, #tpu.memory_space<vmem>>) target(%dma_start3A_99 : memref<401664xi32, #tpu.memory_space<vmem_shared>>) offsets(%dma_start3A_97 : memref<1792xi32, #tpu.memory_space<vmem>>) semaphore(%run_scoped3A : memref<!tpu.dma_semaphore, #tpu.memory_space<semaphore_mem>>)
          %dma_wait3A = arith.constant 0 : i32
          %dma_wait3A_100 = tpu.memref_slice %arg19[%sub3A_85, %dma_wait3A] : memref<2x1792xi32, #tpu.memory_space<vmem>> -> memref<1x1792xi32, #tpu.memory_space<vmem>>
          %dma_wait3A_101 = tpu.memref_squeeze %dma_wait3A_100 : memref<1x1792xi32, #tpu.memory_space<vmem>> -> memref<1792xi32, #tpu.memory_space<vmem>>
          %dma_wait3A_102 = arith.constant 0 : i32
          %dma_wait3A_103 = tpu.memref_slice %arg22[%sub3A_85, %dma_wait3A_102] : memref<2x1792xi32, #tpu.memory_space<vmem>> -> memref<1x1792xi32, #tpu.memory_space<vmem>>
          %dma_wait3A_104 = tpu.memref_squeeze %dma_wait3A_103 : memref<1x1792xi32, #tpu.memory_space<vmem>> -> memref<1792xi32, #tpu.memory_space<vmem>>
          %dma_wait3A_105 = arith.constant 0 : i32
          %dma_wait3A_106 = tpu.memref_slice %arg17[%dma_wait3A_105] : memref<401664xi32, #tpu.memory_space<vmem_shared>> -> memref<401664xi32, #tpu.memory_space<vmem_shared>>
          tpu.wait_indirect_dma semaphore(%run_scoped3A : memref<!tpu.dma_semaphore, #tpu.memory_space<semaphore_mem>>) src(%dma_wait3A_101 : memref<1792xi32, #tpu.memory_space<vmem>>) dst(%dma_wait3A_106 : memref<401664xi32, #tpu.memory_space<vmem_shared>>)
          tpu.yield
        }) : () -> ()
        "tpu.region"() ({
          %run_scoped3A = tpu.sem_alloc : memref<!tpu.dma_semaphore, #tpu.memory_space<semaphore_mem>>
          %dma_start3A = arith.constant 0 : i32
          %dma_start3A_93 = tpu.memref_slice %arg20[%sub3A_85, %dma_start3A] : memref<2x1792xi32, #tpu.memory_space<vmem>> -> memref<1x1792xi32, #tpu.memory_space<vmem>>
          %dma_start3A_94 = tpu.memref_squeeze %dma_start3A_93 : memref<1x1792xi32, #tpu.memory_space<vmem>> -> memref<1792xi32, #tpu.memory_space<vmem>>
          %dma_start3A_95 = arith.constant 0 : i32
          %dma_start3A_96 = tpu.memref_slice %arg22[%sub3A_85, %dma_start3A_95] : memref<2x1792xi32, #tpu.memory_space<vmem>> -> memref<1x1792xi32, #tpu.memory_space<vmem>>
          %dma_start3A_97 = tpu.memref_squeeze %dma_start3A_96 : memref<1x1792xi32, #tpu.memory_space<vmem>> -> memref<1792xi32, #tpu.memory_space<vmem>>
          %dma_start3A_98 = arith.constant 0 : i32
          %dma_start3A_99 = tpu.memref_slice %arg18[%dma_start3A_98] : memref<401664xi32, #tpu.memory_space<vmem_shared>> -> memref<401664xi32, #tpu.memory_space<vmem_shared>>
          tpu.enqueue_indirect_dma source(%dma_start3A_94 : memref<1792xi32, #tpu.memory_space<vmem>>) target(%dma_start3A_99 : memref<401664xi32, #tpu.memory_space<vmem_shared>>) offsets(%dma_start3A_97 : memref<1792xi32, #tpu.memory_space<vmem>>) semaphore(%run_scoped3A : memref<!tpu.dma_semaphore, #tpu.memory_space<semaphore_mem>>)
          %dma_wait3A = arith.constant 0 : i32
          %dma_wait3A_100 = tpu.memref_slice %arg20[%sub3A_85, %dma_wait3A] : memref<2x1792xi32, #tpu.memory_space<vmem>> -> memref<1x1792xi32, #tpu.memory_space<vmem>>
          %dma_wait3A_101 = tpu.memref_squeeze %dma_wait3A_100 : memref<1x1792xi32, #tpu.memory_space<vmem>> -> memref<1792xi32, #tpu.memory_space<vmem>>
          %dma_wait3A_102 = arith.constant 0 : i32
          %dma_wait3A_103 = tpu.memref_slice %arg22[%sub3A_85, %dma_wait3A_102] : memref<2x1792xi32, #tpu.memory_space<vmem>> -> memref<1x1792xi32, #tpu.memory_space<vmem>>
          %dma_wait3A_104 = tpu.memref_squeeze %dma_wait3A_103 : memref<1x1792xi32, #tpu.memory_space<vmem>> -> memref<1792xi32, #tpu.memory_space<vmem>>
          %dma_wait3A_105 = arith.constant 0 : i32
          %dma_wait3A_106 = tpu.memref_slice %arg18[%dma_wait3A_105] : memref<401664xi32, #tpu.memory_space<vmem_shared>> -> memref<401664xi32, #tpu.memory_space<vmem_shared>>
          tpu.wait_indirect_dma semaphore(%run_scoped3A : memref<!tpu.dma_semaphore, #tpu.memory_space<semaphore_mem>>) src(%dma_wait3A_101 : memref<1792xi32, #tpu.memory_space<vmem>>) dst(%dma_wait3A_106 : memref<401664xi32, #tpu.memory_space<vmem_shared>>)
          tpu.yield
        }) : () -> ()
      } else {
      }
      %scan3A_92 = arith.constant 0 : i32
      scf.yield %scan3A_92 : i32
    }
    %scan3A_71 = arith.constant 15 : i32
    %mul3A_72 = arith.constant 25088 : i32
    %mul3A_73 = arith.muli %arg1, %mul3A_72 : i32
    %mul3A_74 = arith.constant 25088 : i32
    %mul3A_75 = arith.muli %add3A, %mul3A_74 : i32
    "tpu.region"() ({
      %run_scoped3A = tpu.sem_alloc : memref<!tpu.dma_semaphore, #tpu.memory_space<semaphore_mem>>
      %dma_start3A = tpu.memref_slice %arg12[%mul3A_75] : memref<803328xi32, #tpu.memory_space<hbm>> -> memref<25088xi32, #tpu.memory_space<hbm>>
      %dma_start3A_82 = tpu.memref_slice %arg17[%mul3A_73] : memref<401664xi32, #tpu.memory_space<vmem_shared>> -> memref<25088xi32, #tpu.memory_space<vmem_shared>>
      tpu.enqueue_dma source(%dma_start3A_82 : memref<25088xi32, #tpu.memory_space<vmem_shared>>) target(%dma_start3A : memref<25088xi32, #tpu.memory_space<hbm>>) target_semaphore(%run_scoped3A : memref<!tpu.dma_semaphore, #tpu.memory_space<semaphore_mem>>)
      %dma_wait3A = tpu.memref_slice %arg12[%mul3A_75] : memref<803328xi32, #tpu.memory_space<hbm>> -> memref<25088xi32, #tpu.memory_space<hbm>>
      %dma_wait3A_83 = tpu.memref_slice %arg17[%mul3A_73] : memref<401664xi32, #tpu.memory_space<vmem_shared>> -> memref<25088xi32, #tpu.memory_space<vmem_shared>>
      tpu.wait_dma2 semaphore(%run_scoped3A : memref<!tpu.dma_semaphore, #tpu.memory_space<semaphore_mem>>) src(%dma_wait3A_83 : memref<25088xi32, #tpu.memory_space<vmem_shared>>) dst(%dma_wait3A : memref<25088xi32, #tpu.memory_space<hbm>>)
      tpu.yield
    }) : () -> ()
    %mul3A_76 = arith.constant 25088 : i32
    %mul3A_77 = arith.muli %arg1, %mul3A_76 : i32
    %mul3A_78 = arith.constant 25088 : i32
    %mul3A_79 = arith.muli %add3A, %mul3A_78 : i32
    "tpu.region"() ({
      %run_scoped3A = tpu.sem_alloc : memref<!tpu.dma_semaphore, #tpu.memory_space<semaphore_mem>>
      %dma_start3A = tpu.memref_slice %arg13[%mul3A_79] : memref<803328xi32, #tpu.memory_space<hbm>> -> memref<25088xi32, #tpu.memory_space<hbm>>
      %dma_start3A_82 = tpu.memref_slice %arg18[%mul3A_77] : memref<401664xi32, #tpu.memory_space<vmem_shared>> -> memref<25088xi32, #tpu.memory_space<vmem_shared>>
      tpu.enqueue_dma source(%dma_start3A_82 : memref<25088xi32, #tpu.memory_space<vmem_shared>>) target(%dma_start3A : memref<25088xi32, #tpu.memory_space<hbm>>) target_semaphore(%run_scoped3A : memref<!tpu.dma_semaphore, #tpu.memory_space<semaphore_mem>>)
      %dma_wait3A = tpu.memref_slice %arg13[%mul3A_79] : memref<803328xi32, #tpu.memory_space<hbm>> -> memref<25088xi32, #tpu.memory_space<hbm>>
      %dma_wait3A_83 = tpu.memref_slice %arg18[%mul3A_77] : memref<401664xi32, #tpu.memory_space<vmem_shared>> -> memref<25088xi32, #tpu.memory_space<vmem_shared>>
      tpu.wait_dma2 semaphore(%run_scoped3A : memref<!tpu.dma_semaphore, #tpu.memory_space<semaphore_mem>>) src(%dma_wait3A_83 : memref<25088xi32, #tpu.memory_space<vmem_shared>>) dst(%dma_wait3A : memref<25088xi32, #tpu.memory_space<hbm>>)
      tpu.yield
    }) : () -> ()
    %mul3A_80 = arith.constant 16 : i32
    %mul3A_81 = arith.muli %add3A, %mul3A_80 : i32
    "tpu.region"() ({
      %run_scoped3A = tpu.sem_alloc : memref<!tpu.dma_semaphore, #tpu.memory_space<semaphore_mem>>
      %dma_start3A = tpu.memref_slice %arg15[%mul3A_81] : memref<512xi32, #tpu.memory_space<hbm>> -> memref<16xi32, #tpu.memory_space<hbm>>
      %dma_start3A_82 = tpu.memref_slice %arg15[%mul3A_81] : memref<512xi32, #tpu.memory_space<hbm>> -> memref<16xi32, #tpu.memory_space<hbm>>
      tpu.enqueue_dma source(%arg25 : memref<16xi32, #tpu.memory_space<vmem>>) target(%dma_start3A_82 : memref<16xi32, #tpu.memory_space<hbm>>) target_semaphore(%run_scoped3A : memref<!tpu.dma_semaphore, #tpu.memory_space<semaphore_mem>>)
      %dma_wait3A = tpu.memref_slice %arg15[%mul3A_81] : memref<512xi32, #tpu.memory_space<hbm>> -> memref<16xi32, #tpu.memory_space<hbm>>
      %dma_wait3A_83 = tpu.memref_slice %arg15[%mul3A_81] : memref<512xi32, #tpu.memory_space<hbm>> -> memref<16xi32, #tpu.memory_space<hbm>>
      tpu.wait_dma2 semaphore(%run_scoped3A : memref<!tpu.dma_semaphore, #tpu.memory_space<semaphore_mem>>) src(%arg25 : memref<16xi32, #tpu.memory_space<vmem>>) dst(%dma_wait3A_83 : memref<16xi32, #tpu.memory_space<hbm>>)
      tpu.yield
    }) : () -> ()
    return
  }
}

#map = affine_map<(d0, d1) -> (0, 0)>
module attributes {stable_mosaic.version = 14 : i64} {
  func.func @_gather_body(%arg0: i32, %arg1: i32, %arg2: memref<50176x32xf32, #tpu.memory_space<hbm>>, %arg3: memref<50176x32xf32, #tpu.memory_space<hbm>>, %arg4: memref<100000x64xf32, #tpu.memory_space<hbm>>, %arg5: memref<32x128xi32, #tpu.memory_space<hbm>>, %arg6: memref<32x128xi32, #tpu.memory_space<hbm>>, %arg7: memref<32x128xi32, #tpu.memory_space<hbm>>, %arg8: memref<4096x32xf32, #tpu.memory_space<hbm>>, %arg9: memref<4096x32xf32, #tpu.memory_space<hbm>>, %arg10: memref<4096x64xf32, #tpu.memory_space<hbm>>, %arg11: memref<4096x64xf32, #tpu.memory_space<hbm>>, %arg12: memref<128xi32, #tpu.memory_space<vmem>>, %arg13: memref<128x32xf32, #tpu.memory_space<vmem>>, %arg14: memref<128x64xf32, #tpu.memory_space<vmem>>, %arg15: memref<!tpu.dma_semaphore, #tpu.memory_space<semaphore_mem>>) attributes {dimension_semantics = [#tpu.dimension_semantics<core_parallel>, #tpu.dimension_semantics<subcore_parallel>], iteration_bounds = array<i64: 2, 16>, scalar_prefetch = 0 : i64, scratch_operands = 4 : i64, tpu.core_type = #tpu.core_type<sc_vector_subcore>, window_params = [{transform_indices = #map}, {transform_indices = #map}, {transform_indices = #map}, {transform_indices = #map}, {transform_indices = #map}, {transform_indices = #map}, {transform_indices = #map}, {transform_indices = #map}, {transform_indices = #map}, {transform_indices = #map}]} {
    %mul3A = arith.constant 2 : i32
    %mul3A_0 = arith.muli %arg1, %mul3A : i32
    %add3A = arith.addi %mul3A_0, %arg0 : i32
    %mul3A_1 = arith.constant 128 : i32
    %mul3A_2 = arith.muli %add3A, %mul3A_1 : i32
    "tpu.region"() ({
      %run_scoped3A = tpu.sem_alloc : memref<!tpu.dma_semaphore, #tpu.memory_space<semaphore_mem>>
      %dma_start3A_25 = arith.constant 0 : i32
      %dma_start3A_26 = tpu.memref_slice %arg5[%add3A, %dma_start3A_25] : memref<32x128xi32, #tpu.memory_space<hbm>> -> memref<1x128xi32, #tpu.memory_space<hbm>>
      %dma_start3A_27 = tpu.memref_squeeze %dma_start3A_26 : memref<1x128xi32, #tpu.memory_space<hbm>> -> memref<128xi32, #tpu.memory_space<hbm>>
      %dma_start3A_28 = arith.constant 0 : i32
      %dma_start3A_29 = tpu.memref_slice %arg5[%add3A, %dma_start3A_28] : memref<32x128xi32, #tpu.memory_space<hbm>> -> memref<1x128xi32, #tpu.memory_space<hbm>>
      %dma_start3A_30 = tpu.memref_squeeze %dma_start3A_29 : memref<1x128xi32, #tpu.memory_space<hbm>> -> memref<128xi32, #tpu.memory_space<hbm>>
      tpu.enqueue_dma source(%dma_start3A_30 : memref<128xi32, #tpu.memory_space<hbm>>) target(%arg12 : memref<128xi32, #tpu.memory_space<vmem>>) target_semaphore(%run_scoped3A : memref<!tpu.dma_semaphore, #tpu.memory_space<semaphore_mem>>)
      %dma_wait3A_31 = arith.constant 0 : i32
      %dma_wait3A_32 = tpu.memref_slice %arg5[%add3A, %dma_wait3A_31] : memref<32x128xi32, #tpu.memory_space<hbm>> -> memref<1x128xi32, #tpu.memory_space<hbm>>
      %dma_wait3A_33 = tpu.memref_squeeze %dma_wait3A_32 : memref<1x128xi32, #tpu.memory_space<hbm>> -> memref<128xi32, #tpu.memory_space<hbm>>
      %dma_wait3A_34 = arith.constant 0 : i32
      %dma_wait3A_35 = tpu.memref_slice %arg5[%add3A, %dma_wait3A_34] : memref<32x128xi32, #tpu.memory_space<hbm>> -> memref<1x128xi32, #tpu.memory_space<hbm>>
      %dma_wait3A_36 = tpu.memref_squeeze %dma_wait3A_35 : memref<1x128xi32, #tpu.memory_space<hbm>> -> memref<128xi32, #tpu.memory_space<hbm>>
      tpu.wait_dma2 semaphore(%run_scoped3A : memref<!tpu.dma_semaphore, #tpu.memory_space<semaphore_mem>>) src(%dma_wait3A_36 : memref<128xi32, #tpu.memory_space<hbm>>) dst(%arg12 : memref<128xi32, #tpu.memory_space<vmem>>)
      tpu.yield
    }) : () -> ()
    %dma_start3A = arith.constant 0 : i32
    %dma_start3A_3 = arith.constant 0 : i32
    %dma_start3A_4 = tpu.memref_slice %arg2[%dma_start3A, %dma_start3A_3] : memref<50176x32xf32, #tpu.memory_space<hbm>> -> memref<50176x32xf32, #tpu.memory_space<hbm>>
    tpu.enqueue_indirect_dma source(%dma_start3A_4 : memref<50176x32xf32, #tpu.memory_space<hbm>>) target(%arg13 : memref<128x32xf32, #tpu.memory_space<vmem>>) offsets(%arg12 : memref<128xi32, #tpu.memory_space<vmem>>) semaphore(%arg15 : memref<!tpu.dma_semaphore, #tpu.memory_space<semaphore_mem>>)
    %dma_wait3A = arith.constant 0 : i32
    %dma_wait3A_5 = arith.constant 0 : i32
    %dma_wait3A_6 = tpu.memref_slice %arg2[%dma_wait3A, %dma_wait3A_5] : memref<50176x32xf32, #tpu.memory_space<hbm>> -> memref<50176x32xf32, #tpu.memory_space<hbm>>
    tpu.wait_indirect_dma semaphore(%arg15 : memref<!tpu.dma_semaphore, #tpu.memory_space<semaphore_mem>>) src(%dma_wait3A_6 : memref<50176x32xf32, #tpu.memory_space<hbm>>) dst(%arg13 : memref<128x32xf32, #tpu.memory_space<vmem>>)
    "tpu.region"() ({
      %run_scoped3A = tpu.sem_alloc : memref<!tpu.dma_semaphore, #tpu.memory_space<semaphore_mem>>
      %dma_start3A_25 = arith.constant 0 : i32
      %dma_start3A_26 = tpu.memref_slice %arg8[%mul3A_2, %dma_start3A_25] : memref<4096x32xf32, #tpu.memory_space<hbm>> -> memref<128x32xf32, #tpu.memory_space<hbm>>
      %dma_start3A_27 = arith.constant 0 : i32
      %dma_start3A_28 = tpu.memref_slice %arg8[%mul3A_2, %dma_start3A_27] : memref<4096x32xf32, #tpu.memory_space<hbm>> -> memref<128x32xf32, #tpu.memory_space<hbm>>
      tpu.enqueue_dma source(%arg13 : memref<128x32xf32, #tpu.memory_space<vmem>>) target(%dma_start3A_28 : memref<128x32xf32, #tpu.memory_space<hbm>>) target_semaphore(%run_scoped3A : memref<!tpu.dma_semaphore, #tpu.memory_space<semaphore_mem>>)
      %dma_wait3A_29 = arith.constant 0 : i32
      %dma_wait3A_30 = tpu.memref_slice %arg8[%mul3A_2, %dma_wait3A_29] : memref<4096x32xf32, #tpu.memory_space<hbm>> -> memref<128x32xf32, #tpu.memory_space<hbm>>
      %dma_wait3A_31 = arith.constant 0 : i32
      %dma_wait3A_32 = tpu.memref_slice %arg8[%mul3A_2, %dma_wait3A_31] : memref<4096x32xf32, #tpu.memory_space<hbm>> -> memref<128x32xf32, #tpu.memory_space<hbm>>
      tpu.wait_dma2 semaphore(%run_scoped3A : memref<!tpu.dma_semaphore, #tpu.memory_space<semaphore_mem>>) src(%arg13 : memref<128x32xf32, #tpu.memory_space<vmem>>) dst(%dma_wait3A_32 : memref<128x32xf32, #tpu.memory_space<hbm>>)
      tpu.yield
    }) : () -> ()
    %dma_start3A_7 = arith.constant 0 : i32
    %dma_start3A_8 = arith.constant 0 : i32
    %dma_start3A_9 = tpu.memref_slice %arg3[%dma_start3A_7, %dma_start3A_8] : memref<50176x32xf32, #tpu.memory_space<hbm>> -> memref<50176x32xf32, #tpu.memory_space<hbm>>
    tpu.enqueue_indirect_dma source(%dma_start3A_9 : memref<50176x32xf32, #tpu.memory_space<hbm>>) target(%arg13 : memref<128x32xf32, #tpu.memory_space<vmem>>) offsets(%arg12 : memref<128xi32, #tpu.memory_space<vmem>>) semaphore(%arg15 : memref<!tpu.dma_semaphore, #tpu.memory_space<semaphore_mem>>)
    %dma_wait3A_10 = arith.constant 0 : i32
    %dma_wait3A_11 = arith.constant 0 : i32
    %dma_wait3A_12 = tpu.memref_slice %arg3[%dma_wait3A_10, %dma_wait3A_11] : memref<50176x32xf32, #tpu.memory_space<hbm>> -> memref<50176x32xf32, #tpu.memory_space<hbm>>
    tpu.wait_indirect_dma semaphore(%arg15 : memref<!tpu.dma_semaphore, #tpu.memory_space<semaphore_mem>>) src(%dma_wait3A_12 : memref<50176x32xf32, #tpu.memory_space<hbm>>) dst(%arg13 : memref<128x32xf32, #tpu.memory_space<vmem>>)
    "tpu.region"() ({
      %run_scoped3A = tpu.sem_alloc : memref<!tpu.dma_semaphore, #tpu.memory_space<semaphore_mem>>
      %dma_start3A_25 = arith.constant 0 : i32
      %dma_start3A_26 = tpu.memref_slice %arg9[%mul3A_2, %dma_start3A_25] : memref<4096x32xf32, #tpu.memory_space<hbm>> -> memref<128x32xf32, #tpu.memory_space<hbm>>
      %dma_start3A_27 = arith.constant 0 : i32
      %dma_start3A_28 = tpu.memref_slice %arg9[%mul3A_2, %dma_start3A_27] : memref<4096x32xf32, #tpu.memory_space<hbm>> -> memref<128x32xf32, #tpu.memory_space<hbm>>
      tpu.enqueue_dma source(%arg13 : memref<128x32xf32, #tpu.memory_space<vmem>>) target(%dma_start3A_28 : memref<128x32xf32, #tpu.memory_space<hbm>>) target_semaphore(%run_scoped3A : memref<!tpu.dma_semaphore, #tpu.memory_space<semaphore_mem>>)
      %dma_wait3A_29 = arith.constant 0 : i32
      %dma_wait3A_30 = tpu.memref_slice %arg9[%mul3A_2, %dma_wait3A_29] : memref<4096x32xf32, #tpu.memory_space<hbm>> -> memref<128x32xf32, #tpu.memory_space<hbm>>
      %dma_wait3A_31 = arith.constant 0 : i32
      %dma_wait3A_32 = tpu.memref_slice %arg9[%mul3A_2, %dma_wait3A_31] : memref<4096x32xf32, #tpu.memory_space<hbm>> -> memref<128x32xf32, #tpu.memory_space<hbm>>
      tpu.wait_dma2 semaphore(%run_scoped3A : memref<!tpu.dma_semaphore, #tpu.memory_space<semaphore_mem>>) src(%arg13 : memref<128x32xf32, #tpu.memory_space<vmem>>) dst(%dma_wait3A_32 : memref<128x32xf32, #tpu.memory_space<hbm>>)
      tpu.yield
    }) : () -> ()
    "tpu.region"() ({
      %run_scoped3A = tpu.sem_alloc : memref<!tpu.dma_semaphore, #tpu.memory_space<semaphore_mem>>
      %dma_start3A_25 = arith.constant 0 : i32
      %dma_start3A_26 = tpu.memref_slice %arg6[%add3A, %dma_start3A_25] : memref<32x128xi32, #tpu.memory_space<hbm>> -> memref<1x128xi32, #tpu.memory_space<hbm>>
      %dma_start3A_27 = tpu.memref_squeeze %dma_start3A_26 : memref<1x128xi32, #tpu.memory_space<hbm>> -> memref<128xi32, #tpu.memory_space<hbm>>
      %dma_start3A_28 = arith.constant 0 : i32
      %dma_start3A_29 = tpu.memref_slice %arg6[%add3A, %dma_start3A_28] : memref<32x128xi32, #tpu.memory_space<hbm>> -> memref<1x128xi32, #tpu.memory_space<hbm>>
      %dma_start3A_30 = tpu.memref_squeeze %dma_start3A_29 : memref<1x128xi32, #tpu.memory_space<hbm>> -> memref<128xi32, #tpu.memory_space<hbm>>
      tpu.enqueue_dma source(%dma_start3A_30 : memref<128xi32, #tpu.memory_space<hbm>>) target(%arg12 : memref<128xi32, #tpu.memory_space<vmem>>) target_semaphore(%run_scoped3A : memref<!tpu.dma_semaphore, #tpu.memory_space<semaphore_mem>>)
      %dma_wait3A_31 = arith.constant 0 : i32
      %dma_wait3A_32 = tpu.memref_slice %arg6[%add3A, %dma_wait3A_31] : memref<32x128xi32, #tpu.memory_space<hbm>> -> memref<1x128xi32, #tpu.memory_space<hbm>>
      %dma_wait3A_33 = tpu.memref_squeeze %dma_wait3A_32 : memref<1x128xi32, #tpu.memory_space<hbm>> -> memref<128xi32, #tpu.memory_space<hbm>>
      %dma_wait3A_34 = arith.constant 0 : i32
      %dma_wait3A_35 = tpu.memref_slice %arg6[%add3A, %dma_wait3A_34] : memref<32x128xi32, #tpu.memory_space<hbm>> -> memref<1x128xi32, #tpu.memory_space<hbm>>
      %dma_wait3A_36 = tpu.memref_squeeze %dma_wait3A_35 : memref<1x128xi32, #tpu.memory_space<hbm>> -> memref<128xi32, #tpu.memory_space<hbm>>
      tpu.wait_dma2 semaphore(%run_scoped3A : memref<!tpu.dma_semaphore, #tpu.memory_space<semaphore_mem>>) src(%dma_wait3A_36 : memref<128xi32, #tpu.memory_space<hbm>>) dst(%arg12 : memref<128xi32, #tpu.memory_space<vmem>>)
      tpu.yield
    }) : () -> ()
    %dma_start3A_13 = arith.constant 0 : i32
    %dma_start3A_14 = arith.constant 0 : i32
    %dma_start3A_15 = tpu.memref_slice %arg4[%dma_start3A_13, %dma_start3A_14] : memref<100000x64xf32, #tpu.memory_space<hbm>> -> memref<100000x64xf32, #tpu.memory_space<hbm>>
    tpu.enqueue_indirect_dma source(%dma_start3A_15 : memref<100000x64xf32, #tpu.memory_space<hbm>>) target(%arg14 : memref<128x64xf32, #tpu.memory_space<vmem>>) offsets(%arg12 : memref<128xi32, #tpu.memory_space<vmem>>) semaphore(%arg15 : memref<!tpu.dma_semaphore, #tpu.memory_space<semaphore_mem>>)
    %dma_wait3A_16 = arith.constant 0 : i32
    %dma_wait3A_17 = arith.constant 0 : i32
    %dma_wait3A_18 = tpu.memref_slice %arg4[%dma_wait3A_16, %dma_wait3A_17] : memref<100000x64xf32, #tpu.memory_space<hbm>> -> memref<100000x64xf32, #tpu.memory_space<hbm>>
    tpu.wait_indirect_dma semaphore(%arg15 : memref<!tpu.dma_semaphore, #tpu.memory_space<semaphore_mem>>) src(%dma_wait3A_18 : memref<100000x64xf32, #tpu.memory_space<hbm>>) dst(%arg14 : memref<128x64xf32, #tpu.memory_space<vmem>>)
    "tpu.region"() ({
      %run_scoped3A = tpu.sem_alloc : memref<!tpu.dma_semaphore, #tpu.memory_space<semaphore_mem>>
      %dma_start3A_25 = arith.constant 0 : i32
      %dma_start3A_26 = tpu.memref_slice %arg10[%mul3A_2, %dma_start3A_25] : memref<4096x64xf32, #tpu.memory_space<hbm>> -> memref<128x64xf32, #tpu.memory_space<hbm>>
      %dma_start3A_27 = arith.constant 0 : i32
      %dma_start3A_28 = tpu.memref_slice %arg10[%mul3A_2, %dma_start3A_27] : memref<4096x64xf32, #tpu.memory_space<hbm>> -> memref<128x64xf32, #tpu.memory_space<hbm>>
      tpu.enqueue_dma source(%arg14 : memref<128x64xf32, #tpu.memory_space<vmem>>) target(%dma_start3A_28 : memref<128x64xf32, #tpu.memory_space<hbm>>) target_semaphore(%run_scoped3A : memref<!tpu.dma_semaphore, #tpu.memory_space<semaphore_mem>>)
      %dma_wait3A_29 = arith.constant 0 : i32
      %dma_wait3A_30 = tpu.memref_slice %arg10[%mul3A_2, %dma_wait3A_29] : memref<4096x64xf32, #tpu.memory_space<hbm>> -> memref<128x64xf32, #tpu.memory_space<hbm>>
      %dma_wait3A_31 = arith.constant 0 : i32
      %dma_wait3A_32 = tpu.memref_slice %arg10[%mul3A_2, %dma_wait3A_31] : memref<4096x64xf32, #tpu.memory_space<hbm>> -> memref<128x64xf32, #tpu.memory_space<hbm>>
      tpu.wait_dma2 semaphore(%run_scoped3A : memref<!tpu.dma_semaphore, #tpu.memory_space<semaphore_mem>>) src(%arg14 : memref<128x64xf32, #tpu.memory_space<vmem>>) dst(%dma_wait3A_32 : memref<128x64xf32, #tpu.memory_space<hbm>>)
      tpu.yield
    }) : () -> ()
    "tpu.region"() ({
      %run_scoped3A = tpu.sem_alloc : memref<!tpu.dma_semaphore, #tpu.memory_space<semaphore_mem>>
      %dma_start3A_25 = arith.constant 0 : i32
      %dma_start3A_26 = tpu.memref_slice %arg7[%add3A, %dma_start3A_25] : memref<32x128xi32, #tpu.memory_space<hbm>> -> memref<1x128xi32, #tpu.memory_space<hbm>>
      %dma_start3A_27 = tpu.memref_squeeze %dma_start3A_26 : memref<1x128xi32, #tpu.memory_space<hbm>> -> memref<128xi32, #tpu.memory_space<hbm>>
      %dma_start3A_28 = arith.constant 0 : i32
      %dma_start3A_29 = tpu.memref_slice %arg7[%add3A, %dma_start3A_28] : memref<32x128xi32, #tpu.memory_space<hbm>> -> memref<1x128xi32, #tpu.memory_space<hbm>>
      %dma_start3A_30 = tpu.memref_squeeze %dma_start3A_29 : memref<1x128xi32, #tpu.memory_space<hbm>> -> memref<128xi32, #tpu.memory_space<hbm>>
      tpu.enqueue_dma source(%dma_start3A_30 : memref<128xi32, #tpu.memory_space<hbm>>) target(%arg12 : memref<128xi32, #tpu.memory_space<vmem>>) target_semaphore(%run_scoped3A : memref<!tpu.dma_semaphore, #tpu.memory_space<semaphore_mem>>)
      %dma_wait3A_31 = arith.constant 0 : i32
      %dma_wait3A_32 = tpu.memref_slice %arg7[%add3A, %dma_wait3A_31] : memref<32x128xi32, #tpu.memory_space<hbm>> -> memref<1x128xi32, #tpu.memory_space<hbm>>
      %dma_wait3A_33 = tpu.memref_squeeze %dma_wait3A_32 : memref<1x128xi32, #tpu.memory_space<hbm>> -> memref<128xi32, #tpu.memory_space<hbm>>
      %dma_wait3A_34 = arith.constant 0 : i32
      %dma_wait3A_35 = tpu.memref_slice %arg7[%add3A, %dma_wait3A_34] : memref<32x128xi32, #tpu.memory_space<hbm>> -> memref<1x128xi32, #tpu.memory_space<hbm>>
      %dma_wait3A_36 = tpu.memref_squeeze %dma_wait3A_35 : memref<1x128xi32, #tpu.memory_space<hbm>> -> memref<128xi32, #tpu.memory_space<hbm>>
      tpu.wait_dma2 semaphore(%run_scoped3A : memref<!tpu.dma_semaphore, #tpu.memory_space<semaphore_mem>>) src(%dma_wait3A_36 : memref<128xi32, #tpu.memory_space<hbm>>) dst(%arg12 : memref<128xi32, #tpu.memory_space<vmem>>)
      tpu.yield
    }) : () -> ()
    %dma_start3A_19 = arith.constant 0 : i32
    %dma_start3A_20 = arith.constant 0 : i32
    %dma_start3A_21 = tpu.memref_slice %arg4[%dma_start3A_19, %dma_start3A_20] : memref<100000x64xf32, #tpu.memory_space<hbm>> -> memref<100000x64xf32, #tpu.memory_space<hbm>>
    tpu.enqueue_indirect_dma source(%dma_start3A_21 : memref<100000x64xf32, #tpu.memory_space<hbm>>) target(%arg14 : memref<128x64xf32, #tpu.memory_space<vmem>>) offsets(%arg12 : memref<128xi32, #tpu.memory_space<vmem>>) semaphore(%arg15 : memref<!tpu.dma_semaphore, #tpu.memory_space<semaphore_mem>>)
    %dma_wait3A_22 = arith.constant 0 : i32
    %dma_wait3A_23 = arith.constant 0 : i32
    %dma_wait3A_24 = tpu.memref_slice %arg4[%dma_wait3A_22, %dma_wait3A_23] : memref<100000x64xf32, #tpu.memory_space<hbm>> -> memref<100000x64xf32, #tpu.memory_space<hbm>>
    tpu.wait_indirect_dma semaphore(%arg15 : memref<!tpu.dma_semaphore, #tpu.memory_space<semaphore_mem>>) src(%dma_wait3A_24 : memref<100000x64xf32, #tpu.memory_space<hbm>>) dst(%arg14 : memref<128x64xf32, #tpu.memory_space<vmem>>)
    "tpu.region"() ({
      %run_scoped3A = tpu.sem_alloc : memref<!tpu.dma_semaphore, #tpu.memory_space<semaphore_mem>>
      %dma_start3A_25 = arith.constant 0 : i32
      %dma_start3A_26 = tpu.memref_slice %arg11[%mul3A_2, %dma_start3A_25] : memref<4096x64xf32, #tpu.memory_space<hbm>> -> memref<128x64xf32, #tpu.memory_space<hbm>>
      %dma_start3A_27 = arith.constant 0 : i32
      %dma_start3A_28 = tpu.memref_slice %arg11[%mul3A_2, %dma_start3A_27] : memref<4096x64xf32, #tpu.memory_space<hbm>> -> memref<128x64xf32, #tpu.memory_space<hbm>>
      tpu.enqueue_dma source(%arg14 : memref<128x64xf32, #tpu.memory_space<vmem>>) target(%dma_start3A_28 : memref<128x64xf32, #tpu.memory_space<hbm>>) target_semaphore(%run_scoped3A : memref<!tpu.dma_semaphore, #tpu.memory_space<semaphore_mem>>)
      %dma_wait3A_29 = arith.constant 0 : i32
      %dma_wait3A_30 = tpu.memref_slice %arg11[%mul3A_2, %dma_wait3A_29] : memref<4096x64xf32, #tpu.memory_space<hbm>> -> memref<128x64xf32, #tpu.memory_space<hbm>>
      %dma_wait3A_31 = arith.constant 0 : i32
      %dma_wait3A_32 = tpu.memref_slice %arg11[%mul3A_2, %dma_wait3A_31] : memref<4096x64xf32, #tpu.memory_space<hbm>> -> memref<128x64xf32, #tpu.memory_space<hbm>>
      tpu.wait_dma2 semaphore(%run_scoped3A : memref<!tpu.dma_semaphore, #tpu.memory_space<semaphore_mem>>) src(%arg14 : memref<128x64xf32, #tpu.memory_space<vmem>>) dst(%dma_wait3A_32 : memref<128x64xf32, #tpu.memory_space<hbm>>)
      tpu.yield
    }) : () -> ()
    return
  }
}

module attributes {stable_mosaic.version = 14 : i64} {
  func.func @_dense_body(%arg0: i32, %arg1: memref<512x32xf32, #tpu.memory_space<vmem>>, %arg2: memref<512x32xf32, #tpu.memory_space<vmem>>, %arg3: memref<512x32xf32, #tpu.memory_space<vmem>>, %arg4: memref<512x32xf32, #tpu.memory_space<vmem>>, %arg5: memref<128x64xf32, #tpu.memory_space<vmem>>, %arg6: memref<1x64xf32, #tpu.memory_space<vmem>>, %arg7: memref<512x32xf32, #tpu.memory_space<vmem>>, %arg8: memref<512x32xf32, #tpu.memory_space<vmem>>) attributes {dimension_semantics = [#tpu.dimension_semantics<arbitrary>], iteration_bounds = array<i64: 98>, scalar_prefetch = 0 : i64, scratch_operands = 0 : i64, tpu.core_type = #tpu.core_type<tc>, window_params = [{transform_indices = @transform_0, window_bounds = array<i64: 512, 32>}, {transform_indices = @transform_1, window_bounds = array<i64: 512, 32>}, {transform_indices = @transform_2, window_bounds = array<i64: 512, 32>}, {transform_indices = @transform_3, window_bounds = array<i64: 512, 32>}, {pipeline_mode = #tpu.pipeline_mode<synchronous>, transform_indices = @transform_4, window_bounds = array<i64: 128, 64>}, {pipeline_mode = #tpu.pipeline_mode<synchronous>, transform_indices = @transform_5, window_bounds = array<i64: 1, 64>}, {transform_indices = @transform_6, window_bounds = array<i64: 512, 32>}, {transform_indices = @transform_7, window_bounds = array<i64: 512, 32>}]} {
    %get3A = arith.constant 0 : index
    %get3A_0 = arith.constant 0 : index
    %get3A_1 = vector.load %arg1[%get3A, %get3A_0] : memref<512x32xf32, #tpu.memory_space<vmem>>, vector<512x32xf32>
    %get3A_2 = arith.constant 0 : index
    %get3A_3 = arith.constant 0 : index
    %get3A_4 = vector.load %arg2[%get3A_2, %get3A_3] : memref<512x32xf32, #tpu.memory_space<vmem>>, vector<512x32xf32>
    %get3A_5 = arith.constant 0 : index
    %get3A_6 = arith.constant 0 : index
    %get3A_7 = vector.load %arg3[%get3A_5, %get3A_6] : memref<512x32xf32, #tpu.memory_space<vmem>>, vector<512x32xf32>
    %get3A_8 = arith.constant 0 : index
    %get3A_9 = arith.constant 0 : index
    %get3A_10 = vector.load %arg4[%get3A_8, %get3A_9] : memref<512x32xf32, #tpu.memory_space<vmem>>, vector<512x32xf32>
    %concatenate3A = tpu.concatenate %get3A_1, %get3A_4, %get3A_7, %get3A_10 in 1 : vector<512x32xf32>, vector<512x32xf32>, vector<512x32xf32>, vector<512x32xf32> -> vector<512x128xf32>
    %get3A_11 = arith.constant 0 : index
    %get3A_12 = arith.constant 0 : index
    %get3A_13 = vector.load %arg5[%get3A_11, %get3A_12] : memref<128x64xf32, #tpu.memory_space<vmem>>, vector<128x64xf32>
    %dot_general3A = arith.constant dense<0.000000e+00> : vector<512x64xf32>
    %dot_general3A_14 = tpu.matmul %concatenate3A, %get3A_13, %dot_general3A {dimension_numbers = #tpu.dot_dimension_numbers<[1], [0], [0], [1], [0, 0, 1, 1], [], []>, transpose_lhs_hint = false} : vector<512x128xf32>, vector<128x64xf32>, vector<512x64xf32> -> vector<512x64xf32>
    %get3A_15 = arith.constant 0 : index
    %get3A_16 = arith.constant 0 : index
    %get3A_17 = vector.load %arg6[%get3A_15, %get3A_16] : memref<1x64xf32, #tpu.memory_space<vmem>>, vector<1x64xf32>
    %add3A = vector.broadcast %get3A_17 : vector<1x64xf32> to vector<512x64xf32>
    %add3A_18 = arith.addf %dot_general3A_14, %add3A : vector<512x64xf32>
    %max3A = arith.constant 0.000000e+00 : f32
    %max3A_19 = vector.broadcast %max3A : f32 to vector<512x64xf32>
    %max3A_20 = arith.maximumf %add3A_18, %max3A_19 : vector<512x64xf32>
    %slice3A = vector.extract_strided_slice %max3A_20 {offsets = [0, 0], sizes = [512, 32], strides = [1, 1]} : vector<512x64xf32> to vector<512x32xf32>
    %swap3A = arith.constant 0 : index
    %swap3A_21 = arith.constant 0 : index
    %swap3A_22 = vector.load %arg7[%swap3A, %swap3A_21] : memref<512x32xf32, #tpu.memory_space<vmem>>, vector<512x32xf32>
    tpu.vector_store %arg7[%swap3A, %swap3A_21], %slice3A {strides = array<i32>} : memref<512x32xf32, #tpu.memory_space<vmem>>, vector<512x32xf32>,
    %slice3A_23 = vector.extract_strided_slice %max3A_20 {offsets = [0, 32], sizes = [512, 32], strides = [1, 1]} : vector<512x64xf32> to vector<512x32xf32>
    %swap3A_24 = arith.constant 0 : index
    %swap3A_25 = arith.constant 0 : index
    %swap3A_26 = vector.load %arg8[%swap3A_24, %swap3A_25] : memref<512x32xf32, #tpu.memory_space<vmem>>, vector<512x32xf32>
    tpu.vector_store %arg8[%swap3A_24, %swap3A_25], %slice3A_23 {strides = array<i32>} : memref<512x32xf32, #tpu.memory_space<vmem>>, vector<512x32xf32>,
    return
  }
  func.func @transform_0(%arg0: i32) -> (i32, i32) {
    %c0_i32 = arith.constant 0 : i32
    %c0_i32_0 = arith.constant 0 : i32
    return %arg0, %c0_i32 : i32, i32
  }
  func.func @transform_1(%arg0: i32) -> (i32, i32) {
    %c0_i32 = arith.constant 0 : i32
    %c0_i32_0 = arith.constant 0 : i32
    return %arg0, %c0_i32 : i32, i32
  }
  func.func @transform_2(%arg0: i32) -> (i32, i32) {
    %c0_i32 = arith.constant 0 : i32
    %c0_i32_0 = arith.constant 0 : i32
    return %arg0, %c0_i32 : i32, i32
  }
  func.func @transform_3(%arg0: i32) -> (i32, i32) {
    %c0_i32 = arith.constant 0 : i32
    %c0_i32_0 = arith.constant 0 : i32
    return %arg0, %c0_i32 : i32, i32
  }
  func.func @transform_4(%arg0: i32) -> (i32, i32) {
    %c0_i32 = arith.constant 0 : i32
    %c0_i32_0 = arith.constant 0 : i32
    %c0_i32_1 = arith.constant 0 : i32
    return %c0_i32, %c0_i32_0 : i32, i32
  }
  func.func @transform_5(%arg0: i32) -> (i32, i32) {
    %c0_i32 = arith.constant 0 : i32
    %c0_i32_0 = arith.constant 0 : i32
    %c0_i32_1 = arith.constant 0 : i32
    return %c0_i32, %c0_i32_0 : i32, i32
  }
  func.func @transform_6(%arg0: i32) -> (i32, i32) {
    %c0_i32 = arith.constant 0 : i32
    %c0_i32_0 = arith.constant 0 : i32
    return %arg0, %c0_i32 : i32, i32
  }
  func.func @transform_7(%arg0: i32) -> (i32, i32) {
    %c0_i32 = arith.constant 0 : i32
    %c0_i32_0 = arith.constant 0 : i32
    return %arg0, %c0_i32 : i32, i32
  }
}

module attributes {stable_mosaic.version = 14 : i64} {
  func.func @_dense2_body(%arg0: i32, %arg1: memref<512x32xf32, #tpu.memory_space<vmem>>, %arg2: memref<512x32xf32, #tpu.memory_space<vmem>>, %arg3: memref<512x32xf32, #tpu.memory_space<vmem>>, %arg4: memref<512x32xf32, #tpu.memory_space<vmem>>, %arg5: memref<128x64xf32, #tpu.memory_space<vmem>>, %arg6: memref<1x64xf32, #tpu.memory_space<vmem>>, %arg7: memref<512x32xf32, #tpu.memory_space<vmem>>, %arg8: memref<512x32xf32, #tpu.memory_space<vmem>>, %arg9: memref<512x32xf32, #tpu.memory_space<vmem>>, %arg10: memref<512x32xf32, #tpu.memory_space<vmem>>) attributes {dimension_semantics = [#tpu.dimension_semantics<arbitrary>], iteration_bounds = array<i64: 98>, scalar_prefetch = 0 : i64, scratch_operands = 0 : i64, tpu.core_type = #tpu.core_type<tc>, window_params = [{transform_indices = @transform_0, window_bounds = array<i64: 512, 32>}, {transform_indices = @transform_1, window_bounds = array<i64: 512, 32>}, {transform_indices = @transform_2, window_bounds = array<i64: 512, 32>}, {transform_indices = @transform_3, window_bounds = array<i64: 512, 32>}, {pipeline_mode = #tpu.pipeline_mode<synchronous>, transform_indices = @transform_4, window_bounds = array<i64: 128, 64>}, {pipeline_mode = #tpu.pipeline_mode<synchronous>, transform_indices = @transform_5, window_bounds = array<i64: 1, 64>}, {transform_indices = @transform_6, window_bounds = array<i64: 512, 32>}, {transform_indices = @transform_7, window_bounds = array<i64: 512, 32>}, {transform_indices = @transform_8, window_bounds = array<i64: 512, 32>}, {transform_indices = @transform_9, window_bounds = array<i64: 512, 32>}]} {
    %get3A = arith.constant 0 : index
    %get3A_0 = arith.constant 0 : index
    %get3A_1 = vector.load %arg1[%get3A, %get3A_0] : memref<512x32xf32, #tpu.memory_space<vmem>>, vector<512x32xf32>
    %get3A_2 = arith.constant 0 : index
    %get3A_3 = arith.constant 0 : index
    %get3A_4 = vector.load %arg2[%get3A_2, %get3A_3] : memref<512x32xf32, #tpu.memory_space<vmem>>, vector<512x32xf32>
    %get3A_5 = arith.constant 0 : index
    %get3A_6 = arith.constant 0 : index
    %get3A_7 = vector.load %arg3[%get3A_5, %get3A_6] : memref<512x32xf32, #tpu.memory_space<vmem>>, vector<512x32xf32>
    %get3A_8 = arith.constant 0 : index
    %get3A_9 = arith.constant 0 : index
    %get3A_10 = vector.load %arg4[%get3A_8, %get3A_9] : memref<512x32xf32, #tpu.memory_space<vmem>>, vector<512x32xf32>
    %concatenate3A = tpu.concatenate %get3A_1, %get3A_4, %get3A_7, %get3A_10 in 1 : vector<512x32xf32>, vector<512x32xf32>, vector<512x32xf32>, vector<512x32xf32> -> vector<512x128xf32>
    %get3A_11 = arith.constant 0 : index
    %get3A_12 = arith.constant 0 : index
    %get3A_13 = vector.load %arg5[%get3A_11, %get3A_12] : memref<128x64xf32, #tpu.memory_space<vmem>>, vector<128x64xf32>
    %dot_general3A = arith.constant dense<0.000000e+00> : vector<512x64xf32>
    %dot_general3A_14 = tpu.matmul %concatenate3A, %get3A_13, %dot_general3A {dimension_numbers = #tpu.dot_dimension_numbers<[1], [0], [0], [1], [0, 0, 1, 1], [], []>, transpose_lhs_hint = false} : vector<512x128xf32>, vector<128x64xf32>, vector<512x64xf32> -> vector<512x64xf32>
    %get3A_15 = arith.constant 0 : index
    %get3A_16 = arith.constant 0 : index
    %get3A_17 = vector.load %arg6[%get3A_15, %get3A_16] : memref<1x64xf32, #tpu.memory_space<vmem>>, vector<1x64xf32>
    %add3A = vector.broadcast %get3A_17 : vector<1x64xf32> to vector<512x64xf32>
    %add3A_18 = arith.addf %dot_general3A_14, %add3A : vector<512x64xf32>
    %max3A = arith.constant 0.000000e+00 : f32
    %max3A_19 = vector.broadcast %max3A : f32 to vector<512x64xf32>
    %max3A_20 = arith.maximumf %add3A_18, %max3A_19 : vector<512x64xf32>
    %slice3A = vector.extract_strided_slice %max3A_20 {offsets = [0, 0], sizes = [512, 32], strides = [1, 1]} : vector<512x64xf32> to vector<512x32xf32>
    %get3A_21 = arith.constant 0 : index
    %get3A_22 = arith.constant 0 : index
    %get3A_23 = vector.load %arg7[%get3A_21, %get3A_22] : memref<512x32xf32, #tpu.memory_space<vmem>>, vector<512x32xf32>
    %add3A_24 = arith.addf %slice3A, %get3A_23 : vector<512x32xf32>
    %swap3A = arith.constant 0 : index
    %swap3A_25 = arith.constant 0 : index
    %swap3A_26 = vector.load %arg9[%swap3A, %swap3A_25] : memref<512x32xf32, #tpu.memory_space<vmem>>, vector<512x32xf32>
    tpu.vector_store %arg9[%swap3A, %swap3A_25], %add3A_24 {strides = array<i32>} : memref<512x32xf32, #tpu.memory_space<vmem>>, vector<512x32xf32>,
    %slice3A_27 = vector.extract_strided_slice %max3A_20 {offsets = [0, 32], sizes = [512, 32], strides = [1, 1]} : vector<512x64xf32> to vector<512x32xf32>
    %get3A_28 = arith.constant 0 : index
    %get3A_29 = arith.constant 0 : index
    %get3A_30 = vector.load %arg8[%get3A_28, %get3A_29] : memref<512x32xf32, #tpu.memory_space<vmem>>, vector<512x32xf32>
    %add3A_31 = arith.addf %slice3A_27, %get3A_30 : vector<512x32xf32>
    %swap3A_32 = arith.constant 0 : index
    %swap3A_33 = arith.constant 0 : index
    %swap3A_34 = vector.load %arg10[%swap3A_32, %swap3A_33] : memref<512x32xf32, #tpu.memory_space<vmem>>, vector<512x32xf32>
    tpu.vector_store %arg10[%swap3A_32, %swap3A_33], %add3A_31 {strides = array<i32>} : memref<512x32xf32, #tpu.memory_space<vmem>>, vector<512x32xf32>,
    return
  }
  func.func @transform_0(%arg0: i32) -> (i32, i32) {
    %c0_i32 = arith.constant 0 : i32
    %c0_i32_0 = arith.constant 0 : i32
    return %arg0, %c0_i32 : i32, i32
  }
  func.func @transform_1(%arg0: i32) -> (i32, i32) {
    %c0_i32 = arith.constant 0 : i32
    %c0_i32_0 = arith.constant 0 : i32
    return %arg0, %c0_i32 : i32, i32
  }
  func.func @transform_2(%arg0: i32) -> (i32, i32) {
    %c0_i32 = arith.constant 0 : i32
    %c0_i32_0 = arith.constant 0 : i32
    return %arg0, %c0_i32 : i32, i32
  }
  func.func @transform_3(%arg0: i32) -> (i32, i32) {
    %c0_i32 = arith.constant 0 : i32
    %c0_i32_0 = arith.constant 0 : i32
    return %arg0, %c0_i32 : i32, i32
  }
  func.func @transform_4(%arg0: i32) -> (i32, i32) {
    %c0_i32 = arith.constant 0 : i32
    %c0_i32_0 = arith.constant 0 : i32
    %c0_i32_1 = arith.constant 0 : i32
    return %c0_i32, %c0_i32_0 : i32, i32
  }
  func.func @transform_5(%arg0: i32) -> (i32, i32) {
    %c0_i32 = arith.constant 0 : i32
    %c0_i32_0 = arith.constant 0 : i32
    %c0_i32_1 = arith.constant 0 : i32
    return %c0_i32, %c0_i32_0 : i32, i32
  }
  func.func @transform_6(%arg0: i32) -> (i32, i32) {
    %c0_i32 = arith.constant 0 : i32
    %c0_i32_0 = arith.constant 0 : i32
    return %arg0, %c0_i32 : i32, i32
  }
  func.func @transform_7(%arg0: i32) -> (i32, i32) {
    %c0_i32 = arith.constant 0 : i32
    %c0_i32_0 = arith.constant 0 : i32
    return %arg0, %c0_i32 : i32, i32
  }
  func.func @transform_8(%arg0: i32) -> (i32, i32) {
    %c0_i32 = arith.constant 0 : i32
    %c0_i32_0 = arith.constant 0 : i32
    return %arg0, %c0_i32 : i32, i32
  }
  func.func @transform_9(%arg0: i32) -> (i32, i32) {
    %c0_i32 = arith.constant 0 : i32
    %c0_i32_0 = arith.constant 0 : i32
    return %arg0, %c0_i32 : i32, i32
  }
}

</mosaic_0001>

<sc_bundles>
// kernel: kernel.12.cloned.1.call-start
scs
__scs_entry_jumppad:
0x0: {  	(pc) =	sbr.rel $0x88, $3  }
0x1: {  	(tag) =	ssettag $0x0;
	lr =	simm.s32 $0x1  }
0x2: {  	[smem:$0x3F92] =	sst lr;
	_ =	strace $0xD0000000  }
0x3: {  	_ = 	snop  }
0x4: {  	_ = 	snop  }
0x5: {  	_ = 	snop  }
0x6: {  	_ = 	snop  }
0x7: {  	_ = 	snop  }
__scs_overlays_trampoline_lowered:
0x8: {  	[smem:$0x3FA1] =	sst s0  }
0x9: {  	[smem:$0x3FA2] =	sst s1  }
0xa: {  	[smem:$0x3FA3] =	sst s2  }
0xb: {  	[smem:$0x3FA4] =	sst s3  }
0xc: {  	[smem:$0x3FA5] =	sst s4  }
0xd: {  	[smem:$0x3FA6] =	sst s5  }
0xe: {  	[smem:$0x3FA7] =	sst s6  }
0xf: {  	[smem:$0x3FA8] =	sst s7  }
0x10: {  	[smem:$0x3FA9] =	sst s8  }
0x11: {  	[smem:$0x3FAA] =	sst s9;
	s0 =	simm.s32 @!p0 $0x0  }
0x12: {  	s1 =	sld [smem:$0x3F90];
	s0 =	simm.s32 @p0 $0x1  }
0x13: {  	[smem:$0x3FAB] =	sst s0;
	s0 =	simm.s32 @!p1 $0x0  }
0x14: {  	s2 =	sld [smem:$0x3F8F];
	s0 =	simm.s32 @p1 $0x1  }
0x15: {  	[smem:$0x3FAC] =	sst s0;
	s0 =	simm.s32 @!p2 $0x0  }
0x16: {  	s3 =	sld [smem:$0x3FDB];
	s0 =	simm.s32 @p2 $0x1  }
0x17: {  	s4 =	simm.s32 $0x1BF5;
	[smem:$0x3FAE] =	sst s0  }
0x18: {  	s0 =	sld [smem:$0x3F91];
	_ =	swait.ge [sflag:s4], $0x0  }
0x19: {  	s7 =	sld [smem:$0x3F92]  }
0x1a: {  	s8 =	sadd.s32 $0xFFFFE003, lr  }
0x1b: {  	s9 =	sadd.s32 $0xFFFFFEF7, lr;
	s5 =	simm.s32 $0xFFFFFFFF;
	p2 =	slt.u32 s8, $0xFFFFF086  }
0x1c: {  	p1 =	slt.u32 s9, $0xF7A;
	s5 =	simm.s32 @!p2 $0x0  }
0x1d: {  	s5 =	simm.s32 @p1 $0x1;
	p0 =	seq.s32 s7, s2  }
0x1e: {  	s7 =	smul.u32 @!p0 $0xF7A, s2;
	p2 =	seq.s32 @!p0 s5, $0x0  }
0x1f: {  	s9 =	smul.u32 $0xF7A, s1;
	s8 =	simm.s32 @!p0 $0x1BF5;
	p2 =	por !p2, p0  }
0x20: {  	[sflag:s8] =	ssyncset.s32 @!p0 $0xFFFFF086;
	s6 =	sadd.s32 @!p0 s3, s7;
	s7 =	simm.s32 @!p0 $0x108  }
0x21: {  	s3 =	sadd.s32 s3, s9;
	s6 =	sadd.s32 @!p0 $0x88, s6;
	s7 =	simm.s32 @p2 $0x1082  }
0x22: {  	[simem:s7], [sflag:s8] =	dma.local @!p0 [hbm:s6], $0xF7A  }
0x23: {  	s9 =	sor.u32 $0xD0000000, s2;
	s6 =	simm.s32 $0x108;
	_ =	swait.ge @!p0 [sflag:s8], $0x0  }
0x24: {  	s3 =	sadd.s32 $0x88, s3;
	s6 =	simm.s32 @!p1 $0x1082;
	[sflag:s4] =	ssyncset.s32 $0xFFFFF086  }
0x25: {  	[simem:s6], [sflag:s4] =	dma.local [hbm:s3], $0xF7A  }
0x26: {  	[smem:$0x3F92] =	sst s1;
	(tag) =	ssettag s2;
	_ =	strace s9  }
0x27: {  	s1 =	sld [smem:$0x3FA2]  }
0x28: {  	s2 =	sld [smem:$0x3FA3]  }
0x29: {  	s4 =	sld [smem:$0x3FA5]  }
0x2a: {  	p0 =	seq.s32 s5, $0x0;
	s5 =	sld [smem:$0x3FA6]  }
0x2b: {  	s6 =	sld [smem:$0x3FA7]  }
0x2c: {  	s7 =	sld [smem:$0x3FA8]  }
0x2d: {  	s3 =	simm.s32 $0x108;
	s8 =	sld [smem:$0x3FA9]  }
0x2e: {  	s3 =	simm.s32 @!p0 $0x1082;
	s9 =	sld [smem:$0x3FAA]  }
0x2f: {  	lr =	sadd.s32 s0, s3;
	s0 =	sld [smem:$0x3FA1]  }
0x30: {  	s3 =	sld [smem:$0x3FA4]  }
0x31: {  	[smem:$0x3FAD] =	sst s10  }
0x32: {  	s10 =	sld [smem:$0x3FAB];
	_ =	sdelay $0x3  }
0x33: {  	p0 =	seq.s32 s10, $0x1;
	s10 =	sld [smem:$0x3FAD];
	_ =	sdelay $0x3  }
0x34: {  	[smem:$0x3FAD] =	sst s10  }
0x35: {  	s10 =	sld [smem:$0x3FAC];
	_ =	sdelay $0x3  }
0x36: {  	p1 =	seq.s32 s10, $0x1;
	s10 =	sld [smem:$0x3FAD];
	_ =	sdelay $0x3  }
0x37: {  	[smem:$0x3FAD] =	sst s10  }
0x38: {  	s10 =	sld [smem:$0x3FAE]  }
0x39: {  	_ = 	snop;
	(pc) =	sbr.ind lr, $3  }
0x3a: {  	_ = 	snop  }
0x3b: {  	_ = 	snop  }
0x3c: {  	p2 =	seq.s32 s10, $0x1;
	s10 =	sld [smem:$0x3FAD]  }
0x3d: {  	_ =	shalt  }
0x3e: {  	_ =	shalt  }
0x3f: {  	_ =	shalt  }
0x40: {  	_ =	shalt  }
0x41: {  	_ =	shalt  }
0x42: {  	_ =	shalt  }
0x43: {  	_ =	shalt  }
0x44: {  	_ =	shalt  }
0x45: {  	_ =	shalt  }
0x46: {  	_ =	shalt  }
0x47: {  	_ =	shalt  }
0x48: {  	_ =	shalt  }
0x49: {  	_ =	shalt  }
0x4a: {  	_ =	shalt  }
0x4b: {  	_ =	shalt  }
0x4c: {  	_ =	shalt  }
0x4d: {  	_ =	shalt  }
0x4e: {  	_ =	shalt  }
0x4f: {  	_ =	shalt  }
0x50: {  	_ =	shalt  }
0x51: {  	_ =	shalt  }
0x52: {  	_ =	shalt  }
0x53: {  	_ =	shalt  }
0x54: {  	_ =	shalt  }
0x55: {  	_ =	shalt  }
0x56: {  	_ =	shalt  }
0x57: {  	_ =	shalt  }
0x58: {  	_ =	shalt  }
0x59: {  	_ =	shalt  }
0x5a: {  	_ =	shalt  }
0x5b: {  	_ =	shalt  }
0x5c: {  	_ =	shalt  }
0x5d: {  	_ =	shalt  }
0x5e: {  	_ =	shalt  }
0x5f: {  	_ =	shalt  }
0x60: {  	_ =	shalt  }
0x61: {  	_ =	shalt  }
0x62: {  	_ =	shalt  }
0x63: {  	_ =	shalt  }
0x64: {  	_ =	shalt  }
0x65: {  	_ =	shalt  }
0x66: {  	_ =	shalt  }
0x67: {  	_ =	shalt  }
0x68: {  	_ =	shalt  }
0x69: {  	_ =	shalt  }
0x6a: {  	_ =	shalt  }
0x6b: {  	_ =	shalt  }
0x6c: {  	_ =	shalt  }
0x6d: {  	_ =	shalt  }
0x6e: {  	_ =	shalt  }
0x6f: {  	_ =	shalt  }
0x70: {  	_ =	shalt  }
0x71: {  	_ =	shalt  }
0x72: {  	_ =	shalt  }
0x73: {  	_ =	shalt  }
0x74: {  	_ =	shalt  }
0x75: {  	_ =	shalt  }
0x76: {  	_ =	shalt  }
0x77: {  	_ =	shalt  }
0x78: {  	_ =	shalt  }
0x79: {  	_ =	shalt  }
0x7a: {  	_ =	shalt  }
0x7b: {  	_ =	shalt  }
0x7c: {  	_ =	shalt  }
0x7d: {  	_ =	shalt  }
0x7e: {  	_ =	shalt  }
0x7f: {  	_ =	shalt  }
0x80: {  	_ =	shalt  }
0x81: {  	_ =	shalt  }
0x82: {  	_ =	shalt  }
0x83: {  	_ =	shalt  }
0x84: {  	_ =	shalt  }
0x85: {  	_ =	shalt  }
0x86: {  	_ =	shalt  }
0x87: {  	_ =	shalt  }
.Lfunc_end0:
.L_simem_size_0:
called_computation.1_lowered:
.L_overlay_start_0:
0x88: {  	s2 =	sld [smem:$0x3FD9]  }
0x89: {  	s3 =	sld [smem:$0x3FFE];
	_ =	sdelay $0x1  }
0x8a: {  	s1 =	srdreg.scid  }
0x8b: {  	s0 =	sand.u32 $0x1, s1  }
0x8c: {  	s14 =	sshll.u32 s0, $0xA;
	s2 =	sadd.s32 s3, s2  }
0x8d: {  	s2 =	sadd.s32 s2, s14  }
0x8e: {  	[smem:$0x3FB9] =	sst s2  }
0x8f: {  	_ = 	snop  }
0x90: {  	s2 =	sld [smem:$0x3FD0];
	_ =	sdelay $0x2  }
0x91: {  	s15 =	simm.s32 $0xB;
	s4 =	simm.s32 $0x10  }
0x92: {  	[smem:s4], [sflag:s15] =	dma.local [hbm:s2], $0x1  }
0x93: {  	_ =	swait.eq [sflag:s15], $0x1  }
0x94: {  	[sflag:s15] =	ssyncset.done $0x0  }
0x95: {  	[sflag:s15] =	ssyncadd.s32 $0xFFFFFFFF  }
0x96: {  	s16 =	sld [smem:$0x12];
	(tm) =	ssettm $0x1  }
0x97: {  	s17 =	sld [smem:$0x3FFB];
	_ =	sdelay $0x3  }
0x98: {  	_ =	strace s17  }
0x99: {  	s3 =	sld [smem:$0x3FFC];
	_ =	sdelay $0x3  }
0x9a: {  	_ =	strace s3  }
0x9b: {  	s3 =	sld [smem:$0x3FFD];
	_ =	sdelay $0x3  }
0x9c: {  	_ =	strace s3  }
0x9d: {  	_ =	strace $0x8FFFFFFF  }
0x9e: {  	s18 =	sld [smem:$0x3FDB];
	_ =	sdelay $0x1  }
0x9f: {  	s19 =	simm.s32 $_scs_section_size  }
0xa0: {  	s5 =	simm.s32 $_size__tile_overlayer_lowered;
	s6 =	simm.s32 $_tile_overlayer_lowered  }
0xa1: {  	s22 =	simm.s32 $0x1BFF;
	s21 =	sshll.u32 s6, $0x1;
	s3 =	sadd.s32 s19, s18  }
0xa2: {  	s7 =	simm.s32 $0x0;
	s20 =	sshll.u32 s5, $0x1;
	s5 =	sadd.s32 s21, s3  }
0xa3: {  	[timem:s7], [sflag:s22] =	dma.local [hbm:s5], s20  }
0xa4: {  	_ =	swait.ge [sflag:s22], s20  }
0xa5: {  	s4 =	ssub.s32 $0x0, s20;
	[sflag:s22] =	ssyncset.done $0x0  }
0xa6: {  	[sflag:s22] =	ssyncadd.s32 s4;
	_ =	sdelay $0x1  }
0xa7: {  	s23 =	simm.s32 $0x1B8B  }
0xa8: {  	_ =	swait.ge [sflag:s23], $0x1  }
0xa9: {  	[sflag:s23] =	ssyncset.done $0x0  }
0xaa: {  	s25 =	simm.s32 $0x1B8E;
	s24 =	sld [smem:$0x3FFE];
	[sflag:s23] =	ssyncadd.s32 $0xFFFFFFFF  }
0xab: {  	s26 =	simm.s32 $execute0_lowered;
	[smem:$0x3FD2] =	sst s25  }
0xac: {  	s5 =	sshll.u32 s26, $0x1;
	_ =	strace $0x80000046;
	[dreg:$0x1] =	wrdreg $0xFFFFFFFF  }
0xad: {  	s28 =	simm.s32 $_size_execute0_lowered;
	s3 =	sadd.s32 s3, s5;
	[dreg:$0x0] =	wrdreg $0x0  }
0xae: {  	s5 =	sshll.u32 s28, $0x1;
	[dreg:$0x2] =	wrdreg s3  }
0xaf: {  	[dreg:$0x3] =	wrdreg s5  }
0xb0: {  	[dreg:$0x4] =	wrdreg $0xC0  }
0xb1: {  	_ =	task [dreg:s7], $0x5FFFF  }
0xb2: {  	[dreg:$0x1] =	wrdreg $0xFFFFFFFF  }
0xb3: {  	[dreg:$0x0] =	wrdreg $0x60  }
0xb4: {  	[dreg:$0x2] =	wrdreg s24  }
0xb5: {  	[dreg:$0x3] =	wrdreg s16  }
0xb6: {  	[dreg:$0x4] =	wrdreg $0x0  }
0xb7: {  	[dreg:$0x5] =	wrdreg $0xA  }
0xb8: {  	_ =	task.clear_ibuf [dreg:s7], $0x6FFFF;
	_ =	strace $0x90000046  }
0xb9: {  	s29 =	simm.s32 $0xA;
	_ =	strace $0x80000048  }
0xba: {  	_ =	swait.ge [sflag:s29], $0x1  }
0xbb: {  	[sflag:s29] =	ssyncadd.s32 $0xFFFFFFFF  }
0xbc: {  	_ =	strace $0x90000048  }
0xbd: {  	_ =	sfence  }
0xbe: {  	s30 =	sld [smem:$0x0];
	_ =	sdelay $0x2  }
0xbf: {  	s31 =	sshll.u32 s1, $0xD;
	s1 =	sshrl.u32 s1, $0x2  }
0xc0: {  	s3 =	sand.u32 $0x4000, s31;
	s1 =	sadd.s32 s1, s30  }
0xc1: {  	s0 =	sor.u32 s3, s0;
	s1 =	sshll.u32 s1, $0x11  }
0xc2: {  	s0 =	sor.u32 s1, s0  }
0xc3: {  	s0 =	sadd.s32 $0x8F2B, s0  }
0xc4: {  	[sflag:s0] =	ssyncadd.remote.s32 $0x1  }
0xc5: {  	_ =	sfence.sel $0xFFFF  }
0xc6: {  	[dreg:$0x0] =	wrdreg $0xFFFFFFFF;
	(pc) =	sbr.abs _section_cstart, $3  }
0xc7: {  	[dreg:$0x1] =	wrdreg $0xFFFFFFFF  }
0xc8: {  	_ =	task.clear_ibuf [dreg:s7], $0x2FFFF;
	_ =	strace $0x9FFFFFFF  }
0xc9: {  	(tm) =	ssettm $0x7FFFFFFF  }
tec
execute0_lowered:
.L_overlay_start_1:
0x0: {  	(tag) =	ssettag $0x1  }
0x1: {  	s6 =	rddreg [dreg:$0x0]  }
0x2: {  	s2 =	rddreg [dreg:$0x1]  }
0x3: {  	s3 =	rddreg [dreg:$0x2]  }
0x4: {  	s1 =	stileid.u32;
	s0 =	rddreg [dreg:$0x3]  }
0x5: {  	s4 =	simm.s32 $0x0;
	s7 =	srdreg.scid;
	s16 =	simm.s32 $0x1C0  }
0x6: {  	s17 =	simm.s32 $0x18F00;
	s18 =	simm.s32 $0x2;
	s19 =	simm.s32 $0x1  }
0x7: {  	s20 =	simm.s32 $0x0;
	s5 =	smul.u32 $0x1880, s1;
	[smem:$0x7FF] =	sst s4  }
0x8: {  	s10 =	sadd.s32 $0x1BD600, s6;
	s7 =	sand.u32 $0x1, s7;
	s11 =	sadd.s32 $0x21F400, s6  }
0x9: {  	s9 =	smul.u32 $0x18800, s1;
	s13 =	sadd.s32 $0x250400, s6;
	s14 =	sshll.u32 s1, $0x6  }
0xa: {  	_ =	strace $0x80000047;
	s8 =	ssub.s32 $0x2, s7;
	p0 =	seq.s32 s7, $0x1  }
0xb: {  	s12 =	sadd.s32 s5, s6;
	s5 =	sadd.s32 $0xC9200, s6;
	s30 =	sshrl.u32 s8, $0x1  }
0xc: {  	s15 =	sadd.s32 s9, s3;
	s6 =	sor.u32 $0x1C02, s14;
	s31 =	sshrl.u32 s9, $0x3  }
0xd: {  	s11 =	smov.u32 @p0 s13;
	s14 =	simm.s32 $0x18800;
	s8 =	ssub.s32 s8, s30  }
0xe: {  	s9 =	sadd.s32 $0x1EE400, s12;
	s5 =	smov.u32 @p0 s10;
	s10 =	sadd.s32 s11, s31  }
0xf: {  	s11 =	sadd.s32 $0x206C38, s12;
	s13 =	sshrl.u32 s15, $0x3;
	s15 =	simm.s32 $0x18B80  }
0x10: {  	s7 =	smax.u32 s8, $0x1;
	s8 =	sadd.s32 $0x206C00, s12;
	s12 =	sadd.s32 $0x1EE438, s12  }
.LBB2_1:
0x11: {  	[spmem:s13], [sflag:s6] =	dma.local [hbm:s2], $0x3100  }
0x12: {  	_ =	swait.ge [sflag:s18], $0x3100  }
0x13: {  	[sflag:s18] =	ssyncset.done $0x0  }
0x14: {  	[sflag:s18] =	ssyncadd.s32 $0xFFFFCF00  }
0x15: {  	[bflag:$0x0] =	sbarrier.arrive $0xFFFF  }
0x16: {  	[tilespmem:s14], [sflag:$0x2] =	stream.linear.gather [hbm4b:s8+s4], $0x1C0, $0x38;
	[tilespmem:$0x1FF00] =	vst v63  }
0x17: {  	_ =	swait.ge [sflag:s18], $0x1C0  }
0x18: {  	[sflag:s18] =	ssyncset.done $0x0  }
0x19: {  	[sflag:s18] =	ssyncadd.s32 $0xFFFFFE40  }
0x1a: {  	[tilespmem:s15], [sflag:$0x2] =	stream.linear.gather [hbm4b:s9+s4], $0x1C0, $0x38;
	[tilespmem:$0x1FF00] =	vst v63  }
0x1b: {  	_ =	swait.ge [sflag:s18], $0x1C0  }
0x1c: {  	[sflag:s18] =	ssyncset.done $0x0  }
0x1d: {  	[sflag:s18] =	ssyncadd.s32 $0xFFFFFE40  }
0x1e: {  	[tilespmem:s17], [sflag:$0x1] =	stream.indirect.gather [hbm4b:s5+s16], $0x20, s14, s16, $0xb8;
	[tilespmem:$0x1FF00] =	vst v63  }
0x1f: {  	s21 =	smul.u32 $0x1C0, s19;
	_ =	swait.ge [sflag:s19], $0x3800  }
0x20: {  	[sflag:s19] =	ssyncset.done $0x0  }
0x21: {  	s22 =	sadd.s32 $0x18800, s21;
	[sflag:s19] =	ssyncadd.s32 $0xFFFFC800  }
0x22: {  	[tilespmem:s22], [sflag:$0x2] =	stream.linear.gather [hbm4b:s11+s4], $0x1C0, $0x38;
	[tilespmem:$0x1FF00] =	vst v63  }
0x23: {  	_ =	swait.ge [sflag:s18], $0x1C0  }
0x24: {  	s23 =	smul.u32 $0xE000, s19;
	[sflag:s18] =	ssyncset.done $0x0  }
0x25: {  	s24 =	smul.u32 $0xE000, s4;
	s21 =	sadd.s32 $0x18B80, s21;
	[sflag:s18] =	ssyncadd.s32 $0xFFFFFE40  }
0x26: {  	[tilespmem:s21], [sflag:$0x2] =	stream.linear.gather [hbm4b:s12+s4], $0x1C0, $0x38;
	[tilespmem:$0x1FF00] =	vst v63  }
0x27: {  	s30 =	smul.u32 $0x700, s4;
	_ =	swait.ge [sflag:s18], $0x1C0  }
0x28: {  	s23 =	sshra.s32 s23, $0x2;
	s24 =	sshra.s32 s24, $0x2;
	[sflag:s18] =	ssyncset.done $0x0  }
0x29: {  	s23 =	sadd.s32 $0x18F00, s23;
	s21 =	sshra.s32 s30, $0x2;
	[sflag:s18] =	ssyncadd.s32 $0xFFFFFE40  }
0x2a: {  	[tilespmem:s23], [sflag:$0x1] =	stream.indirect.gather [hbm4b:s5+s16], $0x20, s22, s16, $0xb8;
	[tilespmem:$0x1FF00] =	vst v63  }
0x2b: {  	s31 =	sadd.s32 $0x18F00, s24;
	s24 =	sand.u32 $0x1, s18;
	s21 =	sadd.s32 $0x18B80, s21  }
0x2c: {  	[spmem:s3] =	stream.indirect.scatter.add.f32 [tilespmem:s31], [sflag:$0x2], $0x20, s21, s16, $0xb8;
	[tilespmem:$0x1FF00] =	vst v63  }
0x2d: {  	s23 =	simm.s32 $0x3;
	s22 =	smov.u32 s12;
	s21 =	smov.u32 s11  }
.LBB2_2:
0x2e: {  	s25 =	smul.u32 $0xE000, s24  }
0x2f: {  	_ =	swait.ge [sflag:s18], $0x3800;
	s26 =	sxor.u32 $0x1, s24;
	s28 =	smov.u32 s23  }
0x30: {  	s21 =	sadd.s32 $0x38, s21;
	s29 =	smul.u32 $0xE000, s26;
	[sflag:s18] =	ssyncset.done $0x0  }
0x31: {  	s26 =	smul.u32 $0x700, s26;
	s25 =	sshra.s32 s25, $0x2;
	[sflag:s18] =	ssyncadd.s32 $0xFFFFC800  }
0x32: {  	s24 =	smul.u32 $0x1C0, s24;
	s30 =	sadd.s32 $0x1, s23;
	_ =	swait.ge [sflag:s19], $0x3800  }
0x33: {  	s29 =	sshra.s32 s29, $0x2;
	s26 =	sshra.s32 s26, $0x2;
	[sflag:s19] =	ssyncset.done $0x0  }
0x34: {  	s22 =	sadd.s32 $0x38, s22;
	s31 =	sadd.s32 $0x18800, s24;
	[sflag:s19] =	ssyncadd.s32 $0xFFFFC800  }
0x35: {  	[tilespmem:s31], [sflag:$0x2] =	stream.linear.gather [hbm4b:s21+s4], $0x1C0, $0x38;
	[tilespmem:$0x1FF00] =	vst v63  }
0x36: {  	p0 =	sne.s32 s23, $0x70;
	_ =	swait.ge [sflag:s18], $0x1C0  }
0x37: {  	[sflag:s18] =	ssyncset.done $0x0  }
0x38: {  	s23 =	sadd.s32 $0x18B80, s24;
	[sflag:s18] =	ssyncadd.s32 $0xFFFFFE40  }
0x39: {  	[tilespmem:s23], [sflag:$0x2] =	stream.linear.gather [hbm4b:s22+s4], $0x1C0, $0x38;
	[tilespmem:$0x1FF00] =	vst v63  }
0x3a: {  	_ =	swait.ge [sflag:s18], $0x1C0  }
0x3b: {  	[sflag:s18] =	ssyncset.done $0x0  }
.Ltmp0:
0x3c: {  	s23 =	sadd.s32 $0x18F00, s25;
	[sflag:s18] =	ssyncadd.s32 $0xFFFFFE40;
	(pc) =	sbr.rel @p0 .LBB2_2-.Ltmp0, $4  }
0x3d: {  	[tilespmem:s23], [sflag:$0x1] =	stream.indirect.gather [hbm4b:s5+s16], $0x20, s31, s16, $0xb8;
	[tilespmem:$0x1FF00] =	vst v63  }
0x3e: {  	s24 =	sand.u32 $0x1, s28;
	s25 =	sadd.s32 $0x18B80, s26;
	s23 =	sadd.s32 $0x18F00, s29  }
0x3f: {  	[spmem:s3] =	stream.indirect.scatter.add.f32 [tilespmem:s23], [sflag:$0x2], $0x20, s25, s16, $0xb8;
	[tilespmem:$0x1FF00] =	vst v63  }
0x40: {  	s23 =	smov.u32 s30  }
0x41: {  	_ =	swait.ge [sflag:s18], $0x3800;
	s21 =	sxor.u32 $0x1, s24  }
0x42: {  	[sflag:s18] =	ssyncset.done $0x0;
	s22 =	smul.u32 $0xE000, s21  }
0x43: {  	s21 =	smul.u32 $0x700, s21;
	[sflag:s18] =	ssyncadd.s32 $0xFFFFC800  }
0x44: {  	_ =	swait.ge [sflag:s19], $0x3800  }
0x45: {  	s22 =	sshrl.u32 s22, $0x2;
	s21 =	sshrl.u32 s21, $0x2;
	[sflag:s19] =	ssyncset.done $0x0  }
0x46: {  	s22 =	sadd.s32 $0x18F00, s22;
	s21 =	sadd.s32 $0x18B80, s21;
	[sflag:s19] =	ssyncadd.s32 $0xFFFFC800  }
0x47: {  	[spmem:s3] =	stream.indirect.scatter.add.f32 [tilespmem:s22], [sflag:$0x2], $0x20, s21, s16, $0xb8;
	[tilespmem:$0x1FF00] =	vst v63  }
0x48: {  	_ =	swait.ge [sflag:s18], $0x3800  }
0x49: {  	s20 =	sadd.s32 $0x1, s20;
	[sflag:s18] =	ssyncset.done $0x0  }
0x4a: {  	p0 =	sne.s32 s20, s7;
	[sflag:s18] =	ssyncadd.s32 $0xFFFFC800  }
.Ltmp1:
0x4b: {  	[bflag:$0x0] =	sbarrier.arrive $0xFFFF;
	(pc) =	sbr.rel @p0 .LBB2_1-.Ltmp1, $4  }
0x4c: {  	[hbm:s10], [sflag:s6] =	dma.local [spmem:s13], $0x3100  }
0x4d: {  	_ =	swait.ge [sflag:s18], $0x3100  }
0x4e: {  	[sflag:s18] =	ssyncset.done $0x0  }
0x4f: {  	[sflag:s18] =	ssyncadd.s32 $0xFFFFCF00  }
0x50: {  	_ =	sfence.sel $0x180000  }
0x51: {  	[bflag:$0x0] =	sbarrier.arrive $0xFFFF  }
0x52: {  	p0 =	sne.s32 s1, $0x0;
	_ =	strace $0x90000047  }
0x53: {  	s0 =	sadd.s32 @!p0 $0x100000, s0;
	[bflag:$0x2] =	sbarrier.arrive $0xFFFF  }
0x54: {  	[sflag:s0] =	ssyncadd.tile.s32 @!p0 $0x1;
	_ =	shalt  }
.Lfunc_end2:
_tile_overlayer_lowered:
.L_overlay_start_2:
0x55: {  	(tag) =	ssettag $0x2  }
0x56: {  	s0 =	rddreg [dreg:$0x0];
	s2 =	stileid.u32  }
0x57: {  	s1 =	rddreg [dreg:$0x1];
	p0 =	sne.s32 s2, $0x0  }
0x58: {  	s3 =	rddreg [dreg:$0x2];
	[bflag:$0x3] =	sbarrier.arrive $0xFFFF;
	s2 =	simm.s32 @!p0 $0x1C02  }
0x59: {  	[timem:s3], [sflag:s2] =	dma.local @!p0 [hbm:s0], s1  }
0x5a: {  	s0 =	simm.s32 @!p0 $0x2  }
0x5b: {  	_ =	swait.ge @!p0 [sflag:s0], s1  }
0x5c: {  	s1 =	ssub.s32 @!p0 $0x0, s1;
	[sflag:s0] =	ssyncset.done @!p0 $0x0  }
0x5d: {  	[sflag:s0] =	ssyncadd.s32 @!p0 s1  }
0x5e: {  	[bflag:$0x3] =	sbarrier.arrive $0xFFFF  }
0x5f: {  	_ =	shalt  }

// kernel: kernel.15.cloned.1.call-start
scs
__scs_entry_jumppad:
0x0: {  	(pc) =	sbr.rel $0x88, $3  }
0x1: {  	(tag) =	ssettag $0x0;
	lr =	simm.s32 $0x1  }
0x2: {  	[smem:$0x3F92] =	sst lr;
	_ =	strace $0xD0000000  }
0x3: {  	_ = 	snop  }
0x4: {  	_ = 	snop  }
0x5: {  	_ = 	snop  }
0x6: {  	_ = 	snop  }
0x7: {  	_ = 	snop  }
__scs_overlays_trampoline_lowered:
0x8: {  	[smem:$0x3FA1] =	sst s0  }
0x9: {  	[smem:$0x3FA2] =	sst s1  }
0xa: {  	[smem:$0x3FA3] =	sst s2  }
0xb: {  	[smem:$0x3FA4] =	sst s3  }
0xc: {  	[smem:$0x3FA5] =	sst s4  }
0xd: {  	[smem:$0x3FA6] =	sst s5  }
0xe: {  	[smem:$0x3FA7] =	sst s6  }
0xf: {  	[smem:$0x3FA8] =	sst s7  }
0x10: {  	[smem:$0x3FA9] =	sst s8  }
0x11: {  	[smem:$0x3FAA] =	sst s9;
	s0 =	simm.s32 @!p0 $0x0  }
0x12: {  	s1 =	sld [smem:$0x3F90];
	s0 =	simm.s32 @p0 $0x1  }
0x13: {  	[smem:$0x3FAB] =	sst s0;
	s0 =	simm.s32 @!p1 $0x0  }
0x14: {  	s2 =	sld [smem:$0x3F8F];
	s0 =	simm.s32 @p1 $0x1  }
0x15: {  	[smem:$0x3FAC] =	sst s0;
	s0 =	simm.s32 @!p2 $0x0  }
0x16: {  	s3 =	sld [smem:$0x3FDB];
	s0 =	simm.s32 @p2 $0x1  }
0x17: {  	s4 =	simm.s32 $0x1BF5;
	[smem:$0x3FAE] =	sst s0  }
0x18: {  	s0 =	sld [smem:$0x3F91];
	_ =	swait.ge [sflag:s4], $0x0  }
0x19: {  	s7 =	sld [smem:$0x3F92]  }
0x1a: {  	s8 =	sadd.s32 $0xFFFFE003, lr  }
0x1b: {  	s9 =	sadd.s32 $0xFFFFFEF7, lr;
	s5 =	simm.s32 $0xFFFFFFFF;
	p2 =	slt.u32 s8, $0xFFFFF086  }
0x1c: {  	p1 =	slt.u32 s9, $0xF7A;
	s5 =	simm.s32 @!p2 $0x0  }
0x1d: {  	s5 =	simm.s32 @p1 $0x1;
	p0 =	seq.s32 s7, s2  }
0x1e: {  	s7 =	smul.u32 @!p0 $0xF7A, s2;
	p2 =	seq.s32 @!p0 s5, $0x0  }
0x1f: {  	s9 =	smul.u32 $0xF7A, s1;
	s8 =	simm.s32 @!p0 $0x1BF5;
	p2 =	por !p2, p0  }
0x20: {  	[sflag:s8] =	ssyncset.s32 @!p0 $0xFFFFF086;
	s6 =	sadd.s32 @!p0 s3, s7;
	s7 =	simm.s32 @!p0 $0x108  }
0x21: {  	s3 =	sadd.s32 s3, s9;
	s6 =	sadd.s32 @!p0 $0x88, s6;
	s7 =	simm.s32 @p2 $0x1082  }
0x22: {  	[simem:s7], [sflag:s8] =	dma.local @!p0 [hbm:s6], $0xF7A  }
0x23: {  	s9 =	sor.u32 $0xD0000000, s2;
	s6 =	simm.s32 $0x108;
	_ =	swait.ge @!p0 [sflag:s8], $0x0  }
0x24: {  	s3 =	sadd.s32 $0x88, s3;
	s6 =	simm.s32 @!p1 $0x1082;
	[sflag:s4] =	ssyncset.s32 $0xFFFFF086  }
0x25: {  	[simem:s6], [sflag:s4] =	dma.local [hbm:s3], $0xF7A  }
0x26: {  	[smem:$0x3F92] =	sst s1;
	(tag) =	ssettag s2;
	_ =	strace s9  }
0x27: {  	s1 =	sld [smem:$0x3FA2]  }
0x28: {  	s2 =	sld [smem:$0x3FA3]  }
0x29: {  	s4 =	sld [smem:$0x3FA5]  }
0x2a: {  	p0 =	seq.s32 s5, $0x0;
	s5 =	sld [smem:$0x3FA6]  }
0x2b: {  	s6 =	sld [smem:$0x3FA7]  }
0x2c: {  	s7 =	sld [smem:$0x3FA8]  }
0x2d: {  	s3 =	simm.s32 $0x108;
	s8 =	sld [smem:$0x3FA9]  }
0x2e: {  	s3 =	simm.s32 @!p0 $0x1082;
	s9 =	sld [smem:$0x3FAA]  }
0x2f: {  	lr =	sadd.s32 s0, s3;
	s0 =	sld [smem:$0x3FA1]  }
0x30: {  	s3 =	sld [smem:$0x3FA4]  }
0x31: {  	[smem:$0x3FAD] =	sst s10  }
0x32: {  	s10 =	sld [smem:$0x3FAB];
	_ =	sdelay $0x3  }
0x33: {  	p0 =	seq.s32 s10, $0x1;
	s10 =	sld [smem:$0x3FAD];
	_ =	sdelay $0x3  }
0x34: {  	[smem:$0x3FAD] =	sst s10  }
0x35: {  	s10 =	sld [smem:$0x3FAC];
	_ =	sdelay $0x3  }
0x36: {  	p1 =	seq.s32 s10, $0x1;
	s10 =	sld [smem:$0x3FAD];
	_ =	sdelay $0x3  }
0x37: {  	[smem:$0x3FAD] =	sst s10  }
0x38: {  	s10 =	sld [smem:$0x3FAE]  }
0x39: {  	_ = 	snop;
	(pc) =	sbr.ind lr, $3  }
0x3a: {  	_ = 	snop  }
0x3b: {  	_ = 	snop  }
0x3c: {  	p2 =	seq.s32 s10, $0x1;
	s10 =	sld [smem:$0x3FAD]  }
0x3d: {  	_ =	shalt  }
0x3e: {  	_ =	shalt  }
0x3f: {  	_ =	shalt  }
0x40: {  	_ =	shalt  }
0x41: {  	_ =	shalt  }
0x42: {  	_ =	shalt  }
0x43: {  	_ =	shalt  }
0x44: {  	_ =	shalt  }
0x45: {  	_ =	shalt  }
0x46: {  	_ =	shalt  }
0x47: {  	_ =	shalt  }
0x48: {  	_ =	shalt  }
0x49: {  	_ =	shalt  }
0x4a: {  	_ =	shalt  }
0x4b: {  	_ =	shalt  }
0x4c: {  	_ =	shalt  }
0x4d: {  	_ =	shalt  }
0x4e: {  	_ =	shalt  }
0x4f: {  	_ =	shalt  }
0x50: {  	_ =	shalt  }
0x51: {  	_ =	shalt  }
0x52: {  	_ =	shalt  }
0x53: {  	_ =	shalt  }
0x54: {  	_ =	shalt  }
0x55: {  	_ =	shalt  }
0x56: {  	_ =	shalt  }
0x57: {  	_ =	shalt  }
0x58: {  	_ =	shalt  }
0x59: {  	_ =	shalt  }
0x5a: {  	_ =	shalt  }
0x5b: {  	_ =	shalt  }
0x5c: {  	_ =	shalt  }
0x5d: {  	_ =	shalt  }
0x5e: {  	_ =	shalt  }
0x5f: {  	_ =	shalt  }
0x60: {  	_ =	shalt  }
0x61: {  	_ =	shalt  }
0x62: {  	_ =	shalt  }
0x63: {  	_ =	shalt  }
0x64: {  	_ =	shalt  }
0x65: {  	_ =	shalt  }
0x66: {  	_ =	shalt  }
0x67: {  	_ =	shalt  }
0x68: {  	_ =	shalt  }
0x69: {  	_ =	shalt  }
0x6a: {  	_ =	shalt  }
0x6b: {  	_ =	shalt  }
0x6c: {  	_ =	shalt  }
0x6d: {  	_ =	shalt  }
0x6e: {  	_ =	shalt  }
0x6f: {  	_ =	shalt  }
0x70: {  	_ =	shalt  }
0x71: {  	_ =	shalt  }
0x72: {  	_ =	shalt  }
0x73: {  	_ =	shalt  }
0x74: {  	_ =	shalt  }
0x75: {  	_ =	shalt  }
0x76: {  	_ =	shalt  }
0x77: {  	_ =	shalt  }
0x78: {  	_ =	shalt  }
0x79: {  	_ =	shalt  }
0x7a: {  	_ =	shalt  }
0x7b: {  	_ =	shalt  }
0x7c: {  	_ =	shalt  }
0x7d: {  	_ =	shalt  }
0x7e: {  	_ =	shalt  }
0x7f: {  	_ =	shalt  }
0x80: {  	_ =	shalt  }
0x81: {  	_ =	shalt  }
0x82: {  	_ =	shalt  }
0x83: {  	_ =	shalt  }
0x84: {  	_ =	shalt  }
0x85: {  	_ =	shalt  }
0x86: {  	_ =	shalt  }
0x87: {  	_ =	shalt  }
.Lfunc_end0:
.L_simem_size_0:
called_computation.2_lowered:
.L_overlay_start_0:
0x88: {  	s2 =	sld [smem:$0x3FD9]  }
0x89: {  	s3 =	sld [smem:$0x3FFE];
	_ =	sdelay $0x1  }
0x8a: {  	s1 =	srdreg.scid  }
0x8b: {  	s0 =	sand.u32 $0x1, s1  }
0x8c: {  	s15 =	sshll.u32 s0, $0xA;
	s2 =	sadd.s32 s3, s2  }
0x8d: {  	s2 =	sadd.s32 s2, s15  }
0x8e: {  	[smem:$0x3FB9] =	sst s2  }
0x8f: {  	_ = 	snop  }
0x90: {  	s2 =	sld [smem:$0x3FD0];
	_ =	sdelay $0x2  }
0x91: {  	s16 =	simm.s32 $0xB;
	s4 =	simm.s32 $0x10  }
0x92: {  	[smem:s4], [sflag:s16] =	dma.local [hbm:s2], $0x1  }
0x93: {  	_ =	swait.eq [sflag:s16], $0x1  }
0x94: {  	[sflag:s16] =	ssyncset.done $0x0  }
0x95: {  	[sflag:s16] =	ssyncadd.s32 $0xFFFFFFFF  }
0x96: {  	s17 =	sld [smem:$0x12];
	(tm) =	ssettm $0x1  }
0x97: {  	s18 =	sld [smem:$0x3FFB];
	_ =	sdelay $0x3  }
0x98: {  	_ =	strace s18  }
0x99: {  	s2 =	sld [smem:$0x3FFC];
	_ =	sdelay $0x3  }
0x9a: {  	_ =	strace s2  }
0x9b: {  	s2 =	sld [smem:$0x3FFD];
	_ =	sdelay $0x3  }
0x9c: {  	_ =	strace s2  }
0x9d: {  	_ =	strace $0x8FFFFFFF  }
0x9e: {  	s19 =	sld [smem:$0x3FDB];
	_ =	sdelay $0x1  }
0x9f: {  	s20 =	simm.s32 $_scs_section_size  }
0xa0: {  	s5 =	simm.s32 $_size__tile_overlayer_lowered;
	s6 =	simm.s32 $_tile_overlayer_lowered  }
0xa1: {  	s7 =	simm.s32 $0x1BFF;
	s21 =	sshll.u32 s6, $0x1;
	s4 =	sadd.s32 s20, s19  }
0xa2: {  	s22 =	simm.s32 $0x0;
	s5 =	sshll.u32 s5, $0x1;
	s6 =	sadd.s32 s21, s4  }
0xa3: {  	[timem:s22], [sflag:s7] =	dma.local [hbm:s6], s5  }
0xa4: {  	_ =	swait.ge [sflag:s7], s5  }
0xa5: {  	s5 =	ssub.s32 $0x0, s5;
	[sflag:s7] =	ssyncset.done $0x0  }
0xa6: {  	[sflag:s7] =	ssyncadd.s32 s5;
	_ =	sdelay $0x1  }
0xa7: {  	s23 =	simm.s32 $0x1B8B  }
0xa8: {  	_ =	swait.ge [sflag:s23], $0x1  }
0xa9: {  	[sflag:s23] =	ssyncset.done $0x0  }
0xaa: {  	[sflag:s23] =	ssyncadd.s32 $0xFFFFFFFF  }
0xab: {  	s5 =	sld [smem:$0x0]  }
0xac: {  	s6 =	sand.u32 $0xFFFFFFFE, s1  }
0xad: {  	p0 =	sne.s32 s1, s6  }
0xae: {  	s6 =	sshll.u32 @p0 s6, $0xE  }
0xaf: {  	s6 =	sadd.s32 @p0 $0x11B8D, s6;
	s7 =	sshll.u32 @p0 s5, $0x11  }
0xb0: {  	s6 =	sor.u32 @p0 s7, s6  }
0xb1: {  	[sflag:s6] =	ssyncadd.remote.s32 @p0 $0x1;
	_ =	sdelay $0x1  }
0xb2: {  	s6 =	simm.s32 @p0 $0x1B8D  }
0xb3: {  	_ =	swait.eq @p0 [sflag:s6], $0x1  }
0xb4: {  	[sflag:s6] =	ssyncadd.s32 @p0 $0xFFFFFFFF  }
0xb5: {  	s7 =	sshll.u32 @!p0 s1, $0xE  }
0xb6: {  	s7 =	sor.u32 @!p0 $0x4000, s7;
	s6 =	simm.s32 @!p0 $0x1B8D  }
0xb7: {  	s5 =	sshll.u32 @!p0 s5, $0x11;
	s7 =	sadd.s32 @!p0 $0x11B8D, s7;
	_ =	swait.eq @!p0 [sflag:s6], $0x1  }
0xb8: {  	s5 =	sor.u32 @!p0 s5, s7;
	[sflag:s6] =	ssyncadd.s32 @!p0 $0xFFFFFFFF  }
0xb9: {  	s25 =	simm.s32 $0x1B8E;
	s24 =	sld [smem:$0x3FFE];
	[sflag:s5] =	ssyncadd.remote.s32 @!p0 $0x1  }
0xba: {  	s26 =	simm.s32 $execute0_lowered;
	[smem:$0x3FD2] =	sst s25  }
0xbb: {  	s6 =	sshll.u32 s26, $0x1;
	_ =	strace $0x8000004F;
	[dreg:$0x1] =	wrdreg $0xFFFFFFFF  }
0xbc: {  	s28 =	simm.s32 $_size_execute0_lowered;
	s4 =	sadd.s32 s4, s6;
	[dreg:$0x0] =	wrdreg $0x0  }
0xbd: {  	s6 =	sshll.u32 s28, $0x1;
	[dreg:$0x2] =	wrdreg s4  }
0xbe: {  	[dreg:$0x3] =	wrdreg s6  }
0xbf: {  	[dreg:$0x4] =	wrdreg $0xC0  }
0xc0: {  	_ =	task [dreg:s22], $0x5FFFF  }
0xc1: {  	[dreg:$0x1] =	wrdreg $0xFFFFFFFF  }
0xc2: {  	[dreg:$0x0] =	wrdreg $0x60  }
0xc3: {  	[dreg:$0x2] =	wrdreg s24  }
0xc4: {  	[dreg:$0x3] =	wrdreg s17  }
0xc5: {  	[dreg:$0x4] =	wrdreg $0x0  }
0xc6: {  	[dreg:$0x5] =	wrdreg $0x9  }
0xc7: {  	_ =	task.clear_ibuf [dreg:s22], $0x6FFFF;
	_ =	strace $0x9000004F  }
0xc8: {  	s29 =	simm.s32 $0x9;
	_ =	strace $0x80000051  }
0xc9: {  	_ =	swait.ge [sflag:s29], $0x1  }
0xca: {  	[sflag:s29] =	ssyncadd.s32 $0xFFFFFFFF  }
0xcb: {  	_ =	strace $0x90000051  }
0xcc: {  	_ =	sfence  }
0xcd: {  	s30 =	sld [smem:$0x0];
	_ =	sdelay $0x2  }
0xce: {  	s31 =	sshll.u32 s1, $0xD;
	s1 =	sshrl.u32 s1, $0x2  }
0xcf: {  	s4 =	sand.u32 $0x4000, s31;
	s1 =	sadd.s32 s1, s30  }
0xd0: {  	s0 =	sor.u32 s4, s0;
	s1 =	sshll.u32 s1, $0x11  }
0xd1: {  	s0 =	sor.u32 s1, s0  }
0xd2: {  	s0 =	sadd.s32 $0x8F2B, s0  }
0xd3: {  	[sflag:s0] =	ssyncadd.remote.s32 $0x1  }
0xd4: {  	_ =	sfence.sel $0xFFFF  }
0xd5: {  	[dreg:$0x0] =	wrdreg $0xFFFFFFFF;
	(pc) =	sbr.abs _section_cstart, $3  }
0xd6: {  	[dreg:$0x1] =	wrdreg $0xFFFFFFFF  }
0xd7: {  	_ =	task.clear_ibuf [dreg:s22], $0x2FFFF;
	_ =	strace $0x9FFFFFFF  }
0xd8: {  	(tm) =	ssettm $0x7FFFFFFF  }
0xd9: {  	_ =	shalt  }
tec
execute0_lowered:
.L_overlay_start_1:
0x0: {  	(tag) =	ssettag $0x1  }
0x1: {  	s8 =	rddreg [dreg:$0x0]  }
0x2: {  	s1 =	rddreg [dreg:$0x1]  }
0x3: {  	s2 =	rddreg [dreg:$0x2]  }
0x4: {  	s0 =	rddreg [dreg:$0x3];
	s4 =	simm.s32 $0x0;
	s3 =	stileid.u32  }
0x5: {  	s9 =	srdreg.scid;
	s19 =	simm.s32 $0x18800;
	s20 =	simm.s32 $0x200  }
0x6: {  	s21 =	simm.s32 $0x18C00;
	s22 =	simm.s32 $0x1;
	[smem:$0x7FF] =	sst s4  }
0x7: {  	s23 =	simm.s32 $0x0;
	s5 =	sadd.s32 $0x2E3C00, s8;
	s6 =	sadd.s32 $0x2FC600, s8  }
0x8: {  	s7 =	sshll.u32 s3, $0x2;
	s13 =	sadd.s32 $0x346C00, s8;
	s14 =	sadd.s32 $0x1EE200, s8  }
0x9: {  	s12 =	sand.u32 $0x1, s9;
	s15 =	smul.u32 $0x18800, s3;
	s16 =	sadd.s32 $0x3A8800, s8  }
0xa: {  	s31 =	sshll.u32 s3, $0x6;
	_ =	strace $0x80000050;
	s11 =	sadd.s32 s7, s8  }
0xb: {  	s7 =	sadd.s32 $0x18C600, s8;
	s9 =	ssub.s32 $0x2, s12;
	s8 =	sor.u32 $0x1C02, s31  }
0xc: {  	p0 =	seq.s32 s12, $0x1;
	s10 =	sshrl.u32 s9, $0x1;
	s18 =	sadd.s32 s15, s2  }
.Ltmp0:
0xd: {  	s15 =	sshrl.u32 s15, $0x3;
	s14 =	smov.u32 @p0 s16;
	(pc) =	sbr.rel .LBB2_1-.Ltmp0, $4  }
0xe: {  	s7 =	smov.u32 @p0 s13;
	s16 =	simm.s32 $0x2;
	s17 =	ssub.s32 s9, s10  }
0xf: {  	s9 =	sadd.s32 $0x315000, s11;
	s10 =	smul.u32 $0xC400, s3;
	s11 =	sadd.s32 $0x315002, s11  }
0x10: {  	s13 =	sadd.s32 s14, s15;
	s15 =	sshrl.u32 s18, $0x3;
	s18 =	simm.s32 $0x18A00  }
0x11: {  	s12 =	smax.u32 s17, $0x1;
	s17 =	simm.s32 $0x1CC00;
	s14 =	sadd.s32 $0x6200, s10  }
.LBB2_10:
0x12: {  	s24 =	sadd.s32 s6, s26;
	[sflag:s16] =	ssyncadd.s32 @p0 $0xFFFFC000  }
0x13: {  	[tilespmem:s18], [sflag:$0x2] =	stream.linear.gather [hbm4b:s24+s4], $0x200, $0x38;
	[tilespmem:$0x1CC10] =	vst v63  }
0x14: {  	_ =	swait.ge [sflag:s16], $0x200  }
0x15: {  	[sflag:s16] =	ssyncset.done $0x0  }
0x16: {  	s31 =	sadd.s32 s5, s26;
	[sflag:s16] =	ssyncadd.s32 $0xFFFFFE00  }
0x17: {  	[tilespmem:s19], [sflag:$0x2] =	stream.linear.gather [hbm4b:s31+s4], $0x200, $0x38;
	[tilespmem:$0x1CC10] =	vst v63  }
0x18: {  	_ =	swait.ge [sflag:s16], $0x200  }
0x19: {  	[sflag:s16] =	ssyncset.done $0x0  }
0x1a: {  	[sflag:s16] =	ssyncadd.s32 $0xFFFFFE00  }
0x1b: {  	[tilespmem:s21], [sflag:$0x1] =	stream.indirect.gather [hbm4b:s7+s20], $0x20, s18, s20, $0xb8;
	[tilespmem:$0x1CC10] =	vst v63  }
0x1c: {  	_ =	swait.ge [sflag:s22], $0x4000  }
0x1d: {  	[sflag:s22] =	ssyncset.done $0x0  }
0x1e: {  	[sflag:s22] =	ssyncadd.s32 $0xFFFFC000  }
0x1f: {  	[spmem:s2] =	stream.indirect.scatter.add.f32 [tilespmem:s21], [sflag:$0x2], $0x20, s19, s20, $0xb8;
	[tilespmem:$0x1CC10] =	vst v63  }
0x20: {  	_ =	swait.ge [sflag:s16], $0x4000  }
0x21: {  	[sflag:s16] =	ssyncset.done $0x0  }
0x22: {  	[sflag:s16] =	ssyncadd.s32 $0xFFFFC000  }
.LBB2_11:
0x23: {  	s23 =	sadd.s32 $0x1, s23  }
0x24: {  	p0 =	sne.s32 s23, s12  }
.Ltmp1:
0x25: {  	[bflag:$0x0] =	sbarrier.arrive $0xFFFF;
	(pc) =	sbr.rel @!p0 .LBB2_12-.Ltmp1, $4  }
0x26: {  	[hbm:s13], [sflag:s8] =	dma.local [spmem:s15], $0x3100  }
0x27: {  	_ =	swait.ge [sflag:s16], $0x3100  }
0x28: {  	[sflag:s16] =	ssyncset.done $0x0  }
0x29: {  	[sflag:s16] =	ssyncadd.s32 $0xFFFFCF00  }
.LBB2_1:
0x2a: {  	[spmem:s15], [sflag:s8] =	dma.local [hbm:s1], $0x3100  }
0x2b: {  	_ =	swait.ge [sflag:s16], $0x3100  }
0x2c: {  	[sflag:s16] =	ssyncset.done $0x0  }
0x2d: {  	[sflag:s16] =	ssyncadd.s32 $0xFFFFCF00  }
0x2e: {  	[bflag:$0x0] =	sbarrier.arrive $0xFFFF  }
0x2f: {  	[tilespmem:s17], [sflag:$0x2] =	stream.linear.gather [hbm4b:s9+s4], $0x10, $0x38;
	[tilespmem:$0x1CC10] =	vst v63  }
0x30: {  	_ =	swait.ge [sflag:s16], $0x10  }
0x31: {  	[sflag:s16] =	ssyncset.done $0x0  }
0x32: {  	[sflag:s16] =	ssyncadd.s32 $0xFFFFFFF0  }
0x33: {  	v0 =	vld [tilespmem:$0x1CC00];
	_ =	sdelay $0x4  }
0x34: {  	(v2sf) =	vpush v0, $0x0  }
0x35: {  	(v2sf) =	vpush v0, $0x1;
	_ =	sdelay $0x1  }
0x36: {  	(v2sf) =	vpush v0, $0x2;
	_ =	sdelay $0x1  }
0x37: {  	(v2sf) =	vpush v0, $0x3;
	_ =	sdelay $0x1  }
0x38: {  	(v2sf) =	vpush v0, $0x4;
	_ =	sdelay $0x1  }
0x39: {  	(v2sf) =	vpush v0, $0x5;
	_ =	sdelay $0x1  }
0x3a: {  	(v2sf) =	vpush v0, $0x6;
	_ =	sdelay $0x1  }
0x3b: {  	(v2sf) =	vpush v0, $0x7;
	_ =	sdelay $0x1  }
0x3c: {  	s24 =	spop (v2sf);
	(v2sf) =	vpush v0, $0x8  }
0x3d: {  	s25 =	spop (v2sf)  }
0x3e: {  	(v2sf) =	vpush v0, $0x9;
	p0 =	sgt.s32 s24, s25  }
0x3f: {  	s25 =	smov.u32 @p0 s24;
	s24 =	spop (v2sf)  }
0x40: {  	(v2sf) =	vpush v0, $0xA;
	p0 =	sgt.s32 s25, s24  }
0x41: {  	s24 =	smov.u32 @p0 s25;
	s25 =	spop (v2sf)  }
0x42: {  	(v2sf) =	vpush v0, $0xB;
	p0 =	sgt.s32 s24, s25  }
0x43: {  	s25 =	smov.u32 @p0 s24;
	s24 =	spop (v2sf)  }
0x44: {  	(v2sf) =	vpush v0, $0xC;
	p0 =	sgt.s32 s25, s24  }
0x45: {  	s24 =	smov.u32 @p0 s25;
	s25 =	spop (v2sf)  }
0x46: {  	(v2sf) =	vpush v0, $0xD;
	p0 =	sgt.s32 s24, s25  }
0x47: {  	s25 =	smov.u32 @p0 s24;
	s24 =	spop (v2sf)  }
0x48: {  	(v2sf) =	vpush v0, $0xE;
	p0 =	sgt.s32 s25, s24  }
0x49: {  	s24 =	smov.u32 @p0 s25;
	s25 =	spop (v2sf)  }
0x4a: {  	(v2sf) =	vpush v0, $0xF;
	p0 =	sgt.s32 s24, s25  }
0x4b: {  	s25 =	smov.u32 @p0 s24;
	s24 =	spop (v2sf)  }
0x4c: {  	p0 =	sgt.s32 s25, s24  }
0x4d: {  	s24 =	smov.u32 @p0 s25;
	s25 =	spop (v2sf)  }
0x4e: {  	p0 =	sgt.s32 s24, s25  }
0x4f: {  	s25 =	smov.u32 @p0 s24;
	s24 =	spop (v2sf)  }
0x50: {  	p0 =	sgt.s32 s25, s24  }
0x51: {  	s24 =	smov.u32 @p0 s25;
	s25 =	spop (v2sf)  }
0x52: {  	p0 =	sgt.s32 s24, s25  }
0x53: {  	s25 =	smov.u32 @p0 s24;
	s24 =	spop (v2sf)  }
0x54: {  	p0 =	sgt.s32 s25, s24  }
0x55: {  	s24 =	smov.u32 @p0 s25;
	s25 =	spop (v2sf)  }
0x56: {  	p0 =	sgt.s32 s24, s25  }
0x57: {  	s25 =	smov.u32 @p0 s24;
	s24 =	spop (v2sf)  }
0x58: {  	p0 =	sgt.s32 s25, s24  }
0x59: {  	s24 =	smov.u32 @p0 s25;
	s25 =	spop (v2sf)  }
0x5a: {  	p0 =	sgt.s32 s24, s25  }
0x5b: {  	s25 =	smov.u32 @p0 s24  }
0x5c: {  	s24 =	sshll.u32 s25, $0x4  }
0x5d: {  	s24 =	sadd.s32 $0x1FF, s24  }
0x5e: {  	p0 =	slt.s32 s24, $0x200  }
.Ltmp2:
0x5f: {  	_ = 	snop;
	(pc) =	sbr.rel @p0 .LBB2_6-.Ltmp2, $1  }
0x60: {  	_ =	sdelay $0x3  }
0x61: {  	s25 =	sshra.s32 s24, $0x1F  }
0x62: {  	s25 =	sshrl.u32 s25, $0x17  }
0x63: {  	s31 =	sadd.s32 s25, s24  }
0x64: {  	s24 =	sshra.s32 s31, $0x9  }
0x65: {  	p1 =	sne.s32 s24, $0x1  }
.Ltmp3:
0x66: {  	_ = 	snop;
	(pc) =	sbr.rel @!p1 .LBB2_5-.Ltmp3, $2  }
0x67: {  	_ =	sdelay $0x2  }
0x68: {  	s26 =	sshrl.u32 s10, $0x3;
	p0 =	por $0x0, $0x0;
	s24 =	sadd.s32 $0xFFFFFFFF, s24  }
0x69: {  	s25 =	sadd.s32 s6, s26  }
0x6a: {  	[tilespmem:s18], [sflag:$0x2] =	stream.linear.gather [hbm4b:s25+s4], $0x200, $0x38;
	[tilespmem:$0x1CC10] =	vst v63  }
0x6b: {  	_ =	swait.ge [sflag:s16], $0x200  }
0x6c: {  	[sflag:s16] =	ssyncset.done $0x0  }
0x6d: {  	s31 =	sadd.s32 s5, s26;
	[sflag:s16] =	ssyncadd.s32 $0xFFFFFE00  }
0x6e: {  	[tilespmem:s19], [sflag:$0x2] =	stream.linear.gather [hbm4b:s31+s4], $0x200, $0x38;
	[tilespmem:$0x1CC10] =	vst v63  }
0x6f: {  	_ =	swait.ge [sflag:s16], $0x200  }
0x70: {  	[sflag:s16] =	ssyncset.done $0x0  }
0x71: {  	[sflag:s16] =	ssyncadd.s32 $0xFFFFFE00  }
0x72: {  	[tilespmem:s21], [sflag:$0x1] =	stream.indirect.gather [hbm4b:s7+s20], $0x20, s18, s20, $0xb8;
	[tilespmem:$0x1CC10] =	vst v63  }
0x73: {  	p1 =	sne.s32 s24, $0x1;
	_ =	swait.ge [sflag:s22], $0x4000  }
.Ltmp4:
0x74: {  	[sflag:s22] =	ssyncset.done $0x0;
	(pc) =	sbr.rel @!p1 .LBB2_5-.Ltmp4, $4  }
0x75: {  	[sflag:s22] =	ssyncadd.s32 $0xFFFFC000  }
0x76: {  	[spmem:s2] =	stream.indirect.scatter.add.f32 [tilespmem:s21], [sflag:$0x2], $0x20, s19, s20, $0xb8;
	[tilespmem:$0x1CC10] =	vst v63  }
0x77: {  	s24 =	sadd.s32 $0xFFFFFFFF, s24;
	s25 =	sadd.s32 $0x200, s10;
	_ =	swait.ge [sflag:s16], $0x4000  }
0x78: {  	p0 =	por $0x1, $0x1;
	s26 =	sshrl.u32 s25, $0x3;
	[sflag:s16] =	ssyncset.done $0x0  }
.LBB2_4:
0x79: {  	p1 =	sne.s32 s24, $0x1;
	s28 =	sadd.s32 s6, s26;
	[sflag:s16] =	ssyncadd.s32 $0xFFFFC000  }
0x7a: {  	[tilespmem:s18], [sflag:$0x2] =	stream.linear.gather [hbm4b:s28+s4], $0x200, $0x38;
	[tilespmem:$0x1CC10] =	vst v63  }
0x7b: {  	s24 =	sadd.s32 $0xFFFFFFFF, s24;
	_ =	swait.ge [sflag:s16], $0x200  }
0x7c: {  	[sflag:s16] =	ssyncset.done $0x0  }
0x7d: {  	s26 =	sadd.s32 s5, s26;
	[sflag:s16] =	ssyncadd.s32 $0xFFFFFE00  }
0x7e: {  	[tilespmem:s19], [sflag:$0x2] =	stream.linear.gather [hbm4b:s26+s4], $0x200, $0x38;
	[tilespmem:$0x1CC10] =	vst v63  }
0x7f: {  	_ =	swait.ge [sflag:s16], $0x200  }
0x80: {  	[sflag:s16] =	ssyncset.done $0x0  }
0x81: {  	[sflag:s16] =	ssyncadd.s32 $0xFFFFFE00  }
0x82: {  	[tilespmem:s21], [sflag:$0x1] =	stream.indirect.gather [hbm4b:s7+s20], $0x20, s18, s20, $0xb8;
	[tilespmem:$0x1CC10] =	vst v63  }
0x83: {  	_ =	swait.ge [sflag:s22], $0x4000  }
.Ltmp5:
0x84: {  	[sflag:s22] =	ssyncset.done $0x0;
	(pc) =	sbr.rel @p1 .LBB2_4-.Ltmp5, $4  }
0x85: {  	[sflag:s22] =	ssyncadd.s32 $0xFFFFC000  }
0x86: {  	[spmem:s2] =	stream.indirect.scatter.add.f32 [tilespmem:s21], [sflag:$0x2], $0x20, s19, s20, $0xb8;
	[tilespmem:$0x1CC10] =	vst v63  }
0x87: {  	s25 =	sadd.s32 $0x200, s25;
	_ =	swait.ge [sflag:s16], $0x4000  }
0x88: {  	s26 =	sshrl.u32 s25, $0x3;
	[sflag:s16] =	ssyncset.done $0x0  }
.LBB2_5:
0x89: {  	s24 =	sadd.s32 s6, s26;
	[sflag:s16] =	ssyncadd.s32 @p0 $0xFFFFC000  }
0x8a: {  	[tilespmem:s18], [sflag:$0x2] =	stream.linear.gather [hbm4b:s24+s4], $0x200, $0x38;
	[tilespmem:$0x1CC10] =	vst v63  }
0x8b: {  	_ =	swait.ge [sflag:s16], $0x200  }
0x8c: {  	[sflag:s16] =	ssyncset.done $0x0  }
0x8d: {  	s31 =	sadd.s32 s5, s26;
	[sflag:s16] =	ssyncadd.s32 $0xFFFFFE00  }
0x8e: {  	[tilespmem:s19], [sflag:$0x2] =	stream.linear.gather [hbm4b:s31+s4], $0x200, $0x38;
	[tilespmem:$0x1CC10] =	vst v63  }
0x8f: {  	_ =	swait.ge [sflag:s16], $0x200  }
0x90: {  	[sflag:s16] =	ssyncset.done $0x0  }
0x91: {  	[sflag:s16] =	ssyncadd.s32 $0xFFFFFE00  }
0x92: {  	[tilespmem:s21], [sflag:$0x1] =	stream.indirect.gather [hbm4b:s7+s20], $0x20, s18, s20, $0xb8;
	[tilespmem:$0x1CC10] =	vst v63  }
0x93: {  	_ =	swait.ge [sflag:s22], $0x4000  }
0x94: {  	[sflag:s22] =	ssyncset.done $0x0  }
0x95: {  	[sflag:s22] =	ssyncadd.s32 $0xFFFFC000  }
0x96: {  	[spmem:s2] =	stream.indirect.scatter.add.f32 [tilespmem:s21], [sflag:$0x2], $0x20, s19, s20, $0xb8;
	[tilespmem:$0x1CC10] =	vst v63  }
0x97: {  	_ =	swait.ge [sflag:s16], $0x4000  }
0x98: {  	[sflag:s16] =	ssyncset.done $0x0  }
0x99: {  	[sflag:s16] =	ssyncadd.s32 $0xFFFFC000  }
.LBB2_6:
0x9a: {  	[tilespmem:s17], [sflag:$0x2] =	stream.linear.gather [hbm4b:s11+s4], $0x10, $0x38;
	[tilespmem:$0x1CC10] =	vst v63  }
0x9b: {  	_ =	swait.ge [sflag:s16], $0x10  }
0x9c: {  	[sflag:s16] =	ssyncset.done $0x0  }
0x9d: {  	[sflag:s16] =	ssyncadd.s32 $0xFFFFFFF0  }
0x9e: {  	v0 =	vld [tilespmem:$0x1CC00];
	_ =	sdelay $0x4  }
0x9f: {  	(v2sf) =	vpush v0, $0x0  }
0xa0: {  	(v2sf) =	vpush v0, $0x1;
	_ =	sdelay $0x1  }
0xa1: {  	(v2sf) =	vpush v0, $0x2;
	_ =	sdelay $0x1  }
0xa2: {  	(v2sf) =	vpush v0, $0x3;
	_ =	sdelay $0x1  }
0xa3: {  	(v2sf) =	vpush v0, $0x4;
	_ =	sdelay $0x1  }
0xa4: {  	(v2sf) =	vpush v0, $0x5;
	_ =	sdelay $0x1  }
0xa5: {  	(v2sf) =	vpush v0, $0x6;
	_ =	sdelay $0x1  }
0xa6: {  	(v2sf) =	vpush v0, $0x7;
	_ =	sdelay $0x1  }
0xa7: {  	s24 =	spop (v2sf);
	(v2sf) =	vpush v0, $0x8  }
0xa8: {  	s25 =	spop (v2sf)  }
0xa9: {  	(v2sf) =	vpush v0, $0x9;
	p0 =	sgt.s32 s24, s25  }
0xaa: {  	s25 =	smov.u32 @p0 s24;
	s24 =	spop (v2sf)  }
0xab: {  	(v2sf) =	vpush v0, $0xA;
	p0 =	sgt.s32 s25, s24  }
0xac: {  	s24 =	smov.u32 @p0 s25;
	s25 =	spop (v2sf)  }
0xad: {  	(v2sf) =	vpush v0, $0xB;
	p0 =	sgt.s32 s24, s25  }
0xae: {  	s25 =	smov.u32 @p0 s24;
	s24 =	spop (v2sf)  }
0xaf: {  	(v2sf) =	vpush v0, $0xC;
	p0 =	sgt.s32 s25, s24  }
0xb0: {  	s24 =	smov.u32 @p0 s25;
	s25 =	spop (v2sf)  }
0xb1: {  	(v2sf) =	vpush v0, $0xD;
	p0 =	sgt.s32 s24, s25  }
0xb2: {  	s25 =	smov.u32 @p0 s24;
	s24 =	spop (v2sf)  }
0xb3: {  	(v2sf) =	vpush v0, $0xE;
	p0 =	sgt.s32 s25, s24  }
0xb4: {  	s24 =	smov.u32 @p0 s25;
	s25 =	spop (v2sf)  }
0xb5: {  	(v2sf) =	vpush v0, $0xF;
	p0 =	sgt.s32 s24, s25  }
0xb6: {  	s25 =	smov.u32 @p0 s24;
	s24 =	spop (v2sf)  }
0xb7: {  	p0 =	sgt.s32 s25, s24  }
0xb8: {  	s24 =	smov.u32 @p0 s25;
	s25 =	spop (v2sf)  }
0xb9: {  	p0 =	sgt.s32 s24, s25  }
0xba: {  	s25 =	smov.u32 @p0 s24;
	s24 =	spop (v2sf)  }
0xbb: {  	p0 =	sgt.s32 s25, s24  }
0xbc: {  	s24 =	smov.u32 @p0 s25;
	s25 =	spop (v2sf)  }
0xbd: {  	p0 =	sgt.s32 s24, s25  }
0xbe: {  	s25 =	smov.u32 @p0 s24;
	s24 =	spop (v2sf)  }
0xbf: {  	p0 =	sgt.s32 s25, s24  }
0xc0: {  	s24 =	smov.u32 @p0 s25;
	s25 =	spop (v2sf)  }
0xc1: {  	p0 =	sgt.s32 s24, s25  }
0xc2: {  	s25 =	smov.u32 @p0 s24;
	s24 =	spop (v2sf)  }
0xc3: {  	p0 =	sgt.s32 s25, s24  }
0xc4: {  	s24 =	smov.u32 @p0 s25;
	s25 =	spop (v2sf)  }
0xc5: {  	p0 =	sgt.s32 s24, s25  }
0xc6: {  	s25 =	smov.u32 @p0 s24  }
0xc7: {  	s24 =	sshll.u32 s25, $0x4  }
0xc8: {  	s24 =	sadd.s32 $0x1FF, s24  }
0xc9: {  	p0 =	slt.s32 s24, $0x200  }
.Ltmp6:
0xca: {  	_ = 	snop;
	(pc) =	sbr.rel @p0 .LBB2_11-.Ltmp6, $1  }
0xcb: {  	_ =	sdelay $0x3  }
0xcc: {  	s25 =	sshra.s32 s24, $0x1F  }
0xcd: {  	s25 =	sshrl.u32 s25, $0x17  }
0xce: {  	s31 =	sadd.s32 s25, s24  }
0xcf: {  	s24 =	sshra.s32 s31, $0x9  }
0xd0: {  	p1 =	sne.s32 s24, $0x1  }
.Ltmp7:
0xd1: {  	_ = 	snop;
	(pc) =	sbr.rel @!p1 .LBB2_10-.Ltmp7, $2  }
0xd2: {  	_ =	sdelay $0x2  }
0xd3: {  	s26 =	sshrl.u32 s14, $0x3;
	p0 =	por $0x0, $0x0;
	s24 =	sadd.s32 $0xFFFFFFFF, s24  }
0xd4: {  	s25 =	sadd.s32 s6, s26  }
0xd5: {  	[tilespmem:s18], [sflag:$0x2] =	stream.linear.gather [hbm4b:s25+s4], $0x200, $0x38;
	[tilespmem:$0x1CC10] =	vst v63  }
0xd6: {  	_ =	swait.ge [sflag:s16], $0x200  }
0xd7: {  	[sflag:s16] =	ssyncset.done $0x0  }
0xd8: {  	s31 =	sadd.s32 s5, s26;
	[sflag:s16] =	ssyncadd.s32 $0xFFFFFE00  }
0xd9: {  	[tilespmem:s19], [sflag:$0x2] =	stream.linear.gather [hbm4b:s31+s4], $0x200, $0x38;
	[tilespmem:$0x1CC10] =	vst v63  }
0xda: {  	_ =	swait.ge [sflag:s16], $0x200  }
0xdb: {  	[sflag:s16] =	ssyncset.done $0x0  }
0xdc: {  	[sflag:s16] =	ssyncadd.s32 $0xFFFFFE00  }
0xdd: {  	[tilespmem:s21], [sflag:$0x1] =	stream.indirect.gather [hbm4b:s7+s20], $0x20, s18, s20, $0xb8;
	[tilespmem:$0x1CC10] =	vst v63  }
0xde: {  	p1 =	sne.s32 s24, $0x1;
	_ =	swait.ge [sflag:s22], $0x4000  }
.Ltmp8:
0xdf: {  	[sflag:s22] =	ssyncset.done $0x0;
	(pc) =	sbr.rel @!p1 .LBB2_10-.Ltmp8, $4  }
0xe0: {  	[sflag:s22] =	ssyncadd.s32 $0xFFFFC000  }
0xe1: {  	[spmem:s2] =	stream.indirect.scatter.add.f32 [tilespmem:s21], [sflag:$0x2], $0x20, s19, s20, $0xb8;
	[tilespmem:$0x1CC10] =	vst v63  }
0xe2: {  	s24 =	sadd.s32 $0xFFFFFFFF, s24;
	s25 =	sadd.s32 $0x200, s14;
	_ =	swait.ge [sflag:s16], $0x4000  }
0xe3: {  	p0 =	por $0x1, $0x1;
	s26 =	sshrl.u32 s25, $0x3;
	[sflag:s16] =	ssyncset.done $0x0  }
.LBB2_9:
0xe4: {  	p1 =	sne.s32 s24, $0x1;
	s28 =	sadd.s32 s6, s26;
	[sflag:s16] =	ssyncadd.s32 $0xFFFFC000  }
0xe5: {  	[tilespmem:s18], [sflag:$0x2] =	stream.linear.gather [hbm4b:s28+s4], $0x200, $0x38;
	[tilespmem:$0x1CC10] =	vst v63  }
0xe6: {  	s24 =	sadd.s32 $0xFFFFFFFF, s24;
	_ =	swait.ge [sflag:s16], $0x200  }
0xe7: {  	[sflag:s16] =	ssyncset.done $0x0  }
0xe8: {  	s26 =	sadd.s32 s5, s26;
	[sflag:s16] =	ssyncadd.s32 $0xFFFFFE00  }
0xe9: {  	[tilespmem:s19], [sflag:$0x2] =	stream.linear.gather [hbm4b:s26+s4], $0x200, $0x38;
	[tilespmem:$0x1CC10] =	vst v63  }
0xea: {  	_ =	swait.ge [sflag:s16], $0x200  }
0xeb: {  	[sflag:s16] =	ssyncset.done $0x0  }
0xec: {  	[sflag:s16] =	ssyncadd.s32 $0xFFFFFE00  }
0xed: {  	[tilespmem:s21], [sflag:$0x1] =	stream.indirect.gather [hbm4b:s7+s20], $0x20, s18, s20, $0xb8;
	[tilespmem:$0x1CC10] =	vst v63  }
0xee: {  	_ =	swait.ge [sflag:s22], $0x4000  }
.Ltmp9:
0xef: {  	[sflag:s22] =	ssyncset.done $0x0;
	(pc) =	sbr.rel @p1 .LBB2_9-.Ltmp9, $4  }
0xf0: {  	[sflag:s22] =	ssyncadd.s32 $0xFFFFC000  }
0xf1: {  	[spmem:s2] =	stream.indirect.scatter.add.f32 [tilespmem:s21], [sflag:$0x2], $0x20, s19, s20, $0xb8;
	[tilespmem:$0x1CC10] =	vst v63  }
0xf2: {  	s25 =	sadd.s32 $0x200, s25;
	_ =	swait.ge [sflag:s16], $0x4000  }
0xf3: {  	s26 =	sshrl.u32 s25, $0x3;
	[sflag:s16] =	ssyncset.done $0x0  }
.Ltmp10:
0xf4: {  	_ = 	snop;
	(pc) =	sbr.rel .LBB2_10-.Ltmp10, $1  }
0xf5: {  	_ =	sdelay $0x3  }
.LBB2_12:
0xf6: {  	_ =	sfence.sel $0x180000  }
0xf7: {  	[bflag:$0x0] =	sbarrier.arrive $0xFFFF  }
0xf8: {  	p0 =	sne.s32 s3, $0x0;
	_ =	strace $0x90000050  }
0xf9: {  	s0 =	sadd.s32 @!p0 $0x100000, s0;
	[bflag:$0x2] =	sbarrier.arrive $0xFFFF  }
0xfa: {  	[sflag:s0] =	ssyncadd.tile.s32 @!p0 $0x1;
	_ =	shalt  }
.Lfunc_end2:
_tile_overlayer_lowered:
.L_overlay_start_2:
0xfb: {  	(tag) =	ssettag $0x2  }
0xfc: {  	s0 =	rddreg [dreg:$0x0];
	s2 =	stileid.u32  }
0xfd: {  	s1 =	rddreg [dreg:$0x1];
	p0 =	sne.s32 s2, $0x0  }
0xfe: {  	s3 =	rddreg [dreg:$0x2];
	[bflag:$0x3] =	sbarrier.arrive $0xFFFF;
	s2 =	simm.s32 @!p0 $0x1C02  }
0xff: {  	[timem:s3], [sflag:s2] =	dma.local @!p0 [hbm:s0], s1  }
0x100: {  	s0 =	simm.s32 @!p0 $0x2  }
0x101: {  	_ =	swait.ge @!p0 [sflag:s0], s1  }
0x102: {  	s1 =	ssub.s32 @!p0 $0x0, s1;
	[sflag:s0] =	ssyncset.done @!p0 $0x0  }
0x103: {  	[sflag:s0] =	ssyncadd.s32 @!p0 s1  }
0x104: {  	[bflag:$0x3] =	sbarrier.arrive $0xFFFF  }
0x105: {  	_ =	shalt  }

// kernel: kernel.18.cloned.1.call-start
scs
__scs_entry_jumppad:
0x0: {  	(pc) =	sbr.rel $0x88, $3  }
0x1: {  	(tag) =	ssettag $0x0;
	lr =	simm.s32 $0x1  }
0x2: {  	[smem:$0x3F92] =	sst lr;
	_ =	strace $0xD0000000  }
0x3: {  	_ = 	snop  }
0x4: {  	_ = 	snop  }
0x5: {  	_ = 	snop  }
0x6: {  	_ = 	snop  }
0x7: {  	_ = 	snop  }
__scs_overlays_trampoline_lowered:
0x8: {  	[smem:$0x3FA1] =	sst s0  }
0x9: {  	[smem:$0x3FA2] =	sst s1  }
0xa: {  	[smem:$0x3FA3] =	sst s2  }
0xb: {  	[smem:$0x3FA4] =	sst s3  }
0xc: {  	[smem:$0x3FA5] =	sst s4  }
0xd: {  	[smem:$0x3FA6] =	sst s5  }
0xe: {  	[smem:$0x3FA7] =	sst s6  }
0xf: {  	[smem:$0x3FA8] =	sst s7  }
0x10: {  	[smem:$0x3FA9] =	sst s8  }
0x11: {  	[smem:$0x3FAA] =	sst s9;
	s0 =	simm.s32 @!p0 $0x0  }
0x12: {  	s1 =	sld [smem:$0x3F90];
	s0 =	simm.s32 @p0 $0x1  }
0x13: {  	[smem:$0x3FAB] =	sst s0;
	s0 =	simm.s32 @!p1 $0x0  }
0x14: {  	s2 =	sld [smem:$0x3F8F];
	s0 =	simm.s32 @p1 $0x1  }
0x15: {  	[smem:$0x3FAC] =	sst s0;
	s0 =	simm.s32 @!p2 $0x0  }
0x16: {  	s3 =	sld [smem:$0x3FDB];
	s0 =	simm.s32 @p2 $0x1  }
0x17: {  	s4 =	simm.s32 $0x1BF5;
	[smem:$0x3FAE] =	sst s0  }
0x18: {  	s0 =	sld [smem:$0x3F91];
	_ =	swait.ge [sflag:s4], $0x0  }
0x19: {  	s7 =	sld [smem:$0x3F92]  }
0x1a: {  	s8 =	sadd.s32 $0xFFFFE003, lr  }
0x1b: {  	s9 =	sadd.s32 $0xFFFFFEF7, lr;
	s5 =	simm.s32 $0xFFFFFFFF;
	p2 =	slt.u32 s8, $0xFFFFF086  }
0x1c: {  	p1 =	slt.u32 s9, $0xF7A;
	s5 =	simm.s32 @!p2 $0x0  }
0x1d: {  	s5 =	simm.s32 @p1 $0x1;
	p0 =	seq.s32 s7, s2  }
0x1e: {  	s7 =	smul.u32 @!p0 $0xF7A, s2;
	p2 =	seq.s32 @!p0 s5, $0x0  }
0x1f: {  	s9 =	smul.u32 $0xF7A, s1;
	s8 =	simm.s32 @!p0 $0x1BF5;
	p2 =	por !p2, p0  }
0x20: {  	[sflag:s8] =	ssyncset.s32 @!p0 $0xFFFFF086;
	s6 =	sadd.s32 @!p0 s3, s7;
	s7 =	simm.s32 @!p0 $0x108  }
0x21: {  	s3 =	sadd.s32 s3, s9;
	s6 =	sadd.s32 @!p0 $0x88, s6;
	s7 =	simm.s32 @p2 $0x1082  }
0x22: {  	[simem:s7], [sflag:s8] =	dma.local @!p0 [hbm:s6], $0xF7A  }
0x23: {  	s9 =	sor.u32 $0xD0000000, s2;
	s6 =	simm.s32 $0x108;
	_ =	swait.ge @!p0 [sflag:s8], $0x0  }
0x24: {  	s3 =	sadd.s32 $0x88, s3;
	s6 =	simm.s32 @!p1 $0x1082;
	[sflag:s4] =	ssyncset.s32 $0xFFFFF086  }
0x25: {  	[simem:s6], [sflag:s4] =	dma.local [hbm:s3], $0xF7A  }
0x26: {  	[smem:$0x3F92] =	sst s1;
	(tag) =	ssettag s2;
	_ =	strace s9  }
0x27: {  	s1 =	sld [smem:$0x3FA2]  }
0x28: {  	s2 =	sld [smem:$0x3FA3]  }
0x29: {  	s4 =	sld [smem:$0x3FA5]  }
0x2a: {  	p0 =	seq.s32 s5, $0x0;
	s5 =	sld [smem:$0x3FA6]  }
0x2b: {  	s6 =	sld [smem:$0x3FA7]  }
0x2c: {  	s7 =	sld [smem:$0x3FA8]  }
0x2d: {  	s3 =	simm.s32 $0x108;
	s8 =	sld [smem:$0x3FA9]  }
0x2e: {  	s3 =	simm.s32 @!p0 $0x1082;
	s9 =	sld [smem:$0x3FAA]  }
0x2f: {  	lr =	sadd.s32 s0, s3;
	s0 =	sld [smem:$0x3FA1]  }
0x30: {  	s3 =	sld [smem:$0x3FA4]  }
0x31: {  	[smem:$0x3FAD] =	sst s10  }
0x32: {  	s10 =	sld [smem:$0x3FAB];
	_ =	sdelay $0x3  }
0x33: {  	p0 =	seq.s32 s10, $0x1;
	s10 =	sld [smem:$0x3FAD];
	_ =	sdelay $0x3  }
0x34: {  	[smem:$0x3FAD] =	sst s10  }
0x35: {  	s10 =	sld [smem:$0x3FAC];
	_ =	sdelay $0x3  }
0x36: {  	p1 =	seq.s32 s10, $0x1;
	s10 =	sld [smem:$0x3FAD];
	_ =	sdelay $0x3  }
0x37: {  	[smem:$0x3FAD] =	sst s10  }
0x38: {  	s10 =	sld [smem:$0x3FAE]  }
0x39: {  	_ = 	snop;
	(pc) =	sbr.ind lr, $3  }
0x3a: {  	_ = 	snop  }
0x3b: {  	_ = 	snop  }
0x3c: {  	p2 =	seq.s32 s10, $0x1;
	s10 =	sld [smem:$0x3FAD]  }
0x3d: {  	_ =	shalt  }
0x3e: {  	_ =	shalt  }
0x3f: {  	_ =	shalt  }
0x40: {  	_ =	shalt  }
0x41: {  	_ =	shalt  }
0x42: {  	_ =	shalt  }
0x43: {  	_ =	shalt  }
0x44: {  	_ =	shalt  }
0x45: {  	_ =	shalt  }
0x46: {  	_ =	shalt  }
0x47: {  	_ =	shalt  }
0x48: {  	_ =	shalt  }
0x49: {  	_ =	shalt  }
0x4a: {  	_ =	shalt  }
0x4b: {  	_ =	shalt  }
0x4c: {  	_ =	shalt  }
0x4d: {  	_ =	shalt  }
0x4e: {  	_ =	shalt  }
0x4f: {  	_ =	shalt  }
0x50: {  	_ =	shalt  }
0x51: {  	_ =	shalt  }
0x52: {  	_ =	shalt  }
0x53: {  	_ =	shalt  }
0x54: {  	_ =	shalt  }
0x55: {  	_ =	shalt  }
0x56: {  	_ =	shalt  }
0x57: {  	_ =	shalt  }
0x58: {  	_ =	shalt  }
0x59: {  	_ =	shalt  }
0x5a: {  	_ =	shalt  }
0x5b: {  	_ =	shalt  }
0x5c: {  	_ =	shalt  }
0x5d: {  	_ =	shalt  }
0x5e: {  	_ =	shalt  }
0x5f: {  	_ =	shalt  }
0x60: {  	_ =	shalt  }
0x61: {  	_ =	shalt  }
0x62: {  	_ =	shalt  }
0x63: {  	_ =	shalt  }
0x64: {  	_ =	shalt  }
0x65: {  	_ =	shalt  }
0x66: {  	_ =	shalt  }
0x67: {  	_ =	shalt  }
0x68: {  	_ =	shalt  }
0x69: {  	_ =	shalt  }
0x6a: {  	_ =	shalt  }
0x6b: {  	_ =	shalt  }
0x6c: {  	_ =	shalt  }
0x6d: {  	_ =	shalt  }
0x6e: {  	_ =	shalt  }
0x6f: {  	_ =	shalt  }
0x70: {  	_ =	shalt  }
0x71: {  	_ =	shalt  }
0x72: {  	_ =	shalt  }
0x73: {  	_ =	shalt  }
0x74: {  	_ =	shalt  }
0x75: {  	_ =	shalt  }
0x76: {  	_ =	shalt  }
0x77: {  	_ =	shalt  }
0x78: {  	_ =	shalt  }
0x79: {  	_ =	shalt  }
0x7a: {  	_ =	shalt  }
0x7b: {  	_ =	shalt  }
0x7c: {  	_ =	shalt  }
0x7d: {  	_ =	shalt  }
0x7e: {  	_ =	shalt  }
0x7f: {  	_ =	shalt  }
0x80: {  	_ =	shalt  }
0x81: {  	_ =	shalt  }
0x82: {  	_ =	shalt  }
0x83: {  	_ =	shalt  }
0x84: {  	_ =	shalt  }
0x85: {  	_ =	shalt  }
0x86: {  	_ =	shalt  }
0x87: {  	_ =	shalt  }
.Lfunc_end0:
.L_simem_size_0:
called_computation.3_lowered:
.L_overlay_start_0:
0x88: {  	s2 =	sld [smem:$0x3FD9]  }
0x89: {  	s3 =	sld [smem:$0x3FFE];
	_ =	sdelay $0x1  }
0x8a: {  	s1 =	srdreg.scid  }
0x8b: {  	s0 =	sand.u32 $0x1, s1  }
0x8c: {  	s14 =	sshll.u32 s0, $0xA;
	s2 =	sadd.s32 s3, s2  }
0x8d: {  	s2 =	sadd.s32 s2, s14  }
0x8e: {  	[smem:$0x3FB9] =	sst s2  }
0x8f: {  	_ = 	snop  }
0x90: {  	s2 =	sld [smem:$0x3FD0];
	_ =	sdelay $0x2  }
0x91: {  	s15 =	simm.s32 $0xB;
	s4 =	simm.s32 $0x10  }
0x92: {  	[smem:s4], [sflag:s15] =	dma.local [hbm:s2], $0x1  }
0x93: {  	_ =	swait.eq [sflag:s15], $0x1  }
0x94: {  	[sflag:s15] =	ssyncset.done $0x0  }
0x95: {  	[sflag:s15] =	ssyncadd.s32 $0xFFFFFFFF  }
0x96: {  	s16 =	sld [smem:$0x12];
	(tm) =	ssettm $0x1  }
0x97: {  	s17 =	sld [smem:$0x3FFB];
	_ =	sdelay $0x3  }
0x98: {  	_ =	strace s17  }
0x99: {  	s3 =	sld [smem:$0x3FFC];
	_ =	sdelay $0x3  }
0x9a: {  	_ =	strace s3  }
0x9b: {  	s3 =	sld [smem:$0x3FFD];
	_ =	sdelay $0x3  }
0x9c: {  	_ =	strace s3  }
0x9d: {  	_ =	strace $0x8FFFFFFF  }
0x9e: {  	s18 =	sld [smem:$0x3FDB];
	_ =	sdelay $0x1  }
0x9f: {  	s19 =	simm.s32 $_scs_section_size  }
0xa0: {  	s5 =	simm.s32 $_size__tile_overlayer_lowered;
	s6 =	simm.s32 $_tile_overlayer_lowered  }
0xa1: {  	s22 =	simm.s32 $0x1BFF;
	s21 =	sshll.u32 s6, $0x1;
	s3 =	sadd.s32 s19, s18  }
0xa2: {  	s7 =	simm.s32 $0x0;
	s20 =	sshll.u32 s5, $0x1;
	s5 =	sadd.s32 s21, s3  }
0xa3: {  	[timem:s7], [sflag:s22] =	dma.local [hbm:s5], s20  }
0xa4: {  	_ =	swait.ge [sflag:s22], s20  }
0xa5: {  	s4 =	ssub.s32 $0x0, s20;
	[sflag:s22] =	ssyncset.done $0x0  }
0xa6: {  	[sflag:s22] =	ssyncadd.s32 s4;
	_ =	sdelay $0x1  }
0xa7: {  	s23 =	simm.s32 $0x1B8B  }
0xa8: {  	_ =	swait.ge [sflag:s23], $0x1  }
0xa9: {  	[sflag:s23] =	ssyncset.done $0x0  }
0xaa: {  	s25 =	simm.s32 $0x1B8E;
	s24 =	sld [smem:$0x3FFE];
	[sflag:s23] =	ssyncadd.s32 $0xFFFFFFFF  }
0xab: {  	s26 =	simm.s32 $execute0_lowered;
	[smem:$0x3FD2] =	sst s25  }
0xac: {  	s5 =	sshll.u32 s26, $0x1;
	_ =	strace $0x8000004C;
	[dreg:$0x1] =	wrdreg $0xFFFFFFFF  }
0xad: {  	s28 =	simm.s32 $_size_execute0_lowered;
	s3 =	sadd.s32 s3, s5;
	[dreg:$0x0] =	wrdreg $0x0  }
0xae: {  	s5 =	sshll.u32 s28, $0x1;
	[dreg:$0x2] =	wrdreg s3  }
0xaf: {  	[dreg:$0x3] =	wrdreg s5  }
0xb0: {  	[dreg:$0x4] =	wrdreg $0xC0  }
0xb1: {  	_ =	task [dreg:s7], $0x5FFFF  }
0xb2: {  	[dreg:$0x1] =	wrdreg $0xFFFFFFFF  }
0xb3: {  	[dreg:$0x0] =	wrdreg $0x60  }
0xb4: {  	[dreg:$0x2] =	wrdreg s24  }
0xb5: {  	[dreg:$0x3] =	wrdreg s16  }
0xb6: {  	[dreg:$0x4] =	wrdreg $0x0  }
0xb7: {  	[dreg:$0x5] =	wrdreg $0xA  }
0xb8: {  	_ =	task.clear_ibuf [dreg:s7], $0x6FFFF;
	_ =	strace $0x9000004C  }
0xb9: {  	s29 =	simm.s32 $0xA;
	_ =	strace $0x8000004E  }
0xba: {  	_ =	swait.ge [sflag:s29], $0x1  }
0xbb: {  	[sflag:s29] =	ssyncadd.s32 $0xFFFFFFFF  }
0xbc: {  	_ =	strace $0x9000004E  }
0xbd: {  	_ =	sfence  }
0xbe: {  	s30 =	sld [smem:$0x0];
	_ =	sdelay $0x2  }
0xbf: {  	s31 =	sshll.u32 s1, $0xD;
	s1 =	sshrl.u32 s1, $0x2  }
0xc0: {  	s3 =	sand.u32 $0x4000, s31;
	s1 =	sadd.s32 s1, s30  }
0xc1: {  	s0 =	sor.u32 s3, s0;
	s1 =	sshll.u32 s1, $0x11  }
0xc2: {  	s0 =	sor.u32 s1, s0  }
0xc3: {  	s0 =	sadd.s32 $0x8F2B, s0  }
0xc4: {  	[sflag:s0] =	ssyncadd.remote.s32 $0x1  }
0xc5: {  	_ =	sfence.sel $0xFFFF  }
0xc6: {  	[dreg:$0x0] =	wrdreg $0xFFFFFFFF;
	(pc) =	sbr.abs _section_cstart, $3  }
0xc7: {  	[dreg:$0x1] =	wrdreg $0xFFFFFFFF  }
0xc8: {  	_ =	task.clear_ibuf [dreg:s7], $0x2FFFF;
	_ =	strace $0x9FFFFFFF  }
0xc9: {  	(tm) =	ssettm $0x7FFFFFFF  }
tec
execute0_lowered:
.L_overlay_start_1:
0x0: {  	(tag) =	ssettag $0x1  }
0x1: {  	s8 =	rddreg [dreg:$0x0]  }
0x2: {  	s1 =	rddreg [dreg:$0x1]  }
0x3: {  	s2 =	rddreg [dreg:$0x2]  }
0x4: {  	s0 =	rddreg [dreg:$0x3];
	s4 =	simm.s32 $0x0;
	s3 =	stileid.u32  }
0x5: {  	s9 =	srdreg.scid;
	s19 =	simm.s32 $0x18800;
	s20 =	simm.s32 $0x200  }
0x6: {  	s21 =	simm.s32 $0x18C00;
	s22 =	simm.s32 $0x1;
	s23 =	simm.s32 $0x0  }
0x7: {  	[smem:$0x7FF] =	sst s4;
	s5 =	sadd.s32 $0x2B2600, s8;
	s6 =	sadd.s32 $0x2CB000, s8  }
0x8: {  	s7 =	sshll.u32 s3, $0x2;
	s13 =	sadd.s32 $0x250400, s8;
	s14 =	sadd.s32 $0x281400, s8  }
0x9: {  	s12 =	sand.u32 $0x1, s9;
	s15 =	smul.u32 $0x18800, s3;
	s16 =	sadd.s32 $0x315C00, s8  }
0xa: {  	s31 =	sshll.u32 s3, $0x6;
	_ =	strace $0x8000004D;
	s11 =	sadd.s32 s7, s8  }
0xb: {  	s7 =	sadd.s32 $0x21F400, s8;
	s9 =	ssub.s32 $0x2, s12;
	s8 =	sor.u32 $0x1C02, s31  }
0xc: {  	p0 =	seq.s32 s12, $0x1;
	s10 =	sshrl.u32 s9, $0x1;
	s18 =	sadd.s32 s15, s2  }
.Ltmp0:
0xd: {  	s15 =	sshrl.u32 s15, $0x3;
	s14 =	smov.u32 @p0 s16;
	(pc) =	sbr.rel .LBB2_1-.Ltmp0, $4  }
0xe: {  	s7 =	smov.u32 @p0 s13;
	s17 =	ssub.s32 s9, s10;
	s9 =	sadd.s32 $0x2E3A00, s11  }
0xf: {  	s16 =	simm.s32 $0x2;
	s10 =	smul.u32 $0xC400, s3;
	s11 =	sadd.s32 $0x2E3A02, s11  }
0x10: {  	s13 =	sadd.s32 s14, s15;
	s15 =	sshrl.u32 s18, $0x3;
	s18 =	simm.s32 $0x18A00  }
0x11: {  	s12 =	smax.u32 s17, $0x1;
	s17 =	simm.s32 $0x1CC00;
	s14 =	sadd.s32 $0x6200, s10  }
.LBB2_10:
0x12: {  	s24 =	sadd.s32 s6, s26;
	[sflag:s16] =	ssyncadd.s32 @p0 $0xFFFFC000  }
0x13: {  	[tilespmem:s18], [sflag:$0x2] =	stream.linear.gather [hbm4b:s24+s4], $0x200, $0x38;
	[tilespmem:$0x1CC10] =	vst v63  }
0x14: {  	_ =	swait.ge [sflag:s16], $0x200  }
0x15: {  	[sflag:s16] =	ssyncset.done $0x0  }
0x16: {  	s31 =	sadd.s32 s5, s26;
	[sflag:s16] =	ssyncadd.s32 $0xFFFFFE00  }
0x17: {  	[tilespmem:s19], [sflag:$0x2] =	stream.linear.gather [hbm4b:s31+s4], $0x200, $0x38;
	[tilespmem:$0x1CC10] =	vst v63  }
0x18: {  	_ =	swait.ge [sflag:s16], $0x200  }
0x19: {  	[sflag:s16] =	ssyncset.done $0x0  }
0x1a: {  	[sflag:s16] =	ssyncadd.s32 $0xFFFFFE00  }
0x1b: {  	[tilespmem:s21], [sflag:$0x1] =	stream.indirect.gather [hbm4b:s7+s20], $0x20, s18, s20, $0xb8;
	[tilespmem:$0x1CC10] =	vst v63  }
0x1c: {  	_ =	swait.ge [sflag:s22], $0x4000  }
0x1d: {  	[sflag:s22] =	ssyncset.done $0x0  }
0x1e: {  	[sflag:s22] =	ssyncadd.s32 $0xFFFFC000  }
0x1f: {  	[spmem:s2] =	stream.indirect.scatter.add.f32 [tilespmem:s21], [sflag:$0x2], $0x20, s19, s20, $0xb8;
	[tilespmem:$0x1CC10] =	vst v63  }
0x20: {  	_ =	swait.ge [sflag:s16], $0x4000  }
0x21: {  	[sflag:s16] =	ssyncset.done $0x0  }
0x22: {  	[sflag:s16] =	ssyncadd.s32 $0xFFFFC000  }
.LBB2_11:
0x23: {  	s23 =	sadd.s32 $0x1, s23  }
0x24: {  	p0 =	sne.s32 s23, s12  }
.Ltmp1:
0x25: {  	[bflag:$0x0] =	sbarrier.arrive $0xFFFF;
	(pc) =	sbr.rel @!p0 .LBB2_12-.Ltmp1, $4  }
0x26: {  	[hbm:s13], [sflag:s8] =	dma.local [spmem:s15], $0x3100  }
0x27: {  	_ =	swait.ge [sflag:s16], $0x3100  }
0x28: {  	[sflag:s16] =	ssyncset.done $0x0  }
0x29: {  	[sflag:s16] =	ssyncadd.s32 $0xFFFFCF00  }
.LBB2_1:
0x2a: {  	[spmem:s15], [sflag:s8] =	dma.local [hbm:s1], $0x3100  }
0x2b: {  	_ =	swait.ge [sflag:s16], $0x3100  }
0x2c: {  	[sflag:s16] =	ssyncset.done $0x0  }
0x2d: {  	[sflag:s16] =	ssyncadd.s32 $0xFFFFCF00  }
0x2e: {  	[bflag:$0x0] =	sbarrier.arrive $0xFFFF  }
0x2f: {  	[tilespmem:s17], [sflag:$0x2] =	stream.linear.gather [hbm4b:s9+s4], $0x10, $0x38;
	[tilespmem:$0x1CC10] =	vst v63  }
0x30: {  	_ =	swait.ge [sflag:s16], $0x10  }
0x31: {  	[sflag:s16] =	ssyncset.done $0x0  }
0x32: {  	[sflag:s16] =	ssyncadd.s32 $0xFFFFFFF0  }
0x33: {  	v0 =	vld [tilespmem:$0x1CC00];
	_ =	sdelay $0x4  }
0x34: {  	(v2sf) =	vpush v0, $0x0  }
0x35: {  	(v2sf) =	vpush v0, $0x1;
	_ =	sdelay $0x1  }
0x36: {  	(v2sf) =	vpush v0, $0x2;
	_ =	sdelay $0x1  }
0x37: {  	(v2sf) =	vpush v0, $0x3;
	_ =	sdelay $0x1  }
0x38: {  	(v2sf) =	vpush v0, $0x4;
	_ =	sdelay $0x1  }
0x39: {  	(v2sf) =	vpush v0, $0x5;
	_ =	sdelay $0x1  }
0x3a: {  	(v2sf) =	vpush v0, $0x6;
	_ =	sdelay $0x1  }
0x3b: {  	(v2sf) =	vpush v0, $0x7;
	_ =	sdelay $0x1  }
0x3c: {  	s24 =	spop (v2sf);
	(v2sf) =	vpush v0, $0x8  }
0x3d: {  	s25 =	spop (v2sf)  }
0x3e: {  	(v2sf) =	vpush v0, $0x9;
	p0 =	sgt.s32 s24, s25  }
0x3f: {  	s25 =	smov.u32 @p0 s24;
	s24 =	spop (v2sf)  }
0x40: {  	(v2sf) =	vpush v0, $0xA;
	p0 =	sgt.s32 s25, s24  }
0x41: {  	s24 =	smov.u32 @p0 s25;
	s25 =	spop (v2sf)  }
0x42: {  	(v2sf) =	vpush v0, $0xB;
	p0 =	sgt.s32 s24, s25  }
0x43: {  	s25 =	smov.u32 @p0 s24;
	s24 =	spop (v2sf)  }
0x44: {  	(v2sf) =	vpush v0, $0xC;
	p0 =	sgt.s32 s25, s24  }
0x45: {  	s24 =	smov.u32 @p0 s25;
	s25 =	spop (v2sf)  }
0x46: {  	(v2sf) =	vpush v0, $0xD;
	p0 =	sgt.s32 s24, s25  }
0x47: {  	s25 =	smov.u32 @p0 s24;
	s24 =	spop (v2sf)  }
0x48: {  	(v2sf) =	vpush v0, $0xE;
	p0 =	sgt.s32 s25, s24  }
0x49: {  	s24 =	smov.u32 @p0 s25;
	s25 =	spop (v2sf)  }
0x4a: {  	(v2sf) =	vpush v0, $0xF;
	p0 =	sgt.s32 s24, s25  }
0x4b: {  	s25 =	smov.u32 @p0 s24;
	s24 =	spop (v2sf)  }
0x4c: {  	p0 =	sgt.s32 s25, s24  }
0x4d: {  	s24 =	smov.u32 @p0 s25;
	s25 =	spop (v2sf)  }
0x4e: {  	p0 =	sgt.s32 s24, s25  }
0x4f: {  	s25 =	smov.u32 @p0 s24;
	s24 =	spop (v2sf)  }
0x50: {  	p0 =	sgt.s32 s25, s24  }
0x51: {  	s24 =	smov.u32 @p0 s25;
	s25 =	spop (v2sf)  }
0x52: {  	p0 =	sgt.s32 s24, s25  }
0x53: {  	s25 =	smov.u32 @p0 s24;
	s24 =	spop (v2sf)  }
0x54: {  	p0 =	sgt.s32 s25, s24  }
0x55: {  	s24 =	smov.u32 @p0 s25;
	s25 =	spop (v2sf)  }
0x56: {  	p0 =	sgt.s32 s24, s25  }
0x57: {  	s25 =	smov.u32 @p0 s24;
	s24 =	spop (v2sf)  }
0x58: {  	p0 =	sgt.s32 s25, s24  }
0x59: {  	s24 =	smov.u32 @p0 s25;
	s25 =	spop (v2sf)  }
0x5a: {  	p0 =	sgt.s32 s24, s25  }
0x5b: {  	s25 =	smov.u32 @p0 s24  }
0x5c: {  	s24 =	sshll.u32 s25, $0x4  }
0x5d: {  	s24 =	sadd.s32 $0x1FF, s24  }
0x5e: {  	p0 =	slt.s32 s24, $0x200  }
.Ltmp2:
0x5f: {  	_ = 	snop;
	(pc) =	sbr.rel @p0 .LBB2_6-.Ltmp2, $1  }
0x60: {  	_ =	sdelay $0x3  }
0x61: {  	s25 =	sshra.s32 s24, $0x1F  }
0x62: {  	s25 =	sshrl.u32 s25, $0x17  }
0x63: {  	s31 =	sadd.s32 s25, s24  }
0x64: {  	s24 =	sshra.s32 s31, $0x9  }
0x65: {  	p1 =	sne.s32 s24, $0x1  }
.Ltmp3:
0x66: {  	_ = 	snop;
	(pc) =	sbr.rel @!p1 .LBB2_5-.Ltmp3, $2  }
0x67: {  	_ =	sdelay $0x2  }
0x68: {  	s26 =	sshrl.u32 s10, $0x3;
	p0 =	por $0x0, $0x0;
	s24 =	sadd.s32 $0xFFFFFFFF, s24  }
0x69: {  	s25 =	sadd.s32 s6, s26  }
0x6a: {  	[tilespmem:s18], [sflag:$0x2] =	stream.linear.gather [hbm4b:s25+s4], $0x200, $0x38;
	[tilespmem:$0x1CC10] =	vst v63  }
0x6b: {  	_ =	swait.ge [sflag:s16], $0x200  }
0x6c: {  	[sflag:s16] =	ssyncset.done $0x0  }
0x6d: {  	s31 =	sadd.s32 s5, s26;
	[sflag:s16] =	ssyncadd.s32 $0xFFFFFE00  }
0x6e: {  	[tilespmem:s19], [sflag:$0x2] =	stream.linear.gather [hbm4b:s31+s4], $0x200, $0x38;
	[tilespmem:$0x1CC10] =	vst v63  }
0x6f: {  	_ =	swait.ge [sflag:s16], $0x200  }
0x70: {  	[sflag:s16] =	ssyncset.done $0x0  }
0x71: {  	[sflag:s16] =	ssyncadd.s32 $0xFFFFFE00  }
0x72: {  	[tilespmem:s21], [sflag:$0x1] =	stream.indirect.gather [hbm4b:s7+s20], $0x20, s18, s20, $0xb8;
	[tilespmem:$0x1CC10] =	vst v63  }
0x73: {  	p1 =	sne.s32 s24, $0x1;
	_ =	swait.ge [sflag:s22], $0x4000  }
.Ltmp4:
0x74: {  	[sflag:s22] =	ssyncset.done $0x0;
	(pc) =	sbr.rel @!p1 .LBB2_5-.Ltmp4, $4  }
0x75: {  	[sflag:s22] =	ssyncadd.s32 $0xFFFFC000  }
0x76: {  	[spmem:s2] =	stream.indirect.scatter.add.f32 [tilespmem:s21], [sflag:$0x2], $0x20, s19, s20, $0xb8;
	[tilespmem:$0x1CC10] =	vst v63  }
0x77: {  	s24 =	sadd.s32 $0xFFFFFFFF, s24;
	s25 =	sadd.s32 $0x200, s10;
	_ =	swait.ge [sflag:s16], $0x4000  }
0x78: {  	p0 =	por $0x1, $0x1;
	s26 =	sshrl.u32 s25, $0x3;
	[sflag:s16] =	ssyncset.done $0x0  }
.LBB2_4:
0x79: {  	p1 =	sne.s32 s24, $0x1;
	s28 =	sadd.s32 s6, s26;
	[sflag:s16] =	ssyncadd.s32 $0xFFFFC000  }
0x7a: {  	[tilespmem:s18], [sflag:$0x2] =	stream.linear.gather [hbm4b:s28+s4], $0x200, $0x38;
	[tilespmem:$0x1CC10] =	vst v63  }
0x7b: {  	s24 =	sadd.s32 $0xFFFFFFFF, s24;
	_ =	swait.ge [sflag:s16], $0x200  }
0x7c: {  	[sflag:s16] =	ssyncset.done $0x0  }
0x7d: {  	s26 =	sadd.s32 s5, s26;
	[sflag:s16] =	ssyncadd.s32 $0xFFFFFE00  }
0x7e: {  	[tilespmem:s19], [sflag:$0x2] =	stream.linear.gather [hbm4b:s26+s4], $0x200, $0x38;
	[tilespmem:$0x1CC10] =	vst v63  }
0x7f: {  	_ =	swait.ge [sflag:s16], $0x200  }
0x80: {  	[sflag:s16] =	ssyncset.done $0x0  }
0x81: {  	[sflag:s16] =	ssyncadd.s32 $0xFFFFFE00  }
0x82: {  	[tilespmem:s21], [sflag:$0x1] =	stream.indirect.gather [hbm4b:s7+s20], $0x20, s18, s20, $0xb8;
	[tilespmem:$0x1CC10] =	vst v63  }
0x83: {  	_ =	swait.ge [sflag:s22], $0x4000  }
.Ltmp5:
0x84: {  	[sflag:s22] =	ssyncset.done $0x0;
	(pc) =	sbr.rel @p1 .LBB2_4-.Ltmp5, $4  }
0x85: {  	[sflag:s22] =	ssyncadd.s32 $0xFFFFC000  }
0x86: {  	[spmem:s2] =	stream.indirect.scatter.add.f32 [tilespmem:s21], [sflag:$0x2], $0x20, s19, s20, $0xb8;
	[tilespmem:$0x1CC10] =	vst v63  }
0x87: {  	s25 =	sadd.s32 $0x200, s25;
	_ =	swait.ge [sflag:s16], $0x4000  }
0x88: {  	s26 =	sshrl.u32 s25, $0x3;
	[sflag:s16] =	ssyncset.done $0x0  }
.LBB2_5:
0x89: {  	s24 =	sadd.s32 s6, s26;
	[sflag:s16] =	ssyncadd.s32 @p0 $0xFFFFC000  }
0x8a: {  	[tilespmem:s18], [sflag:$0x2] =	stream.linear.gather [hbm4b:s24+s4], $0x200, $0x38;
	[tilespmem:$0x1CC10] =	vst v63  }
0x8b: {  	_ =	swait.ge [sflag:s16], $0x200  }
0x8c: {  	[sflag:s16] =	ssyncset.done $0x0  }
0x8d: {  	s31 =	sadd.s32 s5, s26;
	[sflag:s16] =	ssyncadd.s32 $0xFFFFFE00  }
0x8e: {  	[tilespmem:s19], [sflag:$0x2] =	stream.linear.gather [hbm4b:s31+s4], $0x200, $0x38;
	[tilespmem:$0x1CC10] =	vst v63  }
0x8f: {  	_ =	swait.ge [sflag:s16], $0x200  }
0x90: {  	[sflag:s16] =	ssyncset.done $0x0  }
0x91: {  	[sflag:s16] =	ssyncadd.s32 $0xFFFFFE00  }
0x92: {  	[tilespmem:s21], [sflag:$0x1] =	stream.indirect.gather [hbm4b:s7+s20], $0x20, s18, s20, $0xb8;
	[tilespmem:$0x1CC10] =	vst v63  }
0x93: {  	_ =	swait.ge [sflag:s22], $0x4000  }
0x94: {  	[sflag:s22] =	ssyncset.done $0x0  }
0x95: {  	[sflag:s22] =	ssyncadd.s32 $0xFFFFC000  }
0x96: {  	[spmem:s2] =	stream.indirect.scatter.add.f32 [tilespmem:s21], [sflag:$0x2], $0x20, s19, s20, $0xb8;
	[tilespmem:$0x1CC10] =	vst v63  }
0x97: {  	_ =	swait.ge [sflag:s16], $0x4000  }
0x98: {  	[sflag:s16] =	ssyncset.done $0x0  }
0x99: {  	[sflag:s16] =	ssyncadd.s32 $0xFFFFC000  }
.LBB2_6:
0x9a: {  	[tilespmem:s17], [sflag:$0x2] =	stream.linear.gather [hbm4b:s11+s4], $0x10, $0x38;
	[tilespmem:$0x1CC10] =	vst v63  }
0x9b: {  	_ =	swait.ge [sflag:s16], $0x10  }
0x9c: {  	[sflag:s16] =	ssyncset.done $0x0  }
0x9d: {  	[sflag:s16] =	ssyncadd.s32 $0xFFFFFFF0  }
0x9e: {  	v0 =	vld [tilespmem:$0x1CC00];
	_ =	sdelay $0x4  }
0x9f: {  	(v2sf) =	vpush v0, $0x0  }
0xa0: {  	(v2sf) =	vpush v0, $0x1;
	_ =	sdelay $0x1  }
0xa1: {  	(v2sf) =	vpush v0, $0x2;
	_ =	sdelay $0x1  }
0xa2: {  	(v2sf) =	vpush v0, $0x3;
	_ =	sdelay $0x1  }
0xa3: {  	(v2sf) =	vpush v0, $0x4;
	_ =	sdelay $0x1  }
0xa4: {  	(v2sf) =	vpush v0, $0x5;
	_ =	sdelay $0x1  }
0xa5: {  	(v2sf) =	vpush v0, $0x6;
	_ =	sdelay $0x1  }
0xa6: {  	(v2sf) =	vpush v0, $0x7;
	_ =	sdelay $0x1  }
0xa7: {  	s24 =	spop (v2sf);
	(v2sf) =	vpush v0, $0x8  }
0xa8: {  	s25 =	spop (v2sf)  }
0xa9: {  	(v2sf) =	vpush v0, $0x9;
	p0 =	sgt.s32 s24, s25  }
0xaa: {  	s25 =	smov.u32 @p0 s24;
	s24 =	spop (v2sf)  }
0xab: {  	(v2sf) =	vpush v0, $0xA;
	p0 =	sgt.s32 s25, s24  }
0xac: {  	s24 =	smov.u32 @p0 s25;
	s25 =	spop (v2sf)  }
0xad: {  	(v2sf) =	vpush v0, $0xB;
	p0 =	sgt.s32 s24, s25  }
0xae: {  	s25 =	smov.u32 @p0 s24;
	s24 =	spop (v2sf)  }
0xaf: {  	(v2sf) =	vpush v0, $0xC;
	p0 =	sgt.s32 s25, s24  }
0xb0: {  	s24 =	smov.u32 @p0 s25;
	s25 =	spop (v2sf)  }
0xb1: {  	(v2sf) =	vpush v0, $0xD;
	p0 =	sgt.s32 s24, s25  }
0xb2: {  	s25 =	smov.u32 @p0 s24;
	s24 =	spop (v2sf)  }
0xb3: {  	(v2sf) =	vpush v0, $0xE;
	p0 =	sgt.s32 s25, s24  }
0xb4: {  	s24 =	smov.u32 @p0 s25;
	s25 =	spop (v2sf)  }
0xb5: {  	(v2sf) =	vpush v0, $0xF;
	p0 =	sgt.s32 s24, s25  }
0xb6: {  	s25 =	smov.u32 @p0 s24;
	s24 =	spop (v2sf)  }
0xb7: {  	p0 =	sgt.s32 s25, s24  }
0xb8: {  	s24 =	smov.u32 @p0 s25;
	s25 =	spop (v2sf)  }
0xb9: {  	p0 =	sgt.s32 s24, s25  }
0xba: {  	s25 =	smov.u32 @p0 s24;
	s24 =	spop (v2sf)  }
0xbb: {  	p0 =	sgt.s32 s25, s24  }
0xbc: {  	s24 =	smov.u32 @p0 s25;
	s25 =	spop (v2sf)  }
0xbd: {  	p0 =	sgt.s32 s24, s25  }
0xbe: {  	s25 =	smov.u32 @p0 s24;
	s24 =	spop (v2sf)  }
0xbf: {  	p0 =	sgt.s32 s25, s24  }
0xc0: {  	s24 =	smov.u32 @p0 s25;
	s25 =	spop (v2sf)  }
0xc1: {  	p0 =	sgt.s32 s24, s25  }
0xc2: {  	s25 =	smov.u32 @p0 s24;
	s24 =	spop (v2sf)  }
0xc3: {  	p0 =	sgt.s32 s25, s24  }
0xc4: {  	s24 =	smov.u32 @p0 s25;
	s25 =	spop (v2sf)  }
0xc5: {  	p0 =	sgt.s32 s24, s25  }
0xc6: {  	s25 =	smov.u32 @p0 s24  }
0xc7: {  	s24 =	sshll.u32 s25, $0x4  }
0xc8: {  	s24 =	sadd.s32 $0x1FF, s24  }
0xc9: {  	p0 =	slt.s32 s24, $0x200  }
.Ltmp6:
0xca: {  	_ = 	snop;
	(pc) =	sbr.rel @p0 .LBB2_11-.Ltmp6, $1  }
0xcb: {  	_ =	sdelay $0x3  }
0xcc: {  	s25 =	sshra.s32 s24, $0x1F  }
0xcd: {  	s25 =	sshrl.u32 s25, $0x17  }
0xce: {  	s31 =	sadd.s32 s25, s24  }
0xcf: {  	s24 =	sshra.s32 s31, $0x9  }
0xd0: {  	p1 =	sne.s32 s24, $0x1  }
.Ltmp7:
0xd1: {  	_ = 	snop;
	(pc) =	sbr.rel @!p1 .LBB2_10-.Ltmp7, $2  }
0xd2: {  	_ =	sdelay $0x2  }
0xd3: {  	s26 =	sshrl.u32 s14, $0x3;
	p0 =	por $0x0, $0x0;
	s24 =	sadd.s32 $0xFFFFFFFF, s24  }
0xd4: {  	s25 =	sadd.s32 s6, s26  }
0xd5: {  	[tilespmem:s18], [sflag:$0x2] =	stream.linear.gather [hbm4b:s25+s4], $0x200, $0x38;
	[tilespmem:$0x1CC10] =	vst v63  }
0xd6: {  	_ =	swait.ge [sflag:s16], $0x200  }
0xd7: {  	[sflag:s16] =	ssyncset.done $0x0  }
0xd8: {  	s31 =	sadd.s32 s5, s26;
	[sflag:s16] =	ssyncadd.s32 $0xFFFFFE00  }
0xd9: {  	[tilespmem:s19], [sflag:$0x2] =	stream.linear.gather [hbm4b:s31+s4], $0x200, $0x38;
	[tilespmem:$0x1CC10] =	vst v63  }
0xda: {  	_ =	swait.ge [sflag:s16], $0x200  }
0xdb: {  	[sflag:s16] =	ssyncset.done $0x0  }
0xdc: {  	[sflag:s16] =	ssyncadd.s32 $0xFFFFFE00  }
0xdd: {  	[tilespmem:s21], [sflag:$0x1] =	stream.indirect.gather [hbm4b:s7+s20], $0x20, s18, s20, $0xb8;
	[tilespmem:$0x1CC10] =	vst v63  }
0xde: {  	p1 =	sne.s32 s24, $0x1;
	_ =	swait.ge [sflag:s22], $0x4000  }
.Ltmp8:
0xdf: {  	[sflag:s22] =	ssyncset.done $0x0;
	(pc) =	sbr.rel @!p1 .LBB2_10-.Ltmp8, $4  }
0xe0: {  	[sflag:s22] =	ssyncadd.s32 $0xFFFFC000  }
0xe1: {  	[spmem:s2] =	stream.indirect.scatter.add.f32 [tilespmem:s21], [sflag:$0x2], $0x20, s19, s20, $0xb8;
	[tilespmem:$0x1CC10] =	vst v63  }
0xe2: {  	s24 =	sadd.s32 $0xFFFFFFFF, s24;
	s25 =	sadd.s32 $0x200, s14;
	_ =	swait.ge [sflag:s16], $0x4000  }
0xe3: {  	p0 =	por $0x1, $0x1;
	s26 =	sshrl.u32 s25, $0x3;
	[sflag:s16] =	ssyncset.done $0x0  }
.LBB2_9:
0xe4: {  	p1 =	sne.s32 s24, $0x1;
	s28 =	sadd.s32 s6, s26;
	[sflag:s16] =	ssyncadd.s32 $0xFFFFC000  }
0xe5: {  	[tilespmem:s18], [sflag:$0x2] =	stream.linear.gather [hbm4b:s28+s4], $0x200, $0x38;
	[tilespmem:$0x1CC10] =	vst v63  }
0xe6: {  	s24 =	sadd.s32 $0xFFFFFFFF, s24;
	_ =	swait.ge [sflag:s16], $0x200  }
0xe7: {  	[sflag:s16] =	ssyncset.done $0x0  }
0xe8: {  	s26 =	sadd.s32 s5, s26;
	[sflag:s16] =	ssyncadd.s32 $0xFFFFFE00  }
0xe9: {  	[tilespmem:s19], [sflag:$0x2] =	stream.linear.gather [hbm4b:s26+s4], $0x200, $0x38;
	[tilespmem:$0x1CC10] =	vst v63  }
0xea: {  	_ =	swait.ge [sflag:s16], $0x200  }
0xeb: {  	[sflag:s16] =	ssyncset.done $0x0  }
0xec: {  	[sflag:s16] =	ssyncadd.s32 $0xFFFFFE00  }
0xed: {  	[tilespmem:s21], [sflag:$0x1] =	stream.indirect.gather [hbm4b:s7+s20], $0x20, s18, s20, $0xb8;
	[tilespmem:$0x1CC10] =	vst v63  }
0xee: {  	_ =	swait.ge [sflag:s22], $0x4000  }
.Ltmp9:
0xef: {  	[sflag:s22] =	ssyncset.done $0x0;
	(pc) =	sbr.rel @p1 .LBB2_9-.Ltmp9, $4  }
0xf0: {  	[sflag:s22] =	ssyncadd.s32 $0xFFFFC000  }
0xf1: {  	[spmem:s2] =	stream.indirect.scatter.add.f32 [tilespmem:s21], [sflag:$0x2], $0x20, s19, s20, $0xb8;
	[tilespmem:$0x1CC10] =	vst v63  }
0xf2: {  	s25 =	sadd.s32 $0x200, s25;
	_ =	swait.ge [sflag:s16], $0x4000  }
0xf3: {  	s26 =	sshrl.u32 s25, $0x3;
	[sflag:s16] =	ssyncset.done $0x0  }
.Ltmp10:
0xf4: {  	_ = 	snop;
	(pc) =	sbr.rel .LBB2_10-.Ltmp10, $1  }
0xf5: {  	_ =	sdelay $0x3  }
.LBB2_12:
0xf6: {  	_ =	sfence.sel $0x180000  }
0xf7: {  	[bflag:$0x0] =	sbarrier.arrive $0xFFFF  }
0xf8: {  	p0 =	sne.s32 s3, $0x0;
	_ =	strace $0x9000004D  }
0xf9: {  	s0 =	sadd.s32 @!p0 $0x100000, s0;
	[bflag:$0x2] =	sbarrier.arrive $0xFFFF  }
0xfa: {  	[sflag:s0] =	ssyncadd.tile.s32 @!p0 $0x1;
	_ =	shalt  }
.Lfunc_end2:
_tile_overlayer_lowered:
.L_overlay_start_2:
0xfb: {  	(tag) =	ssettag $0x2  }
0xfc: {  	s0 =	rddreg [dreg:$0x0];
	s2 =	stileid.u32  }
0xfd: {  	s1 =	rddreg [dreg:$0x1];
	p0 =	sne.s32 s2, $0x0  }
0xfe: {  	s3 =	rddreg [dreg:$0x2];
	[bflag:$0x3] =	sbarrier.arrive $0xFFFF;
	s2 =	simm.s32 @!p0 $0x1C02  }
0xff: {  	[timem:s3], [sflag:s2] =	dma.local @!p0 [hbm:s0], s1  }
0x100: {  	s0 =	simm.s32 @!p0 $0x2  }
0x101: {  	_ =	swait.ge @!p0 [sflag:s0], s1  }
0x102: {  	s1 =	ssub.s32 @!p0 $0x0, s1;
	[sflag:s0] =	ssyncset.done @!p0 $0x0  }
0x103: {  	[sflag:s0] =	ssyncadd.s32 @!p0 s1  }
0x104: {  	[bflag:$0x3] =	sbarrier.arrive $0xFFFF  }
0x105: {  	_ =	shalt  }

// kernel: kernel.21.cloned.1.call-start
scs
__scs_entry_jumppad:
0x0: {  	(pc) =	sbr.rel $0x88, $3  }
0x1: {  	(tag) =	ssettag $0x0;
	lr =	simm.s32 $0x1  }
0x2: {  	[smem:$0x3F92] =	sst lr;
	_ =	strace $0xD0000000  }
0x3: {  	_ = 	snop  }
0x4: {  	_ = 	snop  }
0x5: {  	_ = 	snop  }
0x6: {  	_ = 	snop  }
0x7: {  	_ = 	snop  }
__scs_overlays_trampoline_lowered:
0x8: {  	[smem:$0x3FA1] =	sst s0  }
0x9: {  	[smem:$0x3FA2] =	sst s1  }
0xa: {  	[smem:$0x3FA3] =	sst s2  }
0xb: {  	[smem:$0x3FA4] =	sst s3  }
0xc: {  	[smem:$0x3FA5] =	sst s4  }
0xd: {  	[smem:$0x3FA6] =	sst s5  }
0xe: {  	[smem:$0x3FA7] =	sst s6  }
0xf: {  	[smem:$0x3FA8] =	sst s7  }
0x10: {  	[smem:$0x3FA9] =	sst s8  }
0x11: {  	[smem:$0x3FAA] =	sst s9;
	s0 =	simm.s32 @!p0 $0x0  }
0x12: {  	s1 =	sld [smem:$0x3F90];
	s0 =	simm.s32 @p0 $0x1  }
0x13: {  	[smem:$0x3FAB] =	sst s0;
	s0 =	simm.s32 @!p1 $0x0  }
0x14: {  	s2 =	sld [smem:$0x3F8F];
	s0 =	simm.s32 @p1 $0x1  }
0x15: {  	[smem:$0x3FAC] =	sst s0;
	s0 =	simm.s32 @!p2 $0x0  }
0x16: {  	s3 =	sld [smem:$0x3FDB];
	s0 =	simm.s32 @p2 $0x1  }
0x17: {  	s4 =	simm.s32 $0x1BF5;
	[smem:$0x3FAE] =	sst s0  }
0x18: {  	s0 =	sld [smem:$0x3F91];
	_ =	swait.ge [sflag:s4], $0x0  }
0x19: {  	s7 =	sld [smem:$0x3F92]  }
0x1a: {  	s8 =	sadd.s32 $0xFFFFE003, lr  }
0x1b: {  	s9 =	sadd.s32 $0xFFFFFEF7, lr;
	s5 =	simm.s32 $0xFFFFFFFF;
	p2 =	slt.u32 s8, $0xFFFFF086  }
0x1c: {  	p1 =	slt.u32 s9, $0xF7A;
	s5 =	simm.s32 @!p2 $0x0  }
0x1d: {  	s5 =	simm.s32 @p1 $0x1;
	p0 =	seq.s32 s7, s2  }
0x1e: {  	s7 =	smul.u32 @!p0 $0xF7A, s2;
	p2 =	seq.s32 @!p0 s5, $0x0  }
0x1f: {  	s9 =	smul.u32 $0xF7A, s1;
	s8 =	simm.s32 @!p0 $0x1BF5;
	p2 =	por !p2, p0  }
0x20: {  	[sflag:s8] =	ssyncset.s32 @!p0 $0xFFFFF086;
	s6 =	sadd.s32 @!p0 s3, s7;
	s7 =	simm.s32 @!p0 $0x108  }
0x21: {  	s3 =	sadd.s32 s3, s9;
	s6 =	sadd.s32 @!p0 $0x88, s6;
	s7 =	simm.s32 @p2 $0x1082  }
0x22: {  	[simem:s7], [sflag:s8] =	dma.local @!p0 [hbm:s6], $0xF7A  }
0x23: {  	s9 =	sor.u32 $0xD0000000, s2;
	s6 =	simm.s32 $0x108;
	_ =	swait.ge @!p0 [sflag:s8], $0x0  }
0x24: {  	s3 =	sadd.s32 $0x88, s3;
	s6 =	simm.s32 @!p1 $0x1082;
	[sflag:s4] =	ssyncset.s32 $0xFFFFF086  }
0x25: {  	[simem:s6], [sflag:s4] =	dma.local [hbm:s3], $0xF7A  }
0x26: {  	[smem:$0x3F92] =	sst s1;
	(tag) =	ssettag s2;
	_ =	strace s9  }
0x27: {  	s1 =	sld [smem:$0x3FA2]  }
0x28: {  	s2 =	sld [smem:$0x3FA3]  }
0x29: {  	s4 =	sld [smem:$0x3FA5]  }
0x2a: {  	p0 =	seq.s32 s5, $0x0;
	s5 =	sld [smem:$0x3FA6]  }
0x2b: {  	s6 =	sld [smem:$0x3FA7]  }
0x2c: {  	s7 =	sld [smem:$0x3FA8]  }
0x2d: {  	s3 =	simm.s32 $0x108;
	s8 =	sld [smem:$0x3FA9]  }
0x2e: {  	s3 =	simm.s32 @!p0 $0x1082;
	s9 =	sld [smem:$0x3FAA]  }
0x2f: {  	lr =	sadd.s32 s0, s3;
	s0 =	sld [smem:$0x3FA1]  }
0x30: {  	s3 =	sld [smem:$0x3FA4]  }
0x31: {  	[smem:$0x3FAD] =	sst s10  }
0x32: {  	s10 =	sld [smem:$0x3FAB];
	_ =	sdelay $0x3  }
0x33: {  	p0 =	seq.s32 s10, $0x1;
	s10 =	sld [smem:$0x3FAD];
	_ =	sdelay $0x3  }
0x34: {  	[smem:$0x3FAD] =	sst s10  }
0x35: {  	s10 =	sld [smem:$0x3FAC];
	_ =	sdelay $0x3  }
0x36: {  	p1 =	seq.s32 s10, $0x1;
	s10 =	sld [smem:$0x3FAD];
	_ =	sdelay $0x3  }
0x37: {  	[smem:$0x3FAD] =	sst s10  }
0x38: {  	s10 =	sld [smem:$0x3FAE]  }
0x39: {  	_ = 	snop;
	(pc) =	sbr.ind lr, $3  }
0x3a: {  	_ = 	snop  }
0x3b: {  	_ = 	snop  }
0x3c: {  	p2 =	seq.s32 s10, $0x1;
	s10 =	sld [smem:$0x3FAD]  }
0x3d: {  	_ =	shalt  }
0x3e: {  	_ =	shalt  }
0x3f: {  	_ =	shalt  }
0x40: {  	_ =	shalt  }
0x41: {  	_ =	shalt  }
0x42: {  	_ =	shalt  }
0x43: {  	_ =	shalt  }
0x44: {  	_ =	shalt  }
0x45: {  	_ =	shalt  }
0x46: {  	_ =	shalt  }
0x47: {  	_ =	shalt  }
0x48: {  	_ =	shalt  }
0x49: {  	_ =	shalt  }
0x4a: {  	_ =	shalt  }
0x4b: {  	_ =	shalt  }
0x4c: {  	_ =	shalt  }
0x4d: {  	_ =	shalt  }
0x4e: {  	_ =	shalt  }
0x4f: {  	_ =	shalt  }
0x50: {  	_ =	shalt  }
0x51: {  	_ =	shalt  }
0x52: {  	_ =	shalt  }
0x53: {  	_ =	shalt  }
0x54: {  	_ =	shalt  }
0x55: {  	_ =	shalt  }
0x56: {  	_ =	shalt  }
0x57: {  	_ =	shalt  }
0x58: {  	_ =	shalt  }
0x59: {  	_ =	shalt  }
0x5a: {  	_ =	shalt  }
0x5b: {  	_ =	shalt  }
0x5c: {  	_ =	shalt  }
0x5d: {  	_ =	shalt  }
0x5e: {  	_ =	shalt  }
0x5f: {  	_ =	shalt  }
0x60: {  	_ =	shalt  }
0x61: {  	_ =	shalt  }
0x62: {  	_ =	shalt  }
0x63: {  	_ =	shalt  }
0x64: {  	_ =	shalt  }
0x65: {  	_ =	shalt  }
0x66: {  	_ =	shalt  }
0x67: {  	_ =	shalt  }
0x68: {  	_ =	shalt  }
0x69: {  	_ =	shalt  }
0x6a: {  	_ =	shalt  }
0x6b: {  	_ =	shalt  }
0x6c: {  	_ =	shalt  }
0x6d: {  	_ =	shalt  }
0x6e: {  	_ =	shalt  }
0x6f: {  	_ =	shalt  }
0x70: {  	_ =	shalt  }
0x71: {  	_ =	shalt  }
0x72: {  	_ =	shalt  }
0x73: {  	_ =	shalt  }
0x74: {  	_ =	shalt  }
0x75: {  	_ =	shalt  }
0x76: {  	_ =	shalt  }
0x77: {  	_ =	shalt  }
0x78: {  	_ =	shalt  }
0x79: {  	_ =	shalt  }
0x7a: {  	_ =	shalt  }
0x7b: {  	_ =	shalt  }
0x7c: {  	_ =	shalt  }
0x7d: {  	_ =	shalt  }
0x7e: {  	_ =	shalt  }
0x7f: {  	_ =	shalt  }
0x80: {  	_ =	shalt  }
0x81: {  	_ =	shalt  }
0x82: {  	_ =	shalt  }
0x83: {  	_ =	shalt  }
0x84: {  	_ =	shalt  }
0x85: {  	_ =	shalt  }
0x86: {  	_ =	shalt  }
0x87: {  	_ =	shalt  }
.Lfunc_end0:
.L_simem_size_0:
called_computation.4_lowered:
.L_overlay_start_0:
0x88: {  	s2 =	sld [smem:$0x3FD9]  }
0x89: {  	s3 =	sld [smem:$0x3FFE];
	_ =	sdelay $0x1  }
0x8a: {  	s1 =	srdreg.scid  }
0x8b: {  	s0 =	sand.u32 $0x1, s1  }
0x8c: {  	s14 =	sshll.u32 s0, $0xA;
	s2 =	sadd.s32 s3, s2  }
0x8d: {  	s2 =	sadd.s32 s2, s14  }
0x8e: {  	[smem:$0x3FB9] =	sst s2  }
0x8f: {  	_ = 	snop  }
0x90: {  	s2 =	sld [smem:$0x3FD0]  }
0x91: {  	s15 =	sld [smem:$0x3FC9]  }
0x92: {  	s4 =	sld [smem:$0x3FC8]  }
0x93: {  	s6 =	simm.s32 $0xB;
	s7 =	simm.s32 $0x10;
	s5 =	sld [smem:$0x3FC7]  }
0x94: {  	[smem:s7], [sflag:s6] =	dma.local [hbm:s2], $0x1  }
0x95: {  	_ =	swait.eq [sflag:s6], $0x1  }
0x96: {  	s16 =	sld [smem:$0x10];
	[sflag:s6] =	ssyncset.done $0x0  }
0x97: {  	s17 =	sld [smem:$0x11];
	[sflag:s6] =	ssyncadd.s32 $0xFFFFFFFF  }
0x98: {  	s18 =	sld [smem:$0x12];
	(tm) =	ssettm $0x1  }
0x99: {  	s8 =	sld [smem:$0x3FFB];
	_ =	sdelay $0x3  }
0x9a: {  	_ =	strace s8  }
0x9b: {  	s8 =	sld [smem:$0x3FFC];
	_ =	sdelay $0x3  }
0x9c: {  	_ =	strace s8  }
0x9d: {  	s8 =	sld [smem:$0x3FFD];
	_ =	sdelay $0x3  }
0x9e: {  	_ =	strace s8  }
0x9f: {  	_ =	strace $0x8FFFFFFF  }
0xa0: {  	s19 =	sld [smem:$0x3FDB];
	_ =	sdelay $0x1  }
0xa1: {  	s9 =	simm.s32 $_scs_section_size  }
0xa2: {  	s10 =	simm.s32 $_size__tile_overlayer_lowered;
	s11 =	simm.s32 $_tile_overlayer_lowered  }
0xa3: {  	s22 =	simm.s32 $0x1BFF;
	s21 =	sshll.u32 s11, $0x1;
	s8 =	sadd.s32 s9, s19  }
0xa4: {  	s12 =	simm.s32 $0x0;
	s20 =	sshll.u32 s10, $0x1;
	s10 =	sadd.s32 s21, s8  }
0xa5: {  	[timem:s12], [sflag:s22] =	dma.local [hbm:s10], s20  }
0xa6: {  	_ =	swait.ge [sflag:s22], s20  }
0xa7: {  	s9 =	ssub.s32 $0x0, s20;
	[sflag:s22] =	ssyncset.done $0x0  }
0xa8: {  	[sflag:s22] =	ssyncadd.s32 s9;
	_ =	sdelay $0x1  }
0xa9: {  	s23 =	simm.s32 $0x1B8B  }
0xaa: {  	_ =	swait.ge [sflag:s23], $0x1  }
0xab: {  	[sflag:s23] =	ssyncset.done $0x0  }
0xac: {  	s25 =	simm.s32 $0x1B8E;
	s24 =	sld [smem:$0x3FFE];
	[sflag:s23] =	ssyncadd.s32 $0xFFFFFFFF  }
0xad: {  	s26 =	simm.s32 $execute0_lowered;
	[smem:$0x3FD2] =	sst s25  }
0xae: {  	s10 =	sshll.u32 s26, $0x1;
	_ =	strace $0x80000052;
	[dreg:$0x1] =	wrdreg $0xFFFFFFFF  }
0xaf: {  	s28 =	simm.s32 $_size_execute0_lowered;
	s8 =	sadd.s32 s8, s10;
	[dreg:$0x0] =	wrdreg $0x0  }
0xb0: {  	s10 =	sshll.u32 s28, $0x1;
	[dreg:$0x2] =	wrdreg s8  }
0xb1: {  	[dreg:$0x3] =	wrdreg s10  }
0xb2: {  	[dreg:$0x4] =	wrdreg $0xC0  }
0xb3: {  	_ =	task [dreg:s12], $0x5FFFF  }
0xb4: {  	[dreg:$0x1] =	wrdreg $0xFFFFFFFF  }
0xb5: {  	[dreg:$0x0] =	wrdreg $0x60  }
0xb6: {  	[dreg:$0x2] =	wrdreg s24  }
0xb7: {  	[dreg:$0x3] =	wrdreg s15  }
0xb8: {  	[dreg:$0x4] =	wrdreg s4  }
0xb9: {  	[dreg:$0x5] =	wrdreg s5  }
0xba: {  	[dreg:$0x6] =	wrdreg s17  }
0xbb: {  	[dreg:$0x7] =	wrdreg s16  }
0xbc: {  	[dreg:$0x8] =	wrdreg s18  }
0xbd: {  	[dreg:$0x9] =	wrdreg $0x9  }
0xbe: {  	_ =	task.clear_ibuf [dreg:s12], $0xAFFFF;
	_ =	strace $0x90000052  }
0xbf: {  	s29 =	simm.s32 $0x9;
	_ =	strace $0x80000054  }
0xc0: {  	_ =	swait.ge [sflag:s29], $0x1  }
0xc1: {  	[sflag:s29] =	ssyncadd.s32 $0xFFFFFFFF  }
0xc2: {  	_ =	strace $0x90000054  }
0xc3: {  	_ =	sfence  }
0xc4: {  	s30 =	sld [smem:$0x0];
	_ =	sdelay $0x2  }
0xc5: {  	s31 =	sshll.u32 s1, $0xD;
	s1 =	sshrl.u32 s1, $0x2  }
0xc6: {  	s3 =	sand.u32 $0x4000, s31;
	s1 =	sadd.s32 s1, s30  }
0xc7: {  	s0 =	sor.u32 s3, s0;
	s1 =	sshll.u32 s1, $0x11  }
0xc8: {  	s0 =	sor.u32 s1, s0  }
0xc9: {  	s0 =	sadd.s32 $0x8F2B, s0  }
0xca: {  	[sflag:s0] =	ssyncadd.remote.s32 $0x1  }
0xcb: {  	_ =	sfence.sel $0xFFFF  }
0xcc: {  	[dreg:$0x0] =	wrdreg $0xFFFFFFFF;
	(pc) =	sbr.abs _section_cstart, $3  }
0xcd: {  	[dreg:$0x1] =	wrdreg $0xFFFFFFFF  }
0xce: {  	_ =	task.clear_ibuf [dreg:s12], $0x2FFFF;
	_ =	strace $0x9FFFFFFF  }
0xcf: {  	(tm) =	ssettm $0x7FFFFFFF  }
tec
execute0_lowered:
.L_overlay_start_1:
0x0: {  	(tag) =	ssettag $0x1  }
0x1: {  	s16 =	rddreg [dreg:$0x0]  }
0x2: {  	s3 =	rddreg [dreg:$0x1]  }
0x3: {  	s11 =	rddreg [dreg:$0x2]  }
0x4: {  	s15 =	rddreg [dreg:$0x3]  }
0x5: {  	s8 =	rddreg [dreg:$0x4];
	s1 =	srdreg.scid  }
0x6: {  	s10 =	rddreg [dreg:$0x5];
	s0 =	stileid.u32;
	s17 =	sand.u32 $0x1, s1  }
0x7: {  	s14 =	rddreg [dreg:$0x6];
	s4 =	sshll.u32 s0, $0x8;
	s5 =	sshll.u32 s17, $0x7  }
0x8: {  	s2 =	simm.s32 $0x0;
	s1 =	rddreg [dreg:$0x7];
	s18 =	sor.u32 s5, s4  }
0x9: {  	[smem:$0x7FF] =	sst s2;
	s19 =	sshrl.u32 s18, $0x3  }
0xa: {  	_ =	strace $0x80000053;
	s4 =	sadd.s32 s3, s19;
	s3 =	simm.s32 $0x2  }
0xb: {  	[tilespmem:s2], [sflag:$0x2] =	stream.linear.gather [hbm4b:s4+s2], $0x80, $0x38;
	[tilespmem:$0x3080] =	vst v63  }
0xc: {  	_ =	swait.ge [sflag:s3], $0x80  }
0xd: {  	s6 =	simm.s32 $0x80;
	[sflag:s3] =	ssyncset.done $0x0  }
0xe: {  	s7 =	simm.s32 $0x1;
	s5 =	sadd.s32 $0x49CE00, s16;
	[sflag:s3] =	ssyncadd.s32 $0xFFFFFF80  }
0xf: {  	[tilespmem:s6], [sflag:$0x1] =	stream.indirect.gather [hbm4b:s5+s6], $0x20, s2, s6, $0xb8;
	[tilespmem:$0x3080] =	vst v63  }
0x10: {  	_ =	swait.ge [sflag:s7], $0x1000  }
0x11: {  	s12 =	sshll.u32 s18, $0x2;
	[sflag:s7] =	ssyncset.done $0x0  }
0x12: {  	s8 =	sadd.s32 s8, s12;
	[sflag:s7] =	ssyncadd.s32 $0xFFFFF000  }
0x13: {  	[hbm4b:s8+s2] =	stream.linear.scatter [tilespmem:s6], [sflag:$0x2], $0x1000, $0x38;
	[tilespmem:$0x3080] =	vst v63  }
0x14: {  	_ =	swait.ge [sflag:s3], $0x1000  }
0x15: {  	[sflag:s3] =	ssyncset.done $0x0  }
0x16: {  	s9 =	sadd.s32 $0x5C00, s16;
	[sflag:s3] =	ssyncadd.s32 $0xFFFFF000  }
0x17: {  	[tilespmem:s6], [sflag:$0x1] =	stream.indirect.gather [hbm4b:s9+s6], $0x20, s2, s6, $0xb8;
	[tilespmem:$0x3080] =	vst v63  }
0x18: {  	_ =	swait.ge [sflag:s7], $0x1000  }
0x19: {  	[sflag:s7] =	ssyncset.done $0x0  }
0x1a: {  	s10 =	sadd.s32 s10, s12;
	[sflag:s7] =	ssyncadd.s32 $0xFFFFF000  }
0x1b: {  	[hbm4b:s10+s2] =	stream.linear.scatter [tilespmem:s6], [sflag:$0x2], $0x1000, $0x38;
	[tilespmem:$0x3080] =	vst v63  }
0x1c: {  	_ =	swait.ge [sflag:s3], $0x1000  }
0x1d: {  	[sflag:s3] =	ssyncset.done $0x0  }
0x1e: {  	s11 =	sadd.s32 s11, s19;
	[sflag:s3] =	ssyncadd.s32 $0xFFFFF000  }
0x1f: {  	[tilespmem:s2], [sflag:$0x2] =	stream.linear.gather [hbm4b:s11+s2], $0x80, $0x38;
	[tilespmem:$0x3080] =	vst v63  }
0x20: {  	_ =	swait.ge [sflag:s3], $0x80  }
0x21: {  	[sflag:s3] =	ssyncset.done $0x0  }
0x22: {  	s13 =	simm.s32 $0x1080;
	s12 =	sadd.s32 $0x3D9800, s16;
	[sflag:s3] =	ssyncadd.s32 $0xFFFFFF80  }
0x23: {  	[tilespmem:s13], [sflag:$0x1] =	stream.indirect.gather [hbm4b:s12+s6], $0x40, s2, s6, $0xb8;
	[tilespmem:$0x3080] =	vst v63  }
0x24: {  	_ =	swait.ge [sflag:s7], $0x2000  }
0x25: {  	s18 =	sshll.u32 s18, $0x3;
	[sflag:s7] =	ssyncset.done $0x0  }
0x26: {  	s14 =	sadd.s32 s14, s18;
	[sflag:s7] =	ssyncadd.s32 $0xFFFFE000  }
0x27: {  	[hbm4b:s14+s2] =	stream.linear.scatter [tilespmem:s13], [sflag:$0x2], $0x2000, $0x38;
	[tilespmem:$0x3080] =	vst v63  }
0x28: {  	_ =	swait.ge [sflag:s3], $0x2000  }
0x29: {  	[sflag:s3] =	ssyncset.done $0x0  }
0x2a: {  	s17 =	ssub.s32 $0x2, s17;
	s15 =	sadd.s32 s15, s19;
	[sflag:s3] =	ssyncadd.s32 $0xFFFFE000  }
0x2b: {  	[tilespmem:s2], [sflag:$0x2] =	stream.linear.gather [hbm4b:s15+s2], $0x80, $0x38;
	[tilespmem:$0x3080] =	vst v63  }
0x2c: {  	s31 =	sshrl.u32 s17, $0x1;
	_ =	swait.ge [sflag:s3], $0x80  }
0x2d: {  	s17 =	ssub.s32 s17, s31;
	[sflag:s3] =	ssyncset.done $0x0  }
0x2e: {  	s17 =	smax.u32 s17, $0x1;
	[sflag:s3] =	ssyncadd.s32 $0xFFFFFF80  }
0x2f: {  	[tilespmem:s13], [sflag:$0x1] =	stream.indirect.gather [hbm4b:s12+s6], $0x40, s2, s6, $0xb8;
	[tilespmem:$0x3080] =	vst v63  }
0x30: {  	p0 =	sne.s32 s17, $0x1;
	_ =	swait.ge [sflag:s7], $0x2000  }
.Ltmp0:
0x31: {  	s16 =	sadd.s32 s18, s16;
	[sflag:s7] =	ssyncset.done $0x0;
	(pc) =	sbr.rel @!p0 .LBB2_2-.Ltmp0, $4  }
0x32: {  	s16 =	sadd.s32 $0x36C00, s16;
	[sflag:s7] =	ssyncadd.s32 $0xFFFFE000  }
0x33: {  	[hbm4b:s16+s2] =	stream.linear.scatter [tilespmem:s13], [sflag:$0x2], $0x2000, $0x38;
	[tilespmem:$0x3080] =	vst v63  }
0x34: {  	_ =	swait.ge [sflag:s3], $0x2000  }
0x35: {  	s17 =	sadd.s32 $0xFFFFFFFF, s17;
	[sflag:s3] =	ssyncset.done $0x0  }
.LBB2_1:
0x36: {  	p0 =	sne.s32 s17, $0x1;
	s17 =	sadd.s32 $0xFFFFFFFF, s17;
	[sflag:s3] =	ssyncadd.s32 $0xFFFFE000  }
0x37: {  	[tilespmem:s2], [sflag:$0x2] =	stream.linear.gather [hbm4b:s4+s2], $0x80, $0x38;
	[tilespmem:$0x3080] =	vst v63  }
0x38: {  	_ =	swait.ge [sflag:s3], $0x80  }
0x39: {  	[sflag:s3] =	ssyncset.done $0x0  }
0x3a: {  	[sflag:s3] =	ssyncadd.s32 $0xFFFFFF80  }
0x3b: {  	[tilespmem:s6], [sflag:$0x1] =	stream.indirect.gather [hbm4b:s5+s6], $0x20, s2, s6, $0xb8;
	[tilespmem:$0x3080] =	vst v63  }
0x3c: {  	_ =	swait.ge [sflag:s7], $0x1000  }
0x3d: {  	[sflag:s7] =	ssyncset.done $0x0  }
0x3e: {  	[sflag:s7] =	ssyncadd.s32 $0xFFFFF000  }
0x3f: {  	[hbm4b:s8+s2] =	stream.linear.scatter [tilespmem:s6], [sflag:$0x2], $0x1000, $0x38;
	[tilespmem:$0x3080] =	vst v63  }
0x40: {  	_ =	swait.ge [sflag:s3], $0x1000  }
0x41: {  	[sflag:s3] =	ssyncset.done $0x0  }
0x42: {  	[sflag:s3] =	ssyncadd.s32 $0xFFFFF000  }
0x43: {  	[tilespmem:s6], [sflag:$0x1] =	stream.indirect.gather [hbm4b:s9+s6], $0x20, s2, s6, $0xb8;
	[tilespmem:$0x3080] =	vst v63  }
0x44: {  	_ =	swait.ge [sflag:s7], $0x1000  }
0x45: {  	[sflag:s7] =	ssyncset.done $0x0  }
0x46: {  	[sflag:s7] =	ssyncadd.s32 $0xFFFFF000  }
0x47: {  	[hbm4b:s10+s2] =	stream.linear.scatter [tilespmem:s6], [sflag:$0x2], $0x1000, $0x38;
	[tilespmem:$0x3080] =	vst v63  }
0x48: {  	_ =	swait.ge [sflag:s3], $0x1000  }
0x49: {  	[sflag:s3] =	ssyncset.done $0x0  }
0x4a: {  	[sflag:s3] =	ssyncadd.s32 $0xFFFFF000  }
0x4b: {  	[tilespmem:s2], [sflag:$0x2] =	stream.linear.gather [hbm4b:s11+s2], $0x80, $0x38;
	[tilespmem:$0x3080] =	vst v63  }
0x4c: {  	_ =	swait.ge [sflag:s3], $0x80  }
0x4d: {  	[sflag:s3] =	ssyncset.done $0x0  }
0x4e: {  	[sflag:s3] =	ssyncadd.s32 $0xFFFFFF80  }
0x4f: {  	[tilespmem:s13], [sflag:$0x1] =	stream.indirect.gather [hbm4b:s12+s6], $0x40, s2, s6, $0xb8;
	[tilespmem:$0x3080] =	vst v63  }
0x50: {  	_ =	swait.ge [sflag:s7], $0x2000  }
0x51: {  	[sflag:s7] =	ssyncset.done $0x0  }
0x52: {  	[sflag:s7] =	ssyncadd.s32 $0xFFFFE000  }
0x53: {  	[hbm4b:s14+s2] =	stream.linear.scatter [tilespmem:s13], [sflag:$0x2], $0x2000, $0x38;
	[tilespmem:$0x3080] =	vst v63  }
0x54: {  	_ =	swait.ge [sflag:s3], $0x2000  }
0x55: {  	[sflag:s3] =	ssyncset.done $0x0  }
0x56: {  	[sflag:s3] =	ssyncadd.s32 $0xFFFFE000  }
0x57: {  	[tilespmem:s2], [sflag:$0x2] =	stream.linear.gather [hbm4b:s15+s2], $0x80, $0x38;
	[tilespmem:$0x3080] =	vst v63  }
0x58: {  	_ =	swait.ge [sflag:s3], $0x80  }
0x59: {  	[sflag:s3] =	ssyncset.done $0x0  }
0x5a: {  	[sflag:s3] =	ssyncadd.s32 $0xFFFFFF80  }
0x5b: {  	[tilespmem:s13], [sflag:$0x1] =	stream.indirect.gather [hbm4b:s12+s6], $0x40, s2, s6, $0xb8;
	[tilespmem:$0x3080] =	vst v63  }
0x5c: {  	_ =	swait.ge [sflag:s7], $0x2000  }
.Ltmp1:
0x5d: {  	[sflag:s7] =	ssyncset.done $0x0;
	(pc) =	sbr.rel @p0 .LBB2_1-.Ltmp1, $4  }
0x5e: {  	[sflag:s7] =	ssyncadd.s32 $0xFFFFE000  }
0x5f: {  	[hbm4b:s16+s2] =	stream.linear.scatter [tilespmem:s13], [sflag:$0x2], $0x2000, $0x38;
	[tilespmem:$0x3080] =	vst v63  }
0x60: {  	_ =	swait.ge [sflag:s3], $0x2000  }
0x61: {  	[sflag:s3] =	ssyncset.done $0x0  }
.LBB2_2:
0x62: {  	[sflag:s3] =	ssyncadd.s32 $0xFFFFE000  }
0x63: {  	_ =	sfence.sel $0x180000  }
0x64: {  	[bflag:$0x0] =	sbarrier.arrive $0xFFFF  }
0x65: {  	p0 =	sne.s32 s0, $0x0;
	_ =	strace $0x90000053  }
0x66: {  	s0 =	sadd.s32 @!p0 $0x100000, s1;
	[bflag:$0x2] =	sbarrier.arrive $0xFFFF  }
0x67: {  	[sflag:s0] =	ssyncadd.tile.s32 @!p0 $0x1;
	_ =	shalt  }
.Lfunc_end2:
_tile_overlayer_lowered:
.L_overlay_start_2:
0x68: {  	(tag) =	ssettag $0x2  }
0x69: {  	s0 =	rddreg [dreg:$0x0];
	s2 =	stileid.u32  }
0x6a: {  	s1 =	rddreg [dreg:$0x1];
	p0 =	sne.s32 s2, $0x0  }
0x6b: {  	s3 =	rddreg [dreg:$0x2];
	[bflag:$0x3] =	sbarrier.arrive $0xFFFF;
	s2 =	simm.s32 @!p0 $0x1C02  }
0x6c: {  	[timem:s3], [sflag:s2] =	dma.local @!p0 [hbm:s0], s1  }
0x6d: {  	s0 =	simm.s32 @!p0 $0x2  }
0x6e: {  	_ =	swait.ge @!p0 [sflag:s0], s1  }
0x6f: {  	s1 =	ssub.s32 @!p0 $0x0, s1;
	[sflag:s0] =	ssyncset.done @!p0 $0x0  }
0x70: {  	[sflag:s0] =	ssyncadd.s32 @!p0 s1  }
0x71: {  	[bflag:$0x3] =	sbarrier.arrive $0xFFFF  }
0x72: {  	_ =	shalt  }

// kernel: kernel.9.cloned.1.call-start
scs
__scs_entry_jumppad:
0x0: {  	(pc) =	sbr.rel $0x88, $3  }
0x1: {  	(tag) =	ssettag $0x0;
	lr =	simm.s32 $0x1  }
0x2: {  	[smem:$0x3F92] =	sst lr;
	_ =	strace $0xD0000000  }
0x3: {  	_ = 	snop  }
0x4: {  	_ = 	snop  }
0x5: {  	_ = 	snop  }
0x6: {  	_ = 	snop  }
0x7: {  	_ = 	snop  }
__scs_overlays_trampoline_lowered:
0x8: {  	[smem:$0x3FA1] =	sst s0  }
0x9: {  	[smem:$0x3FA2] =	sst s1  }
0xa: {  	[smem:$0x3FA3] =	sst s2  }
0xb: {  	[smem:$0x3FA4] =	sst s3  }
0xc: {  	[smem:$0x3FA5] =	sst s4  }
0xd: {  	[smem:$0x3FA6] =	sst s5  }
0xe: {  	[smem:$0x3FA7] =	sst s6  }
0xf: {  	[smem:$0x3FA8] =	sst s7  }
0x10: {  	[smem:$0x3FA9] =	sst s8  }
0x11: {  	[smem:$0x3FAA] =	sst s9;
	s0 =	simm.s32 @!p0 $0x0  }
0x12: {  	s1 =	sld [smem:$0x3F90];
	s0 =	simm.s32 @p0 $0x1  }
0x13: {  	[smem:$0x3FAB] =	sst s0;
	s0 =	simm.s32 @!p1 $0x0  }
0x14: {  	s2 =	sld [smem:$0x3F8F];
	s0 =	simm.s32 @p1 $0x1  }
0x15: {  	[smem:$0x3FAC] =	sst s0;
	s0 =	simm.s32 @!p2 $0x0  }
0x16: {  	s3 =	sld [smem:$0x3FDB];
	s0 =	simm.s32 @p2 $0x1  }
0x17: {  	s4 =	simm.s32 $0x1BF5;
	[smem:$0x3FAE] =	sst s0  }
0x18: {  	s0 =	sld [smem:$0x3F91];
	_ =	swait.ge [sflag:s4], $0x0  }
0x19: {  	s7 =	sld [smem:$0x3F92]  }
0x1a: {  	s8 =	sadd.s32 $0xFFFFE003, lr  }
0x1b: {  	s9 =	sadd.s32 $0xFFFFFEF7, lr;
	s5 =	simm.s32 $0xFFFFFFFF;
	p2 =	slt.u32 s8, $0xFFFFF086  }
0x1c: {  	p1 =	slt.u32 s9, $0xF7A;
	s5 =	simm.s32 @!p2 $0x0  }
0x1d: {  	s5 =	simm.s32 @p1 $0x1;
	p0 =	seq.s32 s7, s2  }
0x1e: {  	s7 =	smul.u32 @!p0 $0xF7A, s2;
	p2 =	seq.s32 @!p0 s5, $0x0  }
0x1f: {  	s9 =	smul.u32 $0xF7A, s1;
	s8 =	simm.s32 @!p0 $0x1BF5;
	p2 =	por !p2, p0  }
0x20: {  	[sflag:s8] =	ssyncset.s32 @!p0 $0xFFFFF086;
	s6 =	sadd.s32 @!p0 s3, s7;
	s7 =	simm.s32 @!p0 $0x108  }
0x21: {  	s3 =	sadd.s32 s3, s9;
	s6 =	sadd.s32 @!p0 $0x88, s6;
	s7 =	simm.s32 @p2 $0x1082  }
0x22: {  	[simem:s7], [sflag:s8] =	dma.local @!p0 [hbm:s6], $0xF7A  }
0x23: {  	s9 =	sor.u32 $0xD0000000, s2;
	s6 =	simm.s32 $0x108;
	_ =	swait.ge @!p0 [sflag:s8], $0x0  }
0x24: {  	s3 =	sadd.s32 $0x88, s3;
	s6 =	simm.s32 @!p1 $0x1082;
	[sflag:s4] =	ssyncset.s32 $0xFFFFF086  }
0x25: {  	[simem:s6], [sflag:s4] =	dma.local [hbm:s3], $0xF7A  }
0x26: {  	[smem:$0x3F92] =	sst s1;
	(tag) =	ssettag s2;
	_ =	strace s9  }
0x27: {  	s1 =	sld [smem:$0x3FA2]  }
0x28: {  	s2 =	sld [smem:$0x3FA3]  }
0x29: {  	s4 =	sld [smem:$0x3FA5]  }
0x2a: {  	p0 =	seq.s32 s5, $0x0;
	s5 =	sld [smem:$0x3FA6]  }
0x2b: {  	s6 =	sld [smem:$0x3FA7]  }
0x2c: {  	s7 =	sld [smem:$0x3FA8]  }
0x2d: {  	s3 =	simm.s32 $0x108;
	s8 =	sld [smem:$0x3FA9]  }
0x2e: {  	s3 =	simm.s32 @!p0 $0x1082;
	s9 =	sld [smem:$0x3FAA]  }
0x2f: {  	lr =	sadd.s32 s0, s3;
	s0 =	sld [smem:$0x3FA1]  }
0x30: {  	s3 =	sld [smem:$0x3FA4]  }
0x31: {  	[smem:$0x3FAD] =	sst s10  }
0x32: {  	s10 =	sld [smem:$0x3FAB];
	_ =	sdelay $0x3  }
0x33: {  	p0 =	seq.s32 s10, $0x1;
	s10 =	sld [smem:$0x3FAD];
	_ =	sdelay $0x3  }
0x34: {  	[smem:$0x3FAD] =	sst s10  }
0x35: {  	s10 =	sld [smem:$0x3FAC];
	_ =	sdelay $0x3  }
0x36: {  	p1 =	seq.s32 s10, $0x1;
	s10 =	sld [smem:$0x3FAD];
	_ =	sdelay $0x3  }
0x37: {  	[smem:$0x3FAD] =	sst s10  }
0x38: {  	s10 =	sld [smem:$0x3FAE]  }
0x39: {  	_ = 	snop;
	(pc) =	sbr.ind lr, $3  }
0x3a: {  	_ = 	snop  }
0x3b: {  	_ = 	snop  }
0x3c: {  	p2 =	seq.s32 s10, $0x1;
	s10 =	sld [smem:$0x3FAD]  }
0x3d: {  	_ =	shalt  }
0x3e: {  	_ =	shalt  }
0x3f: {  	_ =	shalt  }
0x40: {  	_ =	shalt  }
0x41: {  	_ =	shalt  }
0x42: {  	_ =	shalt  }
0x43: {  	_ =	shalt  }
0x44: {  	_ =	shalt  }
0x45: {  	_ =	shalt  }
0x46: {  	_ =	shalt  }
0x47: {  	_ =	shalt  }
0x48: {  	_ =	shalt  }
0x49: {  	_ =	shalt  }
0x4a: {  	_ =	shalt  }
0x4b: {  	_ =	shalt  }
0x4c: {  	_ =	shalt  }
0x4d: {  	_ =	shalt  }
0x4e: {  	_ =	shalt  }
0x4f: {  	_ =	shalt  }
0x50: {  	_ =	shalt  }
0x51: {  	_ =	shalt  }
0x52: {  	_ =	shalt  }
0x53: {  	_ =	shalt  }
0x54: {  	_ =	shalt  }
0x55: {  	_ =	shalt  }
0x56: {  	_ =	shalt  }
0x57: {  	_ =	shalt  }
0x58: {  	_ =	shalt  }
0x59: {  	_ =	shalt  }
0x5a: {  	_ =	shalt  }
0x5b: {  	_ =	shalt  }
0x5c: {  	_ =	shalt  }
0x5d: {  	_ =	shalt  }
0x5e: {  	_ =	shalt  }
0x5f: {  	_ =	shalt  }
0x60: {  	_ =	shalt  }
0x61: {  	_ =	shalt  }
0x62: {  	_ =	shalt  }
0x63: {  	_ =	shalt  }
0x64: {  	_ =	shalt  }
0x65: {  	_ =	shalt  }
0x66: {  	_ =	shalt  }
0x67: {  	_ =	shalt  }
0x68: {  	_ =	shalt  }
0x69: {  	_ =	shalt  }
0x6a: {  	_ =	shalt  }
0x6b: {  	_ =	shalt  }
0x6c: {  	_ =	shalt  }
0x6d: {  	_ =	shalt  }
0x6e: {  	_ =	shalt  }
0x6f: {  	_ =	shalt  }
0x70: {  	_ =	shalt  }
0x71: {  	_ =	shalt  }
0x72: {  	_ =	shalt  }
0x73: {  	_ =	shalt  }
0x74: {  	_ =	shalt  }
0x75: {  	_ =	shalt  }
0x76: {  	_ =	shalt  }
0x77: {  	_ =	shalt  }
0x78: {  	_ =	shalt  }
0x79: {  	_ =	shalt  }
0x7a: {  	_ =	shalt  }
0x7b: {  	_ =	shalt  }
0x7c: {  	_ =	shalt  }
0x7d: {  	_ =	shalt  }
0x7e: {  	_ =	shalt  }
0x7f: {  	_ =	shalt  }
0x80: {  	_ =	shalt  }
0x81: {  	_ =	shalt  }
0x82: {  	_ =	shalt  }
0x83: {  	_ =	shalt  }
0x84: {  	_ =	shalt  }
0x85: {  	_ =	shalt  }
0x86: {  	_ =	shalt  }
0x87: {  	_ =	shalt  }
.Lfunc_end0:
.L_simem_size_0:
called_computation_lowered:
.L_overlay_start_0:
0x88: {  	s2 =	sld [smem:$0x3FD9]  }
0x89: {  	s3 =	sld [smem:$0x3FFE];
	_ =	sdelay $0x1  }
0x8a: {  	s1 =	srdreg.scid  }
0x8b: {  	s0 =	sand.u32 $0x1, s1  }
0x8c: {  	s15 =	sshll.u32 s0, $0xA;
	s2 =	sadd.s32 s3, s2  }
0x8d: {  	s2 =	sadd.s32 s2, s15  }
0x8e: {  	[smem:$0x3FB9] =	sst s2  }
0x8f: {  	_ = 	snop  }
0x90: {  	s2 =	sld [smem:$0x3FD0];
	_ =	sdelay $0x2  }
0x91: {  	s5 =	simm.s32 $0xB;
	s4 =	simm.s32 $0x10;
	s16 =	sld [smem:$0x3FC9]  }
0x92: {  	[smem:s4], [sflag:s5] =	dma.local [hbm:s2], $0x1  }
0x93: {  	_ =	swait.eq [sflag:s5], $0x1  }
0x94: {  	[sflag:s5] =	ssyncset.done $0x0  }
0x95: {  	s17 =	sld [smem:$0x10];
	[sflag:s5] =	ssyncadd.s32 $0xFFFFFFFF  }
0x96: {  	s18 =	sld [smem:$0x11];
	(tm) =	ssettm $0x1  }
0x97: {  	s19 =	sld [smem:$0x3FFB];
	_ =	sdelay $0x3  }
0x98: {  	_ =	strace s19  }
0x99: {  	s2 =	sld [smem:$0x3FFC];
	_ =	sdelay $0x3  }
0x9a: {  	_ =	strace s2  }
0x9b: {  	s2 =	sld [smem:$0x3FFD];
	_ =	sdelay $0x3  }
0x9c: {  	_ =	strace s2  }
0x9d: {  	_ =	strace $0x8FFFFFFF  }
0x9e: {  	s20 =	sld [smem:$0x3FDB];
	_ =	sdelay $0x1  }
0x9f: {  	s6 =	simm.s32 $_scs_section_size  }
0xa0: {  	s7 =	simm.s32 $_size__tile_overlayer_lowered;
	s8 =	simm.s32 $_tile_overlayer_lowered  }
0xa1: {  	s9 =	simm.s32 $0x1BFF;
	s21 =	sshll.u32 s8, $0x1;
	s6 =	sadd.s32 s6, s20  }
0xa2: {  	s22 =	simm.s32 $0x0;
	s7 =	sshll.u32 s7, $0x1;
	s8 =	sadd.s32 s21, s6  }
0xa3: {  	[timem:s22], [sflag:s9] =	dma.local [hbm:s8], s7  }
0xa4: {  	_ =	swait.ge [sflag:s9], s7  }
0xa5: {  	s7 =	ssub.s32 $0x0, s7;
	[sflag:s9] =	ssyncset.done $0x0  }
0xa6: {  	[sflag:s9] =	ssyncadd.s32 s7;
	_ =	sdelay $0x1  }
0xa7: {  	s23 =	simm.s32 $0x1B8B  }
0xa8: {  	_ =	swait.ge [sflag:s23], $0x1  }
0xa9: {  	[sflag:s23] =	ssyncset.done $0x0  }
0xaa: {  	[sflag:s23] =	ssyncadd.s32 $0xFFFFFFFF  }
0xab: {  	s7 =	sld [smem:$0x0]  }
0xac: {  	s8 =	sand.u32 $0xFFFFFFFE, s1  }
0xad: {  	p0 =	sne.s32 s1, s8  }
0xae: {  	s8 =	sshll.u32 @p0 s8, $0xE  }
0xaf: {  	s8 =	sadd.s32 @p0 $0x11B8D, s8;
	s9 =	sshll.u32 @p0 s7, $0x11  }
0xb0: {  	s8 =	sor.u32 @p0 s9, s8  }
0xb1: {  	[sflag:s8] =	ssyncadd.remote.s32 @p0 $0x1;
	_ =	sdelay $0x1  }
0xb2: {  	s8 =	simm.s32 @p0 $0x1B8D  }
0xb3: {  	_ =	swait.eq @p0 [sflag:s8], $0x1  }
0xb4: {  	[sflag:s8] =	ssyncadd.s32 @p0 $0xFFFFFFFF  }
0xb5: {  	s9 =	sshll.u32 @!p0 s1, $0xE  }
0xb6: {  	s9 =	sor.u32 @!p0 $0x4000, s9;
	s8 =	simm.s32 @!p0 $0x1B8D  }
0xb7: {  	s7 =	sshll.u32 @!p0 s7, $0x11;
	s9 =	sadd.s32 @!p0 $0x11B8D, s9;
	_ =	swait.eq @!p0 [sflag:s8], $0x1  }
0xb8: {  	s7 =	sor.u32 @!p0 s7, s9;
	[sflag:s8] =	ssyncadd.s32 @!p0 $0xFFFFFFFF  }
0xb9: {  	s25 =	simm.s32 $0x1B8E;
	s24 =	sld [smem:$0x3FFE];
	[sflag:s7] =	ssyncadd.remote.s32 @!p0 $0x1  }
0xba: {  	s26 =	simm.s32 $execute0_lowered;
	[smem:$0x3FD2] =	sst s25  }
0xbb: {  	s8 =	sshll.u32 s26, $0x1;
	_ =	strace $0x80000049;
	[dreg:$0x1] =	wrdreg $0xFFFFFFFF  }
0xbc: {  	s28 =	simm.s32 $_size_execute0_lowered;
	s6 =	sadd.s32 s6, s8;
	[dreg:$0x0] =	wrdreg $0x0  }
0xbd: {  	s8 =	sshll.u32 s28, $0x1;
	[dreg:$0x2] =	wrdreg s6  }
0xbe: {  	[dreg:$0x3] =	wrdreg s8  }
0xbf: {  	[dreg:$0x4] =	wrdreg $0xC0  }
0xc0: {  	_ =	task [dreg:s22], $0x5FFFF  }
0xc1: {  	[dreg:$0x1] =	wrdreg $0xFFFFFFFF  }
0xc2: {  	[dreg:$0x0] =	wrdreg $0x60  }
0xc3: {  	[dreg:$0x2] =	wrdreg s16  }
0xc4: {  	[dreg:$0x3] =	wrdreg s24  }
0xc5: {  	[dreg:$0x4] =	wrdreg s18  }
0xc6: {  	[dreg:$0x5] =	wrdreg s17  }
0xc7: {  	[dreg:$0x6] =	wrdreg $0x0  }
0xc8: {  	[dreg:$0x7] =	wrdreg $0xC400  }
0xc9: {  	[dreg:$0x8] =	wrdreg $0x6E500  }
0xca: {  	[dreg:$0x9] =	wrdreg $0x9  }
0xcb: {  	_ =	task.clear_ibuf [dreg:s22], $0xAFFFF;
	_ =	strace $0x90000049  }
0xcc: {  	s29 =	simm.s32 $0x9;
	_ =	strace $0x8000004B  }
0xcd: {  	_ =	swait.ge [sflag:s29], $0x1  }
0xce: {  	[sflag:s29] =	ssyncadd.s32 $0xFFFFFFFF  }
0xcf: {  	_ =	strace $0x9000004B  }
0xd0: {  	_ =	sfence  }
0xd1: {  	s30 =	sld [smem:$0x0];
	_ =	sdelay $0x2  }
0xd2: {  	s31 =	sshll.u32 s1, $0xD;
	s1 =	sshrl.u32 s1, $0x2  }
0xd3: {  	s4 =	sand.u32 $0x4000, s31;
	s1 =	sadd.s32 s1, s30  }
0xd4: {  	s0 =	sor.u32 s4, s0;
	s1 =	sshll.u32 s1, $0x11  }
0xd5: {  	s0 =	sor.u32 s1, s0  }
0xd6: {  	s0 =	sadd.s32 $0x8F2B, s0  }
0xd7: {  	[sflag:s0] =	ssyncadd.remote.s32 $0x1  }
0xd8: {  	_ =	sfence.sel $0xFFFF  }
0xd9: {  	[dreg:$0x0] =	wrdreg $0xFFFFFFFF;
	(pc) =	sbr.abs _section_cstart, $3  }
0xda: {  	[dreg:$0x1] =	wrdreg $0xFFFFFFFF  }
0xdb: {  	_ =	task.clear_ibuf [dreg:s22], $0x2FFFF;
	_ =	strace $0x9FFFFFFF  }
0xdc: {  	(tm) =	ssettm $0x7FFFFFFF  }
0xdd: {  	_ =	shalt  }
tec
execute0_lowered:
.L_overlay_start_1:
0x0: {  	(tag) =	ssettag $0x1  }
0x1: {  	s0 =	rddreg [dreg:$0x0]  }
0x2: {  	s1 =	rddreg [dreg:$0x1]  }
0x3: {  	s3 =	rddreg [dreg:$0x4]  }
0x4: {  	s4 =	rddreg [dreg:$0x5]  }
0x5: {  	s5 =	rddreg [dreg:$0x6];
	s7 =	simm.s32 $0x0;
	s2 =	srdreg.scid  }
0x6: {  	s16 =	stileid.u32;
	s28 =	simm.s32 $0x2;
	s29 =	simm.s32 $0x10160  }
0x7: {  	s31 =	simm.s32 $0x101E0;
	[smem:$0x7FF] =	sst s7;
	s8 =	sadd.s32 $0x1EE400, s1  }
0x8: {  	s2 =	sand.u32 $0x1, s2;
	s9 =	sadd.s32 $0x206C00, s1;
	s10 =	sadd.s32 $0x281400, s1  }
0x9: {  	s6 =	sshll.u32 s16, $0x1;
	s11 =	sadd.s32 $0x299C00, s1;
	s13 =	sadd.s32 $0x2B2400, s1  }
0xa: {  	s14 =	smul.u32 $0x3100, s16;
	s15 =	sshll.u32 s16, $0x6;
	s26 =	sshll.u32 s16, $0x5  }
0xb: {  	s18 =	smul.u32 $0x6200, s16;
	s30 =	sshll.u32 s16, $0x4;
	_ =	strace $0x8000004A  }
0xc: {  	s6 =	sor.u32 s2, s6;
	[dreg:$0x8] =	wrdreg s13;
	s2 =	ssub.s32 $0x2, s2  }
0xd: {  	s13 =	sor.u32 $0x1C02, s15;
	s19 =	sor.u32 $0x62000, s30;
	s15 =	simm.s32 $0x0  }
0xe: {  	s12 =	smul.u32 $0xC40, s6;
	s25 =	sshrl.u32 s2, $0x1;
	s14 =	sshrl.u32 s14, $0x2  }
0xf: {  	s24 =	sshll.u32 s6, $0x1;
	s2 =	ssub.s32 s2, s25;
	s17 =	sadd.s32 s14, s3  }
0x10: {  	s14 =	smul.u32 $0xC4, s6;
	s12 =	sadd.s32 s12, s1;
	s25 =	smax.u32 s2, $0x1  }
0x11: {  	s1 =	sadd.s32 s24, s1;
	s16 =	sadd.s32 $0x2B2600, s12;
	[dreg:$0xf] =	wrdreg s25  }
0x12: {  	s6 =	simm.s32 $0x700;
	s20 =	sadd.s32 $0x2E3A00, s1;
	[dreg:$0x9] =	wrdreg s16  }
0x13: {  	s2 =	simm.s32 $0x10260;
	s21 =	sadd.s32 $0x2E3C00, s12;
	[dreg:$0xa] =	wrdreg s20  }
0x14: {  	s22 =	sadd.s32 $0x2CB000, s12;
	s23 =	sadd.s32 $0x2FC600, s12;
	[dreg:$0xb] =	wrdreg s21  }
.Ltmp0:
0x15: {  	s24 =	sadd.s32 $0x315000, s1;
	[dreg:$0xc] =	wrdreg s22;
	(pc) =	sbr.rel .LBB2_1-.Ltmp0, $4  }
0x16: {  	s25 =	sadd.s32 s18, s4;
	s1 =	simm.s32 $0x3;
	[dreg:$0xd] =	wrdreg s23  }
0x17: {  	s16 =	sadd.s32 s0, s26;
	[dreg:$0xe] =	wrdreg s24;
	s26 =	sshrl.u32 s17, $0x3  }
0x18: {  	v1 =	vlaneseq.u32;
	v2 =	vimm.s32 $0x1;
	s12 =	simm.s32 $0xEC60;
	[dreg:$0x10] =	wrdreg s26;
	s30 =	sadd.s32 $0x10, s16  }
0x19: {  	v3 =	vimm.s32 $0x0;
	v0 =	vor.u32 s18, v1;
	v1 =	vor.u32 s19, v1;
	s0 =	simm.s32 $0x1;
	s26 =	sadd.s32 s18, s5;
	[dreg:$0x11] =	wrdreg s30  }
.LBB2_15:
0x1a: {  	s19 =	rddreg [dreg:$0xb]  }
0x1b: {  	[hbm:s19], [sflag:s13] =	dma.local [spmem:s17], $0xC40  }
0x1c: {  	_ =	swait.ge [sflag:s28], $0xC40  }
0x1d: {  	[sflag:s28] =	ssyncset.done $0x0  }
0x1e: {  	s23 =	rddreg [dreg:$0xd];
	[sflag:s28] =	ssyncadd.s32 $0xFFFFF3C0  }
0x1f: {  	[hbm:s23], [sflag:s13] =	dma.local [spmem:s18], $0xC40  }
0x20: {  	_ =	swait.ge [sflag:s28], $0xC40  }
0x21: {  	[sflag:s28] =	ssyncset.done $0x0  }
0x22: {  	s24 =	rddreg [dreg:$0xe];
	[sflag:s28] =	ssyncadd.s32 $0xFFFFF3C0  }
0x23: {  	[hbm4b:s24+s7] =	stream.linear.scatter [tilespmem:s2], [sflag:$0x2], $0x10, $0x38;
	[tilespmem:$0x10270] =	vst v63  }
0x24: {  	_ =	swait.ge [sflag:s28], $0x10  }
0x25: {  	s15 =	sadd.s32 $0x1, s15;
	s30 =	rddreg [dreg:$0xf]  }
0x26: {  	p0 =	sne.s32 s15, s30  }
.Ltmp1:
0x27: {  	_ = 	snop;
	(pc) =	sbr.rel @!p0 .LBB2_16-.Ltmp1, $3  }
0x28: {  	_ =	sdelay $0x1  }
0x29: {  	[sflag:s28] =	ssyncset.done $0x0  }
0x2a: {  	[sflag:s28] =	ssyncadd.s32 $0xFFFFFFF0  }
.LBB2_1:
0x2b: {  	s17 =	rddreg [dreg:$0x8]  }
0x2c: {  	s18 =	rddreg [dreg:$0x10]  }
0x2d: {  	[spmem:s18], [sflag:s13] =	dma.local [hbm:s17], $0x188  }
0x2e: {  	_ =	swait.ge [sflag:s28], $0x188  }
0x2f: {  	[sflag:s28] =	ssyncset.done $0x0  }
0x30: {  	[sflag:s28] =	ssyncadd.s32 $0xFFFFFE78  }
0x31: {  	[tilespmem:$0x101E0] =	vst v2  }
0x32: {  	[tilespmem:$0x101F0] =	vst v2  }
0x33: {  	[tilespmem:$0x10200] =	vst v2  }
0x34: {  	[tilespmem:$0x10210] =	vst v2  }
0x35: {  	[tilespmem:$0x10220] =	vst v2  }
0x36: {  	[tilespmem:$0x10230] =	vst v2  }
0x37: {  	[tilespmem:$0x10240] =	vst v2  }
0x38: {  	[tilespmem:$0x10250] =	vst v2  }
0x39: {  	[bflag:$0x0] =	sbarrier.arrive $0xFFFF  }
0x3a: {  	[tilespmem:s29], [sflag:$0x2] =	stream.linear.gather [hbm4b:s16+s7], $0x80, $0x38;
	[tilespmem:$0x10270] =	vst v63  }
0x3b: {  	_ =	swait.ge [sflag:s28], $0x80  }
0x3c: {  	[sflag:s28] =	ssyncset.done $0x0  }
0x3d: {  	s23 =	simm.s32 $0x80;
	[sflag:s28] =	ssyncadd.s32 $0xFFFFFF80  }
0x3e: {  	[spmem:s3] =	stream.indirect.scatter.add.s32 [tilespmem:s31], [sflag:$0x2], $0x1, s29, s23, $0xb8;
	[tilespmem:$0x10270] =	vst v63  }
0x3f: {  	_ =	swait.ge [sflag:s28], $0x80  }
0x40: {  	[sflag:s28] =	ssyncset.done $0x0  }
0x41: {  	s24 =	rddreg [dreg:$0x11];
	[sflag:s28] =	ssyncadd.s32 $0xFFFFFF80  }
0x42: {  	[tilespmem:s29], [sflag:$0x2] =	stream.linear.gather [hbm4b:s24+s7], $0x80, $0x38;
	[tilespmem:$0x10270] =	vst v63  }
0x43: {  	_ =	swait.ge [sflag:s28], $0x80  }
0x44: {  	[sflag:s28] =	ssyncset.done $0x0  }
0x45: {  	[sflag:s28] =	ssyncadd.s32 $0xFFFFFF80  }
0x46: {  	[spmem:s3] =	stream.indirect.scatter.add.s32 [tilespmem:s31], [sflag:$0x2], $0x1, s29, s23, $0xb8;
	[tilespmem:$0x10270] =	vst v63  }
0x47: {  	_ =	swait.ge [sflag:s28], $0x80  }
0x48: {  	[sflag:s28] =	ssyncset.done $0x0  }
0x49: {  	[sflag:s28] =	ssyncadd.s32 $0xFFFFFF80  }
0x4a: {  	[bflag:$0x0] =	sbarrier.arrive $0xFFFF  }
0x4b: {  	s17 =	sshrl.u32 s25, $0x3;
	s30 =	rddreg [dreg:$0x2]  }
0x4c: {  	[spmem:s17], [sflag:s13] =	dma.local [hbm:s30], $0xC40  }
0x4d: {  	_ =	swait.ge [sflag:s28], $0xC40  }
0x4e: {  	[sflag:s28] =	ssyncset.done $0x0  }
0x4f: {  	[sflag:s28] =	ssyncadd.s32 $0xFFFFF3C0  }
0x50: {  	s18 =	sshrl.u32 s26, $0x3;
	s19 =	rddreg [dreg:$0x3]  }
0x51: {  	[spmem:s18], [sflag:s13] =	dma.local [hbm:s19], $0xC40  }
.Ltmp2:
0x52: {  	_ = 	snop;
	(pc) =	sbr.rel .LBB2_2-.Ltmp2, $4  }
0x53: {  	_ =	swait.ge [sflag:s28], $0xC40  }
0x54: {  	[sflag:s28] =	ssyncset.done $0x0  }
0x55: {  	[sflag:s28] =	ssyncadd.s32 $0xFFFFF3C0  }
0x56: {  	p0 =	por $0x0, $0x0;
	s19 =	simm.s32 $0x0;
	[tilespmem:$0x10260] =	vst v3  }
.LBB2_6:
0x57: {  	s20 =	sxor.u32 $0x1, s20  }
0x58: {  	s20 =	smul.u32 $0x700, s20;
	_ =	sdelay $0x1  }
0x59: {  	s21 =	sor.u32 $0xD060, s20;
	s22 =	sadd.s32 $0xF360, s20  }
0x5a: {  	[spmem:s4] =	stream.indirect.scatter [tilespmem:s21], [sflag:$0x3], $0x1, s22, s6, $0xb8;
	[tilespmem:$0x10270] =	vst v63  }
0x5b: {  	_ =	swait.ge [sflag:s1], $0x700  }
0x5c: {  	[sflag:s1] =	ssyncset.done $0x0  }
0x5d: {  	s20 =	sadd.s32 $0xDE60, s20;
	[sflag:s1] =	ssyncadd.s32 $0xFFFFF900  }
0x5e: {  	[spmem:s5] =	stream.indirect.scatter [tilespmem:s20], [sflag:$0x2], $0x1, s22, s6, $0xb8;
	[tilespmem:$0x10270] =	vst v63  }
0x5f: {  	_ =	swait.ge [sflag:s28], $0x700  }
0x60: {  	[sflag:s28] =	ssyncset.done $0x0  }
0x61: {  	[sflag:s28] =	ssyncadd.s32 $0xFFFFF900  }
.LBB2_7:
0x62: {  	s19 =	sadd.s32 $0x1, s19  }
0x63: {  	p1 =	sne.s32 s19, $0xF  }
.Ltmp3:
0x64: {  	_ = 	snop;
	(pc) =	sbr.rel @!p1 .LBB2_8-.Ltmp3, $2  }
0x65: {  	_ =	sdelay $0x2  }
0x66: {  	p0 =	por !p0, !p0  }
.LBB2_2:
0x67: {  	p1 =	seq.s32 s19, $0xE  }
.Ltmp4:
0x68: {  	_ = 	snop;
	(pc) =	sbr.rel @p1 .LBB2_6-.Ltmp4, $2  }
0x69: {  	_ =	sdelay $0x2  }
0x6a: {  	s20 =	sand.u32 $0x1, s19  }
0x6b: {  	s21 =	smul.u32 $0xE, s19;
	_ =	sdelay $0x1  }
0x6c: {  	s22 =	smul.u32 $0x700, s20;
	s21 =	sadd.s32 s14, s21  }
0x6d: {  	s21 =	sshll.u32 s21, $0x4  }
0x6e: {  	s30 =	simm.s32 $0x0;
	s23 =	sor.u32 $0xD060, s22;
	s24 =	sadd.s32 s8, s21  }
0x6f: {  	[tilespmem:s23], [sflag:$0x3] =	stream.linear.gather [hbm4b:s24+s30], $0x700, $0x38;
	[tilespmem:$0x10270] =	vst v63  }
0x70: {  	_ =	swait.ge [sflag:s1], $0x700  }
0x71: {  	[sflag:s1] =	ssyncset.done $0x0  }
0x72: {  	s22 =	sadd.s32 $0xDE60, s22;
	s21 =	sadd.s32 s9, s21;
	[sflag:s1] =	ssyncadd.s32 $0xFFFFF900  }
0x73: {  	[tilespmem:s22], [sflag:$0x3] =	stream.linear.gather [hbm4b:s21+s30], $0x700, $0x38;
	[tilespmem:$0x10270] =	vst v63  }
0x74: {  	s21 =	simm.s32 $0x1;
	_ =	swait.ge [sflag:s1], $0x700  }
0x75: {  	s21 =	simm.s32 @!p0 $0x0;
	[sflag:s1] =	ssyncset.done $0x0  }
0x76: {  	s21 =	smul.u32 $0x1C00, s21;
	[sflag:s1] =	ssyncadd.s32 $0xFFFFF900  }
0x77: {  	[tilespmem:s12], [sflag:$0x1] =	stream.indirect.gather [spmem:s3], $0x1, s23, s6, $0xb8;
	[tilespmem:$0x10270] =	vst v63  }
0x78: {  	_ =	swait.ge [sflag:s0], $0x700  }
0x79: {  	s21 =	sshrl.u32 s21, $0x2;
	[sflag:s0] =	ssyncset.done $0x0  }
0x7a: {  	s30 =	sadd.s32 $0xF360, s21;
	s21 =	simm.s32 $0x0;
	[sflag:s0] =	ssyncadd.s32 $0xFFFFF900  }
0x7b: {  	s22 =	simm.s32 $0x40;
	v4 =	vmov s30;
	v5 =	vld [tilespmem:s21+$0xEC60]  }
.LBB2_4:
0x7c: {  	p1 =	sne.s32 s22, $0x1BC0;
	v6 =	vld [tilespmem:$0x10260];
	_ =	sdelay $0x3  }
0x7d: {  	vm0 =	vlt.s32 v5, $0x1  }
0x7e: {  	v5 =	vnsel vm0, $0x1, v5;
	v7 =	vshll.u32 v6, $0x4  }
0x7f: {  	v7 =	vadd.s32 v7, v0;
	v8 =	vsub.s32 $0x1, v5;
	v6 =	vadd.s32 v5, v6  }
0x80: {  	v5 =	vmul.u32 v5, v7;
	v7 =	vmul.u32 v1, v8  }
.Ltmp5:
0x81: {  	(pc) =	sbr.rel @p1 .LBB2_4-.Ltmp5, $4  }
0x82: {  	v5 =	vadd.s32 v7, v5  }
0x83: {  	[tilespmem:v4+s21+$0x0 ss:$0x1] =	vst.idx.msk $0xffff, v5  }
0x84: {  	s21 =	sshra.s32 s22, $0x2;
	[tilespmem:$0x10260] =	vst v6  }
0x85: {  	s22 =	sadd.s32 $0x40, s22;
	v5 =	vld [tilespmem:s21+$0xEC60]  }
0x86: {  	v6 =	vld [tilespmem:$0x10260];
	_ =	sdelay $0x3  }
0x87: {  	vm0 =	vlt.s32 v5, $0x1  }
0x88: {  	v5 =	vnsel vm0, $0x1, v5;
	v7 =	vshll.u32 v6, $0x4  }
0x89: {  	p1 =	seq.s32 s19, $0x0;
	v7 =	vadd.s32 v7, v0;
	v8 =	vsub.s32 $0x1, v5  }
.Ltmp6:
0x8a: {  	v7 =	vmul.u32 v5, v7;
	v8 =	vmul.u32 v1, v8;
	(pc) =	sbr.rel @!p1 .LBB2_6-.Ltmp6, $4  }
.Ltmp7:
0x8b: {  	_ = 	snop;
	(pc) =	sbr.rel @p1 .LBB2_7-.Ltmp7, $4  }
0x8c: {  	v7 =	vadd.s32 v8, v7  }
0x8d: {  	v5 =	vadd.s32 v5, v6;
	[tilespmem:v4+s21+$0x0 ss:$0x1] =	vst.idx.msk $0xffff, v7  }
0x8e: {  	[tilespmem:$0x10260] =	vst v5  }
0x8f: {  	_ = 	snop  }
.LBB2_8:
0x90: {  	s19 =	rddreg [dreg:$0x9]  }
0x91: {  	[hbm:s19], [sflag:s13] =	dma.local [spmem:s17], $0xC40  }
0x92: {  	_ =	swait.ge [sflag:s28], $0xC40  }
0x93: {  	[sflag:s28] =	ssyncset.done $0x0  }
0x94: {  	s23 =	rddreg [dreg:$0xc];
	[sflag:s28] =	ssyncadd.s32 $0xFFFFF3C0  }
0x95: {  	[hbm:s23], [sflag:s13] =	dma.local [spmem:s18], $0xC40  }
0x96: {  	_ =	swait.ge [sflag:s28], $0xC40  }
0x97: {  	[sflag:s28] =	ssyncset.done $0x0  }
0x98: {  	s19 =	simm.s32 $0x0;
	s20 =	rddreg [dreg:$0xa];
	[sflag:s28] =	ssyncadd.s32 $0xFFFFF3C0  }
0x99: {  	[hbm4b:s20+s19] =	stream.linear.scatter [tilespmem:s2], [sflag:$0x2], $0x10, $0x38;
	[tilespmem:$0x10270] =	vst v63  }
0x9a: {  	_ =	swait.ge [sflag:s28], $0x10  }
0x9b: {  	[sflag:s28] =	ssyncset.done $0x0  }
0x9c: {  	[sflag:s28] =	ssyncadd.s32 $0xFFFFFFF0  }
0x9d: {  	s24 =	rddreg [dreg:$0x2]  }
0x9e: {  	[spmem:s17], [sflag:s13] =	dma.local [hbm:s24], $0xC40  }
0x9f: {  	_ =	swait.ge [sflag:s28], $0xC40  }
0xa0: {  	[sflag:s28] =	ssyncset.done $0x0  }
0xa1: {  	[sflag:s28] =	ssyncadd.s32 $0xFFFFF3C0  }
0xa2: {  	s30 =	rddreg [dreg:$0x3]  }
0xa3: {  	[spmem:s18], [sflag:s13] =	dma.local [hbm:s30], $0xC40  }
.Ltmp8:
0xa4: {  	_ = 	snop;
	(pc) =	sbr.rel .LBB2_9-.Ltmp8, $4  }
0xa5: {  	_ =	swait.ge [sflag:s28], $0xC40  }
0xa6: {  	[sflag:s28] =	ssyncset.done $0x0  }
0xa7: {  	[sflag:s28] =	ssyncadd.s32 $0xFFFFF3C0  }
0xa8: {  	p0 =	por $0x0, $0x0;
	[tilespmem:$0x10260] =	vst v3  }
.LBB2_13:
0xa9: {  	s20 =	sxor.u32 $0x1, s20  }
0xaa: {  	s20 =	smul.u32 $0x700, s20;
	_ =	sdelay $0x1  }
0xab: {  	s21 =	sor.u32 $0xD060, s20;
	s22 =	sadd.s32 $0xF360, s20  }
0xac: {  	[spmem:s4] =	stream.indirect.scatter [tilespmem:s21], [sflag:$0x3], $0x1, s22, s6, $0xb8;
	[tilespmem:$0x10270] =	vst v63  }
0xad: {  	_ =	swait.ge [sflag:s1], $0x700  }
0xae: {  	[sflag:s1] =	ssyncset.done $0x0  }
0xaf: {  	s20 =	sadd.s32 $0xDE60, s20;
	[sflag:s1] =	ssyncadd.s32 $0xFFFFF900  }
0xb0: {  	[spmem:s5] =	stream.indirect.scatter [tilespmem:s20], [sflag:$0x2], $0x1, s22, s6, $0xb8;
	[tilespmem:$0x10270] =	vst v63  }
0xb1: {  	_ =	swait.ge [sflag:s28], $0x700  }
0xb2: {  	[sflag:s28] =	ssyncset.done $0x0  }
0xb3: {  	[sflag:s28] =	ssyncadd.s32 $0xFFFFF900  }
.LBB2_14:
0xb4: {  	s19 =	sadd.s32 $0x1, s19  }
0xb5: {  	p1 =	sne.s32 s19, $0xF  }
.Ltmp9:
0xb6: {  	_ = 	snop;
	(pc) =	sbr.rel @!p1 .LBB2_15-.Ltmp9, $2  }
0xb7: {  	_ =	sdelay $0x2  }
0xb8: {  	p0 =	por !p0, !p0  }
.LBB2_9:
0xb9: {  	p1 =	seq.s32 s19, $0xE  }
.Ltmp10:
0xba: {  	_ = 	snop;
	(pc) =	sbr.rel @p1 .LBB2_13-.Ltmp10, $2  }
0xbb: {  	_ =	sdelay $0x2  }
0xbc: {  	s20 =	sand.u32 $0x1, s19  }
0xbd: {  	s21 =	smul.u32 $0xE, s19;
	_ =	sdelay $0x1  }
0xbe: {  	s22 =	smul.u32 $0x700, s20;
	s21 =	sadd.s32 s14, s21  }
0xbf: {  	s21 =	sshll.u32 s21, $0x4  }
0xc0: {  	s30 =	simm.s32 $0x0;
	s23 =	sor.u32 $0xD060, s22;
	s24 =	sadd.s32 s10, s21  }
0xc1: {  	[tilespmem:s23], [sflag:$0x3] =	stream.linear.gather [hbm4b:s24+s30], $0x700, $0x38;
	[tilespmem:$0x10270] =	vst v63  }
0xc2: {  	_ =	swait.ge [sflag:s1], $0x700  }
0xc3: {  	[sflag:s1] =	ssyncset.done $0x0  }
0xc4: {  	s22 =	sadd.s32 $0xDE60, s22;
	s21 =	sadd.s32 s11, s21;
	[sflag:s1] =	ssyncadd.s32 $0xFFFFF900  }
0xc5: {  	[tilespmem:s22], [sflag:$0x3] =	stream.linear.gather [hbm4b:s21+s30], $0x700, $0x38;
	[tilespmem:$0x10270] =	vst v63  }
0xc6: {  	s21 =	simm.s32 $0x1;
	_ =	swait.ge [sflag:s1], $0x700  }
0xc7: {  	s21 =	simm.s32 @!p0 $0x0;
	[sflag:s1] =	ssyncset.done $0x0  }
0xc8: {  	s21 =	smul.u32 $0x1C00, s21;
	[sflag:s1] =	ssyncadd.s32 $0xFFFFF900  }
0xc9: {  	[tilespmem:s12], [sflag:$0x1] =	stream.indirect.gather [spmem:s3], $0x1, s23, s6, $0xb8;
	[tilespmem:$0x10270] =	vst v63  }
0xca: {  	_ =	swait.ge [sflag:s0], $0x700  }
0xcb: {  	s21 =	sshrl.u32 s21, $0x2;
	[sflag:s0] =	ssyncset.done $0x0  }
0xcc: {  	s30 =	sadd.s32 $0xF360, s21;
	s21 =	simm.s32 $0x0;
	[sflag:s0] =	ssyncadd.s32 $0xFFFFF900  }
0xcd: {  	s22 =	simm.s32 $0x40;
	v4 =	vmov s30;
	v5 =	vld [tilespmem:s21+$0xEC60]  }
.LBB2_11:
0xce: {  	p1 =	sne.s32 s22, $0x1BC0;
	v6 =	vld [tilespmem:$0x10260];
	_ =	sdelay $0x3  }
0xcf: {  	vm0 =	vlt.s32 v5, $0x1  }
0xd0: {  	v5 =	vnsel vm0, $0x1, v5;
	v7 =	vshll.u32 v6, $0x4  }
0xd1: {  	v7 =	vadd.s32 v7, v0;
	v8 =	vsub.s32 $0x1, v5;
	v6 =	vadd.s32 v5, v6  }
0xd2: {  	v5 =	vmul.u32 v5, v7;
	v7 =	vmul.u32 v1, v8  }
.Ltmp11:
0xd3: {  	(pc) =	sbr.rel @p1 .LBB2_11-.Ltmp11, $4  }
0xd4: {  	v5 =	vadd.s32 v7, v5  }
0xd5: {  	[tilespmem:v4+s21+$0x0 ss:$0x1] =	vst.idx.msk $0xffff, v5  }
0xd6: {  	s21 =	sshra.s32 s22, $0x2;
	[tilespmem:$0x10260] =	vst v6  }
0xd7: {  	s22 =	sadd.s32 $0x40, s22;
	v5 =	vld [tilespmem:s21+$0xEC60]  }
0xd8: {  	v6 =	vld [tilespmem:$0x10260];
	_ =	sdelay $0x3  }
0xd9: {  	vm0 =	vlt.s32 v5, $0x1  }
0xda: {  	v5 =	vnsel vm0, $0x1, v5;
	v7 =	vshll.u32 v6, $0x4  }
0xdb: {  	p1 =	seq.s32 s19, $0x0;
	v7 =	vadd.s32 v7, v0;
	v8 =	vsub.s32 $0x1, v5  }
.Ltmp12:
0xdc: {  	v7 =	vmul.u32 v5, v7;
	v8 =	vmul.u32 v1, v8;
	(pc) =	sbr.rel @!p1 .LBB2_13-.Ltmp12, $4  }
.Ltmp13:
0xdd: {  	_ = 	snop;
	(pc) =	sbr.rel @p1 .LBB2_14-.Ltmp13, $4  }
0xde: {  	v7 =	vadd.s32 v8, v7  }
0xdf: {  	v5 =	vadd.s32 v5, v6;
	[tilespmem:v4+s21+$0x0 ss:$0x1] =	vst.idx.msk $0xffff, v7  }
0xe0: {  	[tilespmem:$0x10260] =	vst v5  }
0xe1: {  	_ = 	snop  }
.LBB2_16:
0xe2: {  	_ =	sfence.sel $0x180000  }
0xe3: {  	[bflag:$0x0] =	sbarrier.arrive $0xFFFF  }
0xe4: {  	_ =	strace $0x9000004A  }
0xe5: {  	s0 =	stileid.u32;
	[bflag:$0x2] =	sbarrier.arrive $0xFFFF  }
0xe6: {  	p0 =	sne.s32 s0, $0x0;
	s0 =	rddreg [dreg:$0x7]  }
0xe7: {  	s0 =	sadd.s32 @!p0 $0x100000, s0  }
0xe8: {  	[sflag:s0] =	ssyncadd.tile.s32 @!p0 $0x1;
	_ =	shalt  }
.Lfunc_end2:
_tile_overlayer_lowered:
.L_overlay_start_2:
0xe9: {  	(tag) =	ssettag $0x2  }
0xea: {  	s0 =	rddreg [dreg:$0x0];
	s2 =	stileid.u32  }
0xeb: {  	s1 =	rddreg [dreg:$0x1];
	p0 =	sne.s32 s2, $0x0  }
0xec: {  	s3 =	rddreg [dreg:$0x2];
	[bflag:$0x3] =	sbarrier.arrive $0xFFFF;
	s2 =	simm.s32 @!p0 $0x1C02  }
0xed: {  	[timem:s3], [sflag:s2] =	dma.local @!p0 [hbm:s0], s1  }
0xee: {  	s0 =	simm.s32 @!p0 $0x2  }
0xef: {  	_ =	swait.ge @!p0 [sflag:s0], s1  }
0xf0: {  	s1 =	ssub.s32 @!p0 $0x0, s1;
	[sflag:s0] =	ssyncset.done @!p0 $0x0  }
0xf1: {  	[sflag:s0] =	ssyncadd.s32 @!p0 s1  }
0xf2: {  	[bflag:$0x3] =	sbarrier.arrive $0xFFFF  }
0xf3: {  	_ =	shalt  }

</sc_bundles>
